<compile_context>
chip_gen: v7x
topology: tpu7x:2x2x1
jax: 0.10.2.dev20260603
libtpu: 0.0.44.dev20260713+nightly
codegen_flags: <defaults>
</compile_context>

<pallas_src>
import functools

import jax
import jax.numpy as jnp
from jax import lax
from jax.experimental import pallas as pl
from jax.experimental.pallas import tpu as pltpu
from jax.experimental.pallas import tpu_sc as plsc

N = 320000
D = 128
NUM_SEG = 4096
NPAIR = 16
NBATCH = 16
SEG_P = NUM_SEG // NPAIR
CR = 128
ROWS2D = N // 128
VOX = 0.0625


def _cluster_body(px_ref, py_ref, bt_ref, cl_ref, aux_ref):
    px = px_ref[...]
    py = py_ref[...]
    bt = bt_ref[...]
    sz = jnp.float32(VOX)
    x0 = jnp.min(px)
    x1 = jnp.max(px)
    y0 = jnp.min(py)
    y1 = jnp.max(py)
    b0 = jnp.min(bt)
    cx = jnp.floor((px - x0) / sz).astype(jnp.int32)
    cy = jnp.floor((py - y0) / sz).astype(jnp.int32)
    cb = bt - b0
    nvx = jnp.floor((x1 - x0) / sz).astype(jnp.int32) + 1
    nvy = jnp.floor((y1 - y0) / sz).astype(jnp.int32) + 1
    s = nvx * nvy
    cl_ref[...] = cx + cy * nvx + cb * s

    lane = lax.broadcasted_iota(jnp.int32, (8, 128), 1)
    row = lax.broadcasted_iota(jnp.int32, (8, 128), 0)
    off = jnp.zeros((8, 128), jnp.int32)
    for b in range(NBATCH):
        cnt = jnp.sum((cb == b).astype(jnp.int32))
        off = off + jnp.where(b < lane, cnt, 0)
    aux_ref[...] = jnp.where(row == 1, s, off)


def _make_sc_segmax():
    mesh = plsc.VectorSubcoreMesh(core_axis_name="c", subcore_axis_name="s")

    @functools.partial(
        pl.kernel,
        out_type=jax.ShapeDtypeStruct((NUM_SEG, D), jnp.float32),
        mesh=mesh,
        scratch_types=[
            pltpu.VMEM((2, CR), jnp.int32),
            pltpu.VMEM((2, CR, D), jnp.float32),
            pltpu.VMEM((SEG_P + 8, D), jnp.float32),
            pltpu.VMEM((SEG_P + 8, D), jnp.float32),
            pltpu.VMEM((8, 128), jnp.int32),
            pltpu.VMEM_SHARED((8, SEG_P, D), jnp.float32),
            pltpu.SemaphoreType.DMA((2,)),
            pltpu.SemaphoreType.DMA((2,)),
            pltpu.SemaphoreType.DMA,
        ],
        compiler_params=pltpu.CompilerParams(needs_layout_passes=False),
    )
    def segmax(x_hbm, ids_hbm, aux_hbm, out_hbm, ids_v, slab_v,
               acc_v, accb_v, aux_v, shr_v, sem_i, sem_x, sem_a):
        cid = lax.axis_index("c")
        sid = lax.axis_index("s")
        pair = sid // 2
        half = sid - 2 * pair
        p = cid * 8 + pair
        s0 = p * SEG_P

        neg = jnp.full((16,), -jnp.inf, jnp.float32)
        iota = lax.iota(jnp.int32, 16)

        pltpu.async_copy(aux_hbm, aux_v, sem_a).wait()

        def init_body(i, _):
            for cgrp in range(D // 16):
                acc_v[i, pl.ds(cgrp * 16, 16)] = neg
                accb_v[i, pl.ds(cgrp * 16, 16)] = neg
            return 0

        lax.fori_loop(0, SEG_P + 8, init_body, 0)

        s_vox = aux_v[1, pl.ds(0, 16)][0]
        cb_lo = jnp.minimum(s0 // s_vox, NBATCH)
        hi_idx = jnp.minimum((s0 + SEG_P - 1) // s_vox + 1, NBATCH)
        sel = jnp.where(iota == 0, cb_lo, jnp.where(iota == 1, hi_idx, 0))
        g = plsc.load_gather(aux_v, [jnp.zeros((16,), jnp.int32), sel])
        lo = g[0]
        hi = g[1]
        k_lo = lo // CR
        k_hi = (hi + CR - 1) // CR
        k_mid = (k_lo + k_hi) // 2
        my_lo = jnp.where(half == 0, k_lo, k_mid)
        my_hi = jnp.where(half == 0, k_mid, k_hi)

        def start_chunk(k):
            slot = lax.rem(k, 2)
            pltpu.make_async_copy(
                ids_hbm.at[pl.ds(k * CR, CR)], ids_v.at[slot],
                sem_i.at[slot],
            ).start()
            pltpu.make_async_copy(
                x_hbm.at[pl.ds(k * CR, CR)], slab_v.at[slot],
                sem_x.at[slot],
            ).start()

        @pl.when(my_lo < my_hi)
        def _():
            start_chunk(my_lo)

        def chunk_body(k, _):
            kslot = lax.rem(k, 2)
            pltpu.make_async_copy(
                ids_hbm.at[pl.ds(k * CR, CR)], ids_v.at[kslot],
                sem_i.at[kslot],
            ).wait()

            @pl.when(k + 1 < my_hi)
            def _():
                start_chunk(k + 1)

            pltpu.make_async_copy(
                x_hbm.at[pl.ds(k * CR, CR)], slab_v.at[kslot],
                sem_x.at[kslot],
            ).wait()

            def rmw_body(j, _):
                ids16 = ids_v[kslot, pl.ds(j * 16, 16)]
                off = ids16 - s0
                mask = (off >= 0) & (off < SEG_P)
                so16 = jnp.where(mask, off, SEG_P)
                sos = [so16[l] for l in range(16)]
                for l in range(16):
                    so = sos[l]
                    acc = acc_v if l % 2 == 0 else accb_v
                    accs = [acc[so, pl.ds(c * 16, 16)]
                            for c in range(D // 16)]
                    rows = [slab_v[kslot, j * 16 + l, pl.ds(c * 16, 16)]
                            for c in range(D // 16)]
                    for c in range(D // 16):
                        acc[so, pl.ds(c * 16, 16)] = jnp.maximum(
                            accs[c], rows[c]
                        )
                return 0

            lax.fori_loop(0, CR // 16, rmw_body, 0)
            return 0

        lax.fori_loop(my_lo, my_hi, chunk_body, 0)

        def fold_body(i, _):
            for cgrp in range(D // 16):
                cs = pl.ds(cgrp * 16, 16)
                acc_v[i, cs] = jnp.maximum(acc_v[i, cs], accb_v[i, cs])
            return 0

        lax.fori_loop(0, SEG_P, fold_body, 0)

        @pl.when(half == 1)
        def _():
            pltpu.sync_copy(acc_v.at[pl.ds(0, SEG_P)], shr_v.at[pair])

        plsc.subcore_barrier()

        @pl.when(half == 0)
        def _():
            pltpu.sync_copy(shr_v.at[pair], accb_v.at[pl.ds(0, SEG_P)])

            def fin_body(i, _):
                for cgrp in range(D // 16):
                    cs = pl.ds(cgrp * 16, 16)
                    v = jnp.maximum(acc_v[i, cs], accb_v[i, cs])
                    acc_v[i, cs] = jnp.where(v == -jnp.inf,
                                             jnp.float32(0.0), v)
                return 0

            lax.fori_loop(0, SEG_P, fin_body, 0)
            pltpu.sync_copy(acc_v.at[pl.ds(0, SEG_P)],
                            out_hbm.at[pl.ds(s0, SEG_P)])

    return segmax


_sc_segmax = _make_sc_segmax()


def kernel(x, pos, batch):
    px = pos[:, 0].reshape(ROWS2D, 128)
    py = pos[:, 1].reshape(ROWS2D, 128)
    bt = batch.reshape(ROWS2D, 128)
    cluster, aux = pl.pallas_call(
        _cluster_body,
        out_shape=(
            jax.ShapeDtypeStruct((ROWS2D, 128), jnp.int32),
            jax.ShapeDtypeStruct((8, 128), jnp.int32),
        ),
    )(px, py, bt)
    return _sc_segmax(x, cluster.reshape(N), aux)

# --- scband reference (transcript-rebuilt; emitter-appended) ---
"""Pipeline reference for scband-max-pooling-x-1778116461056 (READ-ONLY COPY).

The authoritative reference and input builder live on the scoring server;
editing this copy changes nothing except your own understanding.
"""

import jax, jax.numpy as jnp
import numpy as np

VOXEL_SIZE = [0.0625, 0.0625]
SIZE = 256  # clusters per example (16x16 grid)


def setup_inputs(seed: int = 0) -> dict:
    key = jax.random.key(seed)
    k1, k2, k3 = jax.random.split(key, 3)
    N, D, B = 320000, 128, 16
    x = jax.random.normal(k1, (N, D), dtype=jnp.float32)
    pos = jax.random.uniform(k2, (N, 2), dtype=jnp.float32)
    batch = jnp.sort(jax.random.randint(k3, (N,), 0, B, dtype=jnp.int32))
    return {"x": x, "pos": pos, "batch": batch}


def _voxel_grid(pos, batch):
    # torch_cluster.grid_cluster semantics: append batch as an extra coord dim
    # with voxel size 1, compute per-dim voxel coords relative to data min,
    # then linearize with row-major-over-first-dim strides.
    pos_ext = jnp.concatenate([pos, batch[:, None].astype(pos.dtype)], axis=1)
    sizes = jnp.asarray(VOXEL_SIZE + [1.0], dtype=pos.dtype)
    start = pos_ext.min(axis=0)
    end = pos_ext.max(axis=0)
    coords = jnp.floor((pos_ext - start) / sizes).astype(jnp.int32)
    num_voxels = jnp.floor((end - start) / sizes).astype(jnp.int32) + 1
    strides = jnp.concatenate([jnp.ones((1,), jnp.int32), jnp.cumprod(num_voxels[:-1])])
    cluster = (coords * strides).sum(axis=1)
    return cluster


def reference(x, pos, batch):
    # voxel_grid
    cluster = _voxel_grid(pos, batch)
    # max_pool_x(cluster, x, batch, size=SIZE):
    #   dim_size = batch_size * size; scatter-max with empty segments = 0
    #   (PyG scatter reduce='amax' on zero-initialized output, include_self=False)
    batch_size = 16  # B: the exclusive upper bound of batch labels in setup_inputs
    dim_size = batch_size * SIZE
    out = jax.ops.segment_max(x, cluster, num_segments=dim_size)
    out = jnp.where(jnp.isneginf(out), jnp.zeros_like(out), out)
    return out

if __name__ == "__main__":
    import jax
    _d = setup_inputs()
    print(jax.jit(kernel)(*tuple(_d.values())))

</pallas_src>

<mosaic_0001>
#map = affine_map<(d0, d1) -> (0, 0)>
#map1 = affine_map<(d0, d1) -> (0)>
module attributes {stable_mosaic.version = 14 : i64} {
  func.func @segmax(%arg0: i32, %arg1: i32, %arg2: memref<320000x128xf32, #tpu.memory_space<hbm>>, %arg3: memref<320000xi32, #tpu.memory_space<hbm>>, %arg4: memref<8x128xi32, #tpu.memory_space<hbm>>, %arg5: memref<4096x128xf32, #tpu.memory_space<hbm>>, %arg6: memref<2x128xi32, #tpu.memory_space<vmem>>, %arg7: memref<2x128x128xf32, #tpu.memory_space<vmem>>, %arg8: memref<264x128xf32, #tpu.memory_space<vmem>>, %arg9: memref<264x128xf32, #tpu.memory_space<vmem>>, %arg10: memref<8x128xi32, #tpu.memory_space<vmem>>, %arg11: memref<8x256x128xf32, #tpu.memory_space<vmem_shared>>, %arg12: memref<2x!tpu.dma_semaphore, #tpu.memory_space<semaphore_mem>>, %arg13: memref<2x!tpu.dma_semaphore, #tpu.memory_space<semaphore_mem>>, %arg14: memref<!tpu.dma_semaphore, #tpu.memory_space<semaphore_mem>>) attributes {dimension_semantics = [#tpu.dimension_semantics<core_parallel>, #tpu.dimension_semantics<subcore_parallel>], iteration_bounds = array<i64: 2, 16>, scalar_prefetch = 0 : i64, scratch_operands = 9 : i64, tpu.core_type = #tpu.core_type<sc_vector_subcore>, window_params = [{transform_indices = #map}, {transform_indices = #map1}, {transform_indices = #map}, {transform_indices = #map}]} {
    %jit3A = arith.constant 2 : i32
    %div3A = arith.divsi %arg1, %jit3A : i32
    %sign3A = arith.constant 0 : i32
    %sign3A_0 = arith.cmpi sgt, %arg1, %sign3A : i32
    %sign3A_1 = arith.extui %sign3A_0 : i1 to i32
    %sign3A_2 = arith.constant 0 : i32
    %sign3A_3 = arith.cmpi slt, %arg1, %sign3A_2 : i32
    %sign3A_4 = arith.extui %sign3A_3 : i1 to i32
    %sign3A_5 = arith.subi %sign3A_1, %sign3A_4 : i32
    %sign3A_6 = arith.constant 0 : i32
    %sign3A_7 = arith.cmpi sgt, %jit3A, %sign3A_6 : i32
    %sign3A_8 = arith.extui %sign3A_7 : i1 to i32
    %sign3A_9 = arith.constant 0 : i32
    %sign3A_10 = arith.cmpi slt, %jit3A, %sign3A_9 : i32
    %sign3A_11 = arith.extui %sign3A_10 : i1 to i32
    %sign3A_12 = arith.subi %sign3A_8, %sign3A_11 : i32
    %ne3A = arith.cmpi ne, %sign3A_5, %sign3A_12 : i32
    %rem3A = arith.remsi %arg1, %jit3A : i32
    %ne3A_13 = arith.constant 0 : i32
    %ne3A_14 = arith.cmpi ne, %rem3A, %ne3A_13 : i32
    %and3A = arith.andi %ne3A, %ne3A_14 : i1
    %sub3A = arith.constant 1 : i32
    %sub3A_15 = arith.subi %div3A, %sub3A : i32
    %select_n3A = arith.select %and3A, %sub3A_15, %div3A : i32
    %mul3A = arith.constant 2 : i32
    %mul3A_16 = arith.muli %mul3A, %select_n3A : i32
    %sub3A_17 = arith.subi %arg1, %mul3A_16 : i32
    %mul3A_18 = arith.constant 8 : i32
    %mul3A_19 = arith.muli %arg0, %mul3A_18 : i32
    %add3A = arith.addi %mul3A_19, %select_n3A : i32
    %mul3A_20 = arith.constant 256 : i32
    %mul3A_21 = arith.muli %add3A, %mul3A_20 : i32
    %broadcast_in_dim3A = arith.constant 0xFF800000 : f32
    %broadcast_in_dim3A_22 = vector.broadcast %broadcast_in_dim3A : f32 to vector<16xf32>
    %iota3A = tpu.iota {dimensions = array<i32: 0>} : vector<16xi32>
    tpu.enqueue_dma source(%arg4 : memref<8x128xi32, #tpu.memory_space<hbm>>) target(%arg10 : memref<8x128xi32, #tpu.memory_space<vmem>>) target_semaphore(%arg14 : memref<!tpu.dma_semaphore, #tpu.memory_space<semaphore_mem>>)
    tpu.wait_dma2 semaphore(%arg14 : memref<!tpu.dma_semaphore, #tpu.memory_space<semaphore_mem>>) src(%arg4 : memref<8x128xi32, #tpu.memory_space<hbm>>) dst(%arg10 : memref<8x128xi32, #tpu.memory_space<vmem>>)
    %scan3A = arith.constant 0 : i32
    %scan3A_23 = arith.constant 0 : i32
    %scan3A_24 = arith.constant 264 : i32
    %scan3A_25 = arith.addi %scan3A_23, %scan3A_24 : i32
    %scan3A_26 = arith.constant 1 : i32
    %scan3A_27 = scf.for %scan3A_215 = %scan3A_23 to %scan3A_25 step %scan3A_26 iter_args(%scan3A_216 = %scan3A) -> (i32)  : i32 {
      %swap3A = arith.index_cast %scan3A_215 : i32 to index
      %swap3A_217 = arith.constant 0 : index
      %swap3A_218 = tpu.vector_load %arg8[%swap3A, %swap3A_217] {strides = array<i32>} : memref<264x128xf32, #tpu.memory_space<vmem>>, vector<16xf32>,
      tpu.vector_store %arg8[%swap3A, %swap3A_217], %broadcast_in_dim3A_22 {strides = array<i32>} : memref<264x128xf32, #tpu.memory_space<vmem>>, vector<16xf32>,
      %swap3A_219 = arith.index_cast %scan3A_215 : i32 to index
      %swap3A_220 = arith.constant 0 : index
      %swap3A_221 = tpu.vector_load %arg9[%swap3A_219, %swap3A_220] {strides = array<i32>} : memref<264x128xf32, #tpu.memory_space<vmem>>, vector<16xf32>,
      tpu.vector_store %arg9[%swap3A_219, %swap3A_220], %broadcast_in_dim3A_22 {strides = array<i32>} : memref<264x128xf32, #tpu.memory_space<vmem>>, vector<16xf32>,
      %swap3A_222 = arith.index_cast %scan3A_215 : i32 to index
      %swap3A_223 = arith.constant 16 : index
      %swap3A_224 = tpu.vector_load %arg8[%swap3A_222, %swap3A_223] {strides = array<i32>} : memref<264x128xf32, #tpu.memory_space<vmem>>, vector<16xf32>,
      tpu.vector_store %arg8[%swap3A_222, %swap3A_223], %broadcast_in_dim3A_22 {strides = array<i32>} : memref<264x128xf32, #tpu.memory_space<vmem>>, vector<16xf32>,
      %swap3A_225 = arith.index_cast %scan3A_215 : i32 to index
      %swap3A_226 = arith.constant 16 : index
      %swap3A_227 = tpu.vector_load %arg9[%swap3A_225, %swap3A_226] {strides = array<i32>} : memref<264x128xf32, #tpu.memory_space<vmem>>, vector<16xf32>,
      tpu.vector_store %arg9[%swap3A_225, %swap3A_226], %broadcast_in_dim3A_22 {strides = array<i32>} : memref<264x128xf32, #tpu.memory_space<vmem>>, vector<16xf32>,
      %swap3A_228 = arith.index_cast %scan3A_215 : i32 to index
      %swap3A_229 = arith.constant 32 : index
      %swap3A_230 = tpu.vector_load %arg8[%swap3A_228, %swap3A_229] {strides = array<i32>} : memref<264x128xf32, #tpu.memory_space<vmem>>, vector<16xf32>,
      tpu.vector_store %arg8[%swap3A_228, %swap3A_229], %broadcast_in_dim3A_22 {strides = array<i32>} : memref<264x128xf32, #tpu.memory_space<vmem>>, vector<16xf32>,
      %swap3A_231 = arith.index_cast %scan3A_215 : i32 to index
      %swap3A_232 = arith.constant 32 : index
      %swap3A_233 = tpu.vector_load %arg9[%swap3A_231, %swap3A_232] {strides = array<i32>} : memref<264x128xf32, #tpu.memory_space<vmem>>, vector<16xf32>,
      tpu.vector_store %arg9[%swap3A_231, %swap3A_232], %broadcast_in_dim3A_22 {strides = array<i32>} : memref<264x128xf32, #tpu.memory_space<vmem>>, vector<16xf32>,
      %swap3A_234 = arith.index_cast %scan3A_215 : i32 to index
      %swap3A_235 = arith.constant 48 : index
      %swap3A_236 = tpu.vector_load %arg8[%swap3A_234, %swap3A_235] {strides = array<i32>} : memref<264x128xf32, #tpu.memory_space<vmem>>, vector<16xf32>,
      tpu.vector_store %arg8[%swap3A_234, %swap3A_235], %broadcast_in_dim3A_22 {strides = array<i32>} : memref<264x128xf32, #tpu.memory_space<vmem>>, vector<16xf32>,
      %swap3A_237 = arith.index_cast %scan3A_215 : i32 to index
      %swap3A_238 = arith.constant 48 : index
      %swap3A_239 = tpu.vector_load %arg9[%swap3A_237, %swap3A_238] {strides = array<i32>} : memref<264x128xf32, #tpu.memory_space<vmem>>, vector<16xf32>,
      tpu.vector_store %arg9[%swap3A_237, %swap3A_238], %broadcast_in_dim3A_22 {strides = array<i32>} : memref<264x128xf32, #tpu.memory_space<vmem>>, vector<16xf32>,
      %swap3A_240 = arith.index_cast %scan3A_215 : i32 to index
      %swap3A_241 = arith.constant 64 : index
      %swap3A_242 = tpu.vector_load %arg8[%swap3A_240, %swap3A_241] {strides = array<i32>} : memref<264x128xf32, #tpu.memory_space<vmem>>, vector<16xf32>,
      tpu.vector_store %arg8[%swap3A_240, %swap3A_241], %broadcast_in_dim3A_22 {strides = array<i32>} : memref<264x128xf32, #tpu.memory_space<vmem>>, vector<16xf32>,
      %swap3A_243 = arith.index_cast %scan3A_215 : i32 to index
      %swap3A_244 = arith.constant 64 : index
      %swap3A_245 = tpu.vector_load %arg9[%swap3A_243, %swap3A_244] {strides = array<i32>} : memref<264x128xf32, #tpu.memory_space<vmem>>, vector<16xf32>,
      tpu.vector_store %arg9[%swap3A_243, %swap3A_244], %broadcast_in_dim3A_22 {strides = array<i32>} : memref<264x128xf32, #tpu.memory_space<vmem>>, vector<16xf32>,
      %swap3A_246 = arith.index_cast %scan3A_215 : i32 to index
      %swap3A_247 = arith.constant 80 : index
      %swap3A_248 = tpu.vector_load %arg8[%swap3A_246, %swap3A_247] {strides = array<i32>} : memref<264x128xf32, #tpu.memory_space<vmem>>, vector<16xf32>,
      tpu.vector_store %arg8[%swap3A_246, %swap3A_247], %broadcast_in_dim3A_22 {strides = array<i32>} : memref<264x128xf32, #tpu.memory_space<vmem>>, vector<16xf32>,
      %swap3A_249 = arith.index_cast %scan3A_215 : i32 to index
      %swap3A_250 = arith.constant 80 : index
      %swap3A_251 = tpu.vector_load %arg9[%swap3A_249, %swap3A_250] {strides = array<i32>} : memref<264x128xf32, #tpu.memory_space<vmem>>, vector<16xf32>,
      tpu.vector_store %arg9[%swap3A_249, %swap3A_250], %broadcast_in_dim3A_22 {strides = array<i32>} : memref<264x128xf32, #tpu.memory_space<vmem>>, vector<16xf32>,
      %swap3A_252 = arith.index_cast %scan3A_215 : i32 to index
      %swap3A_253 = arith.constant 96 : index
      %swap3A_254 = tpu.vector_load %arg8[%swap3A_252, %swap3A_253] {strides = array<i32>} : memref<264x128xf32, #tpu.memory_space<vmem>>, vector<16xf32>,
      tpu.vector_store %arg8[%swap3A_252, %swap3A_253], %broadcast_in_dim3A_22 {strides = array<i32>} : memref<264x128xf32, #tpu.memory_space<vmem>>, vector<16xf32>,
      %swap3A_255 = arith.index_cast %scan3A_215 : i32 to index
      %swap3A_256 = arith.constant 96 : index
      %swap3A_257 = tpu.vector_load %arg9[%swap3A_255, %swap3A_256] {strides = array<i32>} : memref<264x128xf32, #tpu.memory_space<vmem>>, vector<16xf32>,
      tpu.vector_store %arg9[%swap3A_255, %swap3A_256], %broadcast_in_dim3A_22 {strides = array<i32>} : memref<264x128xf32, #tpu.memory_space<vmem>>, vector<16xf32>,
      %swap3A_258 = arith.index_cast %scan3A_215 : i32 to index
      %swap3A_259 = arith.constant 112 : index
      %swap3A_260 = tpu.vector_load %arg8[%swap3A_258, %swap3A_259] {strides = array<i32>} : memref<264x128xf32, #tpu.memory_space<vmem>>, vector<16xf32>,
      tpu.vector_store %arg8[%swap3A_258, %swap3A_259], %broadcast_in_dim3A_22 {strides = array<i32>} : memref<264x128xf32, #tpu.memory_space<vmem>>, vector<16xf32>,
      %swap3A_261 = arith.index_cast %scan3A_215 : i32 to index
      %swap3A_262 = arith.constant 112 : index
      %swap3A_263 = tpu.vector_load %arg9[%swap3A_261, %swap3A_262] {strides = array<i32>} : memref<264x128xf32, #tpu.memory_space<vmem>>, vector<16xf32>,
      tpu.vector_store %arg9[%swap3A_261, %swap3A_262], %broadcast_in_dim3A_22 {strides = array<i32>} : memref<264x128xf32, #tpu.memory_space<vmem>>, vector<16xf32>,
      %scan3A_264 = arith.constant 0 : i32
      scf.yield %scan3A_264 : i32
    }
    %scan3A_28 = arith.constant 264 : i32
    %get3A = arith.constant 1 : i32
    %get3A_29 = arith.index_cast %get3A : i32 to index
    %get3A_30 = arith.constant 0 : index
    %get3A_31 = tpu.vector_load %arg10[%get3A_29, %get3A_30] {strides = array<i32>} : memref<8x128xi32, #tpu.memory_space<vmem>>, vector<16xi32>,
    %slice3A = vector.extract_strided_slice %get3A_31 {offsets = [0], sizes = [1], strides = [1]} : vector<16xi32> to vector<1xi32>
    %squeeze3A = vector.extract %slice3A[0] : i32 from vector<1xi32>
    %div3A_32 = arith.divsi %mul3A_21, %squeeze3A : i32
    %sign3A_33 = arith.constant 0 : i32
    %sign3A_34 = arith.cmpi sgt, %mul3A_21, %sign3A_33 : i32
    %sign3A_35 = arith.extui %sign3A_34 : i1 to i32
    %sign3A_36 = arith.constant 0 : i32
    %sign3A_37 = arith.cmpi slt, %mul3A_21, %sign3A_36 : i32
    %sign3A_38 = arith.extui %sign3A_37 : i1 to i32
    %sign3A_39 = arith.subi %sign3A_35, %sign3A_38 : i32
    %sign3A_40 = arith.constant 0 : i32
    %sign3A_41 = arith.cmpi sgt, %squeeze3A, %sign3A_40 : i32
    %sign3A_42 = arith.extui %sign3A_41 : i1 to i32
    %sign3A_43 = arith.constant 0 : i32
    %sign3A_44 = arith.cmpi slt, %squeeze3A, %sign3A_43 : i32
    %sign3A_45 = arith.extui %sign3A_44 : i1 to i32
    %sign3A_46 = arith.subi %sign3A_42, %sign3A_45 : i32
    %ne3A_47 = arith.cmpi ne, %sign3A_39, %sign3A_46 : i32
    %rem3A_48 = arith.remsi %mul3A_21, %squeeze3A : i32
    %ne3A_49 = arith.constant 0 : i32
    %ne3A_50 = arith.cmpi ne, %rem3A_48, %ne3A_49 : i32
    %and3A_51 = arith.andi %ne3A_47, %ne3A_50 : i1
    %sub3A_52 = arith.constant 1 : i32
    %sub3A_53 = arith.subi %div3A_32, %sub3A_52 : i32
    %select_n3A_54 = arith.select %and3A_51, %sub3A_53, %div3A_32 : i32
    %min3A = arith.constant 16 : i32
    %min3A_55 = arith.minsi %select_n3A_54, %min3A : i32
    %add3A_56 = arith.constant 256 : i32
    %add3A_57 = arith.addi %mul3A_21, %add3A_56 : i32
    %sub3A_58 = arith.constant 1 : i32
    %sub3A_59 = arith.subi %add3A_57, %sub3A_58 : i32
    %div3A_60 = arith.divsi %sub3A_59, %squeeze3A : i32
    %sign3A_61 = arith.constant 0 : i32
    %sign3A_62 = arith.cmpi sgt, %sub3A_59, %sign3A_61 : i32
    %sign3A_63 = arith.extui %sign3A_62 : i1 to i32
    %sign3A_64 = arith.constant 0 : i32
    %sign3A_65 = arith.cmpi slt, %sub3A_59, %sign3A_64 : i32
    %sign3A_66 = arith.extui %sign3A_65 : i1 to i32
    %sign3A_67 = arith.subi %sign3A_63, %sign3A_66 : i32
    %sign3A_68 = arith.constant 0 : i32
    %sign3A_69 = arith.cmpi sgt, %squeeze3A, %sign3A_68 : i32
    %sign3A_70 = arith.extui %sign3A_69 : i1 to i32
    %sign3A_71 = arith.constant 0 : i32
    %sign3A_72 = arith.cmpi slt, %squeeze3A, %sign3A_71 : i32
    %sign3A_73 = arith.extui %sign3A_72 : i1 to i32
    %sign3A_74 = arith.subi %sign3A_70, %sign3A_73 : i32
    %ne3A_75 = arith.cmpi ne, %sign3A_67, %sign3A_74 : i32
    %rem3A_76 = arith.remsi %sub3A_59, %squeeze3A : i32
    %ne3A_77 = arith.constant 0 : i32
    %ne3A_78 = arith.cmpi ne, %rem3A_76, %ne3A_77 : i32
    %and3A_79 = arith.andi %ne3A_75, %ne3A_78 : i1
    %sub3A_80 = arith.constant 1 : i32
    %sub3A_81 = arith.subi %div3A_60, %sub3A_80 : i32
    %select_n3A_82 = arith.select %and3A_79, %sub3A_81, %div3A_60 : i32
    %add3A_83 = arith.constant 1 : i32
    %add3A_84 = arith.addi %select_n3A_82, %add3A_83 : i32
    %min3A_85 = arith.constant 16 : i32
    %min3A_86 = arith.minsi %add3A_84, %min3A_85 : i32
    %eq3A = arith.constant 0 : i32
    %eq3A_87 = vector.broadcast %eq3A : i32 to vector<16xi32>
    %eq3A_88 = arith.cmpi eq, %iota3A, %eq3A_87 : vector<16xi32>
    %eq3A_89 = arith.constant 1 : i32
    %eq3A_90 = vector.broadcast %eq3A_89 : i32 to vector<16xi32>
    %eq3A_91 = arith.cmpi eq, %iota3A, %eq3A_90 : vector<16xi32>
    %jit3A_92 = arith.constant 0 : i32
    %broadcast_in_dim3A_93 = vector.broadcast %min3A_86 : i32 to vector<16xi32>
    %broadcast_in_dim3A_94 = vector.broadcast %jit3A_92 : i32 to vector<16xi32>
    %select_n3A_95 = arith.select %eq3A_91, %broadcast_in_dim3A_93, %broadcast_in_dim3A_94 : vector<16xi1>, vector<16xi32>
    %broadcast_in_dim3A_96 = vector.broadcast %min3A_55 : i32 to vector<16xi32>
    %select_n3A_97 = arith.select %eq3A_88, %broadcast_in_dim3A_96, %select_n3A_95 : vector<16xi1>, vector<16xi32>
    %broadcast_in_dim3A_98 = arith.constant 0 : i32
    %broadcast_in_dim3A_99 = vector.broadcast %broadcast_in_dim3A_98 : i32 to vector<16xi32>
    %gather3A = tpu.vector_load_idx %arg10[%broadcast_in_dim3A_99, %select_n3A_97] : memref<8x128xi32, #tpu.memory_space<vmem>>[vector<16xi32>, vector<16xi32>], vector<16xi32>,
    %slice3A_100 = vector.extract_strided_slice %gather3A {offsets = [0], sizes = [1], strides = [1]} : vector<16xi32> to vector<1xi32>
    %squeeze3A_101 = vector.extract %slice3A_100[0] : i32 from vector<1xi32>
    %slice3A_102 = vector.extract_strided_slice %gather3A {offsets = [1], sizes = [1], strides = [1]} : vector<16xi32> to vector<1xi32>
    %squeeze3A_103 = vector.extract %slice3A_102[0] : i32 from vector<1xi32>
    %jit3A_104 = arith.constant 128 : i32
    %div3A_105 = arith.divsi %squeeze3A_101, %jit3A_104 : i32
    %sign3A_106 = arith.constant 0 : i32
    %sign3A_107 = arith.cmpi sgt, %squeeze3A_101, %sign3A_106 : i32
    %sign3A_108 = arith.extui %sign3A_107 : i1 to i32
    %sign3A_109 = arith.constant 0 : i32
    %sign3A_110 = arith.cmpi slt, %squeeze3A_101, %sign3A_109 : i32
    %sign3A_111 = arith.extui %sign3A_110 : i1 to i32
    %sign3A_112 = arith.subi %sign3A_108, %sign3A_111 : i32
    %sign3A_113 = arith.constant 0 : i32
    %sign3A_114 = arith.cmpi sgt, %jit3A_104, %sign3A_113 : i32
    %sign3A_115 = arith.extui %sign3A_114 : i1 to i32
    %sign3A_116 = arith.constant 0 : i32
    %sign3A_117 = arith.cmpi slt, %jit3A_104, %sign3A_116 : i32
    %sign3A_118 = arith.extui %sign3A_117 : i1 to i32
    %sign3A_119 = arith.subi %sign3A_115, %sign3A_118 : i32
    %ne3A_120 = arith.cmpi ne, %sign3A_112, %sign3A_119 : i32
    %rem3A_121 = arith.remsi %squeeze3A_101, %jit3A_104 : i32
    %ne3A_122 = arith.constant 0 : i32
    %ne3A_123 = arith.cmpi ne, %rem3A_121, %ne3A_122 : i32
    %and3A_124 = arith.andi %ne3A_120, %ne3A_123 : i1
    %sub3A_125 = arith.constant 1 : i32
    %sub3A_126 = arith.subi %div3A_105, %sub3A_125 : i32
    %select_n3A_127 = arith.select %and3A_124, %sub3A_126, %div3A_105 : i32
    %add3A_128 = arith.constant 128 : i32
    %add3A_129 = arith.addi %squeeze3A_103, %add3A_128 : i32
    %sub3A_130 = arith.constant 1 : i32
    %sub3A_131 = arith.subi %add3A_129, %sub3A_130 : i32
    %jit3A_132 = arith.constant 128 : i32
    %div3A_133 = arith.divsi %sub3A_131, %jit3A_132 : i32
    %sign3A_134 = arith.constant 0 : i32
    %sign3A_135 = arith.cmpi sgt, %sub3A_131, %sign3A_134 : i32
    %sign3A_136 = arith.extui %sign3A_135 : i1 to i32
    %sign3A_137 = arith.constant 0 : i32
    %sign3A_138 = arith.cmpi slt, %sub3A_131, %sign3A_137 : i32
    %sign3A_139 = arith.extui %sign3A_138 : i1 to i32
    %sign3A_140 = arith.subi %sign3A_136, %sign3A_139 : i32
    %sign3A_141 = arith.constant 0 : i32
    %sign3A_142 = arith.cmpi sgt, %jit3A_132, %sign3A_141 : i32
    %sign3A_143 = arith.extui %sign3A_142 : i1 to i32
    %sign3A_144 = arith.constant 0 : i32
    %sign3A_145 = arith.cmpi slt, %jit3A_132, %sign3A_144 : i32
    %sign3A_146 = arith.extui %sign3A_145 : i1 to i32
    %sign3A_147 = arith.subi %sign3A_143, %sign3A_146 : i32
    %ne3A_148 = arith.cmpi ne, %sign3A_140, %sign3A_147 : i32
    %rem3A_149 = arith.remsi %sub3A_131, %jit3A_132 : i32
    %ne3A_150 = arith.constant 0 : i32
    %ne3A_151 = arith.cmpi ne, %rem3A_149, %ne3A_150 : i32
    %and3A_152 = arith.andi %ne3A_148, %ne3A_151 : i1
    %sub3A_153 = arith.constant 1 : i32
    %sub3A_154 = arith.subi %div3A_133, %sub3A_153 : i32
    %select_n3A_155 = arith.select %and3A_152, %sub3A_154, %div3A_133 : i32
    %add3A_156 = arith.addi %select_n3A_127, %select_n3A_155 : i32
    %jit3A_157 = arith.constant 2 : i32
    %div3A_158 = arith.divsi %add3A_156, %jit3A_157 : i32
    %sign3A_159 = arith.constant 0 : i32
    %sign3A_160 = arith.cmpi sgt, %add3A_156, %sign3A_159 : i32
    %sign3A_161 = arith.extui %sign3A_160 : i1 to i32
    %sign3A_162 = arith.constant 0 : i32
    %sign3A_163 = arith.cmpi slt, %add3A_156, %sign3A_162 : i32
    %sign3A_164 = arith.extui %sign3A_163 : i1 to i32
    %sign3A_165 = arith.subi %sign3A_161, %sign3A_164 : i32
    %sign3A_166 = arith.constant 0 : i32
    %sign3A_167 = arith.cmpi sgt, %jit3A_157, %sign3A_166 : i32
    %sign3A_168 = arith.extui %sign3A_167 : i1 to i32
    %sign3A_169 = arith.constant 0 : i32
    %sign3A_170 = arith.cmpi slt, %jit3A_157, %sign3A_169 : i32
    %sign3A_171 = arith.extui %sign3A_170 : i1 to i32
    %sign3A_172 = arith.subi %sign3A_168, %sign3A_171 : i32
    %ne3A_173 = arith.cmpi ne, %sign3A_165, %sign3A_172 : i32
    %rem3A_174 = arith.remsi %add3A_156, %jit3A_157 : i32
    %ne3A_175 = arith.constant 0 : i32
    %ne3A_176 = arith.cmpi ne, %rem3A_174, %ne3A_175 : i32
    %and3A_177 = arith.andi %ne3A_173, %ne3A_176 : i1
    %sub3A_178 = arith.constant 1 : i32
    %sub3A_179 = arith.subi %div3A_158, %sub3A_178 : i32
    %select_n3A_180 = arith.select %and3A_177, %sub3A_179, %div3A_158 : i32
    %eq3A_181 = arith.constant 0 : i32
    %eq3A_182 = arith.cmpi eq, %sub3A_17, %eq3A_181 : i32
    %select_n3A_183 = arith.select %eq3A_182, %select_n3A_127, %select_n3A_180 : i32
    %eq3A_184 = arith.constant 0 : i32
    %eq3A_185 = arith.cmpi eq, %sub3A_17, %eq3A_184 : i32
    %select_n3A_186 = arith.select %eq3A_185, %select_n3A_180, %select_n3A_155 : i32
    %lt3A = arith.cmpi slt, %select_n3A_183, %select_n3A_186 : i32
    %convert_element_type3A = arith.extui %lt3A : i1 to i32
    %cond3A = arith.constant 0 : i32
    %cond3A_187 = arith.cmpi ne, %convert_element_type3A, %cond3A : i32
    scf.if %cond3A_187 {
      %rem3A_215 = arith.constant 2 : i32
      %rem3A_216 = arith.remsi %select_n3A_183, %rem3A_215 : i32
      %mul3A_217 = arith.constant 128 : i32
      %mul3A_218 = arith.muli %select_n3A_183, %mul3A_217 : i32
      %dma_start3A = arith.constant 0 : i32
      %dma_start3A_219 = tpu.memref_slice %arg6[%rem3A_216, %dma_start3A] : memref<2x128xi32, #tpu.memory_space<vmem>> -> memref<1x128xi32, #tpu.memory_space<vmem>>
      %dma_start3A_220 = tpu.memref_squeeze %dma_start3A_219 : memref<1x128xi32, #tpu.memory_space<vmem>> -> memref<128xi32, #tpu.memory_space<vmem>>
      %dma_start3A_221 = tpu.memref_slice %arg3[%mul3A_218] : memref<320000xi32, #tpu.memory_space<hbm>> -> memref<128xi32, #tpu.memory_space<hbm>>
      %dma_start3A_222 = tpu.memref_slice %arg12[%rem3A_216] : memref<2x!tpu.dma_semaphore, #tpu.memory_space<semaphore_mem>> -> memref<1x!tpu.dma_semaphore, #tpu.memory_space<semaphore_mem>>
      %dma_start3A_223 = tpu.memref_squeeze %dma_start3A_222 : memref<1x!tpu.dma_semaphore, #tpu.memory_space<semaphore_mem>> -> memref<!tpu.dma_semaphore, #tpu.memory_space<semaphore_mem>>
      %dma_start3A_224 = arith.constant 0 : i32
      %dma_start3A_225 = tpu.memref_slice %arg6[%rem3A_216, %dma_start3A_224] : memref<2x128xi32, #tpu.memory_space<vmem>> -> memref<1x128xi32, #tpu.memory_space<vmem>>
      %dma_start3A_226 = tpu.memref_squeeze %dma_start3A_225 : memref<1x128xi32, #tpu.memory_space<vmem>> -> memref<128xi32, #tpu.memory_space<vmem>>
      %dma_start3A_227 = tpu.memref_slice %arg3[%mul3A_218] : memref<320000xi32, #tpu.memory_space<hbm>> -> memref<128xi32, #tpu.memory_space<hbm>>
      tpu.enqueue_dma source(%dma_start3A_227 : memref<128xi32, #tpu.memory_space<hbm>>) target(%dma_start3A_226 : memref<128xi32, #tpu.memory_space<vmem>>) target_semaphore(%dma_start3A_223 : memref<!tpu.dma_semaphore, #tpu.memory_space<semaphore_mem>>)
      %mul3A_228 = arith.constant 128 : i32
      %mul3A_229 = arith.muli %select_n3A_183, %mul3A_228 : i32
      %dma_start3A_230 = arith.constant 0 : i32
      %dma_start3A_231 = arith.constant 0 : i32
      %dma_start3A_232 = tpu.memref_slice %arg7[%rem3A_216, %dma_start3A_230, %dma_start3A_231] : memref<2x128x128xf32, #tpu.memory_space<vmem>> -> memref<1x128x128xf32, #tpu.memory_space<vmem>>
      %dma_start3A_233 = tpu.memref_squeeze %dma_start3A_232 : memref<1x128x128xf32, #tpu.memory_space<vmem>> -> memref<128x128xf32, #tpu.memory_space<vmem>>
      %dma_start3A_234 = arith.constant 0 : i32
      %dma_start3A_235 = tpu.memref_slice %arg2[%mul3A_229, %dma_start3A_234] : memref<320000x128xf32, #tpu.memory_space<hbm>> -> memref<128x128xf32, #tpu.memory_space<hbm>>
      %dma_start3A_236 = tpu.memref_slice %arg13[%rem3A_216] : memref<2x!tpu.dma_semaphore, #tpu.memory_space<semaphore_mem>> -> memref<1x!tpu.dma_semaphore, #tpu.memory_space<semaphore_mem>>
      %dma_start3A_237 = tpu.memref_squeeze %dma_start3A_236 : memref<1x!tpu.dma_semaphore, #tpu.memory_space<semaphore_mem>> -> memref<!tpu.dma_semaphore, #tpu.memory_space<semaphore_mem>>
      %dma_start3A_238 = arith.constant 0 : i32
      %dma_start3A_239 = arith.constant 0 : i32
      %dma_start3A_240 = tpu.memref_slice %arg7[%rem3A_216, %dma_start3A_238, %dma_start3A_239] : memref<2x128x128xf32, #tpu.memory_space<vmem>> -> memref<1x128x128xf32, #tpu.memory_space<vmem>>
      %dma_start3A_241 = tpu.memref_squeeze %dma_start3A_240 : memref<1x128x128xf32, #tpu.memory_space<vmem>> -> memref<128x128xf32, #tpu.memory_space<vmem>>
      %dma_start3A_242 = arith.constant 0 : i32
      %dma_start3A_243 = tpu.memref_slice %arg2[%mul3A_229, %dma_start3A_242] : memref<320000x128xf32, #tpu.memory_space<hbm>> -> memref<128x128xf32, #tpu.memory_space<hbm>>
      tpu.enqueue_dma source(%dma_start3A_243 : memref<128x128xf32, #tpu.memory_space<hbm>>) target(%dma_start3A_241 : memref<128x128xf32, #tpu.memory_space<vmem>>) target_semaphore(%dma_start3A_237 : memref<!tpu.dma_semaphore, #tpu.memory_space<semaphore_mem>>)
    } else {
    }
    %while3A = arith.constant 0 : i32
    %while3A_188 = arith.subi %select_n3A_186, %select_n3A_183 : i32
    %while3A_189 = arith.addi %select_n3A_183, %while3A_188 : i32
    %while3A_190 = arith.constant 1 : i32
    %while3A_191 = arith.divsi %while3A_188, %while3A_190 : i32
    %while3A_192 = arith.muli %while3A_191, %while3A_190 : i32
    %while3A_193 = arith.addi %select_n3A_183, %while3A_192 : i32
    %while3A_194 = arith.constant 1 : i32
    %while3A_195 = scf.for %while3A_215 = %select_n3A_183 to %while3A_193 step %while3A_194 iter_args(%while3A_216 = %while3A) -> (i32)  : i32 {
      %rem3A_217 = arith.constant 2 : i32
      %rem3A_218 = arith.remsi %while3A_215, %rem3A_217 : i32
      %mul3A_219 = arith.constant 128 : i32
      %mul3A_220 = arith.muli %while3A_215, %mul3A_219 : i32
      %dma_wait3A = arith.constant 0 : i32
      %dma_wait3A_221 = tpu.memref_slice %arg6[%rem3A_218, %dma_wait3A] : memref<2x128xi32, #tpu.memory_space<vmem>> -> memref<1x128xi32, #tpu.memory_space<vmem>>
      %dma_wait3A_222 = tpu.memref_squeeze %dma_wait3A_221 : memref<1x128xi32, #tpu.memory_space<vmem>> -> memref<128xi32, #tpu.memory_space<vmem>>
      %dma_wait3A_223 = tpu.memref_slice %arg3[%mul3A_220] : memref<320000xi32, #tpu.memory_space<hbm>> -> memref<128xi32, #tpu.memory_space<hbm>>
      %dma_wait3A_224 = tpu.memref_slice %arg12[%rem3A_218] : memref<2x!tpu.dma_semaphore, #tpu.memory_space<semaphore_mem>> -> memref<1x!tpu.dma_semaphore, #tpu.memory_space<semaphore_mem>>
      %dma_wait3A_225 = tpu.memref_squeeze %dma_wait3A_224 : memref<1x!tpu.dma_semaphore, #tpu.memory_space<semaphore_mem>> -> memref<!tpu.dma_semaphore, #tpu.memory_space<semaphore_mem>>
      %dma_wait3A_226 = arith.constant 0 : i32
      %dma_wait3A_227 = tpu.memref_slice %arg6[%rem3A_218, %dma_wait3A_226] : memref<2x128xi32, #tpu.memory_space<vmem>> -> memref<1x128xi32, #tpu.memory_space<vmem>>
      %dma_wait3A_228 = tpu.memref_squeeze %dma_wait3A_227 : memref<1x128xi32, #tpu.memory_space<vmem>> -> memref<128xi32, #tpu.memory_space<vmem>>
      %dma_wait3A_229 = tpu.memref_slice %arg3[%mul3A_220] : memref<320000xi32, #tpu.memory_space<hbm>> -> memref<128xi32, #tpu.memory_space<hbm>>
      tpu.wait_dma2 semaphore(%dma_wait3A_225 : memref<!tpu.dma_semaphore, #tpu.memory_space<semaphore_mem>>) src(%dma_wait3A_229 : memref<128xi32, #tpu.memory_space<hbm>>) dst(%dma_wait3A_228 : memref<128xi32, #tpu.memory_space<vmem>>)
      %add3A_230 = arith.constant 1 : i32
      %add3A_231 = arith.addi %while3A_215, %add3A_230 : i32
      %lt3A_232 = arith.cmpi slt, %add3A_231, %select_n3A_186 : i32
      %convert_element_type3A_233 = arith.extui %lt3A_232 : i1 to i32
      %cond3A_234 = arith.constant 0 : i32
      %cond3A_235 = arith.cmpi ne, %convert_element_type3A_233, %cond3A_234 : i32
      scf.if %cond3A_235 {
        %add3A_260 = arith.constant 1 : i32
        %add3A_261 = arith.addi %while3A_215, %add3A_260 : i32
        %rem3A_262 = arith.constant 2 : i32
        %rem3A_263 = arith.remsi %add3A_261, %rem3A_262 : i32
        %mul3A_264 = arith.constant 128 : i32
        %mul3A_265 = arith.muli %add3A_261, %mul3A_264 : i32
        %dma_start3A = arith.constant 0 : i32
        %dma_start3A_266 = tpu.memref_slice %arg6[%rem3A_263, %dma_start3A] : memref<2x128xi32, #tpu.memory_space<vmem>> -> memref<1x128xi32, #tpu.memory_space<vmem>>
        %dma_start3A_267 = tpu.memref_squeeze %dma_start3A_266 : memref<1x128xi32, #tpu.memory_space<vmem>> -> memref<128xi32, #tpu.memory_space<vmem>>
        %dma_start3A_268 = tpu.memref_slice %arg3[%mul3A_265] : memref<320000xi32, #tpu.memory_space<hbm>> -> memref<128xi32, #tpu.memory_space<hbm>>
        %dma_start3A_269 = tpu.memref_slice %arg12[%rem3A_263] : memref<2x!tpu.dma_semaphore, #tpu.memory_space<semaphore_mem>> -> memref<1x!tpu.dma_semaphore, #tpu.memory_space<semaphore_mem>>
        %dma_start3A_270 = tpu.memref_squeeze %dma_start3A_269 : memref<1x!tpu.dma_semaphore, #tpu.memory_space<semaphore_mem>> -> memref<!tpu.dma_semaphore, #tpu.memory_space<semaphore_mem>>
        %dma_start3A_271 = arith.constant 0 : i32
        %dma_start3A_272 = tpu.memref_slice %arg6[%rem3A_263, %dma_start3A_271] : memref<2x128xi32, #tpu.memory_space<vmem>> -> memref<1x128xi32, #tpu.memory_space<vmem>>
        %dma_start3A_273 = tpu.memref_squeeze %dma_start3A_272 : memref<1x128xi32, #tpu.memory_space<vmem>> -> memref<128xi32, #tpu.memory_space<vmem>>
        %dma_start3A_274 = tpu.memref_slice %arg3[%mul3A_265] : memref<320000xi32, #tpu.memory_space<hbm>> -> memref<128xi32, #tpu.memory_space<hbm>>
        tpu.enqueue_dma source(%dma_start3A_274 : memref<128xi32, #tpu.memory_space<hbm>>) target(%dma_start3A_273 : memref<128xi32, #tpu.memory_space<vmem>>) target_semaphore(%dma_start3A_270 : memref<!tpu.dma_semaphore, #tpu.memory_space<semaphore_mem>>)
        %mul3A_275 = arith.constant 128 : i32
        %mul3A_276 = arith.muli %add3A_261, %mul3A_275 : i32
        %dma_start3A_277 = arith.constant 0 : i32
        %dma_start3A_278 = arith.constant 0 : i32
        %dma_start3A_279 = tpu.memref_slice %arg7[%rem3A_263, %dma_start3A_277, %dma_start3A_278] : memref<2x128x128xf32, #tpu.memory_space<vmem>> -> memref<1x128x128xf32, #tpu.memory_space<vmem>>
        %dma_start3A_280 = tpu.memref_squeeze %dma_start3A_279 : memref<1x128x128xf32, #tpu.memory_space<vmem>> -> memref<128x128xf32, #tpu.memory_space<vmem>>
        %dma_start3A_281 = arith.constant 0 : i32
        %dma_start3A_282 = tpu.memref_slice %arg2[%mul3A_276, %dma_start3A_281] : memref<320000x128xf32, #tpu.memory_space<hbm>> -> memref<128x128xf32, #tpu.memory_space<hbm>>
        %dma_start3A_283 = tpu.memref_slice %arg13[%rem3A_263] : memref<2x!tpu.dma_semaphore, #tpu.memory_space<semaphore_mem>> -> memref<1x!tpu.dma_semaphore, #tpu.memory_space<semaphore_mem>>
        %dma_start3A_284 = tpu.memref_squeeze %dma_start3A_283 : memref<1x!tpu.dma_semaphore, #tpu.memory_space<semaphore_mem>> -> memref<!tpu.dma_semaphore, #tpu.memory_space<semaphore_mem>>
        %dma_start3A_285 = arith.constant 0 : i32
        %dma_start3A_286 = arith.constant 0 : i32
        %dma_start3A_287 = tpu.memref_slice %arg7[%rem3A_263, %dma_start3A_285, %dma_start3A_286] : memref<2x128x128xf32, #tpu.memory_space<vmem>> -> memref<1x128x128xf32, #tpu.memory_space<vmem>>
        %dma_start3A_288 = tpu.memref_squeeze %dma_start3A_287 : memref<1x128x128xf32, #tpu.memory_space<vmem>> -> memref<128x128xf32, #tpu.memory_space<vmem>>
        %dma_start3A_289 = arith.constant 0 : i32
        %dma_start3A_290 = tpu.memref_slice %arg2[%mul3A_276, %dma_start3A_289] : memref<320000x128xf32, #tpu.memory_space<hbm>> -> memref<128x128xf32, #tpu.memory_space<hbm>>
        tpu.enqueue_dma source(%dma_start3A_290 : memref<128x128xf32, #tpu.memory_space<hbm>>) target(%dma_start3A_288 : memref<128x128xf32, #tpu.memory_space<vmem>>) target_semaphore(%dma_start3A_284 : memref<!tpu.dma_semaphore, #tpu.memory_space<semaphore_mem>>)
      } else {
      }
      %mul3A_236 = arith.constant 128 : i32
      %mul3A_237 = arith.muli %while3A_215, %mul3A_236 : i32
      %dma_wait3A_238 = arith.constant 0 : i32
      %dma_wait3A_239 = arith.constant 0 : i32
      %dma_wait3A_240 = tpu.memref_slice %arg7[%rem3A_218, %dma_wait3A_238, %dma_wait3A_239] : memref<2x128x128xf32, #tpu.memory_space<vmem>> -> memref<1x128x128xf32, #tpu.memory_space<vmem>>
      %dma_wait3A_241 = tpu.memref_squeeze %dma_wait3A_240 : memref<1x128x128xf32, #tpu.memory_space<vmem>> -> memref<128x128xf32, #tpu.memory_space<vmem>>
      %dma_wait3A_242 = arith.constant 0 : i32
      %dma_wait3A_243 = tpu.memref_slice %arg2[%mul3A_237, %dma_wait3A_242] : memref<320000x128xf32, #tpu.memory_space<hbm>> -> memref<128x128xf32, #tpu.memory_space<hbm>>
      %dma_wait3A_244 = tpu.memref_slice %arg13[%rem3A_218] : memref<2x!tpu.dma_semaphore, #tpu.memory_space<semaphore_mem>> -> memref<1x!tpu.dma_semaphore, #tpu.memory_space<semaphore_mem>>
      %dma_wait3A_245 = tpu.memref_squeeze %dma_wait3A_244 : memref<1x!tpu.dma_semaphore, #tpu.memory_space<semaphore_mem>> -> memref<!tpu.dma_semaphore, #tpu.memory_space<semaphore_mem>>
      %dma_wait3A_246 = arith.constant 0 : i32
      %dma_wait3A_247 = arith.constant 0 : i32
      %dma_wait3A_248 = tpu.memref_slice %arg7[%rem3A_218, %dma_wait3A_246, %dma_wait3A_247] : memref<2x128x128xf32, #tpu.memory_space<vmem>> -> memref<1x128x128xf32, #tpu.memory_space<vmem>>
      %dma_wait3A_249 = tpu.memref_squeeze %dma_wait3A_248 : memref<1x128x128xf32, #tpu.memory_space<vmem>> -> memref<128x128xf32, #tpu.memory_space<vmem>>
      %dma_wait3A_250 = arith.constant 0 : i32
      %dma_wait3A_251 = tpu.memref_slice %arg2[%mul3A_237, %dma_wait3A_250] : memref<320000x128xf32, #tpu.memory_space<hbm>> -> memref<128x128xf32, #tpu.memory_space<hbm>>
      tpu.wait_dma2 semaphore(%dma_wait3A_245 : memref<!tpu.dma_semaphore, #tpu.memory_space<semaphore_mem>>) src(%dma_wait3A_251 : memref<128x128xf32, #tpu.memory_space<hbm>>) dst(%dma_wait3A_249 : memref<128x128xf32, #tpu.memory_space<vmem>>)
      %scan3A_252 = arith.constant 0 : i32
      %scan3A_253 = arith.constant 0 : i32
      %scan3A_254 = arith.constant 8 : i32
      %scan3A_255 = arith.addi %scan3A_253, %scan3A_254 : i32
      %scan3A_256 = arith.constant 1 : i32
      %scan3A_257 = scf.for %scan3A_260 = %scan3A_253 to %scan3A_255 step %scan3A_256 iter_args(%scan3A_261 = %scan3A_252) -> (i32)  : i32 {
        %mul3A_262 = arith.constant 16 : i32
        %mul3A_263 = arith.muli %scan3A_260, %mul3A_262 : i32
        %get3A_264 = arith.index_cast %rem3A_218 : i32 to index
        %get3A_265 = arith.index_cast %mul3A_263 : i32 to index
        %get3A_266 = tpu.vector_load %arg6[%get3A_264, %get3A_265] {strides = array<i32>} : memref<2x128xi32, #tpu.memory_space<vmem>>, vector<16xi32>,
        %sub3A_267 = vector.broadcast %mul3A_21 : i32 to vector<16xi32>
        %sub3A_268 = arith.subi %get3A_266, %sub3A_267 : vector<16xi32>
        %ge3A = arith.constant 0 : i32
        %ge3A_269 = vector.broadcast %ge3A : i32 to vector<16xi32>
        %ge3A_270 = arith.cmpi sge, %sub3A_268, %ge3A_269 : vector<16xi32>
        %lt3A_271 = arith.constant 256 : i32
        %lt3A_272 = vector.broadcast %lt3A_271 : i32 to vector<16xi32>
        %lt3A_273 = arith.cmpi slt, %sub3A_268, %lt3A_272 : vector<16xi32>
        %and3A_274 = arith.andi %ge3A_270, %lt3A_273 : vector<16xi1>
        %jit3A_275 = arith.constant 256 : i32
        %broadcast_in_dim3A_276 = vector.broadcast %jit3A_275 : i32 to vector<16xi32>
        %select_n3A_277 = arith.select %and3A_274, %sub3A_268, %broadcast_in_dim3A_276 : vector<16xi1>, vector<16xi32>
        %slice3A_278 = vector.extract_strided_slice %select_n3A_277 {offsets = [0], sizes = [1], strides = [1]} : vector<16xi32> to vector<1xi32>
        %squeeze3A_279 = vector.extract %slice3A_278[0] : i32 from vector<1xi32>
        %slice3A_280 = vector.extract_strided_slice %select_n3A_277 {offsets = [1], sizes = [1], strides = [1]} : vector<16xi32> to vector<1xi32>
        %squeeze3A_281 = vector.extract %slice3A_280[0] : i32 from vector<1xi32>
        %slice3A_282 = vector.extract_strided_slice %select_n3A_277 {offsets = [2], sizes = [1], strides = [1]} : vector<16xi32> to vector<1xi32>
        %squeeze3A_283 = vector.extract %slice3A_282[0] : i32 from vector<1xi32>
        %slice3A_284 = vector.extract_strided_slice %select_n3A_277 {offsets = [3], sizes = [1], strides = [1]} : vector<16xi32> to vector<1xi32>
        %squeeze3A_285 = vector.extract %slice3A_284[0] : i32 from vector<1xi32>
        %slice3A_286 = vector.extract_strided_slice %select_n3A_277 {offsets = [4], sizes = [1], strides = [1]} : vector<16xi32> to vector<1xi32>
        %squeeze3A_287 = vector.extract %slice3A_286[0] : i32 from vector<1xi32>
        %slice3A_288 = vector.extract_strided_slice %select_n3A_277 {offsets = [5], sizes = [1], strides = [1]} : vector<16xi32> to vector<1xi32>
        %squeeze3A_289 = vector.extract %slice3A_288[0] : i32 from vector<1xi32>
        %slice3A_290 = vector.extract_strided_slice %select_n3A_277 {offsets = [6], sizes = [1], strides = [1]} : vector<16xi32> to vector<1xi32>
        %squeeze3A_291 = vector.extract %slice3A_290[0] : i32 from vector<1xi32>
        %slice3A_292 = vector.extract_strided_slice %select_n3A_277 {offsets = [7], sizes = [1], strides = [1]} : vector<16xi32> to vector<1xi32>
        %squeeze3A_293 = vector.extract %slice3A_292[0] : i32 from vector<1xi32>
        %slice3A_294 = vector.extract_strided_slice %select_n3A_277 {offsets = [8], sizes = [1], strides = [1]} : vector<16xi32> to vector<1xi32>
        %squeeze3A_295 = vector.extract %slice3A_294[0] : i32 from vector<1xi32>
        %slice3A_296 = vector.extract_strided_slice %select_n3A_277 {offsets = [9], sizes = [1], strides = [1]} : vector<16xi32> to vector<1xi32>
        %squeeze3A_297 = vector.extract %slice3A_296[0] : i32 from vector<1xi32>
        %slice3A_298 = vector.extract_strided_slice %select_n3A_277 {offsets = [10], sizes = [1], strides = [1]} : vector<16xi32> to vector<1xi32>
        %squeeze3A_299 = vector.extract %slice3A_298[0] : i32 from vector<1xi32>
        %slice3A_300 = vector.extract_strided_slice %select_n3A_277 {offsets = [11], sizes = [1], strides = [1]} : vector<16xi32> to vector<1xi32>
        %squeeze3A_301 = vector.extract %slice3A_300[0] : i32 from vector<1xi32>
        %slice3A_302 = vector.extract_strided_slice %select_n3A_277 {offsets = [12], sizes = [1], strides = [1]} : vector<16xi32> to vector<1xi32>
        %squeeze3A_303 = vector.extract %slice3A_302[0] : i32 from vector<1xi32>
        %slice3A_304 = vector.extract_strided_slice %select_n3A_277 {offsets = [13], sizes = [1], strides = [1]} : vector<16xi32> to vector<1xi32>
        %squeeze3A_305 = vector.extract %slice3A_304[0] : i32 from vector<1xi32>
        %slice3A_306 = vector.extract_strided_slice %select_n3A_277 {offsets = [14], sizes = [1], strides = [1]} : vector<16xi32> to vector<1xi32>
        %squeeze3A_307 = vector.extract %slice3A_306[0] : i32 from vector<1xi32>
        %slice3A_308 = vector.extract_strided_slice %select_n3A_277 {offsets = [15], sizes = [1], strides = [1]} : vector<16xi32> to vector<1xi32>
        %squeeze3A_309 = vector.extract %slice3A_308[0] : i32 from vector<1xi32>
        %get3A_310 = arith.index_cast %squeeze3A_279 : i32 to index
        %get3A_311 = arith.constant 0 : index
        %get3A_312 = tpu.vector_load %arg8[%get3A_310, %get3A_311] {strides = array<i32>} : memref<264x128xf32, #tpu.memory_space<vmem>>, vector<16xf32>,
        %get3A_313 = arith.index_cast %squeeze3A_279 : i32 to index
        %get3A_314 = arith.constant 16 : index
        %get3A_315 = tpu.vector_load %arg8[%get3A_313, %get3A_314] {strides = array<i32>} : memref<264x128xf32, #tpu.memory_space<vmem>>, vector<16xf32>,
        %get3A_316 = arith.index_cast %squeeze3A_279 : i32 to index
        %get3A_317 = arith.constant 32 : index
        %get3A_318 = tpu.vector_load %arg8[%get3A_316, %get3A_317] {strides = array<i32>} : memref<264x128xf32, #tpu.memory_space<vmem>>, vector<16xf32>,
        %get3A_319 = arith.index_cast %squeeze3A_279 : i32 to index
        %get3A_320 = arith.constant 48 : index
        %get3A_321 = tpu.vector_load %arg8[%get3A_319, %get3A_320] {strides = array<i32>} : memref<264x128xf32, #tpu.memory_space<vmem>>, vector<16xf32>,
        %get3A_322 = arith.index_cast %squeeze3A_279 : i32 to index
        %get3A_323 = arith.constant 64 : index
        %get3A_324 = tpu.vector_load %arg8[%get3A_322, %get3A_323] {strides = array<i32>} : memref<264x128xf32, #tpu.memory_space<vmem>>, vector<16xf32>,
        %get3A_325 = arith.index_cast %squeeze3A_279 : i32 to index
        %get3A_326 = arith.constant 80 : index
        %get3A_327 = tpu.vector_load %arg8[%get3A_325, %get3A_326] {strides = array<i32>} : memref<264x128xf32, #tpu.memory_space<vmem>>, vector<16xf32>,
        %get3A_328 = arith.index_cast %squeeze3A_279 : i32 to index
        %get3A_329 = arith.constant 96 : index
        %get3A_330 = tpu.vector_load %arg8[%get3A_328, %get3A_329] {strides = array<i32>} : memref<264x128xf32, #tpu.memory_space<vmem>>, vector<16xf32>,
        %get3A_331 = arith.index_cast %squeeze3A_279 : i32 to index
        %get3A_332 = arith.constant 112 : index
        %get3A_333 = tpu.vector_load %arg8[%get3A_331, %get3A_332] {strides = array<i32>} : memref<264x128xf32, #tpu.memory_space<vmem>>, vector<16xf32>,
        %mul3A_334 = arith.constant 16 : i32
        %mul3A_335 = arith.muli %scan3A_260, %mul3A_334 : i32
        %add3A_336 = arith.constant 0 : i32
        %add3A_337 = arith.addi %mul3A_335, %add3A_336 : i32
        %get3A_338 = arith.index_cast %rem3A_218 : i32 to index
        %get3A_339 = arith.index_cast %add3A_337 : i32 to index
        %get3A_340 = arith.constant 0 : index
        %get3A_341 = tpu.vector_load %arg7[%get3A_338, %get3A_339, %get3A_340] {strides = array<i32>} : memref<2x128x128xf32, #tpu.memory_space<vmem>>, vector<16xf32>,
        %mul3A_342 = arith.constant 16 : i32
        %mul3A_343 = arith.muli %scan3A_260, %mul3A_342 : i32
        %add3A_344 = arith.constant 0 : i32
        %add3A_345 = arith.addi %mul3A_343, %add3A_344 : i32
        %get3A_346 = arith.index_cast %rem3A_218 : i32 to index
        %get3A_347 = arith.index_cast %add3A_345 : i32 to index
        %get3A_348 = arith.constant 16 : index
        %get3A_349 = tpu.vector_load %arg7[%get3A_346, %get3A_347, %get3A_348] {strides = array<i32>} : memref<2x128x128xf32, #tpu.memory_space<vmem>>, vector<16xf32>,
        %mul3A_350 = arith.constant 16 : i32
        %mul3A_351 = arith.muli %scan3A_260, %mul3A_350 : i32
        %add3A_352 = arith.constant 0 : i32
        %add3A_353 = arith.addi %mul3A_351, %add3A_352 : i32
        %get3A_354 = arith.index_cast %rem3A_218 : i32 to index
        %get3A_355 = arith.index_cast %add3A_353 : i32 to index
        %get3A_356 = arith.constant 32 : index
        %get3A_357 = tpu.vector_load %arg7[%get3A_354, %get3A_355, %get3A_356] {strides = array<i32>} : memref<2x128x128xf32, #tpu.memory_space<vmem>>, vector<16xf32>,
        %mul3A_358 = arith.constant 16 : i32
        %mul3A_359 = arith.muli %scan3A_260, %mul3A_358 : i32
        %add3A_360 = arith.constant 0 : i32
        %add3A_361 = arith.addi %mul3A_359, %add3A_360 : i32
        %get3A_362 = arith.index_cast %rem3A_218 : i32 to index
        %get3A_363 = arith.index_cast %add3A_361 : i32 to index
        %get3A_364 = arith.constant 48 : index
        %get3A_365 = tpu.vector_load %arg7[%get3A_362, %get3A_363, %get3A_364] {strides = array<i32>} : memref<2x128x128xf32, #tpu.memory_space<vmem>>, vector<16xf32>,
        %mul3A_366 = arith.constant 16 : i32
        %mul3A_367 = arith.muli %scan3A_260, %mul3A_366 : i32
        %add3A_368 = arith.constant 0 : i32
        %add3A_369 = arith.addi %mul3A_367, %add3A_368 : i32
        %get3A_370 = arith.index_cast %rem3A_218 : i32 to index
        %get3A_371 = arith.index_cast %add3A_369 : i32 to index
        %get3A_372 = arith.constant 64 : index
        %get3A_373 = tpu.vector_load %arg7[%get3A_370, %get3A_371, %get3A_372] {strides = array<i32>} : memref<2x128x128xf32, #tpu.memory_space<vmem>>, vector<16xf32>,
        %mul3A_374 = arith.constant 16 : i32
        %mul3A_375 = arith.muli %scan3A_260, %mul3A_374 : i32
        %add3A_376 = arith.constant 0 : i32
        %add3A_377 = arith.addi %mul3A_375, %add3A_376 : i32
        %get3A_378 = arith.index_cast %rem3A_218 : i32 to index
        %get3A_379 = arith.index_cast %add3A_377 : i32 to index
        %get3A_380 = arith.constant 80 : index
        %get3A_381 = tpu.vector_load %arg7[%get3A_378, %get3A_379, %get3A_380] {strides = array<i32>} : memref<2x128x128xf32, #tpu.memory_space<vmem>>, vector<16xf32>,
        %mul3A_382 = arith.constant 16 : i32
        %mul3A_383 = arith.muli %scan3A_260, %mul3A_382 : i32
        %add3A_384 = arith.constant 0 : i32
        %add3A_385 = arith.addi %mul3A_383, %add3A_384 : i32
        %get3A_386 = arith.index_cast %rem3A_218 : i32 to index
        %get3A_387 = arith.index_cast %add3A_385 : i32 to index
        %get3A_388 = arith.constant 96 : index
        %get3A_389 = tpu.vector_load %arg7[%get3A_386, %get3A_387, %get3A_388] {strides = array<i32>} : memref<2x128x128xf32, #tpu.memory_space<vmem>>, vector<16xf32>,
        %mul3A_390 = arith.constant 16 : i32
        %mul3A_391 = arith.muli %scan3A_260, %mul3A_390 : i32
        %add3A_392 = arith.constant 0 : i32
        %add3A_393 = arith.addi %mul3A_391, %add3A_392 : i32
        %get3A_394 = arith.index_cast %rem3A_218 : i32 to index
        %get3A_395 = arith.index_cast %add3A_393 : i32 to index
        %get3A_396 = arith.constant 112 : index
        %get3A_397 = tpu.vector_load %arg7[%get3A_394, %get3A_395, %get3A_396] {strides = array<i32>} : memref<2x128x128xf32, #tpu.memory_space<vmem>>, vector<16xf32>,
        %max3A = arith.maximumf %get3A_312, %get3A_341 : vector<16xf32>
        %swap3A = arith.index_cast %squeeze3A_279 : i32 to index
        %swap3A_398 = arith.constant 0 : index
        %swap3A_399 = tpu.vector_load %arg8[%swap3A, %swap3A_398] {strides = array<i32>} : memref<264x128xf32, #tpu.memory_space<vmem>>, vector<16xf32>,
        tpu.vector_store %arg8[%swap3A, %swap3A_398], %max3A {strides = array<i32>} : memref<264x128xf32, #tpu.memory_space<vmem>>, vector<16xf32>,
        %max3A_400 = arith.maximumf %get3A_315, %get3A_349 : vector<16xf32>
        %swap3A_401 = arith.index_cast %squeeze3A_279 : i32 to index
        %swap3A_402 = arith.constant 16 : index
        %swap3A_403 = tpu.vector_load %arg8[%swap3A_401, %swap3A_402] {strides = array<i32>} : memref<264x128xf32, #tpu.memory_space<vmem>>, vector<16xf32>,
        tpu.vector_store %arg8[%swap3A_401, %swap3A_402], %max3A_400 {strides = array<i32>} : memref<264x128xf32, #tpu.memory_space<vmem>>, vector<16xf32>,
        %max3A_404 = arith.maximumf %get3A_318, %get3A_357 : vector<16xf32>
        %swap3A_405 = arith.index_cast %squeeze3A_279 : i32 to index
        %swap3A_406 = arith.constant 32 : index
        %swap3A_407 = tpu.vector_load %arg8[%swap3A_405, %swap3A_406] {strides = array<i32>} : memref<264x128xf32, #tpu.memory_space<vmem>>, vector<16xf32>,
        tpu.vector_store %arg8[%swap3A_405, %swap3A_406], %max3A_404 {strides = array<i32>} : memref<264x128xf32, #tpu.memory_space<vmem>>, vector<16xf32>,
        %max3A_408 = arith.maximumf %get3A_321, %get3A_365 : vector<16xf32>
        %swap3A_409 = arith.index_cast %squeeze3A_279 : i32 to index
        %swap3A_410 = arith.constant 48 : index
        %swap3A_411 = tpu.vector_load %arg8[%swap3A_409, %swap3A_410] {strides = array<i32>} : memref<264x128xf32, #tpu.memory_space<vmem>>, vector<16xf32>,
        tpu.vector_store %arg8[%swap3A_409, %swap3A_410], %max3A_408 {strides = array<i32>} : memref<264x128xf32, #tpu.memory_space<vmem>>, vector<16xf32>,
        %max3A_412 = arith.maximumf %get3A_324, %get3A_373 : vector<16xf32>
        %swap3A_413 = arith.index_cast %squeeze3A_279 : i32 to index
        %swap3A_414 = arith.constant 64 : index
        %swap3A_415 = tpu.vector_load %arg8[%swap3A_413, %swap3A_414] {strides = array<i32>} : memref<264x128xf32, #tpu.memory_space<vmem>>, vector<16xf32>,
        tpu.vector_store %arg8[%swap3A_413, %swap3A_414], %max3A_412 {strides = array<i32>} : memref<264x128xf32, #tpu.memory_space<vmem>>, vector<16xf32>,
        %max3A_416 = arith.maximumf %get3A_327, %get3A_381 : vector<16xf32>
        %swap3A_417 = arith.index_cast %squeeze3A_279 : i32 to index
        %swap3A_418 = arith.constant 80 : index
        %swap3A_419 = tpu.vector_load %arg8[%swap3A_417, %swap3A_418] {strides = array<i32>} : memref<264x128xf32, #tpu.memory_space<vmem>>, vector<16xf32>,
        tpu.vector_store %arg8[%swap3A_417, %swap3A_418], %max3A_416 {strides = array<i32>} : memref<264x128xf32, #tpu.memory_space<vmem>>, vector<16xf32>,
        %max3A_420 = arith.maximumf %get3A_330, %get3A_389 : vector<16xf32>
        %swap3A_421 = arith.index_cast %squeeze3A_279 : i32 to index
        %swap3A_422 = arith.constant 96 : index
        %swap3A_423 = tpu.vector_load %arg8[%swap3A_421, %swap3A_422] {strides = array<i32>} : memref<264x128xf32, #tpu.memory_space<vmem>>, vector<16xf32>,
        tpu.vector_store %arg8[%swap3A_421, %swap3A_422], %max3A_420 {strides = array<i32>} : memref<264x128xf32, #tpu.memory_space<vmem>>, vector<16xf32>,
        %max3A_424 = arith.maximumf %get3A_333, %get3A_397 : vector<16xf32>
        %swap3A_425 = arith.index_cast %squeeze3A_279 : i32 to index
        %swap3A_426 = arith.constant 112 : index
        %swap3A_427 = tpu.vector_load %arg8[%swap3A_425, %swap3A_426] {strides = array<i32>} : memref<264x128xf32, #tpu.memory_space<vmem>>, vector<16xf32>,
        tpu.vector_store %arg8[%swap3A_425, %swap3A_426], %max3A_424 {strides = array<i32>} : memref<264x128xf32, #tpu.memory_space<vmem>>, vector<16xf32>,
        %get3A_428 = arith.index_cast %squeeze3A_281 : i32 to index
        %get3A_429 = arith.constant 0 : index
        %get3A_430 = tpu.vector_load %arg9[%get3A_428, %get3A_429] {strides = array<i32>} : memref<264x128xf32, #tpu.memory_space<vmem>>, vector<16xf32>,
        %get3A_431 = arith.index_cast %squeeze3A_281 : i32 to index
        %get3A_432 = arith.constant 16 : index
        %get3A_433 = tpu.vector_load %arg9[%get3A_431, %get3A_432] {strides = array<i32>} : memref<264x128xf32, #tpu.memory_space<vmem>>, vector<16xf32>,
        %get3A_434 = arith.index_cast %squeeze3A_281 : i32 to index
        %get3A_435 = arith.constant 32 : index
        %get3A_436 = tpu.vector_load %arg9[%get3A_434, %get3A_435] {strides = array<i32>} : memref<264x128xf32, #tpu.memory_space<vmem>>, vector<16xf32>,
        %get3A_437 = arith.index_cast %squeeze3A_281 : i32 to index
        %get3A_438 = arith.constant 48 : index
        %get3A_439 = tpu.vector_load %arg9[%get3A_437, %get3A_438] {strides = array<i32>} : memref<264x128xf32, #tpu.memory_space<vmem>>, vector<16xf32>,
        %get3A_440 = arith.index_cast %squeeze3A_281 : i32 to index
        %get3A_441 = arith.constant 64 : index
        %get3A_442 = tpu.vector_load %arg9[%get3A_440, %get3A_441] {strides = array<i32>} : memref<264x128xf32, #tpu.memory_space<vmem>>, vector<16xf32>,
        %get3A_443 = arith.index_cast %squeeze3A_281 : i32 to index
        %get3A_444 = arith.constant 80 : index
        %get3A_445 = tpu.vector_load %arg9[%get3A_443, %get3A_444] {strides = array<i32>} : memref<264x128xf32, #tpu.memory_space<vmem>>, vector<16xf32>,
        %get3A_446 = arith.index_cast %squeeze3A_281 : i32 to index
        %get3A_447 = arith.constant 96 : index
        %get3A_448 = tpu.vector_load %arg9[%get3A_446, %get3A_447] {strides = array<i32>} : memref<264x128xf32, #tpu.memory_space<vmem>>, vector<16xf32>,
        %get3A_449 = arith.index_cast %squeeze3A_281 : i32 to index
        %get3A_450 = arith.constant 112 : index
        %get3A_451 = tpu.vector_load %arg9[%get3A_449, %get3A_450] {strides = array<i32>} : memref<264x128xf32, #tpu.memory_space<vmem>>, vector<16xf32>,
        %mul3A_452 = arith.constant 16 : i32
        %mul3A_453 = arith.muli %scan3A_260, %mul3A_452 : i32
        %add3A_454 = arith.constant 1 : i32
        %add3A_455 = arith.addi %mul3A_453, %add3A_454 : i32
        %get3A_456 = arith.index_cast %rem3A_218 : i32 to index
        %get3A_457 = arith.index_cast %add3A_455 : i32 to index
        %get3A_458 = arith.constant 0 : index
        %get3A_459 = tpu.vector_load %arg7[%get3A_456, %get3A_457, %get3A_458] {strides = array<i32>} : memref<2x128x128xf32, #tpu.memory_space<vmem>>, vector<16xf32>,
        %mul3A_460 = arith.constant 16 : i32
        %mul3A_461 = arith.muli %scan3A_260, %mul3A_460 : i32
        %add3A_462 = arith.constant 1 : i32
        %add3A_463 = arith.addi %mul3A_461, %add3A_462 : i32
        %get3A_464 = arith.index_cast %rem3A_218 : i32 to index
        %get3A_465 = arith.index_cast %add3A_463 : i32 to index
        %get3A_466 = arith.constant 16 : index
        %get3A_467 = tpu.vector_load %arg7[%get3A_464, %get3A_465, %get3A_466] {strides = array<i32>} : memref<2x128x128xf32, #tpu.memory_space<vmem>>, vector<16xf32>,
        %mul3A_468 = arith.constant 16 : i32
        %mul3A_469 = arith.muli %scan3A_260, %mul3A_468 : i32
        %add3A_470 = arith.constant 1 : i32
        %add3A_471 = arith.addi %mul3A_469, %add3A_470 : i32
        %get3A_472 = arith.index_cast %rem3A_218 : i32 to index
        %get3A_473 = arith.index_cast %add3A_471 : i32 to index
        %get3A_474 = arith.constant 32 : index
        %get3A_475 = tpu.vector_load %arg7[%get3A_472, %get3A_473, %get3A_474] {strides = array<i32>} : memref<2x128x128xf32, #tpu.memory_space<vmem>>, vector<16xf32>,
        %mul3A_476 = arith.constant 16 : i32
        %mul3A_477 = arith.muli %scan3A_260, %mul3A_476 : i32
        %add3A_478 = arith.constant 1 : i32
        %add3A_479 = arith.addi %mul3A_477, %add3A_478 : i32
        %get3A_480 = arith.index_cast %rem3A_218 : i32 to index
        %get3A_481 = arith.index_cast %add3A_479 : i32 to index
        %get3A_482 = arith.constant 48 : index
        %get3A_483 = tpu.vector_load %arg7[%get3A_480, %get3A_481, %get3A_482] {strides = array<i32>} : memref<2x128x128xf32, #tpu.memory_space<vmem>>, vector<16xf32>,
        %mul3A_484 = arith.constant 16 : i32
        %mul3A_485 = arith.muli %scan3A_260, %mul3A_484 : i32
        %add3A_486 = arith.constant 1 : i32
        %add3A_487 = arith.addi %mul3A_485, %add3A_486 : i32
        %get3A_488 = arith.index_cast %rem3A_218 : i32 to index
        %get3A_489 = arith.index_cast %add3A_487 : i32 to index
        %get3A_490 = arith.constant 64 : index
        %get3A_491 = tpu.vector_load %arg7[%get3A_488, %get3A_489, %get3A_490] {strides = array<i32>} : memref<2x128x128xf32, #tpu.memory_space<vmem>>, vector<16xf32>,
        %mul3A_492 = arith.constant 16 : i32
        %mul3A_493 = arith.muli %scan3A_260, %mul3A_492 : i32
        %add3A_494 = arith.constant 1 : i32
        %add3A_495 = arith.addi %mul3A_493, %add3A_494 : i32
        %get3A_496 = arith.index_cast %rem3A_218 : i32 to index
        %get3A_497 = arith.index_cast %add3A_495 : i32 to index
        %get3A_498 = arith.constant 80 : index
        %get3A_499 = tpu.vector_load %arg7[%get3A_496, %get3A_497, %get3A_498] {strides = array<i32>} : memref<2x128x128xf32, #tpu.memory_space<vmem>>, vector<16xf32>,
        %mul3A_500 = arith.constant 16 : i32
        %mul3A_501 = arith.muli %scan3A_260, %mul3A_500 : i32
        %add3A_502 = arith.constant 1 : i32
        %add3A_503 = arith.addi %mul3A_501, %add3A_502 : i32
        %get3A_504 = arith.index_cast %rem3A_218 : i32 to index
        %get3A_505 = arith.index_cast %add3A_503 : i32 to index
        %get3A_506 = arith.constant 96 : index
        %get3A_507 = tpu.vector_load %arg7[%get3A_504, %get3A_505, %get3A_506] {strides = array<i32>} : memref<2x128x128xf32, #tpu.memory_space<vmem>>, vector<16xf32>,
        %mul3A_508 = arith.constant 16 : i32
        %mul3A_509 = arith.muli %scan3A_260, %mul3A_508 : i32
        %add3A_510 = arith.constant 1 : i32
        %add3A_511 = arith.addi %mul3A_509, %add3A_510 : i32
        %get3A_512 = arith.index_cast %rem3A_218 : i32 to index
        %get3A_513 = arith.index_cast %add3A_511 : i32 to index
        %get3A_514 = arith.constant 112 : index
        %get3A_515 = tpu.vector_load %arg7[%get3A_512, %get3A_513, %get3A_514] {strides = array<i32>} : memref<2x128x128xf32, #tpu.memory_space<vmem>>, vector<16xf32>,
        %max3A_516 = arith.maximumf %get3A_430, %get3A_459 : vector<16xf32>
        %swap3A_517 = arith.index_cast %squeeze3A_281 : i32 to index
        %swap3A_518 = arith.constant 0 : index
        %swap3A_519 = tpu.vector_load %arg9[%swap3A_517, %swap3A_518] {strides = array<i32>} : memref<264x128xf32, #tpu.memory_space<vmem>>, vector<16xf32>,
        tpu.vector_store %arg9[%swap3A_517, %swap3A_518], %max3A_516 {strides = array<i32>} : memref<264x128xf32, #tpu.memory_space<vmem>>, vector<16xf32>,
        %max3A_520 = arith.maximumf %get3A_433, %get3A_467 : vector<16xf32>
        %swap3A_521 = arith.index_cast %squeeze3A_281 : i32 to index
        %swap3A_522 = arith.constant 16 : index
        %swap3A_523 = tpu.vector_load %arg9[%swap3A_521, %swap3A_522] {strides = array<i32>} : memref<264x128xf32, #tpu.memory_space<vmem>>, vector<16xf32>,
        tpu.vector_store %arg9[%swap3A_521, %swap3A_522], %max3A_520 {strides = array<i32>} : memref<264x128xf32, #tpu.memory_space<vmem>>, vector<16xf32>,
        %max3A_524 = arith.maximumf %get3A_436, %get3A_475 : vector<16xf32>
        %swap3A_525 = arith.index_cast %squeeze3A_281 : i32 to index
        %swap3A_526 = arith.constant 32 : index
        %swap3A_527 = tpu.vector_load %arg9[%swap3A_525, %swap3A_526] {strides = array<i32>} : memref<264x128xf32, #tpu.memory_space<vmem>>, vector<16xf32>,
        tpu.vector_store %arg9[%swap3A_525, %swap3A_526], %max3A_524 {strides = array<i32>} : memref<264x128xf32, #tpu.memory_space<vmem>>, vector<16xf32>,
        %max3A_528 = arith.maximumf %get3A_439, %get3A_483 : vector<16xf32>
        %swap3A_529 = arith.index_cast %squeeze3A_281 : i32 to index
        %swap3A_530 = arith.constant 48 : index
        %swap3A_531 = tpu.vector_load %arg9[%swap3A_529, %swap3A_530] {strides = array<i32>} : memref<264x128xf32, #tpu.memory_space<vmem>>, vector<16xf32>,
        tpu.vector_store %arg9[%swap3A_529, %swap3A_530], %max3A_528 {strides = array<i32>} : memref<264x128xf32, #tpu.memory_space<vmem>>, vector<16xf32>,
        %max3A_532 = arith.maximumf %get3A_442, %get3A_491 : vector<16xf32>
        %swap3A_533 = arith.index_cast %squeeze3A_281 : i32 to index
        %swap3A_534 = arith.constant 64 : index
        %swap3A_535 = tpu.vector_load %arg9[%swap3A_533, %swap3A_534] {strides = array<i32>} : memref<264x128xf32, #tpu.memory_space<vmem>>, vector<16xf32>,
        tpu.vector_store %arg9[%swap3A_533, %swap3A_534], %max3A_532 {strides = array<i32>} : memref<264x128xf32, #tpu.memory_space<vmem>>, vector<16xf32>,
        %max3A_536 = arith.maximumf %get3A_445, %get3A_499 : vector<16xf32>
        %swap3A_537 = arith.index_cast %squeeze3A_281 : i32 to index
        %swap3A_538 = arith.constant 80 : index
        %swap3A_539 = tpu.vector_load %arg9[%swap3A_537, %swap3A_538] {strides = array<i32>} : memref<264x128xf32, #tpu.memory_space<vmem>>, vector<16xf32>,
        tpu.vector_store %arg9[%swap3A_537, %swap3A_538], %max3A_536 {strides = array<i32>} : memref<264x128xf32, #tpu.memory_space<vmem>>, vector<16xf32>,
        %max3A_540 = arith.maximumf %get3A_448, %get3A_507 : vector<16xf32>
        %swap3A_541 = arith.index_cast %squeeze3A_281 : i32 to index
        %swap3A_542 = arith.constant 96 : index
        %swap3A_543 = tpu.vector_load %arg9[%swap3A_541, %swap3A_542] {strides = array<i32>} : memref<264x128xf32, #tpu.memory_space<vmem>>, vector<16xf32>,
        tpu.vector_store %arg9[%swap3A_541, %swap3A_542], %max3A_540 {strides = array<i32>} : memref<264x128xf32, #tpu.memory_space<vmem>>, vector<16xf32>,
        %max3A_544 = arith.maximumf %get3A_451, %get3A_515 : vector<16xf32>
        %swap3A_545 = arith.index_cast %squeeze3A_281 : i32 to index
        %swap3A_546 = arith.constant 112 : index
        %swap3A_547 = tpu.vector_load %arg9[%swap3A_545, %swap3A_546] {strides = array<i32>} : memref<264x128xf32, #tpu.memory_space<vmem>>, vector<16xf32>,
        tpu.vector_store %arg9[%swap3A_545, %swap3A_546], %max3A_544 {strides = array<i32>} : memref<264x128xf32, #tpu.memory_space<vmem>>, vector<16xf32>,
        %get3A_548 = arith.index_cast %squeeze3A_283 : i32 to index
        %get3A_549 = arith.constant 0 : index
        %get3A_550 = tpu.vector_load %arg8[%get3A_548, %get3A_549] {strides = array<i32>} : memref<264x128xf32, #tpu.memory_space<vmem>>, vector<16xf32>,
        %get3A_551 = arith.index_cast %squeeze3A_283 : i32 to index
        %get3A_552 = arith.constant 16 : index
        %get3A_553 = tpu.vector_load %arg8[%get3A_551, %get3A_552] {strides = array<i32>} : memref<264x128xf32, #tpu.memory_space<vmem>>, vector<16xf32>,
        %get3A_554 = arith.index_cast %squeeze3A_283 : i32 to index
        %get3A_555 = arith.constant 32 : index
        %get3A_556 = tpu.vector_load %arg8[%get3A_554, %get3A_555] {strides = array<i32>} : memref<264x128xf32, #tpu.memory_space<vmem>>, vector<16xf32>,
        %get3A_557 = arith.index_cast %squeeze3A_283 : i32 to index
        %get3A_558 = arith.constant 48 : index
        %get3A_559 = tpu.vector_load %arg8[%get3A_557, %get3A_558] {strides = array<i32>} : memref<264x128xf32, #tpu.memory_space<vmem>>, vector<16xf32>,
        %get3A_560 = arith.index_cast %squeeze3A_283 : i32 to index
        %get3A_561 = arith.constant 64 : index
        %get3A_562 = tpu.vector_load %arg8[%get3A_560, %get3A_561] {strides = array<i32>} : memref<264x128xf32, #tpu.memory_space<vmem>>, vector<16xf32>,
        %get3A_563 = arith.index_cast %squeeze3A_283 : i32 to index
        %get3A_564 = arith.constant 80 : index
        %get3A_565 = tpu.vector_load %arg8[%get3A_563, %get3A_564] {strides = array<i32>} : memref<264x128xf32, #tpu.memory_space<vmem>>, vector<16xf32>,
        %get3A_566 = arith.index_cast %squeeze3A_283 : i32 to index
        %get3A_567 = arith.constant 96 : index
        %get3A_568 = tpu.vector_load %arg8[%get3A_566, %get3A_567] {strides = array<i32>} : memref<264x128xf32, #tpu.memory_space<vmem>>, vector<16xf32>,
        %get3A_569 = arith.index_cast %squeeze3A_283 : i32 to index
        %get3A_570 = arith.constant 112 : index
        %get3A_571 = tpu.vector_load %arg8[%get3A_569, %get3A_570] {strides = array<i32>} : memref<264x128xf32, #tpu.memory_space<vmem>>, vector<16xf32>,
        %mul3A_572 = arith.constant 16 : i32
        %mul3A_573 = arith.muli %scan3A_260, %mul3A_572 : i32
        %add3A_574 = arith.constant 2 : i32
        %add3A_575 = arith.addi %mul3A_573, %add3A_574 : i32
        %get3A_576 = arith.index_cast %rem3A_218 : i32 to index
        %get3A_577 = arith.index_cast %add3A_575 : i32 to index
        %get3A_578 = arith.constant 0 : index
        %get3A_579 = tpu.vector_load %arg7[%get3A_576, %get3A_577, %get3A_578] {strides = array<i32>} : memref<2x128x128xf32, #tpu.memory_space<vmem>>, vector<16xf32>,
        %mul3A_580 = arith.constant 16 : i32
        %mul3A_581 = arith.muli %scan3A_260, %mul3A_580 : i32
        %add3A_582 = arith.constant 2 : i32
        %add3A_583 = arith.addi %mul3A_581, %add3A_582 : i32
        %get3A_584 = arith.index_cast %rem3A_218 : i32 to index
        %get3A_585 = arith.index_cast %add3A_583 : i32 to index
        %get3A_586 = arith.constant 16 : index
        %get3A_587 = tpu.vector_load %arg7[%get3A_584, %get3A_585, %get3A_586] {strides = array<i32>} : memref<2x128x128xf32, #tpu.memory_space<vmem>>, vector<16xf32>,
        %mul3A_588 = arith.constant 16 : i32
        %mul3A_589 = arith.muli %scan3A_260, %mul3A_588 : i32
        %add3A_590 = arith.constant 2 : i32
        %add3A_591 = arith.addi %mul3A_589, %add3A_590 : i32
        %get3A_592 = arith.index_cast %rem3A_218 : i32 to index
        %get3A_593 = arith.index_cast %add3A_591 : i32 to index
        %get3A_594 = arith.constant 32 : index
        %get3A_595 = tpu.vector_load %arg7[%get3A_592, %get3A_593, %get3A_594] {strides = array<i32>} : memref<2x128x128xf32, #tpu.memory_space<vmem>>, vector<16xf32>,
        %mul3A_596 = arith.constant 16 : i32
        %mul3A_597 = arith.muli %scan3A_260, %mul3A_596 : i32
        %add3A_598 = arith.constant 2 : i32
        %add3A_599 = arith.addi %mul3A_597, %add3A_598 : i32
        %get3A_600 = arith.index_cast %rem3A_218 : i32 to index
        %get3A_601 = arith.index_cast %add3A_599 : i32 to index
        %get3A_602 = arith.constant 48 : index
        %get3A_603 = tpu.vector_load %arg7[%get3A_600, %get3A_601, %get3A_602] {strides = array<i32>} : memref<2x128x128xf32, #tpu.memory_space<vmem>>, vector<16xf32>,
        %mul3A_604 = arith.constant 16 : i32
        %mul3A_605 = arith.muli %scan3A_260, %mul3A_604 : i32
        %add3A_606 = arith.constant 2 : i32
        %add3A_607 = arith.addi %mul3A_605, %add3A_606 : i32
        %get3A_608 = arith.index_cast %rem3A_218 : i32 to index
        %get3A_609 = arith.index_cast %add3A_607 : i32 to index
        %get3A_610 = arith.constant 64 : index
        %get3A_611 = tpu.vector_load %arg7[%get3A_608, %get3A_609, %get3A_610] {strides = array<i32>} : memref<2x128x128xf32, #tpu.memory_space<vmem>>, vector<16xf32>,
        %mul3A_612 = arith.constant 16 : i32
        %mul3A_613 = arith.muli %scan3A_260, %mul3A_612 : i32
        %add3A_614 = arith.constant 2 : i32
        %add3A_615 = arith.addi %mul3A_613, %add3A_614 : i32
        %get3A_616 = arith.index_cast %rem3A_218 : i32 to index
        %get3A_617 = arith.index_cast %add3A_615 : i32 to index
        %get3A_618 = arith.constant 80 : index
        %get3A_619 = tpu.vector_load %arg7[%get3A_616, %get3A_617, %get3A_618] {strides = array<i32>} : memref<2x128x128xf32, #tpu.memory_space<vmem>>, vector<16xf32>,
        %mul3A_620 = arith.constant 16 : i32
        %mul3A_621 = arith.muli %scan3A_260, %mul3A_620 : i32
        %add3A_622 = arith.constant 2 : i32
        %add3A_623 = arith.addi %mul3A_621, %add3A_622 : i32
        %get3A_624 = arith.index_cast %rem3A_218 : i32 to index
        %get3A_625 = arith.index_cast %add3A_623 : i32 to index
        %get3A_626 = arith.constant 96 : index
        %get3A_627 = tpu.vector_load %arg7[%get3A_624, %get3A_625, %get3A_626] {strides = array<i32>} : memref<2x128x128xf32, #tpu.memory_space<vmem>>, vector<16xf32>,
        %mul3A_628 = arith.constant 16 : i32
        %mul3A_629 = arith.muli %scan3A_260, %mul3A_628 : i32
        %add3A_630 = arith.constant 2 : i32
        %add3A_631 = arith.addi %mul3A_629, %add3A_630 : i32
        %get3A_632 = arith.index_cast %rem3A_218 : i32 to index
        %get3A_633 = arith.index_cast %add3A_631 : i32 to index
        %get3A_634 = arith.constant 112 : index
        %get3A_635 = tpu.vector_load %arg7[%get3A_632, %get3A_633, %get3A_634] {strides = array<i32>} : memref<2x128x128xf32, #tpu.memory_space<vmem>>, vector<16xf32>,
        %max3A_636 = arith.maximumf %get3A_550, %get3A_579 : vector<16xf32>
        %swap3A_637 = arith.index_cast %squeeze3A_283 : i32 to index
        %swap3A_638 = arith.constant 0 : index
        %swap3A_639 = tpu.vector_load %arg8[%swap3A_637, %swap3A_638] {strides = array<i32>} : memref<264x128xf32, #tpu.memory_space<vmem>>, vector<16xf32>,
        tpu.vector_store %arg8[%swap3A_637, %swap3A_638], %max3A_636 {strides = array<i32>} : memref<264x128xf32, #tpu.memory_space<vmem>>, vector<16xf32>,
        %max3A_640 = arith.maximumf %get3A_553, %get3A_587 : vector<16xf32>
        %swap3A_641 = arith.index_cast %squeeze3A_283 : i32 to index
        %swap3A_642 = arith.constant 16 : index
        %swap3A_643 = tpu.vector_load %arg8[%swap3A_641, %swap3A_642] {strides = array<i32>} : memref<264x128xf32, #tpu.memory_space<vmem>>, vector<16xf32>,
        tpu.vector_store %arg8[%swap3A_641, %swap3A_642], %max3A_640 {strides = array<i32>} : memref<264x128xf32, #tpu.memory_space<vmem>>, vector<16xf32>,
        %max3A_644 = arith.maximumf %get3A_556, %get3A_595 : vector<16xf32>
        %swap3A_645 = arith.index_cast %squeeze3A_283 : i32 to index
        %swap3A_646 = arith.constant 32 : index
        %swap3A_647 = tpu.vector_load %arg8[%swap3A_645, %swap3A_646] {strides = array<i32>} : memref<264x128xf32, #tpu.memory_space<vmem>>, vector<16xf32>,
        tpu.vector_store %arg8[%swap3A_645, %swap3A_646], %max3A_644 {strides = array<i32>} : memref<264x128xf32, #tpu.memory_space<vmem>>, vector<16xf32>,
        %max3A_648 = arith.maximumf %get3A_559, %get3A_603 : vector<16xf32>
        %swap3A_649 = arith.index_cast %squeeze3A_283 : i32 to index
        %swap3A_650 = arith.constant 48 : index
        %swap3A_651 = tpu.vector_load %arg8[%swap3A_649, %swap3A_650] {strides = array<i32>} : memref<264x128xf32, #tpu.memory_space<vmem>>, vector<16xf32>,
        tpu.vector_store %arg8[%swap3A_649, %swap3A_650], %max3A_648 {strides = array<i32>} : memref<264x128xf32, #tpu.memory_space<vmem>>, vector<16xf32>,
        %max3A_652 = arith.maximumf %get3A_562, %get3A_611 : vector<16xf32>
        %swap3A_653 = arith.index_cast %squeeze3A_283 : i32 to index
        %swap3A_654 = arith.constant 64 : index
        %swap3A_655 = tpu.vector_load %arg8[%swap3A_653, %swap3A_654] {strides = array<i32>} : memref<264x128xf32, #tpu.memory_space<vmem>>, vector<16xf32>,
        tpu.vector_store %arg8[%swap3A_653, %swap3A_654], %max3A_652 {strides = array<i32>} : memref<264x128xf32, #tpu.memory_space<vmem>>, vector<16xf32>,
        %max3A_656 = arith.maximumf %get3A_565, %get3A_619 : vector<16xf32>
        %swap3A_657 = arith.index_cast %squeeze3A_283 : i32 to index
        %swap3A_658 = arith.constant 80 : index
        %swap3A_659 = tpu.vector_load %arg8[%swap3A_657, %swap3A_658] {strides = array<i32>} : memref<264x128xf32, #tpu.memory_space<vmem>>, vector<16xf32>,
        tpu.vector_store %arg8[%swap3A_657, %swap3A_658], %max3A_656 {strides = array<i32>} : memref<264x128xf32, #tpu.memory_space<vmem>>, vector<16xf32>,
        %max3A_660 = arith.maximumf %get3A_568, %get3A_627 : vector<16xf32>
        %swap3A_661 = arith.index_cast %squeeze3A_283 : i32 to index
        %swap3A_662 = arith.constant 96 : index
        %swap3A_663 = tpu.vector_load %arg8[%swap3A_661, %swap3A_662] {strides = array<i32>} : memref<264x128xf32, #tpu.memory_space<vmem>>, vector<16xf32>,
        tpu.vector_store %arg8[%swap3A_661, %swap3A_662], %max3A_660 {strides = array<i32>} : memref<264x128xf32, #tpu.memory_space<vmem>>, vector<16xf32>,
        %max3A_664 = arith.maximumf %get3A_571, %get3A_635 : vector<16xf32>
        %swap3A_665 = arith.index_cast %squeeze3A_283 : i32 to index
        %swap3A_666 = arith.constant 112 : index
        %swap3A_667 = tpu.vector_load %arg8[%swap3A_665, %swap3A_666] {strides = array<i32>} : memref<264x128xf32, #tpu.memory_space<vmem>>, vector<16xf32>,
        tpu.vector_store %arg8[%swap3A_665, %swap3A_666], %max3A_664 {strides = array<i32>} : memref<264x128xf32, #tpu.memory_space<vmem>>, vector<16xf32>,
        %get3A_668 = arith.index_cast %squeeze3A_285 : i32 to index
        %get3A_669 = arith.constant 0 : index
        %get3A_670 = tpu.vector_load %arg9[%get3A_668, %get3A_669] {strides = array<i32>} : memref<264x128xf32, #tpu.memory_space<vmem>>, vector<16xf32>,
        %get3A_671 = arith.index_cast %squeeze3A_285 : i32 to index
        %get3A_672 = arith.constant 16 : index
        %get3A_673 = tpu.vector_load %arg9[%get3A_671, %get3A_672] {strides = array<i32>} : memref<264x128xf32, #tpu.memory_space<vmem>>, vector<16xf32>,
        %get3A_674 = arith.index_cast %squeeze3A_285 : i32 to index
        %get3A_675 = arith.constant 32 : index
        %get3A_676 = tpu.vector_load %arg9[%get3A_674, %get3A_675] {strides = array<i32>} : memref<264x128xf32, #tpu.memory_space<vmem>>, vector<16xf32>,
        %get3A_677 = arith.index_cast %squeeze3A_285 : i32 to index
        %get3A_678 = arith.constant 48 : index
        %get3A_679 = tpu.vector_load %arg9[%get3A_677, %get3A_678] {strides = array<i32>} : memref<264x128xf32, #tpu.memory_space<vmem>>, vector<16xf32>,
        %get3A_680 = arith.index_cast %squeeze3A_285 : i32 to index
        %get3A_681 = arith.constant 64 : index
        %get3A_682 = tpu.vector_load %arg9[%get3A_680, %get3A_681] {strides = array<i32>} : memref<264x128xf32, #tpu.memory_space<vmem>>, vector<16xf32>,
        %get3A_683 = arith.index_cast %squeeze3A_285 : i32 to index
        %get3A_684 = arith.constant 80 : index
        %get3A_685 = tpu.vector_load %arg9[%get3A_683, %get3A_684] {strides = array<i32>} : memref<264x128xf32, #tpu.memory_space<vmem>>, vector<16xf32>,
        %get3A_686 = arith.index_cast %squeeze3A_285 : i32 to index
        %get3A_687 = arith.constant 96 : index
        %get3A_688 = tpu.vector_load %arg9[%get3A_686, %get3A_687] {strides = array<i32>} : memref<264x128xf32, #tpu.memory_space<vmem>>, vector<16xf32>,
        %get3A_689 = arith.index_cast %squeeze3A_285 : i32 to index
        %get3A_690 = arith.constant 112 : index
        %get3A_691 = tpu.vector_load %arg9[%get3A_689, %get3A_690] {strides = array<i32>} : memref<264x128xf32, #tpu.memory_space<vmem>>, vector<16xf32>,
        %mul3A_692 = arith.constant 16 : i32
        %mul3A_693 = arith.muli %scan3A_260, %mul3A_692 : i32
        %add3A_694 = arith.constant 3 : i32
        %add3A_695 = arith.addi %mul3A_693, %add3A_694 : i32
        %get3A_696 = arith.index_cast %rem3A_218 : i32 to index
        %get3A_697 = arith.index_cast %add3A_695 : i32 to index
        %get3A_698 = arith.constant 0 : index
        %get3A_699 = tpu.vector_load %arg7[%get3A_696, %get3A_697, %get3A_698] {strides = array<i32>} : memref<2x128x128xf32, #tpu.memory_space<vmem>>, vector<16xf32>,
        %mul3A_700 = arith.constant 16 : i32
        %mul3A_701 = arith.muli %scan3A_260, %mul3A_700 : i32
        %add3A_702 = arith.constant 3 : i32
        %add3A_703 = arith.addi %mul3A_701, %add3A_702 : i32
        %get3A_704 = arith.index_cast %rem3A_218 : i32 to index
        %get3A_705 = arith.index_cast %add3A_703 : i32 to index
        %get3A_706 = arith.constant 16 : index
        %get3A_707 = tpu.vector_load %arg7[%get3A_704, %get3A_705, %get3A_706] {strides = array<i32>} : memref<2x128x128xf32, #tpu.memory_space<vmem>>, vector<16xf32>,
        %mul3A_708 = arith.constant 16 : i32
        %mul3A_709 = arith.muli %scan3A_260, %mul3A_708 : i32
        %add3A_710 = arith.constant 3 : i32
        %add3A_711 = arith.addi %mul3A_709, %add3A_710 : i32
        %get3A_712 = arith.index_cast %rem3A_218 : i32 to index
        %get3A_713 = arith.index_cast %add3A_711 : i32 to index
        %get3A_714 = arith.constant 32 : index
        %get3A_715 = tpu.vector_load %arg7[%get3A_712, %get3A_713, %get3A_714] {strides = array<i32>} : memref<2x128x128xf32, #tpu.memory_space<vmem>>, vector<16xf32>,
        %mul3A_716 = arith.constant 16 : i32
        %mul3A_717 = arith.muli %scan3A_260, %mul3A_716 : i32
        %add3A_718 = arith.constant 3 : i32
        %add3A_719 = arith.addi %mul3A_717, %add3A_718 : i32
        %get3A_720 = arith.index_cast %rem3A_218 : i32 to index
        %get3A_721 = arith.index_cast %add3A_719 : i32 to index
        %get3A_722 = arith.constant 48 : index
        %get3A_723 = tpu.vector_load %arg7[%get3A_720, %get3A_721, %get3A_722] {strides = array<i32>} : memref<2x128x128xf32, #tpu.memory_space<vmem>>, vector<16xf32>,
        %mul3A_724 = arith.constant 16 : i32
        %mul3A_725 = arith.muli %scan3A_260, %mul3A_724 : i32
        %add3A_726 = arith.constant 3 : i32
        %add3A_727 = arith.addi %mul3A_725, %add3A_726 : i32
        %get3A_728 = arith.index_cast %rem3A_218 : i32 to index
        %get3A_729 = arith.index_cast %add3A_727 : i32 to index
        %get3A_730 = arith.constant 64 : index
        %get3A_731 = tpu.vector_load %arg7[%get3A_728, %get3A_729, %get3A_730] {strides = array<i32>} : memref<2x128x128xf32, #tpu.memory_space<vmem>>, vector<16xf32>,
        %mul3A_732 = arith.constant 16 : i32
        %mul3A_733 = arith.muli %scan3A_260, %mul3A_732 : i32
        %add3A_734 = arith.constant 3 : i32
        %add3A_735 = arith.addi %mul3A_733, %add3A_734 : i32
        %get3A_736 = arith.index_cast %rem3A_218 : i32 to index
        %get3A_737 = arith.index_cast %add3A_735 : i32 to index
        %get3A_738 = arith.constant 80 : index
        %get3A_739 = tpu.vector_load %arg7[%get3A_736, %get3A_737, %get3A_738] {strides = array<i32>} : memref<2x128x128xf32, #tpu.memory_space<vmem>>, vector<16xf32>,
        %mul3A_740 = arith.constant 16 : i32
        %mul3A_741 = arith.muli %scan3A_260, %mul3A_740 : i32
        %add3A_742 = arith.constant 3 : i32
        %add3A_743 = arith.addi %mul3A_741, %add3A_742 : i32
        %get3A_744 = arith.index_cast %rem3A_218 : i32 to index
        %get3A_745 = arith.index_cast %add3A_743 : i32 to index
        %get3A_746 = arith.constant 96 : index
        %get3A_747 = tpu.vector_load %arg7[%get3A_744, %get3A_745, %get3A_746] {strides = array<i32>} : memref<2x128x128xf32, #tpu.memory_space<vmem>>, vector<16xf32>,
        %mul3A_748 = arith.constant 16 : i32
        %mul3A_749 = arith.muli %scan3A_260, %mul3A_748 : i32
        %add3A_750 = arith.constant 3 : i32
        %add3A_751 = arith.addi %mul3A_749, %add3A_750 : i32
        %get3A_752 = arith.index_cast %rem3A_218 : i32 to index
        %get3A_753 = arith.index_cast %add3A_751 : i32 to index
        %get3A_754 = arith.constant 112 : index
        %get3A_755 = tpu.vector_load %arg7[%get3A_752, %get3A_753, %get3A_754] {strides = array<i32>} : memref<2x128x128xf32, #tpu.memory_space<vmem>>, vector<16xf32>,
        %max3A_756 = arith.maximumf %get3A_670, %get3A_699 : vector<16xf32>
        %swap3A_757 = arith.index_cast %squeeze3A_285 : i32 to index
        %swap3A_758 = arith.constant 0 : index
        %swap3A_759 = tpu.vector_load %arg9[%swap3A_757, %swap3A_758] {strides = array<i32>} : memref<264x128xf32, #tpu.memory_space<vmem>>, vector<16xf32>,
        tpu.vector_store %arg9[%swap3A_757, %swap3A_758], %max3A_756 {strides = array<i32>} : memref<264x128xf32, #tpu.memory_space<vmem>>, vector<16xf32>,
        %max3A_760 = arith.maximumf %get3A_673, %get3A_707 : vector<16xf32>
        %swap3A_761 = arith.index_cast %squeeze3A_285 : i32 to index
        %swap3A_762 = arith.constant 16 : index
        %swap3A_763 = tpu.vector_load %arg9[%swap3A_761, %swap3A_762] {strides = array<i32>} : memref<264x128xf32, #tpu.memory_space<vmem>>, vector<16xf32>,
        tpu.vector_store %arg9[%swap3A_761, %swap3A_762], %max3A_760 {strides = array<i32>} : memref<264x128xf32, #tpu.memory_space<vmem>>, vector<16xf32>,
        %max3A_764 = arith.maximumf %get3A_676, %get3A_715 : vector<16xf32>
        %swap3A_765 = arith.index_cast %squeeze3A_285 : i32 to index
        %swap3A_766 = arith.constant 32 : index
        %swap3A_767 = tpu.vector_load %arg9[%swap3A_765, %swap3A_766] {strides = array<i32>} : memref<264x128xf32, #tpu.memory_space<vmem>>, vector<16xf32>,
        tpu.vector_store %arg9[%swap3A_765, %swap3A_766], %max3A_764 {strides = array<i32>} : memref<264x128xf32, #tpu.memory_space<vmem>>, vector<16xf32>,
        %max3A_768 = arith.maximumf %get3A_679, %get3A_723 : vector<16xf32>
        %swap3A_769 = arith.index_cast %squeeze3A_285 : i32 to index
        %swap3A_770 = arith.constant 48 : index
        %swap3A_771 = tpu.vector_load %arg9[%swap3A_769, %swap3A_770] {strides = array<i32>} : memref<264x128xf32, #tpu.memory_space<vmem>>, vector<16xf32>,
        tpu.vector_store %arg9[%swap3A_769, %swap3A_770], %max3A_768 {strides = array<i32>} : memref<264x128xf32, #tpu.memory_space<vmem>>, vector<16xf32>,
        %max3A_772 = arith.maximumf %get3A_682, %get3A_731 : vector<16xf32>
        %swap3A_773 = arith.index_cast %squeeze3A_285 : i32 to index
        %swap3A_774 = arith.constant 64 : index
        %swap3A_775 = tpu.vector_load %arg9[%swap3A_773, %swap3A_774] {strides = array<i32>} : memref<264x128xf32, #tpu.memory_space<vmem>>, vector<16xf32>,
        tpu.vector_store %arg9[%swap3A_773, %swap3A_774], %max3A_772 {strides = array<i32>} : memref<264x128xf32, #tpu.memory_space<vmem>>, vector<16xf32>,
        %max3A_776 = arith.maximumf %get3A_685, %get3A_739 : vector<16xf32>
        %swap3A_777 = arith.index_cast %squeeze3A_285 : i32 to index
        %swap3A_778 = arith.constant 80 : index
        %swap3A_779 = tpu.vector_load %arg9[%swap3A_777, %swap3A_778] {strides = array<i32>} : memref<264x128xf32, #tpu.memory_space<vmem>>, vector<16xf32>,
        tpu.vector_store %arg9[%swap3A_777, %swap3A_778], %max3A_776 {strides = array<i32>} : memref<264x128xf32, #tpu.memory_space<vmem>>, vector<16xf32>,
        %max3A_780 = arith.maximumf %get3A_688, %get3A_747 : vector<16xf32>
        %swap3A_781 = arith.index_cast %squeeze3A_285 : i32 to index
        %swap3A_782 = arith.constant 96 : index
        %swap3A_783 = tpu.vector_load %arg9[%swap3A_781, %swap3A_782] {strides = array<i32>} : memref<264x128xf32, #tpu.memory_space<vmem>>, vector<16xf32>,
        tpu.vector_store %arg9[%swap3A_781, %swap3A_782], %max3A_780 {strides = array<i32>} : memref<264x128xf32, #tpu.memory_space<vmem>>, vector<16xf32>,
        %max3A_784 = arith.maximumf %get3A_691, %get3A_755 : vector<16xf32>
        %swap3A_785 = arith.index_cast %squeeze3A_285 : i32 to index
        %swap3A_786 = arith.constant 112 : index
        %swap3A_787 = tpu.vector_load %arg9[%swap3A_785, %swap3A_786] {strides = array<i32>} : memref<264x128xf32, #tpu.memory_space<vmem>>, vector<16xf32>,
        tpu.vector_store %arg9[%swap3A_785, %swap3A_786], %max3A_784 {strides = array<i32>} : memref<264x128xf32, #tpu.memory_space<vmem>>, vector<16xf32>,
        %get3A_788 = arith.index_cast %squeeze3A_287 : i32 to index
        %get3A_789 = arith.constant 0 : index
        %get3A_790 = tpu.vector_load %arg8[%get3A_788, %get3A_789] {strides = array<i32>} : memref<264x128xf32, #tpu.memory_space<vmem>>, vector<16xf32>,
        %get3A_791 = arith.index_cast %squeeze3A_287 : i32 to index
        %get3A_792 = arith.constant 16 : index
        %get3A_793 = tpu.vector_load %arg8[%get3A_791, %get3A_792] {strides = array<i32>} : memref<264x128xf32, #tpu.memory_space<vmem>>, vector<16xf32>,
        %get3A_794 = arith.index_cast %squeeze3A_287 : i32 to index
        %get3A_795 = arith.constant 32 : index
        %get3A_796 = tpu.vector_load %arg8[%get3A_794, %get3A_795] {strides = array<i32>} : memref<264x128xf32, #tpu.memory_space<vmem>>, vector<16xf32>,
        %get3A_797 = arith.index_cast %squeeze3A_287 : i32 to index
        %get3A_798 = arith.constant 48 : index
        %get3A_799 = tpu.vector_load %arg8[%get3A_797, %get3A_798] {strides = array<i32>} : memref<264x128xf32, #tpu.memory_space<vmem>>, vector<16xf32>,
        %get3A_800 = arith.index_cast %squeeze3A_287 : i32 to index
        %get3A_801 = arith.constant 64 : index
        %get3A_802 = tpu.vector_load %arg8[%get3A_800, %get3A_801] {strides = array<i32>} : memref<264x128xf32, #tpu.memory_space<vmem>>, vector<16xf32>,
        %get3A_803 = arith.index_cast %squeeze3A_287 : i32 to index
        %get3A_804 = arith.constant 80 : index
        %get3A_805 = tpu.vector_load %arg8[%get3A_803, %get3A_804] {strides = array<i32>} : memref<264x128xf32, #tpu.memory_space<vmem>>, vector<16xf32>,
        %get3A_806 = arith.index_cast %squeeze3A_287 : i32 to index
        %get3A_807 = arith.constant 96 : index
        %get3A_808 = tpu.vector_load %arg8[%get3A_806, %get3A_807] {strides = array<i32>} : memref<264x128xf32, #tpu.memory_space<vmem>>, vector<16xf32>,
        %get3A_809 = arith.index_cast %squeeze3A_287 : i32 to index
        %get3A_810 = arith.constant 112 : index
        %get3A_811 = tpu.vector_load %arg8[%get3A_809, %get3A_810] {strides = array<i32>} : memref<264x128xf32, #tpu.memory_space<vmem>>, vector<16xf32>,
        %mul3A_812 = arith.constant 16 : i32
        %mul3A_813 = arith.muli %scan3A_260, %mul3A_812 : i32
        %add3A_814 = arith.constant 4 : i32
        %add3A_815 = arith.addi %mul3A_813, %add3A_814 : i32
        %get3A_816 = arith.index_cast %rem3A_218 : i32 to index
        %get3A_817 = arith.index_cast %add3A_815 : i32 to index
        %get3A_818 = arith.constant 0 : index
        %get3A_819 = tpu.vector_load %arg7[%get3A_816, %get3A_817, %get3A_818] {strides = array<i32>} : memref<2x128x128xf32, #tpu.memory_space<vmem>>, vector<16xf32>,
        %mul3A_820 = arith.constant 16 : i32
        %mul3A_821 = arith.muli %scan3A_260, %mul3A_820 : i32
        %add3A_822 = arith.constant 4 : i32
        %add3A_823 = arith.addi %mul3A_821, %add3A_822 : i32
        %get3A_824 = arith.index_cast %rem3A_218 : i32 to index
        %get3A_825 = arith.index_cast %add3A_823 : i32 to index
        %get3A_826 = arith.constant 16 : index
        %get3A_827 = tpu.vector_load %arg7[%get3A_824, %get3A_825, %get3A_826] {strides = array<i32>} : memref<2x128x128xf32, #tpu.memory_space<vmem>>, vector<16xf32>,
        %mul3A_828 = arith.constant 16 : i32
        %mul3A_829 = arith.muli %scan3A_260, %mul3A_828 : i32
        %add3A_830 = arith.constant 4 : i32
        %add3A_831 = arith.addi %mul3A_829, %add3A_830 : i32
        %get3A_832 = arith.index_cast %rem3A_218 : i32 to index
        %get3A_833 = arith.index_cast %add3A_831 : i32 to index
        %get3A_834 = arith.constant 32 : index
        %get3A_835 = tpu.vector_load %arg7[%get3A_832, %get3A_833, %get3A_834] {strides = array<i32>} : memref<2x128x128xf32, #tpu.memory_space<vmem>>, vector<16xf32>,
        %mul3A_836 = arith.constant 16 : i32
        %mul3A_837 = arith.muli %scan3A_260, %mul3A_836 : i32
        %add3A_838 = arith.constant 4 : i32
        %add3A_839 = arith.addi %mul3A_837, %add3A_838 : i32
        %get3A_840 = arith.index_cast %rem3A_218 : i32 to index
        %get3A_841 = arith.index_cast %add3A_839 : i32 to index
        %get3A_842 = arith.constant 48 : index
        %get3A_843 = tpu.vector_load %arg7[%get3A_840, %get3A_841, %get3A_842] {strides = array<i32>} : memref<2x128x128xf32, #tpu.memory_space<vmem>>, vector<16xf32>,
        %mul3A_844 = arith.constant 16 : i32
        %mul3A_845 = arith.muli %scan3A_260, %mul3A_844 : i32
        %add3A_846 = arith.constant 4 : i32
        %add3A_847 = arith.addi %mul3A_845, %add3A_846 : i32
        %get3A_848 = arith.index_cast %rem3A_218 : i32 to index
        %get3A_849 = arith.index_cast %add3A_847 : i32 to index
        %get3A_850 = arith.constant 64 : index
        %get3A_851 = tpu.vector_load %arg7[%get3A_848, %get3A_849, %get3A_850] {strides = array<i32>} : memref<2x128x128xf32, #tpu.memory_space<vmem>>, vector<16xf32>,
        %mul3A_852 = arith.constant 16 : i32
        %mul3A_853 = arith.muli %scan3A_260, %mul3A_852 : i32
        %add3A_854 = arith.constant 4 : i32
        %add3A_855 = arith.addi %mul3A_853, %add3A_854 : i32
        %get3A_856 = arith.index_cast %rem3A_218 : i32 to index
        %get3A_857 = arith.index_cast %add3A_855 : i32 to index
        %get3A_858 = arith.constant 80 : index
        %get3A_859 = tpu.vector_load %arg7[%get3A_856, %get3A_857, %get3A_858] {strides = array<i32>} : memref<2x128x128xf32, #tpu.memory_space<vmem>>, vector<16xf32>,
        %mul3A_860 = arith.constant 16 : i32
        %mul3A_861 = arith.muli %scan3A_260, %mul3A_860 : i32
        %add3A_862 = arith.constant 4 : i32
        %add3A_863 = arith.addi %mul3A_861, %add3A_862 : i32
        %get3A_864 = arith.index_cast %rem3A_218 : i32 to index
        %get3A_865 = arith.index_cast %add3A_863 : i32 to index
        %get3A_866 = arith.constant 96 : index
        %get3A_867 = tpu.vector_load %arg7[%get3A_864, %get3A_865, %get3A_866] {strides = array<i32>} : memref<2x128x128xf32, #tpu.memory_space<vmem>>, vector<16xf32>,
        %mul3A_868 = arith.constant 16 : i32
        %mul3A_869 = arith.muli %scan3A_260, %mul3A_868 : i32
        %add3A_870 = arith.constant 4 : i32
        %add3A_871 = arith.addi %mul3A_869, %add3A_870 : i32
        %get3A_872 = arith.index_cast %rem3A_218 : i32 to index
        %get3A_873 = arith.index_cast %add3A_871 : i32 to index
        %get3A_874 = arith.constant 112 : index
        %get3A_875 = tpu.vector_load %arg7[%get3A_872, %get3A_873, %get3A_874] {strides = array<i32>} : memref<2x128x128xf32, #tpu.memory_space<vmem>>, vector<16xf32>,
        %max3A_876 = arith.maximumf %get3A_790, %get3A_819 : vector<16xf32>
        %swap3A_877 = arith.index_cast %squeeze3A_287 : i32 to index
        %swap3A_878 = arith.constant 0 : index
        %swap3A_879 = tpu.vector_load %arg8[%swap3A_877, %swap3A_878] {strides = array<i32>} : memref<264x128xf32, #tpu.memory_space<vmem>>, vector<16xf32>,
        tpu.vector_store %arg8[%swap3A_877, %swap3A_878], %max3A_876 {strides = array<i32>} : memref<264x128xf32, #tpu.memory_space<vmem>>, vector<16xf32>,
        %max3A_880 = arith.maximumf %get3A_793, %get3A_827 : vector<16xf32>
        %swap3A_881 = arith.index_cast %squeeze3A_287 : i32 to index
        %swap3A_882 = arith.constant 16 : index
        %swap3A_883 = tpu.vector_load %arg8[%swap3A_881, %swap3A_882] {strides = array<i32>} : memref<264x128xf32, #tpu.memory_space<vmem>>, vector<16xf32>,
        tpu.vector_store %arg8[%swap3A_881, %swap3A_882], %max3A_880 {strides = array<i32>} : memref<264x128xf32, #tpu.memory_space<vmem>>, vector<16xf32>,
        %max3A_884 = arith.maximumf %get3A_796, %get3A_835 : vector<16xf32>
        %swap3A_885 = arith.index_cast %squeeze3A_287 : i32 to index
        %swap3A_886 = arith.constant 32 : index
        %swap3A_887 = tpu.vector_load %arg8[%swap3A_885, %swap3A_886] {strides = array<i32>} : memref<264x128xf32, #tpu.memory_space<vmem>>, vector<16xf32>,
        tpu.vector_store %arg8[%swap3A_885, %swap3A_886], %max3A_884 {strides = array<i32>} : memref<264x128xf32, #tpu.memory_space<vmem>>, vector<16xf32>,
        %max3A_888 = arith.maximumf %get3A_799, %get3A_843 : vector<16xf32>
        %swap3A_889 = arith.index_cast %squeeze3A_287 : i32 to index
        %swap3A_890 = arith.constant 48 : index
        %swap3A_891 = tpu.vector_load %arg8[%swap3A_889, %swap3A_890] {strides = array<i32>} : memref<264x128xf32, #tpu.memory_space<vmem>>, vector<16xf32>,
        tpu.vector_store %arg8[%swap3A_889, %swap3A_890], %max3A_888 {strides = array<i32>} : memref<264x128xf32, #tpu.memory_space<vmem>>, vector<16xf32>,
        %max3A_892 = arith.maximumf %get3A_802, %get3A_851 : vector<16xf32>
        %swap3A_893 = arith.index_cast %squeeze3A_287 : i32 to index
        %swap3A_894 = arith.constant 64 : index
        %swap3A_895 = tpu.vector_load %arg8[%swap3A_893, %swap3A_894] {strides = array<i32>} : memref<264x128xf32, #tpu.memory_space<vmem>>, vector<16xf32>,
        tpu.vector_store %arg8[%swap3A_893, %swap3A_894], %max3A_892 {strides = array<i32>} : memref<264x128xf32, #tpu.memory_space<vmem>>, vector<16xf32>,
        %max3A_896 = arith.maximumf %get3A_805, %get3A_859 : vector<16xf32>
        %swap3A_897 = arith.index_cast %squeeze3A_287 : i32 to index
        %swap3A_898 = arith.constant 80 : index
        %swap3A_899 = tpu.vector_load %arg8[%swap3A_897, %swap3A_898] {strides = array<i32>} : memref<264x128xf32, #tpu.memory_space<vmem>>, vector<16xf32>,
        tpu.vector_store %arg8[%swap3A_897, %swap3A_898], %max3A_896 {strides = array<i32>} : memref<264x128xf32, #tpu.memory_space<vmem>>, vector<16xf32>,
        %max3A_900 = arith.maximumf %get3A_808, %get3A_867 : vector<16xf32>
        %swap3A_901 = arith.index_cast %squeeze3A_287 : i32 to index
        %swap3A_902 = arith.constant 96 : index
        %swap3A_903 = tpu.vector_load %arg8[%swap3A_901, %swap3A_902] {strides = array<i32>} : memref<264x128xf32, #tpu.memory_space<vmem>>, vector<16xf32>,
        tpu.vector_store %arg8[%swap3A_901, %swap3A_902], %max3A_900 {strides = array<i32>} : memref<264x128xf32, #tpu.memory_space<vmem>>, vector<16xf32>,
        %max3A_904 = arith.maximumf %get3A_811, %get3A_875 : vector<16xf32>
        %swap3A_905 = arith.index_cast %squeeze3A_287 : i32 to index
        %swap3A_906 = arith.constant 112 : index
        %swap3A_907 = tpu.vector_load %arg8[%swap3A_905, %swap3A_906] {strides = array<i32>} : memref<264x128xf32, #tpu.memory_space<vmem>>, vector<16xf32>,
        tpu.vector_store %arg8[%swap3A_905, %swap3A_906], %max3A_904 {strides = array<i32>} : memref<264x128xf32, #tpu.memory_space<vmem>>, vector<16xf32>,
        %get3A_908 = arith.index_cast %squeeze3A_289 : i32 to index
        %get3A_909 = arith.constant 0 : index
        %get3A_910 = tpu.vector_load %arg9[%get3A_908, %get3A_909] {strides = array<i32>} : memref<264x128xf32, #tpu.memory_space<vmem>>, vector<16xf32>,
        %get3A_911 = arith.index_cast %squeeze3A_289 : i32 to index
        %get3A_912 = arith.constant 16 : index
        %get3A_913 = tpu.vector_load %arg9[%get3A_911, %get3A_912] {strides = array<i32>} : memref<264x128xf32, #tpu.memory_space<vmem>>, vector<16xf32>,
        %get3A_914 = arith.index_cast %squeeze3A_289 : i32 to index
        %get3A_915 = arith.constant 32 : index
        %get3A_916 = tpu.vector_load %arg9[%get3A_914, %get3A_915] {strides = array<i32>} : memref<264x128xf32, #tpu.memory_space<vmem>>, vector<16xf32>,
        %get3A_917 = arith.index_cast %squeeze3A_289 : i32 to index
        %get3A_918 = arith.constant 48 : index
        %get3A_919 = tpu.vector_load %arg9[%get3A_917, %get3A_918] {strides = array<i32>} : memref<264x128xf32, #tpu.memory_space<vmem>>, vector<16xf32>,
        %get3A_920 = arith.index_cast %squeeze3A_289 : i32 to index
        %get3A_921 = arith.constant 64 : index
        %get3A_922 = tpu.vector_load %arg9[%get3A_920, %get3A_921] {strides = array<i32>} : memref<264x128xf32, #tpu.memory_space<vmem>>, vector<16xf32>,
        %get3A_923 = arith.index_cast %squeeze3A_289 : i32 to index
        %get3A_924 = arith.constant 80 : index
        %get3A_925 = tpu.vector_load %arg9[%get3A_923, %get3A_924] {strides = array<i32>} : memref<264x128xf32, #tpu.memory_space<vmem>>, vector<16xf32>,
        %get3A_926 = arith.index_cast %squeeze3A_289 : i32 to index
        %get3A_927 = arith.constant 96 : index
        %get3A_928 = tpu.vector_load %arg9[%get3A_926, %get3A_927] {strides = array<i32>} : memref<264x128xf32, #tpu.memory_space<vmem>>, vector<16xf32>,
        %get3A_929 = arith.index_cast %squeeze3A_289 : i32 to index
        %get3A_930 = arith.constant 112 : index
        %get3A_931 = tpu.vector_load %arg9[%get3A_929, %get3A_930] {strides = array<i32>} : memref<264x128xf32, #tpu.memory_space<vmem>>, vector<16xf32>,
        %mul3A_932 = arith.constant 16 : i32
        %mul3A_933 = arith.muli %scan3A_260, %mul3A_932 : i32
        %add3A_934 = arith.constant 5 : i32
        %add3A_935 = arith.addi %mul3A_933, %add3A_934 : i32
        %get3A_936 = arith.index_cast %rem3A_218 : i32 to index
        %get3A_937 = arith.index_cast %add3A_935 : i32 to index
        %get3A_938 = arith.constant 0 : index
        %get3A_939 = tpu.vector_load %arg7[%get3A_936, %get3A_937, %get3A_938] {strides = array<i32>} : memref<2x128x128xf32, #tpu.memory_space<vmem>>, vector<16xf32>,
        %mul3A_940 = arith.constant 16 : i32
        %mul3A_941 = arith.muli %scan3A_260, %mul3A_940 : i32
        %add3A_942 = arith.constant 5 : i32
        %add3A_943 = arith.addi %mul3A_941, %add3A_942 : i32
        %get3A_944 = arith.index_cast %rem3A_218 : i32 to index
        %get3A_945 = arith.index_cast %add3A_943 : i32 to index
        %get3A_946 = arith.constant 16 : index
        %get3A_947 = tpu.vector_load %arg7[%get3A_944, %get3A_945, %get3A_946] {strides = array<i32>} : memref<2x128x128xf32, #tpu.memory_space<vmem>>, vector<16xf32>,
        %mul3A_948 = arith.constant 16 : i32
        %mul3A_949 = arith.muli %scan3A_260, %mul3A_948 : i32
        %add3A_950 = arith.constant 5 : i32
        %add3A_951 = arith.addi %mul3A_949, %add3A_950 : i32
        %get3A_952 = arith.index_cast %rem3A_218 : i32 to index
        %get3A_953 = arith.index_cast %add3A_951 : i32 to index
        %get3A_954 = arith.constant 32 : index
        %get3A_955 = tpu.vector_load %arg7[%get3A_952, %get3A_953, %get3A_954] {strides = array<i32>} : memref<2x128x128xf32, #tpu.memory_space<vmem>>, vector<16xf32>,
        %mul3A_956 = arith.constant 16 : i32
        %mul3A_957 = arith.muli %scan3A_260, %mul3A_956 : i32
        %add3A_958 = arith.constant 5 : i32
        %add3A_959 = arith.addi %mul3A_957, %add3A_958 : i32
        %get3A_960 = arith.index_cast %rem3A_218 : i32 to index
        %get3A_961 = arith.index_cast %add3A_959 : i32 to index
        %get3A_962 = arith.constant 48 : index
        %get3A_963 = tpu.vector_load %arg7[%get3A_960, %get3A_961, %get3A_962] {strides = array<i32>} : memref<2x128x128xf32, #tpu.memory_space<vmem>>, vector<16xf32>,
        %mul3A_964 = arith.constant 16 : i32
        %mul3A_965 = arith.muli %scan3A_260, %mul3A_964 : i32
        %add3A_966 = arith.constant 5 : i32
        %add3A_967 = arith.addi %mul3A_965, %add3A_966 : i32
        %get3A_968 = arith.index_cast %rem3A_218 : i32 to index
        %get3A_969 = arith.index_cast %add3A_967 : i32 to index
        %get3A_970 = arith.constant 64 : index
        %get3A_971 = tpu.vector_load %arg7[%get3A_968, %get3A_969, %get3A_970] {strides = array<i32>} : memref<2x128x128xf32, #tpu.memory_space<vmem>>, vector<16xf32>,
        %mul3A_972 = arith.constant 16 : i32
        %mul3A_973 = arith.muli %scan3A_260, %mul3A_972 : i32
        %add3A_974 = arith.constant 5 : i32
        %add3A_975 = arith.addi %mul3A_973, %add3A_974 : i32
        %get3A_976 = arith.index_cast %rem3A_218 : i32 to index
        %get3A_977 = arith.index_cast %add3A_975 : i32 to index
        %get3A_978 = arith.constant 80 : index
        %get3A_979 = tpu.vector_load %arg7[%get3A_976, %get3A_977, %get3A_978] {strides = array<i32>} : memref<2x128x128xf32, #tpu.memory_space<vmem>>, vector<16xf32>,
        %mul3A_980 = arith.constant 16 : i32
        %mul3A_981 = arith.muli %scan3A_260, %mul3A_980 : i32
        %add3A_982 = arith.constant 5 : i32
        %add3A_983 = arith.addi %mul3A_981, %add3A_982 : i32
        %get3A_984 = arith.index_cast %rem3A_218 : i32 to index
        %get3A_985 = arith.index_cast %add3A_983 : i32 to index
        %get3A_986 = arith.constant 96 : index
        %get3A_987 = tpu.vector_load %arg7[%get3A_984, %get3A_985, %get3A_986] {strides = array<i32>} : memref<2x128x128xf32, #tpu.memory_space<vmem>>, vector<16xf32>,
        %mul3A_988 = arith.constant 16 : i32
        %mul3A_989 = arith.muli %scan3A_260, %mul3A_988 : i32
        %add3A_990 = arith.constant 5 : i32
        %add3A_991 = arith.addi %mul3A_989, %add3A_990 : i32
        %get3A_992 = arith.index_cast %rem3A_218 : i32 to index
        %get3A_993 = arith.index_cast %add3A_991 : i32 to index
        %get3A_994 = arith.constant 112 : index
        %get3A_995 = tpu.vector_load %arg7[%get3A_992, %get3A_993, %get3A_994] {strides = array<i32>} : memref<2x128x128xf32, #tpu.memory_space<vmem>>, vector<16xf32>,
        %max3A_996 = arith.maximumf %get3A_910, %get3A_939 : vector<16xf32>
        %swap3A_997 = arith.index_cast %squeeze3A_289 : i32 to index
        %swap3A_998 = arith.constant 0 : index
        %swap3A_999 = tpu.vector_load %arg9[%swap3A_997, %swap3A_998] {strides = array<i32>} : memref<264x128xf32, #tpu.memory_space<vmem>>, vector<16xf32>,
        tpu.vector_store %arg9[%swap3A_997, %swap3A_998], %max3A_996 {strides = array<i32>} : memref<264x128xf32, #tpu.memory_space<vmem>>, vector<16xf32>,
        %max3A_1000 = arith.maximumf %get3A_913, %get3A_947 : vector<16xf32>
        %swap3A_1001 = arith.index_cast %squeeze3A_289 : i32 to index
        %swap3A_1002 = arith.constant 16 : index
        %swap3A_1003 = tpu.vector_load %arg9[%swap3A_1001, %swap3A_1002] {strides = array<i32>} : memref<264x128xf32, #tpu.memory_space<vmem>>, vector<16xf32>,
        tpu.vector_store %arg9[%swap3A_1001, %swap3A_1002], %max3A_1000 {strides = array<i32>} : memref<264x128xf32, #tpu.memory_space<vmem>>, vector<16xf32>,
        %max3A_1004 = arith.maximumf %get3A_916, %get3A_955 : vector<16xf32>
        %swap3A_1005 = arith.index_cast %squeeze3A_289 : i32 to index
        %swap3A_1006 = arith.constant 32 : index
        %swap3A_1007 = tpu.vector_load %arg9[%swap3A_1005, %swap3A_1006] {strides = array<i32>} : memref<264x128xf32, #tpu.memory_space<vmem>>, vector<16xf32>,
        tpu.vector_store %arg9[%swap3A_1005, %swap3A_1006], %max3A_1004 {strides = array<i32>} : memref<264x128xf32, #tpu.memory_space<vmem>>, vector<16xf32>,
        %max3A_1008 = arith.maximumf %get3A_919, %get3A_963 : vector<16xf32>
        %swap3A_1009 = arith.index_cast %squeeze3A_289 : i32 to index
        %swap3A_1010 = arith.constant 48 : index
        %swap3A_1011 = tpu.vector_load %arg9[%swap3A_1009, %swap3A_1010] {strides = array<i32>} : memref<264x128xf32, #tpu.memory_space<vmem>>, vector<16xf32>,
        tpu.vector_store %arg9[%swap3A_1009, %swap3A_1010], %max3A_1008 {strides = array<i32>} : memref<264x128xf32, #tpu.memory_space<vmem>>, vector<16xf32>,
        %max3A_1012 = arith.maximumf %get3A_922, %get3A_971 : vector<16xf32>
        %swap3A_1013 = arith.index_cast %squeeze3A_289 : i32 to index
        %swap3A_1014 = arith.constant 64 : index
        %swap3A_1015 = tpu.vector_load %arg9[%swap3A_1013, %swap3A_1014] {strides = array<i32>} : memref<264x128xf32, #tpu.memory_space<vmem>>, vector<16xf32>,
        tpu.vector_store %arg9[%swap3A_1013, %swap3A_1014], %max3A_1012 {strides = array<i32>} : memref<264x128xf32, #tpu.memory_space<vmem>>, vector<16xf32>,
        %max3A_1016 = arith.maximumf %get3A_925, %get3A_979 : vector<16xf32>
        %swap3A_1017 = arith.index_cast %squeeze3A_289 : i32 to index
        %swap3A_1018 = arith.constant 80 : index
        %swap3A_1019 = tpu.vector_load %arg9[%swap3A_1017, %swap3A_1018] {strides = array<i32>} : memref<264x128xf32, #tpu.memory_space<vmem>>, vector<16xf32>,
        tpu.vector_store %arg9[%swap3A_1017, %swap3A_1018], %max3A_1016 {strides = array<i32>} : memref<264x128xf32, #tpu.memory_space<vmem>>, vector<16xf32>,
        %max3A_1020 = arith.maximumf %get3A_928, %get3A_987 : vector<16xf32>
        %swap3A_1021 = arith.index_cast %squeeze3A_289 : i32 to index
        %swap3A_1022 = arith.constant 96 : index
        %swap3A_1023 = tpu.vector_load %arg9[%swap3A_1021, %swap3A_1022] {strides = array<i32>} : memref<264x128xf32, #tpu.memory_space<vmem>>, vector<16xf32>,
        tpu.vector_store %arg9[%swap3A_1021, %swap3A_1022], %max3A_1020 {strides = array<i32>} : memref<264x128xf32, #tpu.memory_space<vmem>>, vector<16xf32>,
        %max3A_1024 = arith.maximumf %get3A_931, %get3A_995 : vector<16xf32>
        %swap3A_1025 = arith.index_cast %squeeze3A_289 : i32 to index
        %swap3A_1026 = arith.constant 112 : index
        %swap3A_1027 = tpu.vector_load %arg9[%swap3A_1025, %swap3A_1026] {strides = array<i32>} : memref<264x128xf32, #tpu.memory_space<vmem>>, vector<16xf32>,
        tpu.vector_store %arg9[%swap3A_1025, %swap3A_1026], %max3A_1024 {strides = array<i32>} : memref<264x128xf32, #tpu.memory_space<vmem>>, vector<16xf32>,
        %get3A_1028 = arith.index_cast %squeeze3A_291 : i32 to index
        %get3A_1029 = arith.constant 0 : index
        %get3A_1030 = tpu.vector_load %arg8[%get3A_1028, %get3A_1029] {strides = array<i32>} : memref<264x128xf32, #tpu.memory_space<vmem>>, vector<16xf32>,
        %get3A_1031 = arith.index_cast %squeeze3A_291 : i32 to index
        %get3A_1032 = arith.constant 16 : index
        %get3A_1033 = tpu.vector_load %arg8[%get3A_1031, %get3A_1032] {strides = array<i32>} : memref<264x128xf32, #tpu.memory_space<vmem>>, vector<16xf32>,
        %get3A_1034 = arith.index_cast %squeeze3A_291 : i32 to index
        %get3A_1035 = arith.constant 32 : index
        %get3A_1036 = tpu.vector_load %arg8[%get3A_1034, %get3A_1035] {strides = array<i32>} : memref<264x128xf32, #tpu.memory_space<vmem>>, vector<16xf32>,
        %get3A_1037 = arith.index_cast %squeeze3A_291 : i32 to index
        %get3A_1038 = arith.constant 48 : index
        %get3A_1039 = tpu.vector_load %arg8[%get3A_1037, %get3A_1038] {strides = array<i32>} : memref<264x128xf32, #tpu.memory_space<vmem>>, vector<16xf32>,
        %get3A_1040 = arith.index_cast %squeeze3A_291 : i32 to index
        %get3A_1041 = arith.constant 64 : index
        %get3A_1042 = tpu.vector_load %arg8[%get3A_1040, %get3A_1041] {strides = array<i32>} : memref<264x128xf32, #tpu.memory_space<vmem>>, vector<16xf32>,
        %get3A_1043 = arith.index_cast %squeeze3A_291 : i32 to index
        %get3A_1044 = arith.constant 80 : index
        %get3A_1045 = tpu.vector_load %arg8[%get3A_1043, %get3A_1044] {strides = array<i32>} : memref<264x128xf32, #tpu.memory_space<vmem>>, vector<16xf32>,
        %get3A_1046 = arith.index_cast %squeeze3A_291 : i32 to index
        %get3A_1047 = arith.constant 96 : index
        %get3A_1048 = tpu.vector_load %arg8[%get3A_1046, %get3A_1047] {strides = array<i32>} : memref<264x128xf32, #tpu.memory_space<vmem>>, vector<16xf32>,
        %get3A_1049 = arith.index_cast %squeeze3A_291 : i32 to index
        %get3A_1050 = arith.constant 112 : index
        %get3A_1051 = tpu.vector_load %arg8[%get3A_1049, %get3A_1050] {strides = array<i32>} : memref<264x128xf32, #tpu.memory_space<vmem>>, vector<16xf32>,
        %mul3A_1052 = arith.constant 16 : i32
        %mul3A_1053 = arith.muli %scan3A_260, %mul3A_1052 : i32
        %add3A_1054 = arith.constant 6 : i32
        %add3A_1055 = arith.addi %mul3A_1053, %add3A_1054 : i32
        %get3A_1056 = arith.index_cast %rem3A_218 : i32 to index
        %get3A_1057 = arith.index_cast %add3A_1055 : i32 to index
        %get3A_1058 = arith.constant 0 : index
        %get3A_1059 = tpu.vector_load %arg7[%get3A_1056, %get3A_1057, %get3A_1058] {strides = array<i32>} : memref<2x128x128xf32, #tpu.memory_space<vmem>>, vector<16xf32>,
        %mul3A_1060 = arith.constant 16 : i32
        %mul3A_1061 = arith.muli %scan3A_260, %mul3A_1060 : i32
        %add3A_1062 = arith.constant 6 : i32
        %add3A_1063 = arith.addi %mul3A_1061, %add3A_1062 : i32
        %get3A_1064 = arith.index_cast %rem3A_218 : i32 to index
        %get3A_1065 = arith.index_cast %add3A_1063 : i32 to index
        %get3A_1066 = arith.constant 16 : index
        %get3A_1067 = tpu.vector_load %arg7[%get3A_1064, %get3A_1065, %get3A_1066] {strides = array<i32>} : memref<2x128x128xf32, #tpu.memory_space<vmem>>, vector<16xf32>,
        %mul3A_1068 = arith.constant 16 : i32
        %mul3A_1069 = arith.muli %scan3A_260, %mul3A_1068 : i32
        %add3A_1070 = arith.constant 6 : i32
        %add3A_1071 = arith.addi %mul3A_1069, %add3A_1070 : i32
        %get3A_1072 = arith.index_cast %rem3A_218 : i32 to index
        %get3A_1073 = arith.index_cast %add3A_1071 : i32 to index
        %get3A_1074 = arith.constant 32 : index
        %get3A_1075 = tpu.vector_load %arg7[%get3A_1072, %get3A_1073, %get3A_1074] {strides = array<i32>} : memref<2x128x128xf32, #tpu.memory_space<vmem>>, vector<16xf32>,
        %mul3A_1076 = arith.constant 16 : i32
        %mul3A_1077 = arith.muli %scan3A_260, %mul3A_1076 : i32
        %add3A_1078 = arith.constant 6 : i32
        %add3A_1079 = arith.addi %mul3A_1077, %add3A_1078 : i32
        %get3A_1080 = arith.index_cast %rem3A_218 : i32 to index
        %get3A_1081 = arith.index_cast %add3A_1079 : i32 to index
        %get3A_1082 = arith.constant 48 : index
        %get3A_1083 = tpu.vector_load %arg7[%get3A_1080, %get3A_1081, %get3A_1082] {strides = array<i32>} : memref<2x128x128xf32, #tpu.memory_space<vmem>>, vector<16xf32>,
        %mul3A_1084 = arith.constant 16 : i32
        %mul3A_1085 = arith.muli %scan3A_260, %mul3A_1084 : i32
        %add3A_1086 = arith.constant 6 : i32
        %add3A_1087 = arith.addi %mul3A_1085, %add3A_1086 : i32
        %get3A_1088 = arith.index_cast %rem3A_218 : i32 to index
        %get3A_1089 = arith.index_cast %add3A_1087 : i32 to index
        %get3A_1090 = arith.constant 64 : index
        %get3A_1091 = tpu.vector_load %arg7[%get3A_1088, %get3A_1089, %get3A_1090] {strides = array<i32>} : memref<2x128x128xf32, #tpu.memory_space<vmem>>, vector<16xf32>,
        %mul3A_1092 = arith.constant 16 : i32
        %mul3A_1093 = arith.muli %scan3A_260, %mul3A_1092 : i32
        %add3A_1094 = arith.constant 6 : i32
        %add3A_1095 = arith.addi %mul3A_1093, %add3A_1094 : i32
        %get3A_1096 = arith.index_cast %rem3A_218 : i32 to index
        %get3A_1097 = arith.index_cast %add3A_1095 : i32 to index
        %get3A_1098 = arith.constant 80 : index
        %get3A_1099 = tpu.vector_load %arg7[%get3A_1096, %get3A_1097, %get3A_1098] {strides = array<i32>} : memref<2x128x128xf32, #tpu.memory_space<vmem>>, vector<16xf32>,
        %mul3A_1100 = arith.constant 16 : i32
        %mul3A_1101 = arith.muli %scan3A_260, %mul3A_1100 : i32
        %add3A_1102 = arith.constant 6 : i32
        %add3A_1103 = arith.addi %mul3A_1101, %add3A_1102 : i32
        %get3A_1104 = arith.index_cast %rem3A_218 : i32 to index
        %get3A_1105 = arith.index_cast %add3A_1103 : i32 to index
        %get3A_1106 = arith.constant 96 : index
        %get3A_1107 = tpu.vector_load %arg7[%get3A_1104, %get3A_1105, %get3A_1106] {strides = array<i32>} : memref<2x128x128xf32, #tpu.memory_space<vmem>>, vector<16xf32>,
        %mul3A_1108 = arith.constant 16 : i32
        %mul3A_1109 = arith.muli %scan3A_260, %mul3A_1108 : i32
        %add3A_1110 = arith.constant 6 : i32
        %add3A_1111 = arith.addi %mul3A_1109, %add3A_1110 : i32
        %get3A_1112 = arith.index_cast %rem3A_218 : i32 to index
        %get3A_1113 = arith.index_cast %add3A_1111 : i32 to index
        %get3A_1114 = arith.constant 112 : index
        %get3A_1115 = tpu.vector_load %arg7[%get3A_1112, %get3A_1113, %get3A_1114] {strides = array<i32>} : memref<2x128x128xf32, #tpu.memory_space<vmem>>, vector<16xf32>,
        %max3A_1116 = arith.maximumf %get3A_1030, %get3A_1059 : vector<16xf32>
        %swap3A_1117 = arith.index_cast %squeeze3A_291 : i32 to index
        %swap3A_1118 = arith.constant 0 : index
        %swap3A_1119 = tpu.vector_load %arg8[%swap3A_1117, %swap3A_1118] {strides = array<i32>} : memref<264x128xf32, #tpu.memory_space<vmem>>, vector<16xf32>,
        tpu.vector_store %arg8[%swap3A_1117, %swap3A_1118], %max3A_1116 {strides = array<i32>} : memref<264x128xf32, #tpu.memory_space<vmem>>, vector<16xf32>,
        %max3A_1120 = arith.maximumf %get3A_1033, %get3A_1067 : vector<16xf32>
        %swap3A_1121 = arith.index_cast %squeeze3A_291 : i32 to index
        %swap3A_1122 = arith.constant 16 : index
        %swap3A_1123 = tpu.vector_load %arg8[%swap3A_1121, %swap3A_1122] {strides = array<i32>} : memref<264x128xf32, #tpu.memory_space<vmem>>, vector<16xf32>,
        tpu.vector_store %arg8[%swap3A_1121, %swap3A_1122], %max3A_1120 {strides = array<i32>} : memref<264x128xf32, #tpu.memory_space<vmem>>, vector<16xf32>,
        %max3A_1124 = arith.maximumf %get3A_1036, %get3A_1075 : vector<16xf32>
        %swap3A_1125 = arith.index_cast %squeeze3A_291 : i32 to index
        %swap3A_1126 = arith.constant 32 : index
        %swap3A_1127 = tpu.vector_load %arg8[%swap3A_1125, %swap3A_1126] {strides = array<i32>} : memref<264x128xf32, #tpu.memory_space<vmem>>, vector<16xf32>,
        tpu.vector_store %arg8[%swap3A_1125, %swap3A_1126], %max3A_1124 {strides = array<i32>} : memref<264x128xf32, #tpu.memory_space<vmem>>, vector<16xf32>,
        %max3A_1128 = arith.maximumf %get3A_1039, %get3A_1083 : vector<16xf32>
        %swap3A_1129 = arith.index_cast %squeeze3A_291 : i32 to index
        %swap3A_1130 = arith.constant 48 : index
        %swap3A_1131 = tpu.vector_load %arg8[%swap3A_1129, %swap3A_1130] {strides = array<i32>} : memref<264x128xf32, #tpu.memory_space<vmem>>, vector<16xf32>,
        tpu.vector_store %arg8[%swap3A_1129, %swap3A_1130], %max3A_1128 {strides = array<i32>} : memref<264x128xf32, #tpu.memory_space<vmem>>, vector<16xf32>,
        %max3A_1132 = arith.maximumf %get3A_1042, %get3A_1091 : vector<16xf32>
        %swap3A_1133 = arith.index_cast %squeeze3A_291 : i32 to index
        %swap3A_1134 = arith.constant 64 : index
        %swap3A_1135 = tpu.vector_load %arg8[%swap3A_1133, %swap3A_1134] {strides = array<i32>} : memref<264x128xf32, #tpu.memory_space<vmem>>, vector<16xf32>,
        tpu.vector_store %arg8[%swap3A_1133, %swap3A_1134], %max3A_1132 {strides = array<i32>} : memref<264x128xf32, #tpu.memory_space<vmem>>, vector<16xf32>,
        %max3A_1136 = arith.maximumf %get3A_1045, %get3A_1099 : vector<16xf32>
        %swap3A_1137 = arith.index_cast %squeeze3A_291 : i32 to index
        %swap3A_1138 = arith.constant 80 : index
        %swap3A_1139 = tpu.vector_load %arg8[%swap3A_1137, %swap3A_1138] {strides = array<i32>} : memref<264x128xf32, #tpu.memory_space<vmem>>, vector<16xf32>,
        tpu.vector_store %arg8[%swap3A_1137, %swap3A_1138], %max3A_1136 {strides = array<i32>} : memref<264x128xf32, #tpu.memory_space<vmem>>, vector<16xf32>,
        %max3A_1140 = arith.maximumf %get3A_1048, %get3A_1107 : vector<16xf32>
        %swap3A_1141 = arith.index_cast %squeeze3A_291 : i32 to index
        %swap3A_1142 = arith.constant 96 : index
        %swap3A_1143 = tpu.vector_load %arg8[%swap3A_1141, %swap3A_1142] {strides = array<i32>} : memref<264x128xf32, #tpu.memory_space<vmem>>, vector<16xf32>,
        tpu.vector_store %arg8[%swap3A_1141, %swap3A_1142], %max3A_1140 {strides = array<i32>} : memref<264x128xf32, #tpu.memory_space<vmem>>, vector<16xf32>,
        %max3A_1144 = arith.maximumf %get3A_1051, %get3A_1115 : vector<16xf32>
        %swap3A_1145 = arith.index_cast %squeeze3A_291 : i32 to index
        %swap3A_1146 = arith.constant 112 : index
        %swap3A_1147 = tpu.vector_load %arg8[%swap3A_1145, %swap3A_1146] {strides = array<i32>} : memref<264x128xf32, #tpu.memory_space<vmem>>, vector<16xf32>,
        tpu.vector_store %arg8[%swap3A_1145, %swap3A_1146], %max3A_1144 {strides = array<i32>} : memref<264x128xf32, #tpu.memory_space<vmem>>, vector<16xf32>,
        %get3A_1148 = arith.index_cast %squeeze3A_293 : i32 to index
        %get3A_1149 = arith.constant 0 : index
        %get3A_1150 = tpu.vector_load %arg9[%get3A_1148, %get3A_1149] {strides = array<i32>} : memref<264x128xf32, #tpu.memory_space<vmem>>, vector<16xf32>,
        %get3A_1151 = arith.index_cast %squeeze3A_293 : i32 to index
        %get3A_1152 = arith.constant 16 : index
        %get3A_1153 = tpu.vector_load %arg9[%get3A_1151, %get3A_1152] {strides = array<i32>} : memref<264x128xf32, #tpu.memory_space<vmem>>, vector<16xf32>,
        %get3A_1154 = arith.index_cast %squeeze3A_293 : i32 to index
        %get3A_1155 = arith.constant 32 : index
        %get3A_1156 = tpu.vector_load %arg9[%get3A_1154, %get3A_1155] {strides = array<i32>} : memref<264x128xf32, #tpu.memory_space<vmem>>, vector<16xf32>,
        %get3A_1157 = arith.index_cast %squeeze3A_293 : i32 to index
        %get3A_1158 = arith.constant 48 : index
        %get3A_1159 = tpu.vector_load %arg9[%get3A_1157, %get3A_1158] {strides = array<i32>} : memref<264x128xf32, #tpu.memory_space<vmem>>, vector<16xf32>,
        %get3A_1160 = arith.index_cast %squeeze3A_293 : i32 to index
        %get3A_1161 = arith.constant 64 : index
        %get3A_1162 = tpu.vector_load %arg9[%get3A_1160, %get3A_1161] {strides = array<i32>} : memref<264x128xf32, #tpu.memory_space<vmem>>, vector<16xf32>,
        %get3A_1163 = arith.index_cast %squeeze3A_293 : i32 to index
        %get3A_1164 = arith.constant 80 : index
        %get3A_1165 = tpu.vector_load %arg9[%get3A_1163, %get3A_1164] {strides = array<i32>} : memref<264x128xf32, #tpu.memory_space<vmem>>, vector<16xf32>,
        %get3A_1166 = arith.index_cast %squeeze3A_293 : i32 to index
        %get3A_1167 = arith.constant 96 : index
        %get3A_1168 = tpu.vector_load %arg9[%get3A_1166, %get3A_1167] {strides = array<i32>} : memref<264x128xf32, #tpu.memory_space<vmem>>, vector<16xf32>,
        %get3A_1169 = arith.index_cast %squeeze3A_293 : i32 to index
        %get3A_1170 = arith.constant 112 : index
        %get3A_1171 = tpu.vector_load %arg9[%get3A_1169, %get3A_1170] {strides = array<i32>} : memref<264x128xf32, #tpu.memory_space<vmem>>, vector<16xf32>,
        %mul3A_1172 = arith.constant 16 : i32
        %mul3A_1173 = arith.muli %scan3A_260, %mul3A_1172 : i32
        %add3A_1174 = arith.constant 7 : i32
        %add3A_1175 = arith.addi %mul3A_1173, %add3A_1174 : i32
        %get3A_1176 = arith.index_cast %rem3A_218 : i32 to index
        %get3A_1177 = arith.index_cast %add3A_1175 : i32 to index
        %get3A_1178 = arith.constant 0 : index
        %get3A_1179 = tpu.vector_load %arg7[%get3A_1176, %get3A_1177, %get3A_1178] {strides = array<i32>} : memref<2x128x128xf32, #tpu.memory_space<vmem>>, vector<16xf32>,
        %mul3A_1180 = arith.constant 16 : i32
        %mul3A_1181 = arith.muli %scan3A_260, %mul3A_1180 : i32
        %add3A_1182 = arith.constant 7 : i32
        %add3A_1183 = arith.addi %mul3A_1181, %add3A_1182 : i32
        %get3A_1184 = arith.index_cast %rem3A_218 : i32 to index
        %get3A_1185 = arith.index_cast %add3A_1183 : i32 to index
        %get3A_1186 = arith.constant 16 : index
        %get3A_1187 = tpu.vector_load %arg7[%get3A_1184, %get3A_1185, %get3A_1186] {strides = array<i32>} : memref<2x128x128xf32, #tpu.memory_space<vmem>>, vector<16xf32>,
        %mul3A_1188 = arith.constant 16 : i32
        %mul3A_1189 = arith.muli %scan3A_260, %mul3A_1188 : i32
        %add3A_1190 = arith.constant 7 : i32
        %add3A_1191 = arith.addi %mul3A_1189, %add3A_1190 : i32
        %get3A_1192 = arith.index_cast %rem3A_218 : i32 to index
        %get3A_1193 = arith.index_cast %add3A_1191 : i32 to index
        %get3A_1194 = arith.constant 32 : index
        %get3A_1195 = tpu.vector_load %arg7[%get3A_1192, %get3A_1193, %get3A_1194] {strides = array<i32>} : memref<2x128x128xf32, #tpu.memory_space<vmem>>, vector<16xf32>,
        %mul3A_1196 = arith.constant 16 : i32
        %mul3A_1197 = arith.muli %scan3A_260, %mul3A_1196 : i32
        %add3A_1198 = arith.constant 7 : i32
        %add3A_1199 = arith.addi %mul3A_1197, %add3A_1198 : i32
        %get3A_1200 = arith.index_cast %rem3A_218 : i32 to index
        %get3A_1201 = arith.index_cast %add3A_1199 : i32 to index
        %get3A_1202 = arith.constant 48 : index
        %get3A_1203 = tpu.vector_load %arg7[%get3A_1200, %get3A_1201, %get3A_1202] {strides = array<i32>} : memref<2x128x128xf32, #tpu.memory_space<vmem>>, vector<16xf32>,
        %mul3A_1204 = arith.constant 16 : i32
        %mul3A_1205 = arith.muli %scan3A_260, %mul3A_1204 : i32
        %add3A_1206 = arith.constant 7 : i32
        %add3A_1207 = arith.addi %mul3A_1205, %add3A_1206 : i32
        %get3A_1208 = arith.index_cast %rem3A_218 : i32 to index
        %get3A_1209 = arith.index_cast %add3A_1207 : i32 to index
        %get3A_1210 = arith.constant 64 : index
        %get3A_1211 = tpu.vector_load %arg7[%get3A_1208, %get3A_1209, %get3A_1210] {strides = array<i32>} : memref<2x128x128xf32, #tpu.memory_space<vmem>>, vector<16xf32>,
        %mul3A_1212 = arith.constant 16 : i32
        %mul3A_1213 = arith.muli %scan3A_260, %mul3A_1212 : i32
        %add3A_1214 = arith.constant 7 : i32
        %add3A_1215 = arith.addi %mul3A_1213, %add3A_1214 : i32
        %get3A_1216 = arith.index_cast %rem3A_218 : i32 to index
        %get3A_1217 = arith.index_cast %add3A_1215 : i32 to index
        %get3A_1218 = arith.constant 80 : index
        %get3A_1219 = tpu.vector_load %arg7[%get3A_1216, %get3A_1217, %get3A_1218] {strides = array<i32>} : memref<2x128x128xf32, #tpu.memory_space<vmem>>, vector<16xf32>,
        %mul3A_1220 = arith.constant 16 : i32
        %mul3A_1221 = arith.muli %scan3A_260, %mul3A_1220 : i32
        %add3A_1222 = arith.constant 7 : i32
        %add3A_1223 = arith.addi %mul3A_1221, %add3A_1222 : i32
        %get3A_1224 = arith.index_cast %rem3A_218 : i32 to index
        %get3A_1225 = arith.index_cast %add3A_1223 : i32 to index
        %get3A_1226 = arith.constant 96 : index
        %get3A_1227 = tpu.vector_load %arg7[%get3A_1224, %get3A_1225, %get3A_1226] {strides = array<i32>} : memref<2x128x128xf32, #tpu.memory_space<vmem>>, vector<16xf32>,
        %mul3A_1228 = arith.constant 16 : i32
        %mul3A_1229 = arith.muli %scan3A_260, %mul3A_1228 : i32
        %add3A_1230 = arith.constant 7 : i32
        %add3A_1231 = arith.addi %mul3A_1229, %add3A_1230 : i32
        %get3A_1232 = arith.index_cast %rem3A_218 : i32 to index
        %get3A_1233 = arith.index_cast %add3A_1231 : i32 to index
        %get3A_1234 = arith.constant 112 : index
        %get3A_1235 = tpu.vector_load %arg7[%get3A_1232, %get3A_1233, %get3A_1234] {strides = array<i32>} : memref<2x128x128xf32, #tpu.memory_space<vmem>>, vector<16xf32>,
        %max3A_1236 = arith.maximumf %get3A_1150, %get3A_1179 : vector<16xf32>
        %swap3A_1237 = arith.index_cast %squeeze3A_293 : i32 to index
        %swap3A_1238 = arith.constant 0 : index
        %swap3A_1239 = tpu.vector_load %arg9[%swap3A_1237, %swap3A_1238] {strides = array<i32>} : memref<264x128xf32, #tpu.memory_space<vmem>>, vector<16xf32>,
        tpu.vector_store %arg9[%swap3A_1237, %swap3A_1238], %max3A_1236 {strides = array<i32>} : memref<264x128xf32, #tpu.memory_space<vmem>>, vector<16xf32>,
        %max3A_1240 = arith.maximumf %get3A_1153, %get3A_1187 : vector<16xf32>
        %swap3A_1241 = arith.index_cast %squeeze3A_293 : i32 to index
        %swap3A_1242 = arith.constant 16 : index
        %swap3A_1243 = tpu.vector_load %arg9[%swap3A_1241, %swap3A_1242] {strides = array<i32>} : memref<264x128xf32, #tpu.memory_space<vmem>>, vector<16xf32>,
        tpu.vector_store %arg9[%swap3A_1241, %swap3A_1242], %max3A_1240 {strides = array<i32>} : memref<264x128xf32, #tpu.memory_space<vmem>>, vector<16xf32>,
        %max3A_1244 = arith.maximumf %get3A_1156, %get3A_1195 : vector<16xf32>
        %swap3A_1245 = arith.index_cast %squeeze3A_293 : i32 to index
        %swap3A_1246 = arith.constant 32 : index
        %swap3A_1247 = tpu.vector_load %arg9[%swap3A_1245, %swap3A_1246] {strides = array<i32>} : memref<264x128xf32, #tpu.memory_space<vmem>>, vector<16xf32>,
        tpu.vector_store %arg9[%swap3A_1245, %swap3A_1246], %max3A_1244 {strides = array<i32>} : memref<264x128xf32, #tpu.memory_space<vmem>>, vector<16xf32>,
        %max3A_1248 = arith.maximumf %get3A_1159, %get3A_1203 : vector<16xf32>
        %swap3A_1249 = arith.index_cast %squeeze3A_293 : i32 to index
        %swap3A_1250 = arith.constant 48 : index
        %swap3A_1251 = tpu.vector_load %arg9[%swap3A_1249, %swap3A_1250] {strides = array<i32>} : memref<264x128xf32, #tpu.memory_space<vmem>>, vector<16xf32>,
        tpu.vector_store %arg9[%swap3A_1249, %swap3A_1250], %max3A_1248 {strides = array<i32>} : memref<264x128xf32, #tpu.memory_space<vmem>>, vector<16xf32>,
        %max3A_1252 = arith.maximumf %get3A_1162, %get3A_1211 : vector<16xf32>
        %swap3A_1253 = arith.index_cast %squeeze3A_293 : i32 to index
        %swap3A_1254 = arith.constant 64 : index
        %swap3A_1255 = tpu.vector_load %arg9[%swap3A_1253, %swap3A_1254] {strides = array<i32>} : memref<264x128xf32, #tpu.memory_space<vmem>>, vector<16xf32>,
        tpu.vector_store %arg9[%swap3A_1253, %swap3A_1254], %max3A_1252 {strides = array<i32>} : memref<264x128xf32, #tpu.memory_space<vmem>>, vector<16xf32>,
        %max3A_1256 = arith.maximumf %get3A_1165, %get3A_1219 : vector<16xf32>
        %swap3A_1257 = arith.index_cast %squeeze3A_293 : i32 to index
        %swap3A_1258 = arith.constant 80 : index
        %swap3A_1259 = tpu.vector_load %arg9[%swap3A_1257, %swap3A_1258] {strides = array<i32>} : memref<264x128xf32, #tpu.memory_space<vmem>>, vector<16xf32>,
        tpu.vector_store %arg9[%swap3A_1257, %swap3A_1258], %max3A_1256 {strides = array<i32>} : memref<264x128xf32, #tpu.memory_space<vmem>>, vector<16xf32>,
        %max3A_1260 = arith.maximumf %get3A_1168, %get3A_1227 : vector<16xf32>
        %swap3A_1261 = arith.index_cast %squeeze3A_293 : i32 to index
        %swap3A_1262 = arith.constant 96 : index
        %swap3A_1263 = tpu.vector_load %arg9[%swap3A_1261, %swap3A_1262] {strides = array<i32>} : memref<264x128xf32, #tpu.memory_space<vmem>>, vector<16xf32>,
        tpu.vector_store %arg9[%swap3A_1261, %swap3A_1262], %max3A_1260 {strides = array<i32>} : memref<264x128xf32, #tpu.memory_space<vmem>>, vector<16xf32>,
        %max3A_1264 = arith.maximumf %get3A_1171, %get3A_1235 : vector<16xf32>
        %swap3A_1265 = arith.index_cast %squeeze3A_293 : i32 to index
        %swap3A_1266 = arith.constant 112 : index
        %swap3A_1267 = tpu.vector_load %arg9[%swap3A_1265, %swap3A_1266] {strides = array<i32>} : memref<264x128xf32, #tpu.memory_space<vmem>>, vector<16xf32>,
        tpu.vector_store %arg9[%swap3A_1265, %swap3A_1266], %max3A_1264 {strides = array<i32>} : memref<264x128xf32, #tpu.memory_space<vmem>>, vector<16xf32>,
        %get3A_1268 = arith.index_cast %squeeze3A_295 : i32 to index
        %get3A_1269 = arith.constant 0 : index
        %get3A_1270 = tpu.vector_load %arg8[%get3A_1268, %get3A_1269] {strides = array<i32>} : memref<264x128xf32, #tpu.memory_space<vmem>>, vector<16xf32>,
        %get3A_1271 = arith.index_cast %squeeze3A_295 : i32 to index
        %get3A_1272 = arith.constant 16 : index
        %get3A_1273 = tpu.vector_load %arg8[%get3A_1271, %get3A_1272] {strides = array<i32>} : memref<264x128xf32, #tpu.memory_space<vmem>>, vector<16xf32>,
        %get3A_1274 = arith.index_cast %squeeze3A_295 : i32 to index
        %get3A_1275 = arith.constant 32 : index
        %get3A_1276 = tpu.vector_load %arg8[%get3A_1274, %get3A_1275] {strides = array<i32>} : memref<264x128xf32, #tpu.memory_space<vmem>>, vector<16xf32>,
        %get3A_1277 = arith.index_cast %squeeze3A_295 : i32 to index
        %get3A_1278 = arith.constant 48 : index
        %get3A_1279 = tpu.vector_load %arg8[%get3A_1277, %get3A_1278] {strides = array<i32>} : memref<264x128xf32, #tpu.memory_space<vmem>>, vector<16xf32>,
        %get3A_1280 = arith.index_cast %squeeze3A_295 : i32 to index
        %get3A_1281 = arith.constant 64 : index
        %get3A_1282 = tpu.vector_load %arg8[%get3A_1280, %get3A_1281] {strides = array<i32>} : memref<264x128xf32, #tpu.memory_space<vmem>>, vector<16xf32>,
        %get3A_1283 = arith.index_cast %squeeze3A_295 : i32 to index
        %get3A_1284 = arith.constant 80 : index
        %get3A_1285 = tpu.vector_load %arg8[%get3A_1283, %get3A_1284] {strides = array<i32>} : memref<264x128xf32, #tpu.memory_space<vmem>>, vector<16xf32>,
        %get3A_1286 = arith.index_cast %squeeze3A_295 : i32 to index
        %get3A_1287 = arith.constant 96 : index
        %get3A_1288 = tpu.vector_load %arg8[%get3A_1286, %get3A_1287] {strides = array<i32>} : memref<264x128xf32, #tpu.memory_space<vmem>>, vector<16xf32>,
        %get3A_1289 = arith.index_cast %squeeze3A_295 : i32 to index
        %get3A_1290 = arith.constant 112 : index
        %get3A_1291 = tpu.vector_load %arg8[%get3A_1289, %get3A_1290] {strides = array<i32>} : memref<264x128xf32, #tpu.memory_space<vmem>>, vector<16xf32>,
        %mul3A_1292 = arith.constant 16 : i32
        %mul3A_1293 = arith.muli %scan3A_260, %mul3A_1292 : i32
        %add3A_1294 = arith.constant 8 : i32
        %add3A_1295 = arith.addi %mul3A_1293, %add3A_1294 : i32
        %get3A_1296 = arith.index_cast %rem3A_218 : i32 to index
        %get3A_1297 = arith.index_cast %add3A_1295 : i32 to index
        %get3A_1298 = arith.constant 0 : index
        %get3A_1299 = tpu.vector_load %arg7[%get3A_1296, %get3A_1297, %get3A_1298] {strides = array<i32>} : memref<2x128x128xf32, #tpu.memory_space<vmem>>, vector<16xf32>,
        %mul3A_1300 = arith.constant 16 : i32
        %mul3A_1301 = arith.muli %scan3A_260, %mul3A_1300 : i32
        %add3A_1302 = arith.constant 8 : i32
        %add3A_1303 = arith.addi %mul3A_1301, %add3A_1302 : i32
        %get3A_1304 = arith.index_cast %rem3A_218 : i32 to index
        %get3A_1305 = arith.index_cast %add3A_1303 : i32 to index
        %get3A_1306 = arith.constant 16 : index
        %get3A_1307 = tpu.vector_load %arg7[%get3A_1304, %get3A_1305, %get3A_1306] {strides = array<i32>} : memref<2x128x128xf32, #tpu.memory_space<vmem>>, vector<16xf32>,
        %mul3A_1308 = arith.constant 16 : i32
        %mul3A_1309 = arith.muli %scan3A_260, %mul3A_1308 : i32
        %add3A_1310 = arith.constant 8 : i32
        %add3A_1311 = arith.addi %mul3A_1309, %add3A_1310 : i32
        %get3A_1312 = arith.index_cast %rem3A_218 : i32 to index
        %get3A_1313 = arith.index_cast %add3A_1311 : i32 to index
        %get3A_1314 = arith.constant 32 : index
        %get3A_1315 = tpu.vector_load %arg7[%get3A_1312, %get3A_1313, %get3A_1314] {strides = array<i32>} : memref<2x128x128xf32, #tpu.memory_space<vmem>>, vector<16xf32>,
        %mul3A_1316 = arith.constant 16 : i32
        %mul3A_1317 = arith.muli %scan3A_260, %mul3A_1316 : i32
        %add3A_1318 = arith.constant 8 : i32
        %add3A_1319 = arith.addi %mul3A_1317, %add3A_1318 : i32
        %get3A_1320 = arith.index_cast %rem3A_218 : i32 to index
        %get3A_1321 = arith.index_cast %add3A_1319 : i32 to index
        %get3A_1322 = arith.constant 48 : index
        %get3A_1323 = tpu.vector_load %arg7[%get3A_1320, %get3A_1321, %get3A_1322] {strides = array<i32>} : memref<2x128x128xf32, #tpu.memory_space<vmem>>, vector<16xf32>,
        %mul3A_1324 = arith.constant 16 : i32
        %mul3A_1325 = arith.muli %scan3A_260, %mul3A_1324 : i32
        %add3A_1326 = arith.constant 8 : i32
        %add3A_1327 = arith.addi %mul3A_1325, %add3A_1326 : i32
        %get3A_1328 = arith.index_cast %rem3A_218 : i32 to index
        %get3A_1329 = arith.index_cast %add3A_1327 : i32 to index
        %get3A_1330 = arith.constant 64 : index
        %get3A_1331 = tpu.vector_load %arg7[%get3A_1328, %get3A_1329, %get3A_1330] {strides = array<i32>} : memref<2x128x128xf32, #tpu.memory_space<vmem>>, vector<16xf32>,
        %mul3A_1332 = arith.constant 16 : i32
        %mul3A_1333 = arith.muli %scan3A_260, %mul3A_1332 : i32
        %add3A_1334 = arith.constant 8 : i32
        %add3A_1335 = arith.addi %mul3A_1333, %add3A_1334 : i32
        %get3A_1336 = arith.index_cast %rem3A_218 : i32 to index
        %get3A_1337 = arith.index_cast %add3A_1335 : i32 to index
        %get3A_1338 = arith.constant 80 : index
        %get3A_1339 = tpu.vector_load %arg7[%get3A_1336, %get3A_1337, %get3A_1338] {strides = array<i32>} : memref<2x128x128xf32, #tpu.memory_space<vmem>>, vector<16xf32>,
        %mul3A_1340 = arith.constant 16 : i32
        %mul3A_1341 = arith.muli %scan3A_260, %mul3A_1340 : i32
        %add3A_1342 = arith.constant 8 : i32
        %add3A_1343 = arith.addi %mul3A_1341, %add3A_1342 : i32
        %get3A_1344 = arith.index_cast %rem3A_218 : i32 to index
        %get3A_1345 = arith.index_cast %add3A_1343 : i32 to index
        %get3A_1346 = arith.constant 96 : index
        %get3A_1347 = tpu.vector_load %arg7[%get3A_1344, %get3A_1345, %get3A_1346] {strides = array<i32>} : memref<2x128x128xf32, #tpu.memory_space<vmem>>, vector<16xf32>,
        %mul3A_1348 = arith.constant 16 : i32
        %mul3A_1349 = arith.muli %scan3A_260, %mul3A_1348 : i32
        %add3A_1350 = arith.constant 8 : i32
        %add3A_1351 = arith.addi %mul3A_1349, %add3A_1350 : i32
        %get3A_1352 = arith.index_cast %rem3A_218 : i32 to index
        %get3A_1353 = arith.index_cast %add3A_1351 : i32 to index
        %get3A_1354 = arith.constant 112 : index
        %get3A_1355 = tpu.vector_load %arg7[%get3A_1352, %get3A_1353, %get3A_1354] {strides = array<i32>} : memref<2x128x128xf32, #tpu.memory_space<vmem>>, vector<16xf32>,
        %max3A_1356 = arith.maximumf %get3A_1270, %get3A_1299 : vector<16xf32>
        %swap3A_1357 = arith.index_cast %squeeze3A_295 : i32 to index
        %swap3A_1358 = arith.constant 0 : index
        %swap3A_1359 = tpu.vector_load %arg8[%swap3A_1357, %swap3A_1358] {strides = array<i32>} : memref<264x128xf32, #tpu.memory_space<vmem>>, vector<16xf32>,
        tpu.vector_store %arg8[%swap3A_1357, %swap3A_1358], %max3A_1356 {strides = array<i32>} : memref<264x128xf32, #tpu.memory_space<vmem>>, vector<16xf32>,
        %max3A_1360 = arith.maximumf %get3A_1273, %get3A_1307 : vector<16xf32>
        %swap3A_1361 = arith.index_cast %squeeze3A_295 : i32 to index
        %swap3A_1362 = arith.constant 16 : index
        %swap3A_1363 = tpu.vector_load %arg8[%swap3A_1361, %swap3A_1362] {strides = array<i32>} : memref<264x128xf32, #tpu.memory_space<vmem>>, vector<16xf32>,
        tpu.vector_store %arg8[%swap3A_1361, %swap3A_1362], %max3A_1360 {strides = array<i32>} : memref<264x128xf32, #tpu.memory_space<vmem>>, vector<16xf32>,
        %max3A_1364 = arith.maximumf %get3A_1276, %get3A_1315 : vector<16xf32>
        %swap3A_1365 = arith.index_cast %squeeze3A_295 : i32 to index
        %swap3A_1366 = arith.constant 32 : index
        %swap3A_1367 = tpu.vector_load %arg8[%swap3A_1365, %swap3A_1366] {strides = array<i32>} : memref<264x128xf32, #tpu.memory_space<vmem>>, vector<16xf32>,
        tpu.vector_store %arg8[%swap3A_1365, %swap3A_1366], %max3A_1364 {strides = array<i32>} : memref<264x128xf32, #tpu.memory_space<vmem>>, vector<16xf32>,
        %max3A_1368 = arith.maximumf %get3A_1279, %get3A_1323 : vector<16xf32>
        %swap3A_1369 = arith.index_cast %squeeze3A_295 : i32 to index
        %swap3A_1370 = arith.constant 48 : index
        %swap3A_1371 = tpu.vector_load %arg8[%swap3A_1369, %swap3A_1370] {strides = array<i32>} : memref<264x128xf32, #tpu.memory_space<vmem>>, vector<16xf32>,
        tpu.vector_store %arg8[%swap3A_1369, %swap3A_1370], %max3A_1368 {strides = array<i32>} : memref<264x128xf32, #tpu.memory_space<vmem>>, vector<16xf32>,
        %max3A_1372 = arith.maximumf %get3A_1282, %get3A_1331 : vector<16xf32>
        %swap3A_1373 = arith.index_cast %squeeze3A_295 : i32 to index
        %swap3A_1374 = arith.constant 64 : index
        %swap3A_1375 = tpu.vector_load %arg8[%swap3A_1373, %swap3A_1374] {strides = array<i32>} : memref<264x128xf32, #tpu.memory_space<vmem>>, vector<16xf32>,
        tpu.vector_store %arg8[%swap3A_1373, %swap3A_1374], %max3A_1372 {strides = array<i32>} : memref<264x128xf32, #tpu.memory_space<vmem>>, vector<16xf32>,
        %max3A_1376 = arith.maximumf %get3A_1285, %get3A_1339 : vector<16xf32>
        %swap3A_1377 = arith.index_cast %squeeze3A_295 : i32 to index
        %swap3A_1378 = arith.constant 80 : index
        %swap3A_1379 = tpu.vector_load %arg8[%swap3A_1377, %swap3A_1378] {strides = array<i32>} : memref<264x128xf32, #tpu.memory_space<vmem>>, vector<16xf32>,
        tpu.vector_store %arg8[%swap3A_1377, %swap3A_1378], %max3A_1376 {strides = array<i32>} : memref<264x128xf32, #tpu.memory_space<vmem>>, vector<16xf32>,
        %max3A_1380 = arith.maximumf %get3A_1288, %get3A_1347 : vector<16xf32>
        %swap3A_1381 = arith.index_cast %squeeze3A_295 : i32 to index
        %swap3A_1382 = arith.constant 96 : index
        %swap3A_1383 = tpu.vector_load %arg8[%swap3A_1381, %swap3A_1382] {strides = array<i32>} : memref<264x128xf32, #tpu.memory_space<vmem>>, vector<16xf32>,
        tpu.vector_store %arg8[%swap3A_1381, %swap3A_1382], %max3A_1380 {strides = array<i32>} : memref<264x128xf32, #tpu.memory_space<vmem>>, vector<16xf32>,
        %max3A_1384 = arith.maximumf %get3A_1291, %get3A_1355 : vector<16xf32>
        %swap3A_1385 = arith.index_cast %squeeze3A_295 : i32 to index
        %swap3A_1386 = arith.constant 112 : index
        %swap3A_1387 = tpu.vector_load %arg8[%swap3A_1385, %swap3A_1386] {strides = array<i32>} : memref<264x128xf32, #tpu.memory_space<vmem>>, vector<16xf32>,
        tpu.vector_store %arg8[%swap3A_1385, %swap3A_1386], %max3A_1384 {strides = array<i32>} : memref<264x128xf32, #tpu.memory_space<vmem>>, vector<16xf32>,
        %get3A_1388 = arith.index_cast %squeeze3A_297 : i32 to index
        %get3A_1389 = arith.constant 0 : index
        %get3A_1390 = tpu.vector_load %arg9[%get3A_1388, %get3A_1389] {strides = array<i32>} : memref<264x128xf32, #tpu.memory_space<vmem>>, vector<16xf32>,
        %get3A_1391 = arith.index_cast %squeeze3A_297 : i32 to index
        %get3A_1392 = arith.constant 16 : index
        %get3A_1393 = tpu.vector_load %arg9[%get3A_1391, %get3A_1392] {strides = array<i32>} : memref<264x128xf32, #tpu.memory_space<vmem>>, vector<16xf32>,
        %get3A_1394 = arith.index_cast %squeeze3A_297 : i32 to index
        %get3A_1395 = arith.constant 32 : index
        %get3A_1396 = tpu.vector_load %arg9[%get3A_1394, %get3A_1395] {strides = array<i32>} : memref<264x128xf32, #tpu.memory_space<vmem>>, vector<16xf32>,
        %get3A_1397 = arith.index_cast %squeeze3A_297 : i32 to index
        %get3A_1398 = arith.constant 48 : index
        %get3A_1399 = tpu.vector_load %arg9[%get3A_1397, %get3A_1398] {strides = array<i32>} : memref<264x128xf32, #tpu.memory_space<vmem>>, vector<16xf32>,
        %get3A_1400 = arith.index_cast %squeeze3A_297 : i32 to index
        %get3A_1401 = arith.constant 64 : index
        %get3A_1402 = tpu.vector_load %arg9[%get3A_1400, %get3A_1401] {strides = array<i32>} : memref<264x128xf32, #tpu.memory_space<vmem>>, vector<16xf32>,
        %get3A_1403 = arith.index_cast %squeeze3A_297 : i32 to index
        %get3A_1404 = arith.constant 80 : index
        %get3A_1405 = tpu.vector_load %arg9[%get3A_1403, %get3A_1404] {strides = array<i32>} : memref<264x128xf32, #tpu.memory_space<vmem>>, vector<16xf32>,
        %get3A_1406 = arith.index_cast %squeeze3A_297 : i32 to index
        %get3A_1407 = arith.constant 96 : index
        %get3A_1408 = tpu.vector_load %arg9[%get3A_1406, %get3A_1407] {strides = array<i32>} : memref<264x128xf32, #tpu.memory_space<vmem>>, vector<16xf32>,
        %get3A_1409 = arith.index_cast %squeeze3A_297 : i32 to index
        %get3A_1410 = arith.constant 112 : index
        %get3A_1411 = tpu.vector_load %arg9[%get3A_1409, %get3A_1410] {strides = array<i32>} : memref<264x128xf32, #tpu.memory_space<vmem>>, vector<16xf32>,
        %mul3A_1412 = arith.constant 16 : i32
        %mul3A_1413 = arith.muli %scan3A_260, %mul3A_1412 : i32
        %add3A_1414 = arith.constant 9 : i32
        %add3A_1415 = arith.addi %mul3A_1413, %add3A_1414 : i32
        %get3A_1416 = arith.index_cast %rem3A_218 : i32 to index
        %get3A_1417 = arith.index_cast %add3A_1415 : i32 to index
        %get3A_1418 = arith.constant 0 : index
        %get3A_1419 = tpu.vector_load %arg7[%get3A_1416, %get3A_1417, %get3A_1418] {strides = array<i32>} : memref<2x128x128xf32, #tpu.memory_space<vmem>>, vector<16xf32>,
        %mul3A_1420 = arith.constant 16 : i32
        %mul3A_1421 = arith.muli %scan3A_260, %mul3A_1420 : i32
        %add3A_1422 = arith.constant 9 : i32
        %add3A_1423 = arith.addi %mul3A_1421, %add3A_1422 : i32
        %get3A_1424 = arith.index_cast %rem3A_218 : i32 to index
        %get3A_1425 = arith.index_cast %add3A_1423 : i32 to index
        %get3A_1426 = arith.constant 16 : index
        %get3A_1427 = tpu.vector_load %arg7[%get3A_1424, %get3A_1425, %get3A_1426] {strides = array<i32>} : memref<2x128x128xf32, #tpu.memory_space<vmem>>, vector<16xf32>,
        %mul3A_1428 = arith.constant 16 : i32
        %mul3A_1429 = arith.muli %scan3A_260, %mul3A_1428 : i32
        %add3A_1430 = arith.constant 9 : i32
        %add3A_1431 = arith.addi %mul3A_1429, %add3A_1430 : i32
        %get3A_1432 = arith.index_cast %rem3A_218 : i32 to index
        %get3A_1433 = arith.index_cast %add3A_1431 : i32 to index
        %get3A_1434 = arith.constant 32 : index
        %get3A_1435 = tpu.vector_load %arg7[%get3A_1432, %get3A_1433, %get3A_1434] {strides = array<i32>} : memref<2x128x128xf32, #tpu.memory_space<vmem>>, vector<16xf32>,
        %mul3A_1436 = arith.constant 16 : i32
        %mul3A_1437 = arith.muli %scan3A_260, %mul3A_1436 : i32
        %add3A_1438 = arith.constant 9 : i32
        %add3A_1439 = arith.addi %mul3A_1437, %add3A_1438 : i32
        %get3A_1440 = arith.index_cast %rem3A_218 : i32 to index
        %get3A_1441 = arith.index_cast %add3A_1439 : i32 to index
        %get3A_1442 = arith.constant 48 : index
        %get3A_1443 = tpu.vector_load %arg7[%get3A_1440, %get3A_1441, %get3A_1442] {strides = array<i32>} : memref<2x128x128xf32, #tpu.memory_space<vmem>>, vector<16xf32>,
        %mul3A_1444 = arith.constant 16 : i32
        %mul3A_1445 = arith.muli %scan3A_260, %mul3A_1444 : i32
        %add3A_1446 = arith.constant 9 : i32
        %add3A_1447 = arith.addi %mul3A_1445, %add3A_1446 : i32
        %get3A_1448 = arith.index_cast %rem3A_218 : i32 to index
        %get3A_1449 = arith.index_cast %add3A_1447 : i32 to index
        %get3A_1450 = arith.constant 64 : index
        %get3A_1451 = tpu.vector_load %arg7[%get3A_1448, %get3A_1449, %get3A_1450] {strides = array<i32>} : memref<2x128x128xf32, #tpu.memory_space<vmem>>, vector<16xf32>,
        %mul3A_1452 = arith.constant 16 : i32
        %mul3A_1453 = arith.muli %scan3A_260, %mul3A_1452 : i32
        %add3A_1454 = arith.constant 9 : i32
        %add3A_1455 = arith.addi %mul3A_1453, %add3A_1454 : i32
        %get3A_1456 = arith.index_cast %rem3A_218 : i32 to index
        %get3A_1457 = arith.index_cast %add3A_1455 : i32 to index
        %get3A_1458 = arith.constant 80 : index
        %get3A_1459 = tpu.vector_load %arg7[%get3A_1456, %get3A_1457, %get3A_1458] {strides = array<i32>} : memref<2x128x128xf32, #tpu.memory_space<vmem>>, vector<16xf32>,
        %mul3A_1460 = arith.constant 16 : i32
        %mul3A_1461 = arith.muli %scan3A_260, %mul3A_1460 : i32
        %add3A_1462 = arith.constant 9 : i32
        %add3A_1463 = arith.addi %mul3A_1461, %add3A_1462 : i32
        %get3A_1464 = arith.index_cast %rem3A_218 : i32 to index
        %get3A_1465 = arith.index_cast %add3A_1463 : i32 to index
        %get3A_1466 = arith.constant 96 : index
        %get3A_1467 = tpu.vector_load %arg7[%get3A_1464, %get3A_1465, %get3A_1466] {strides = array<i32>} : memref<2x128x128xf32, #tpu.memory_space<vmem>>, vector<16xf32>,
        %mul3A_1468 = arith.constant 16 : i32
        %mul3A_1469 = arith.muli %scan3A_260, %mul3A_1468 : i32
        %add3A_1470 = arith.constant 9 : i32
        %add3A_1471 = arith.addi %mul3A_1469, %add3A_1470 : i32
        %get3A_1472 = arith.index_cast %rem3A_218 : i32 to index
        %get3A_1473 = arith.index_cast %add3A_1471 : i32 to index
        %get3A_1474 = arith.constant 112 : index
        %get3A_1475 = tpu.vector_load %arg7[%get3A_1472, %get3A_1473, %get3A_1474] {strides = array<i32>} : memref<2x128x128xf32, #tpu.memory_space<vmem>>, vector<16xf32>,
        %max3A_1476 = arith.maximumf %get3A_1390, %get3A_1419 : vector<16xf32>
        %swap3A_1477 = arith.index_cast %squeeze3A_297 : i32 to index
        %swap3A_1478 = arith.constant 0 : index
        %swap3A_1479 = tpu.vector_load %arg9[%swap3A_1477, %swap3A_1478] {strides = array<i32>} : memref<264x128xf32, #tpu.memory_space<vmem>>, vector<16xf32>,
        tpu.vector_store %arg9[%swap3A_1477, %swap3A_1478], %max3A_1476 {strides = array<i32>} : memref<264x128xf32, #tpu.memory_space<vmem>>, vector<16xf32>,
        %max3A_1480 = arith.maximumf %get3A_1393, %get3A_1427 : vector<16xf32>
        %swap3A_1481 = arith.index_cast %squeeze3A_297 : i32 to index
        %swap3A_1482 = arith.constant 16 : index
        %swap3A_1483 = tpu.vector_load %arg9[%swap3A_1481, %swap3A_1482] {strides = array<i32>} : memref<264x128xf32, #tpu.memory_space<vmem>>, vector<16xf32>,
        tpu.vector_store %arg9[%swap3A_1481, %swap3A_1482], %max3A_1480 {strides = array<i32>} : memref<264x128xf32, #tpu.memory_space<vmem>>, vector<16xf32>,
        %max3A_1484 = arith.maximumf %get3A_1396, %get3A_1435 : vector<16xf32>
        %swap3A_1485 = arith.index_cast %squeeze3A_297 : i32 to index
        %swap3A_1486 = arith.constant 32 : index
        %swap3A_1487 = tpu.vector_load %arg9[%swap3A_1485, %swap3A_1486] {strides = array<i32>} : memref<264x128xf32, #tpu.memory_space<vmem>>, vector<16xf32>,
        tpu.vector_store %arg9[%swap3A_1485, %swap3A_1486], %max3A_1484 {strides = array<i32>} : memref<264x128xf32, #tpu.memory_space<vmem>>, vector<16xf32>,
        %max3A_1488 = arith.maximumf %get3A_1399, %get3A_1443 : vector<16xf32>
        %swap3A_1489 = arith.index_cast %squeeze3A_297 : i32 to index
        %swap3A_1490 = arith.constant 48 : index
        %swap3A_1491 = tpu.vector_load %arg9[%swap3A_1489, %swap3A_1490] {strides = array<i32>} : memref<264x128xf32, #tpu.memory_space<vmem>>, vector<16xf32>,
        tpu.vector_store %arg9[%swap3A_1489, %swap3A_1490], %max3A_1488 {strides = array<i32>} : memref<264x128xf32, #tpu.memory_space<vmem>>, vector<16xf32>,
        %max3A_1492 = arith.maximumf %get3A_1402, %get3A_1451 : vector<16xf32>
        %swap3A_1493 = arith.index_cast %squeeze3A_297 : i32 to index
        %swap3A_1494 = arith.constant 64 : index
        %swap3A_1495 = tpu.vector_load %arg9[%swap3A_1493, %swap3A_1494] {strides = array<i32>} : memref<264x128xf32, #tpu.memory_space<vmem>>, vector<16xf32>,
        tpu.vector_store %arg9[%swap3A_1493, %swap3A_1494], %max3A_1492 {strides = array<i32>} : memref<264x128xf32, #tpu.memory_space<vmem>>, vector<16xf32>,
        %max3A_1496 = arith.maximumf %get3A_1405, %get3A_1459 : vector<16xf32>
        %swap3A_1497 = arith.index_cast %squeeze3A_297 : i32 to index
        %swap3A_1498 = arith.constant 80 : index
        %swap3A_1499 = tpu.vector_load %arg9[%swap3A_1497, %swap3A_1498] {strides = array<i32>} : memref<264x128xf32, #tpu.memory_space<vmem>>, vector<16xf32>,
        tpu.vector_store %arg9[%swap3A_1497, %swap3A_1498], %max3A_1496 {strides = array<i32>} : memref<264x128xf32, #tpu.memory_space<vmem>>, vector<16xf32>,
        %max3A_1500 = arith.maximumf %get3A_1408, %get3A_1467 : vector<16xf32>
        %swap3A_1501 = arith.index_cast %squeeze3A_297 : i32 to index
        %swap3A_1502 = arith.constant 96 : index
        %swap3A_1503 = tpu.vector_load %arg9[%swap3A_1501, %swap3A_1502] {strides = array<i32>} : memref<264x128xf32, #tpu.memory_space<vmem>>, vector<16xf32>,
        tpu.vector_store %arg9[%swap3A_1501, %swap3A_1502], %max3A_1500 {strides = array<i32>} : memref<264x128xf32, #tpu.memory_space<vmem>>, vector<16xf32>,
        %max3A_1504 = arith.maximumf %get3A_1411, %get3A_1475 : vector<16xf32>
        %swap3A_1505 = arith.index_cast %squeeze3A_297 : i32 to index
        %swap3A_1506 = arith.constant 112 : index
        %swap3A_1507 = tpu.vector_load %arg9[%swap3A_1505, %swap3A_1506] {strides = array<i32>} : memref<264x128xf32, #tpu.memory_space<vmem>>, vector<16xf32>,
        tpu.vector_store %arg9[%swap3A_1505, %swap3A_1506], %max3A_1504 {strides = array<i32>} : memref<264x128xf32, #tpu.memory_space<vmem>>, vector<16xf32>,
        %get3A_1508 = arith.index_cast %squeeze3A_299 : i32 to index
        %get3A_1509 = arith.constant 0 : index
        %get3A_1510 = tpu.vector_load %arg8[%get3A_1508, %get3A_1509] {strides = array<i32>} : memref<264x128xf32, #tpu.memory_space<vmem>>, vector<16xf32>,
        %get3A_1511 = arith.index_cast %squeeze3A_299 : i32 to index
        %get3A_1512 = arith.constant 16 : index
        %get3A_1513 = tpu.vector_load %arg8[%get3A_1511, %get3A_1512] {strides = array<i32>} : memref<264x128xf32, #tpu.memory_space<vmem>>, vector<16xf32>,
        %get3A_1514 = arith.index_cast %squeeze3A_299 : i32 to index
        %get3A_1515 = arith.constant 32 : index
        %get3A_1516 = tpu.vector_load %arg8[%get3A_1514, %get3A_1515] {strides = array<i32>} : memref<264x128xf32, #tpu.memory_space<vmem>>, vector<16xf32>,
        %get3A_1517 = arith.index_cast %squeeze3A_299 : i32 to index
        %get3A_1518 = arith.constant 48 : index
        %get3A_1519 = tpu.vector_load %arg8[%get3A_1517, %get3A_1518] {strides = array<i32>} : memref<264x128xf32, #tpu.memory_space<vmem>>, vector<16xf32>,
        %get3A_1520 = arith.index_cast %squeeze3A_299 : i32 to index
        %get3A_1521 = arith.constant 64 : index
        %get3A_1522 = tpu.vector_load %arg8[%get3A_1520, %get3A_1521] {strides = array<i32>} : memref<264x128xf32, #tpu.memory_space<vmem>>, vector<16xf32>,
        %get3A_1523 = arith.index_cast %squeeze3A_299 : i32 to index
        %get3A_1524 = arith.constant 80 : index
        %get3A_1525 = tpu.vector_load %arg8[%get3A_1523, %get3A_1524] {strides = array<i32>} : memref<264x128xf32, #tpu.memory_space<vmem>>, vector<16xf32>,
        %get3A_1526 = arith.index_cast %squeeze3A_299 : i32 to index
        %get3A_1527 = arith.constant 96 : index
        %get3A_1528 = tpu.vector_load %arg8[%get3A_1526, %get3A_1527] {strides = array<i32>} : memref<264x128xf32, #tpu.memory_space<vmem>>, vector<16xf32>,
        %get3A_1529 = arith.index_cast %squeeze3A_299 : i32 to index
        %get3A_1530 = arith.constant 112 : index
        %get3A_1531 = tpu.vector_load %arg8[%get3A_1529, %get3A_1530] {strides = array<i32>} : memref<264x128xf32, #tpu.memory_space<vmem>>, vector<16xf32>,
        %mul3A_1532 = arith.constant 16 : i32
        %mul3A_1533 = arith.muli %scan3A_260, %mul3A_1532 : i32
        %add3A_1534 = arith.constant 10 : i32
        %add3A_1535 = arith.addi %mul3A_1533, %add3A_1534 : i32
        %get3A_1536 = arith.index_cast %rem3A_218 : i32 to index
        %get3A_1537 = arith.index_cast %add3A_1535 : i32 to index
        %get3A_1538 = arith.constant 0 : index
        %get3A_1539 = tpu.vector_load %arg7[%get3A_1536, %get3A_1537, %get3A_1538] {strides = array<i32>} : memref<2x128x128xf32, #tpu.memory_space<vmem>>, vector<16xf32>,
        %mul3A_1540 = arith.constant 16 : i32
        %mul3A_1541 = arith.muli %scan3A_260, %mul3A_1540 : i32
        %add3A_1542 = arith.constant 10 : i32
        %add3A_1543 = arith.addi %mul3A_1541, %add3A_1542 : i32
        %get3A_1544 = arith.index_cast %rem3A_218 : i32 to index
        %get3A_1545 = arith.index_cast %add3A_1543 : i32 to index
        %get3A_1546 = arith.constant 16 : index
        %get3A_1547 = tpu.vector_load %arg7[%get3A_1544, %get3A_1545, %get3A_1546] {strides = array<i32>} : memref<2x128x128xf32, #tpu.memory_space<vmem>>, vector<16xf32>,
        %mul3A_1548 = arith.constant 16 : i32
        %mul3A_1549 = arith.muli %scan3A_260, %mul3A_1548 : i32
        %add3A_1550 = arith.constant 10 : i32
        %add3A_1551 = arith.addi %mul3A_1549, %add3A_1550 : i32
        %get3A_1552 = arith.index_cast %rem3A_218 : i32 to index
        %get3A_1553 = arith.index_cast %add3A_1551 : i32 to index
        %get3A_1554 = arith.constant 32 : index
        %get3A_1555 = tpu.vector_load %arg7[%get3A_1552, %get3A_1553, %get3A_1554] {strides = array<i32>} : memref<2x128x128xf32, #tpu.memory_space<vmem>>, vector<16xf32>,
        %mul3A_1556 = arith.constant 16 : i32
        %mul3A_1557 = arith.muli %scan3A_260, %mul3A_1556 : i32
        %add3A_1558 = arith.constant 10 : i32
        %add3A_1559 = arith.addi %mul3A_1557, %add3A_1558 : i32
        %get3A_1560 = arith.index_cast %rem3A_218 : i32 to index
        %get3A_1561 = arith.index_cast %add3A_1559 : i32 to index
        %get3A_1562 = arith.constant 48 : index
        %get3A_1563 = tpu.vector_load %arg7[%get3A_1560, %get3A_1561, %get3A_1562] {strides = array<i32>} : memref<2x128x128xf32, #tpu.memory_space<vmem>>, vector<16xf32>,
        %mul3A_1564 = arith.constant 16 : i32
        %mul3A_1565 = arith.muli %scan3A_260, %mul3A_1564 : i32
        %add3A_1566 = arith.constant 10 : i32
        %add3A_1567 = arith.addi %mul3A_1565, %add3A_1566 : i32
        %get3A_1568 = arith.index_cast %rem3A_218 : i32 to index
        %get3A_1569 = arith.index_cast %add3A_1567 : i32 to index
        %get3A_1570 = arith.constant 64 : index
        %get3A_1571 = tpu.vector_load %arg7[%get3A_1568, %get3A_1569, %get3A_1570] {strides = array<i32>} : memref<2x128x128xf32, #tpu.memory_space<vmem>>, vector<16xf32>,
        %mul3A_1572 = arith.constant 16 : i32
        %mul3A_1573 = arith.muli %scan3A_260, %mul3A_1572 : i32
        %add3A_1574 = arith.constant 10 : i32
        %add3A_1575 = arith.addi %mul3A_1573, %add3A_1574 : i32
        %get3A_1576 = arith.index_cast %rem3A_218 : i32 to index
        %get3A_1577 = arith.index_cast %add3A_1575 : i32 to index
        %get3A_1578 = arith.constant 80 : index
        %get3A_1579 = tpu.vector_load %arg7[%get3A_1576, %get3A_1577, %get3A_1578] {strides = array<i32>} : memref<2x128x128xf32, #tpu.memory_space<vmem>>, vector<16xf32>,
        %mul3A_1580 = arith.constant 16 : i32
        %mul3A_1581 = arith.muli %scan3A_260, %mul3A_1580 : i32
        %add3A_1582 = arith.constant 10 : i32
        %add3A_1583 = arith.addi %mul3A_1581, %add3A_1582 : i32
        %get3A_1584 = arith.index_cast %rem3A_218 : i32 to index
        %get3A_1585 = arith.index_cast %add3A_1583 : i32 to index
        %get3A_1586 = arith.constant 96 : index
        %get3A_1587 = tpu.vector_load %arg7[%get3A_1584, %get3A_1585, %get3A_1586] {strides = array<i32>} : memref<2x128x128xf32, #tpu.memory_space<vmem>>, vector<16xf32>,
        %mul3A_1588 = arith.constant 16 : i32
        %mul3A_1589 = arith.muli %scan3A_260, %mul3A_1588 : i32
        %add3A_1590 = arith.constant 10 : i32
        %add3A_1591 = arith.addi %mul3A_1589, %add3A_1590 : i32
        %get3A_1592 = arith.index_cast %rem3A_218 : i32 to index
        %get3A_1593 = arith.index_cast %add3A_1591 : i32 to index
        %get3A_1594 = arith.constant 112 : index
        %get3A_1595 = tpu.vector_load %arg7[%get3A_1592, %get3A_1593, %get3A_1594] {strides = array<i32>} : memref<2x128x128xf32, #tpu.memory_space<vmem>>, vector<16xf32>,
        %max3A_1596 = arith.maximumf %get3A_1510, %get3A_1539 : vector<16xf32>
        %swap3A_1597 = arith.index_cast %squeeze3A_299 : i32 to index
        %swap3A_1598 = arith.constant 0 : index
        %swap3A_1599 = tpu.vector_load %arg8[%swap3A_1597, %swap3A_1598] {strides = array<i32>} : memref<264x128xf32, #tpu.memory_space<vmem>>, vector<16xf32>,
        tpu.vector_store %arg8[%swap3A_1597, %swap3A_1598], %max3A_1596 {strides = array<i32>} : memref<264x128xf32, #tpu.memory_space<vmem>>, vector<16xf32>,
        %max3A_1600 = arith.maximumf %get3A_1513, %get3A_1547 : vector<16xf32>
        %swap3A_1601 = arith.index_cast %squeeze3A_299 : i32 to index
        %swap3A_1602 = arith.constant 16 : index
        %swap3A_1603 = tpu.vector_load %arg8[%swap3A_1601, %swap3A_1602] {strides = array<i32>} : memref<264x128xf32, #tpu.memory_space<vmem>>, vector<16xf32>,
        tpu.vector_store %arg8[%swap3A_1601, %swap3A_1602], %max3A_1600 {strides = array<i32>} : memref<264x128xf32, #tpu.memory_space<vmem>>, vector<16xf32>,
        %max3A_1604 = arith.maximumf %get3A_1516, %get3A_1555 : vector<16xf32>
        %swap3A_1605 = arith.index_cast %squeeze3A_299 : i32 to index
        %swap3A_1606 = arith.constant 32 : index
        %swap3A_1607 = tpu.vector_load %arg8[%swap3A_1605, %swap3A_1606] {strides = array<i32>} : memref<264x128xf32, #tpu.memory_space<vmem>>, vector<16xf32>,
        tpu.vector_store %arg8[%swap3A_1605, %swap3A_1606], %max3A_1604 {strides = array<i32>} : memref<264x128xf32, #tpu.memory_space<vmem>>, vector<16xf32>,
        %max3A_1608 = arith.maximumf %get3A_1519, %get3A_1563 : vector<16xf32>
        %swap3A_1609 = arith.index_cast %squeeze3A_299 : i32 to index
        %swap3A_1610 = arith.constant 48 : index
        %swap3A_1611 = tpu.vector_load %arg8[%swap3A_1609, %swap3A_1610] {strides = array<i32>} : memref<264x128xf32, #tpu.memory_space<vmem>>, vector<16xf32>,
        tpu.vector_store %arg8[%swap3A_1609, %swap3A_1610], %max3A_1608 {strides = array<i32>} : memref<264x128xf32, #tpu.memory_space<vmem>>, vector<16xf32>,
        %max3A_1612 = arith.maximumf %get3A_1522, %get3A_1571 : vector<16xf32>
        %swap3A_1613 = arith.index_cast %squeeze3A_299 : i32 to index
        %swap3A_1614 = arith.constant 64 : index
        %swap3A_1615 = tpu.vector_load %arg8[%swap3A_1613, %swap3A_1614] {strides = array<i32>} : memref<264x128xf32, #tpu.memory_space<vmem>>, vector<16xf32>,
        tpu.vector_store %arg8[%swap3A_1613, %swap3A_1614], %max3A_1612 {strides = array<i32>} : memref<264x128xf32, #tpu.memory_space<vmem>>, vector<16xf32>,
        %max3A_1616 = arith.maximumf %get3A_1525, %get3A_1579 : vector<16xf32>
        %swap3A_1617 = arith.index_cast %squeeze3A_299 : i32 to index
        %swap3A_1618 = arith.constant 80 : index
        %swap3A_1619 = tpu.vector_load %arg8[%swap3A_1617, %swap3A_1618] {strides = array<i32>} : memref<264x128xf32, #tpu.memory_space<vmem>>, vector<16xf32>,
        tpu.vector_store %arg8[%swap3A_1617, %swap3A_1618], %max3A_1616 {strides = array<i32>} : memref<264x128xf32, #tpu.memory_space<vmem>>, vector<16xf32>,
        %max3A_1620 = arith.maximumf %get3A_1528, %get3A_1587 : vector<16xf32>
        %swap3A_1621 = arith.index_cast %squeeze3A_299 : i32 to index
        %swap3A_1622 = arith.constant 96 : index
        %swap3A_1623 = tpu.vector_load %arg8[%swap3A_1621, %swap3A_1622] {strides = array<i32>} : memref<264x128xf32, #tpu.memory_space<vmem>>, vector<16xf32>,
        tpu.vector_store %arg8[%swap3A_1621, %swap3A_1622], %max3A_1620 {strides = array<i32>} : memref<264x128xf32, #tpu.memory_space<vmem>>, vector<16xf32>,
        %max3A_1624 = arith.maximumf %get3A_1531, %get3A_1595 : vector<16xf32>
        %swap3A_1625 = arith.index_cast %squeeze3A_299 : i32 to index
        %swap3A_1626 = arith.constant 112 : index
        %swap3A_1627 = tpu.vector_load %arg8[%swap3A_1625, %swap3A_1626] {strides = array<i32>} : memref<264x128xf32, #tpu.memory_space<vmem>>, vector<16xf32>,
        tpu.vector_store %arg8[%swap3A_1625, %swap3A_1626], %max3A_1624 {strides = array<i32>} : memref<264x128xf32, #tpu.memory_space<vmem>>, vector<16xf32>,
        %get3A_1628 = arith.index_cast %squeeze3A_301 : i32 to index
        %get3A_1629 = arith.constant 0 : index
        %get3A_1630 = tpu.vector_load %arg9[%get3A_1628, %get3A_1629] {strides = array<i32>} : memref<264x128xf32, #tpu.memory_space<vmem>>, vector<16xf32>,
        %get3A_1631 = arith.index_cast %squeeze3A_301 : i32 to index
        %get3A_1632 = arith.constant 16 : index
        %get3A_1633 = tpu.vector_load %arg9[%get3A_1631, %get3A_1632] {strides = array<i32>} : memref<264x128xf32, #tpu.memory_space<vmem>>, vector<16xf32>,
        %get3A_1634 = arith.index_cast %squeeze3A_301 : i32 to index
        %get3A_1635 = arith.constant 32 : index
        %get3A_1636 = tpu.vector_load %arg9[%get3A_1634, %get3A_1635] {strides = array<i32>} : memref<264x128xf32, #tpu.memory_space<vmem>>, vector<16xf32>,
        %get3A_1637 = arith.index_cast %squeeze3A_301 : i32 to index
        %get3A_1638 = arith.constant 48 : index
        %get3A_1639 = tpu.vector_load %arg9[%get3A_1637, %get3A_1638] {strides = array<i32>} : memref<264x128xf32, #tpu.memory_space<vmem>>, vector<16xf32>,
        %get3A_1640 = arith.index_cast %squeeze3A_301 : i32 to index
        %get3A_1641 = arith.constant 64 : index
        %get3A_1642 = tpu.vector_load %arg9[%get3A_1640, %get3A_1641] {strides = array<i32>} : memref<264x128xf32, #tpu.memory_space<vmem>>, vector<16xf32>,
        %get3A_1643 = arith.index_cast %squeeze3A_301 : i32 to index
        %get3A_1644 = arith.constant 80 : index
        %get3A_1645 = tpu.vector_load %arg9[%get3A_1643, %get3A_1644] {strides = array<i32>} : memref<264x128xf32, #tpu.memory_space<vmem>>, vector<16xf32>,
        %get3A_1646 = arith.index_cast %squeeze3A_301 : i32 to index
        %get3A_1647 = arith.constant 96 : index
        %get3A_1648 = tpu.vector_load %arg9[%get3A_1646, %get3A_1647] {strides = array<i32>} : memref<264x128xf32, #tpu.memory_space<vmem>>, vector<16xf32>,
        %get3A_1649 = arith.index_cast %squeeze3A_301 : i32 to index
        %get3A_1650 = arith.constant 112 : index
        %get3A_1651 = tpu.vector_load %arg9[%get3A_1649, %get3A_1650] {strides = array<i32>} : memref<264x128xf32, #tpu.memory_space<vmem>>, vector<16xf32>,
        %mul3A_1652 = arith.constant 16 : i32
        %mul3A_1653 = arith.muli %scan3A_260, %mul3A_1652 : i32
        %add3A_1654 = arith.constant 11 : i32
        %add3A_1655 = arith.addi %mul3A_1653, %add3A_1654 : i32
        %get3A_1656 = arith.index_cast %rem3A_218 : i32 to index
        %get3A_1657 = arith.index_cast %add3A_1655 : i32 to index
        %get3A_1658 = arith.constant 0 : index
        %get3A_1659 = tpu.vector_load %arg7[%get3A_1656, %get3A_1657, %get3A_1658] {strides = array<i32>} : memref<2x128x128xf32, #tpu.memory_space<vmem>>, vector<16xf32>,
        %mul3A_1660 = arith.constant 16 : i32
        %mul3A_1661 = arith.muli %scan3A_260, %mul3A_1660 : i32
        %add3A_1662 = arith.constant 11 : i32
        %add3A_1663 = arith.addi %mul3A_1661, %add3A_1662 : i32
        %get3A_1664 = arith.index_cast %rem3A_218 : i32 to index
        %get3A_1665 = arith.index_cast %add3A_1663 : i32 to index
        %get3A_1666 = arith.constant 16 : index
        %get3A_1667 = tpu.vector_load %arg7[%get3A_1664, %get3A_1665, %get3A_1666] {strides = array<i32>} : memref<2x128x128xf32, #tpu.memory_space<vmem>>, vector<16xf32>,
        %mul3A_1668 = arith.constant 16 : i32
        %mul3A_1669 = arith.muli %scan3A_260, %mul3A_1668 : i32
        %add3A_1670 = arith.constant 11 : i32
        %add3A_1671 = arith.addi %mul3A_1669, %add3A_1670 : i32
        %get3A_1672 = arith.index_cast %rem3A_218 : i32 to index
        %get3A_1673 = arith.index_cast %add3A_1671 : i32 to index
        %get3A_1674 = arith.constant 32 : index
        %get3A_1675 = tpu.vector_load %arg7[%get3A_1672, %get3A_1673, %get3A_1674] {strides = array<i32>} : memref<2x128x128xf32, #tpu.memory_space<vmem>>, vector<16xf32>,
        %mul3A_1676 = arith.constant 16 : i32
        %mul3A_1677 = arith.muli %scan3A_260, %mul3A_1676 : i32
        %add3A_1678 = arith.constant 11 : i32
        %add3A_1679 = arith.addi %mul3A_1677, %add3A_1678 : i32
        %get3A_1680 = arith.index_cast %rem3A_218 : i32 to index
        %get3A_1681 = arith.index_cast %add3A_1679 : i32 to index
        %get3A_1682 = arith.constant 48 : index
        %get3A_1683 = tpu.vector_load %arg7[%get3A_1680, %get3A_1681, %get3A_1682] {strides = array<i32>} : memref<2x128x128xf32, #tpu.memory_space<vmem>>, vector<16xf32>,
        %mul3A_1684 = arith.constant 16 : i32
        %mul3A_1685 = arith.muli %scan3A_260, %mul3A_1684 : i32
        %add3A_1686 = arith.constant 11 : i32
        %add3A_1687 = arith.addi %mul3A_1685, %add3A_1686 : i32
        %get3A_1688 = arith.index_cast %rem3A_218 : i32 to index
        %get3A_1689 = arith.index_cast %add3A_1687 : i32 to index
        %get3A_1690 = arith.constant 64 : index
        %get3A_1691 = tpu.vector_load %arg7[%get3A_1688, %get3A_1689, %get3A_1690] {strides = array<i32>} : memref<2x128x128xf32, #tpu.memory_space<vmem>>, vector<16xf32>,
        %mul3A_1692 = arith.constant 16 : i32
        %mul3A_1693 = arith.muli %scan3A_260, %mul3A_1692 : i32
        %add3A_1694 = arith.constant 11 : i32
        %add3A_1695 = arith.addi %mul3A_1693, %add3A_1694 : i32
        %get3A_1696 = arith.index_cast %rem3A_218 : i32 to index
        %get3A_1697 = arith.index_cast %add3A_1695 : i32 to index
        %get3A_1698 = arith.constant 80 : index
        %get3A_1699 = tpu.vector_load %arg7[%get3A_1696, %get3A_1697, %get3A_1698] {strides = array<i32>} : memref<2x128x128xf32, #tpu.memory_space<vmem>>, vector<16xf32>,
        %mul3A_1700 = arith.constant 16 : i32
        %mul3A_1701 = arith.muli %scan3A_260, %mul3A_1700 : i32
        %add3A_1702 = arith.constant 11 : i32
        %add3A_1703 = arith.addi %mul3A_1701, %add3A_1702 : i32
        %get3A_1704 = arith.index_cast %rem3A_218 : i32 to index
        %get3A_1705 = arith.index_cast %add3A_1703 : i32 to index
        %get3A_1706 = arith.constant 96 : index
        %get3A_1707 = tpu.vector_load %arg7[%get3A_1704, %get3A_1705, %get3A_1706] {strides = array<i32>} : memref<2x128x128xf32, #tpu.memory_space<vmem>>, vector<16xf32>,
        %mul3A_1708 = arith.constant 16 : i32
        %mul3A_1709 = arith.muli %scan3A_260, %mul3A_1708 : i32
        %add3A_1710 = arith.constant 11 : i32
        %add3A_1711 = arith.addi %mul3A_1709, %add3A_1710 : i32
        %get3A_1712 = arith.index_cast %rem3A_218 : i32 to index
        %get3A_1713 = arith.index_cast %add3A_1711 : i32 to index
        %get3A_1714 = arith.constant 112 : index
        %get3A_1715 = tpu.vector_load %arg7[%get3A_1712, %get3A_1713, %get3A_1714] {strides = array<i32>} : memref<2x128x128xf32, #tpu.memory_space<vmem>>, vector<16xf32>,
        %max3A_1716 = arith.maximumf %get3A_1630, %get3A_1659 : vector<16xf32>
        %swap3A_1717 = arith.index_cast %squeeze3A_301 : i32 to index
        %swap3A_1718 = arith.constant 0 : index
        %swap3A_1719 = tpu.vector_load %arg9[%swap3A_1717, %swap3A_1718] {strides = array<i32>} : memref<264x128xf32, #tpu.memory_space<vmem>>, vector<16xf32>,
        tpu.vector_store %arg9[%swap3A_1717, %swap3A_1718], %max3A_1716 {strides = array<i32>} : memref<264x128xf32, #tpu.memory_space<vmem>>, vector<16xf32>,
        %max3A_1720 = arith.maximumf %get3A_1633, %get3A_1667 : vector<16xf32>
        %swap3A_1721 = arith.index_cast %squeeze3A_301 : i32 to index
        %swap3A_1722 = arith.constant 16 : index
        %swap3A_1723 = tpu.vector_load %arg9[%swap3A_1721, %swap3A_1722] {strides = array<i32>} : memref<264x128xf32, #tpu.memory_space<vmem>>, vector<16xf32>,
        tpu.vector_store %arg9[%swap3A_1721, %swap3A_1722], %max3A_1720 {strides = array<i32>} : memref<264x128xf32, #tpu.memory_space<vmem>>, vector<16xf32>,
        %max3A_1724 = arith.maximumf %get3A_1636, %get3A_1675 : vector<16xf32>
        %swap3A_1725 = arith.index_cast %squeeze3A_301 : i32 to index
        %swap3A_1726 = arith.constant 32 : index
        %swap3A_1727 = tpu.vector_load %arg9[%swap3A_1725, %swap3A_1726] {strides = array<i32>} : memref<264x128xf32, #tpu.memory_space<vmem>>, vector<16xf32>,
        tpu.vector_store %arg9[%swap3A_1725, %swap3A_1726], %max3A_1724 {strides = array<i32>} : memref<264x128xf32, #tpu.memory_space<vmem>>, vector<16xf32>,
        %max3A_1728 = arith.maximumf %get3A_1639, %get3A_1683 : vector<16xf32>
        %swap3A_1729 = arith.index_cast %squeeze3A_301 : i32 to index
        %swap3A_1730 = arith.constant 48 : index
        %swap3A_1731 = tpu.vector_load %arg9[%swap3A_1729, %swap3A_1730] {strides = array<i32>} : memref<264x128xf32, #tpu.memory_space<vmem>>, vector<16xf32>,
        tpu.vector_store %arg9[%swap3A_1729, %swap3A_1730], %max3A_1728 {strides = array<i32>} : memref<264x128xf32, #tpu.memory_space<vmem>>, vector<16xf32>,
        %max3A_1732 = arith.maximumf %get3A_1642, %get3A_1691 : vector<16xf32>
        %swap3A_1733 = arith.index_cast %squeeze3A_301 : i32 to index
        %swap3A_1734 = arith.constant 64 : index
        %swap3A_1735 = tpu.vector_load %arg9[%swap3A_1733, %swap3A_1734] {strides = array<i32>} : memref<264x128xf32, #tpu.memory_space<vmem>>, vector<16xf32>,
        tpu.vector_store %arg9[%swap3A_1733, %swap3A_1734], %max3A_1732 {strides = array<i32>} : memref<264x128xf32, #tpu.memory_space<vmem>>, vector<16xf32>,
        %max3A_1736 = arith.maximumf %get3A_1645, %get3A_1699 : vector<16xf32>
        %swap3A_1737 = arith.index_cast %squeeze3A_301 : i32 to index
        %swap3A_1738 = arith.constant 80 : index
        %swap3A_1739 = tpu.vector_load %arg9[%swap3A_1737, %swap3A_1738] {strides = array<i32>} : memref<264x128xf32, #tpu.memory_space<vmem>>, vector<16xf32>,
        tpu.vector_store %arg9[%swap3A_1737, %swap3A_1738], %max3A_1736 {strides = array<i32>} : memref<264x128xf32, #tpu.memory_space<vmem>>, vector<16xf32>,
        %max3A_1740 = arith.maximumf %get3A_1648, %get3A_1707 : vector<16xf32>
        %swap3A_1741 = arith.index_cast %squeeze3A_301 : i32 to index
        %swap3A_1742 = arith.constant 96 : index
        %swap3A_1743 = tpu.vector_load %arg9[%swap3A_1741, %swap3A_1742] {strides = array<i32>} : memref<264x128xf32, #tpu.memory_space<vmem>>, vector<16xf32>,
        tpu.vector_store %arg9[%swap3A_1741, %swap3A_1742], %max3A_1740 {strides = array<i32>} : memref<264x128xf32, #tpu.memory_space<vmem>>, vector<16xf32>,
        %max3A_1744 = arith.maximumf %get3A_1651, %get3A_1715 : vector<16xf32>
        %swap3A_1745 = arith.index_cast %squeeze3A_301 : i32 to index
        %swap3A_1746 = arith.constant 112 : index
        %swap3A_1747 = tpu.vector_load %arg9[%swap3A_1745, %swap3A_1746] {strides = array<i32>} : memref<264x128xf32, #tpu.memory_space<vmem>>, vector<16xf32>,
        tpu.vector_store %arg9[%swap3A_1745, %swap3A_1746], %max3A_1744 {strides = array<i32>} : memref<264x128xf32, #tpu.memory_space<vmem>>, vector<16xf32>,
        %get3A_1748 = arith.index_cast %squeeze3A_303 : i32 to index
        %get3A_1749 = arith.constant 0 : index
        %get3A_1750 = tpu.vector_load %arg8[%get3A_1748, %get3A_1749] {strides = array<i32>} : memref<264x128xf32, #tpu.memory_space<vmem>>, vector<16xf32>,
        %get3A_1751 = arith.index_cast %squeeze3A_303 : i32 to index
        %get3A_1752 = arith.constant 16 : index
        %get3A_1753 = tpu.vector_load %arg8[%get3A_1751, %get3A_1752] {strides = array<i32>} : memref<264x128xf32, #tpu.memory_space<vmem>>, vector<16xf32>,
        %get3A_1754 = arith.index_cast %squeeze3A_303 : i32 to index
        %get3A_1755 = arith.constant 32 : index
        %get3A_1756 = tpu.vector_load %arg8[%get3A_1754, %get3A_1755] {strides = array<i32>} : memref<264x128xf32, #tpu.memory_space<vmem>>, vector<16xf32>,
        %get3A_1757 = arith.index_cast %squeeze3A_303 : i32 to index
        %get3A_1758 = arith.constant 48 : index
        %get3A_1759 = tpu.vector_load %arg8[%get3A_1757, %get3A_1758] {strides = array<i32>} : memref<264x128xf32, #tpu.memory_space<vmem>>, vector<16xf32>,
        %get3A_1760 = arith.index_cast %squeeze3A_303 : i32 to index
        %get3A_1761 = arith.constant 64 : index
        %get3A_1762 = tpu.vector_load %arg8[%get3A_1760, %get3A_1761] {strides = array<i32>} : memref<264x128xf32, #tpu.memory_space<vmem>>, vector<16xf32>,
        %get3A_1763 = arith.index_cast %squeeze3A_303 : i32 to index
        %get3A_1764 = arith.constant 80 : index
        %get3A_1765 = tpu.vector_load %arg8[%get3A_1763, %get3A_1764] {strides = array<i32>} : memref<264x128xf32, #tpu.memory_space<vmem>>, vector<16xf32>,
        %get3A_1766 = arith.index_cast %squeeze3A_303 : i32 to index
        %get3A_1767 = arith.constant 96 : index
        %get3A_1768 = tpu.vector_load %arg8[%get3A_1766, %get3A_1767] {strides = array<i32>} : memref<264x128xf32, #tpu.memory_space<vmem>>, vector<16xf32>,
        %get3A_1769 = arith.index_cast %squeeze3A_303 : i32 to index
        %get3A_1770 = arith.constant 112 : index
        %get3A_1771 = tpu.vector_load %arg8[%get3A_1769, %get3A_1770] {strides = array<i32>} : memref<264x128xf32, #tpu.memory_space<vmem>>, vector<16xf32>,
        %mul3A_1772 = arith.constant 16 : i32
        %mul3A_1773 = arith.muli %scan3A_260, %mul3A_1772 : i32
        %add3A_1774 = arith.constant 12 : i32
        %add3A_1775 = arith.addi %mul3A_1773, %add3A_1774 : i32
        %get3A_1776 = arith.index_cast %rem3A_218 : i32 to index
        %get3A_1777 = arith.index_cast %add3A_1775 : i32 to index
        %get3A_1778 = arith.constant 0 : index
        %get3A_1779 = tpu.vector_load %arg7[%get3A_1776, %get3A_1777, %get3A_1778] {strides = array<i32>} : memref<2x128x128xf32, #tpu.memory_space<vmem>>, vector<16xf32>,
        %mul3A_1780 = arith.constant 16 : i32
        %mul3A_1781 = arith.muli %scan3A_260, %mul3A_1780 : i32
        %add3A_1782 = arith.constant 12 : i32
        %add3A_1783 = arith.addi %mul3A_1781, %add3A_1782 : i32
        %get3A_1784 = arith.index_cast %rem3A_218 : i32 to index
        %get3A_1785 = arith.index_cast %add3A_1783 : i32 to index
        %get3A_1786 = arith.constant 16 : index
        %get3A_1787 = tpu.vector_load %arg7[%get3A_1784, %get3A_1785, %get3A_1786] {strides = array<i32>} : memref<2x128x128xf32, #tpu.memory_space<vmem>>, vector<16xf32>,
        %mul3A_1788 = arith.constant 16 : i32
        %mul3A_1789 = arith.muli %scan3A_260, %mul3A_1788 : i32
        %add3A_1790 = arith.constant 12 : i32
        %add3A_1791 = arith.addi %mul3A_1789, %add3A_1790 : i32
        %get3A_1792 = arith.index_cast %rem3A_218 : i32 to index
        %get3A_1793 = arith.index_cast %add3A_1791 : i32 to index
        %get3A_1794 = arith.constant 32 : index
        %get3A_1795 = tpu.vector_load %arg7[%get3A_1792, %get3A_1793, %get3A_1794] {strides = array<i32>} : memref<2x128x128xf32, #tpu.memory_space<vmem>>, vector<16xf32>,
        %mul3A_1796 = arith.constant 16 : i32
        %mul3A_1797 = arith.muli %scan3A_260, %mul3A_1796 : i32
        %add3A_1798 = arith.constant 12 : i32
        %add3A_1799 = arith.addi %mul3A_1797, %add3A_1798 : i32
        %get3A_1800 = arith.index_cast %rem3A_218 : i32 to index
        %get3A_1801 = arith.index_cast %add3A_1799 : i32 to index
        %get3A_1802 = arith.constant 48 : index
        %get3A_1803 = tpu.vector_load %arg7[%get3A_1800, %get3A_1801, %get3A_1802] {strides = array<i32>} : memref<2x128x128xf32, #tpu.memory_space<vmem>>, vector<16xf32>,
        %mul3A_1804 = arith.constant 16 : i32
        %mul3A_1805 = arith.muli %scan3A_260, %mul3A_1804 : i32
        %add3A_1806 = arith.constant 12 : i32
        %add3A_1807 = arith.addi %mul3A_1805, %add3A_1806 : i32
        %get3A_1808 = arith.index_cast %rem3A_218 : i32 to index
        %get3A_1809 = arith.index_cast %add3A_1807 : i32 to index
        %get3A_1810 = arith.constant 64 : index
        %get3A_1811 = tpu.vector_load %arg7[%get3A_1808, %get3A_1809, %get3A_1810] {strides = array<i32>} : memref<2x128x128xf32, #tpu.memory_space<vmem>>, vector<16xf32>,
        %mul3A_1812 = arith.constant 16 : i32
        %mul3A_1813 = arith.muli %scan3A_260, %mul3A_1812 : i32
        %add3A_1814 = arith.constant 12 : i32
        %add3A_1815 = arith.addi %mul3A_1813, %add3A_1814 : i32
        %get3A_1816 = arith.index_cast %rem3A_218 : i32 to index
        %get3A_1817 = arith.index_cast %add3A_1815 : i32 to index
        %get3A_1818 = arith.constant 80 : index
        %get3A_1819 = tpu.vector_load %arg7[%get3A_1816, %get3A_1817, %get3A_1818] {strides = array<i32>} : memref<2x128x128xf32, #tpu.memory_space<vmem>>, vector<16xf32>,
        %mul3A_1820 = arith.constant 16 : i32
        %mul3A_1821 = arith.muli %scan3A_260, %mul3A_1820 : i32
        %add3A_1822 = arith.constant 12 : i32
        %add3A_1823 = arith.addi %mul3A_1821, %add3A_1822 : i32
        %get3A_1824 = arith.index_cast %rem3A_218 : i32 to index
        %get3A_1825 = arith.index_cast %add3A_1823 : i32 to index
        %get3A_1826 = arith.constant 96 : index
        %get3A_1827 = tpu.vector_load %arg7[%get3A_1824, %get3A_1825, %get3A_1826] {strides = array<i32>} : memref<2x128x128xf32, #tpu.memory_space<vmem>>, vector<16xf32>,
        %mul3A_1828 = arith.constant 16 : i32
        %mul3A_1829 = arith.muli %scan3A_260, %mul3A_1828 : i32
        %add3A_1830 = arith.constant 12 : i32
        %add3A_1831 = arith.addi %mul3A_1829, %add3A_1830 : i32
        %get3A_1832 = arith.index_cast %rem3A_218 : i32 to index
        %get3A_1833 = arith.index_cast %add3A_1831 : i32 to index
        %get3A_1834 = arith.constant 112 : index
        %get3A_1835 = tpu.vector_load %arg7[%get3A_1832, %get3A_1833, %get3A_1834] {strides = array<i32>} : memref<2x128x128xf32, #tpu.memory_space<vmem>>, vector<16xf32>,
        %max3A_1836 = arith.maximumf %get3A_1750, %get3A_1779 : vector<16xf32>
        %swap3A_1837 = arith.index_cast %squeeze3A_303 : i32 to index
        %swap3A_1838 = arith.constant 0 : index
        %swap3A_1839 = tpu.vector_load %arg8[%swap3A_1837, %swap3A_1838] {strides = array<i32>} : memref<264x128xf32, #tpu.memory_space<vmem>>, vector<16xf32>,
        tpu.vector_store %arg8[%swap3A_1837, %swap3A_1838], %max3A_1836 {strides = array<i32>} : memref<264x128xf32, #tpu.memory_space<vmem>>, vector<16xf32>,
        %max3A_1840 = arith.maximumf %get3A_1753, %get3A_1787 : vector<16xf32>
        %swap3A_1841 = arith.index_cast %squeeze3A_303 : i32 to index
        %swap3A_1842 = arith.constant 16 : index
        %swap3A_1843 = tpu.vector_load %arg8[%swap3A_1841, %swap3A_1842] {strides = array<i32>} : memref<264x128xf32, #tpu.memory_space<vmem>>, vector<16xf32>,
        tpu.vector_store %arg8[%swap3A_1841, %swap3A_1842], %max3A_1840 {strides = array<i32>} : memref<264x128xf32, #tpu.memory_space<vmem>>, vector<16xf32>,
        %max3A_1844 = arith.maximumf %get3A_1756, %get3A_1795 : vector<16xf32>
        %swap3A_1845 = arith.index_cast %squeeze3A_303 : i32 to index
        %swap3A_1846 = arith.constant 32 : index
        %swap3A_1847 = tpu.vector_load %arg8[%swap3A_1845, %swap3A_1846] {strides = array<i32>} : memref<264x128xf32, #tpu.memory_space<vmem>>, vector<16xf32>,
        tpu.vector_store %arg8[%swap3A_1845, %swap3A_1846], %max3A_1844 {strides = array<i32>} : memref<264x128xf32, #tpu.memory_space<vmem>>, vector<16xf32>,
        %max3A_1848 = arith.maximumf %get3A_1759, %get3A_1803 : vector<16xf32>
        %swap3A_1849 = arith.index_cast %squeeze3A_303 : i32 to index
        %swap3A_1850 = arith.constant 48 : index
        %swap3A_1851 = tpu.vector_load %arg8[%swap3A_1849, %swap3A_1850] {strides = array<i32>} : memref<264x128xf32, #tpu.memory_space<vmem>>, vector<16xf32>,
        tpu.vector_store %arg8[%swap3A_1849, %swap3A_1850], %max3A_1848 {strides = array<i32>} : memref<264x128xf32, #tpu.memory_space<vmem>>, vector<16xf32>,
        %max3A_1852 = arith.maximumf %get3A_1762, %get3A_1811 : vector<16xf32>
        %swap3A_1853 = arith.index_cast %squeeze3A_303 : i32 to index
        %swap3A_1854 = arith.constant 64 : index
        %swap3A_1855 = tpu.vector_load %arg8[%swap3A_1853, %swap3A_1854] {strides = array<i32>} : memref<264x128xf32, #tpu.memory_space<vmem>>, vector<16xf32>,
        tpu.vector_store %arg8[%swap3A_1853, %swap3A_1854], %max3A_1852 {strides = array<i32>} : memref<264x128xf32, #tpu.memory_space<vmem>>, vector<16xf32>,
        %max3A_1856 = arith.maximumf %get3A_1765, %get3A_1819 : vector<16xf32>
        %swap3A_1857 = arith.index_cast %squeeze3A_303 : i32 to index
        %swap3A_1858 = arith.constant 80 : index
        %swap3A_1859 = tpu.vector_load %arg8[%swap3A_1857, %swap3A_1858] {strides = array<i32>} : memref<264x128xf32, #tpu.memory_space<vmem>>, vector<16xf32>,
        tpu.vector_store %arg8[%swap3A_1857, %swap3A_1858], %max3A_1856 {strides = array<i32>} : memref<264x128xf32, #tpu.memory_space<vmem>>, vector<16xf32>,
        %max3A_1860 = arith.maximumf %get3A_1768, %get3A_1827 : vector<16xf32>
        %swap3A_1861 = arith.index_cast %squeeze3A_303 : i32 to index
        %swap3A_1862 = arith.constant 96 : index
        %swap3A_1863 = tpu.vector_load %arg8[%swap3A_1861, %swap3A_1862] {strides = array<i32>} : memref<264x128xf32, #tpu.memory_space<vmem>>, vector<16xf32>,
        tpu.vector_store %arg8[%swap3A_1861, %swap3A_1862], %max3A_1860 {strides = array<i32>} : memref<264x128xf32, #tpu.memory_space<vmem>>, vector<16xf32>,
        %max3A_1864 = arith.maximumf %get3A_1771, %get3A_1835 : vector<16xf32>
        %swap3A_1865 = arith.index_cast %squeeze3A_303 : i32 to index
        %swap3A_1866 = arith.constant 112 : index
        %swap3A_1867 = tpu.vector_load %arg8[%swap3A_1865, %swap3A_1866] {strides = array<i32>} : memref<264x128xf32, #tpu.memory_space<vmem>>, vector<16xf32>,
        tpu.vector_store %arg8[%swap3A_1865, %swap3A_1866], %max3A_1864 {strides = array<i32>} : memref<264x128xf32, #tpu.memory_space<vmem>>, vector<16xf32>,
        %get3A_1868 = arith.index_cast %squeeze3A_305 : i32 to index
        %get3A_1869 = arith.constant 0 : index
        %get3A_1870 = tpu.vector_load %arg9[%get3A_1868, %get3A_1869] {strides = array<i32>} : memref<264x128xf32, #tpu.memory_space<vmem>>, vector<16xf32>,
        %get3A_1871 = arith.index_cast %squeeze3A_305 : i32 to index
        %get3A_1872 = arith.constant 16 : index
        %get3A_1873 = tpu.vector_load %arg9[%get3A_1871, %get3A_1872] {strides = array<i32>} : memref<264x128xf32, #tpu.memory_space<vmem>>, vector<16xf32>,
        %get3A_1874 = arith.index_cast %squeeze3A_305 : i32 to index
        %get3A_1875 = arith.constant 32 : index
        %get3A_1876 = tpu.vector_load %arg9[%get3A_1874, %get3A_1875] {strides = array<i32>} : memref<264x128xf32, #tpu.memory_space<vmem>>, vector<16xf32>,
        %get3A_1877 = arith.index_cast %squeeze3A_305 : i32 to index
        %get3A_1878 = arith.constant 48 : index
        %get3A_1879 = tpu.vector_load %arg9[%get3A_1877, %get3A_1878] {strides = array<i32>} : memref<264x128xf32, #tpu.memory_space<vmem>>, vector<16xf32>,
        %get3A_1880 = arith.index_cast %squeeze3A_305 : i32 to index
        %get3A_1881 = arith.constant 64 : index
        %get3A_1882 = tpu.vector_load %arg9[%get3A_1880, %get3A_1881] {strides = array<i32>} : memref<264x128xf32, #tpu.memory_space<vmem>>, vector<16xf32>,
        %get3A_1883 = arith.index_cast %squeeze3A_305 : i32 to index
        %get3A_1884 = arith.constant 80 : index
        %get3A_1885 = tpu.vector_load %arg9[%get3A_1883, %get3A_1884] {strides = array<i32>} : memref<264x128xf32, #tpu.memory_space<vmem>>, vector<16xf32>,
        %get3A_1886 = arith.index_cast %squeeze3A_305 : i32 to index
        %get3A_1887 = arith.constant 96 : index
        %get3A_1888 = tpu.vector_load %arg9[%get3A_1886, %get3A_1887] {strides = array<i32>} : memref<264x128xf32, #tpu.memory_space<vmem>>, vector<16xf32>,
        %get3A_1889 = arith.index_cast %squeeze3A_305 : i32 to index
        %get3A_1890 = arith.constant 112 : index
        %get3A_1891 = tpu.vector_load %arg9[%get3A_1889, %get3A_1890] {strides = array<i32>} : memref<264x128xf32, #tpu.memory_space<vmem>>, vector<16xf32>,
        %mul3A_1892 = arith.constant 16 : i32
        %mul3A_1893 = arith.muli %scan3A_260, %mul3A_1892 : i32
        %add3A_1894 = arith.constant 13 : i32
        %add3A_1895 = arith.addi %mul3A_1893, %add3A_1894 : i32
        %get3A_1896 = arith.index_cast %rem3A_218 : i32 to index
        %get3A_1897 = arith.index_cast %add3A_1895 : i32 to index
        %get3A_1898 = arith.constant 0 : index
        %get3A_1899 = tpu.vector_load %arg7[%get3A_1896, %get3A_1897, %get3A_1898] {strides = array<i32>} : memref<2x128x128xf32, #tpu.memory_space<vmem>>, vector<16xf32>,
        %mul3A_1900 = arith.constant 16 : i32
        %mul3A_1901 = arith.muli %scan3A_260, %mul3A_1900 : i32
        %add3A_1902 = arith.constant 13 : i32
        %add3A_1903 = arith.addi %mul3A_1901, %add3A_1902 : i32
        %get3A_1904 = arith.index_cast %rem3A_218 : i32 to index
        %get3A_1905 = arith.index_cast %add3A_1903 : i32 to index
        %get3A_1906 = arith.constant 16 : index
        %get3A_1907 = tpu.vector_load %arg7[%get3A_1904, %get3A_1905, %get3A_1906] {strides = array<i32>} : memref<2x128x128xf32, #tpu.memory_space<vmem>>, vector<16xf32>,
        %mul3A_1908 = arith.constant 16 : i32
        %mul3A_1909 = arith.muli %scan3A_260, %mul3A_1908 : i32
        %add3A_1910 = arith.constant 13 : i32
        %add3A_1911 = arith.addi %mul3A_1909, %add3A_1910 : i32
        %get3A_1912 = arith.index_cast %rem3A_218 : i32 to index
        %get3A_1913 = arith.index_cast %add3A_1911 : i32 to index
        %get3A_1914 = arith.constant 32 : index
        %get3A_1915 = tpu.vector_load %arg7[%get3A_1912, %get3A_1913, %get3A_1914] {strides = array<i32>} : memref<2x128x128xf32, #tpu.memory_space<vmem>>, vector<16xf32>,
        %mul3A_1916 = arith.constant 16 : i32
        %mul3A_1917 = arith.muli %scan3A_260, %mul3A_1916 : i32
        %add3A_1918 = arith.constant 13 : i32
        %add3A_1919 = arith.addi %mul3A_1917, %add3A_1918 : i32
        %get3A_1920 = arith.index_cast %rem3A_218 : i32 to index
        %get3A_1921 = arith.index_cast %add3A_1919 : i32 to index
        %get3A_1922 = arith.constant 48 : index
        %get3A_1923 = tpu.vector_load %arg7[%get3A_1920, %get3A_1921, %get3A_1922] {strides = array<i32>} : memref<2x128x128xf32, #tpu.memory_space<vmem>>, vector<16xf32>,
        %mul3A_1924 = arith.constant 16 : i32
        %mul3A_1925 = arith.muli %scan3A_260, %mul3A_1924 : i32
        %add3A_1926 = arith.constant 13 : i32
        %add3A_1927 = arith.addi %mul3A_1925, %add3A_1926 : i32
        %get3A_1928 = arith.index_cast %rem3A_218 : i32 to index
        %get3A_1929 = arith.index_cast %add3A_1927 : i32 to index
        %get3A_1930 = arith.constant 64 : index
        %get3A_1931 = tpu.vector_load %arg7[%get3A_1928, %get3A_1929, %get3A_1930] {strides = array<i32>} : memref<2x128x128xf32, #tpu.memory_space<vmem>>, vector<16xf32>,
        %mul3A_1932 = arith.constant 16 : i32
        %mul3A_1933 = arith.muli %scan3A_260, %mul3A_1932 : i32
        %add3A_1934 = arith.constant 13 : i32
        %add3A_1935 = arith.addi %mul3A_1933, %add3A_1934 : i32
        %get3A_1936 = arith.index_cast %rem3A_218 : i32 to index
        %get3A_1937 = arith.index_cast %add3A_1935 : i32 to index
        %get3A_1938 = arith.constant 80 : index
        %get3A_1939 = tpu.vector_load %arg7[%get3A_1936, %get3A_1937, %get3A_1938] {strides = array<i32>} : memref<2x128x128xf32, #tpu.memory_space<vmem>>, vector<16xf32>,
        %mul3A_1940 = arith.constant 16 : i32
        %mul3A_1941 = arith.muli %scan3A_260, %mul3A_1940 : i32
        %add3A_1942 = arith.constant 13 : i32
        %add3A_1943 = arith.addi %mul3A_1941, %add3A_1942 : i32
        %get3A_1944 = arith.index_cast %rem3A_218 : i32 to index
        %get3A_1945 = arith.index_cast %add3A_1943 : i32 to index
        %get3A_1946 = arith.constant 96 : index
        %get3A_1947 = tpu.vector_load %arg7[%get3A_1944, %get3A_1945, %get3A_1946] {strides = array<i32>} : memref<2x128x128xf32, #tpu.memory_space<vmem>>, vector<16xf32>,
        %mul3A_1948 = arith.constant 16 : i32
        %mul3A_1949 = arith.muli %scan3A_260, %mul3A_1948 : i32
        %add3A_1950 = arith.constant 13 : i32
        %add3A_1951 = arith.addi %mul3A_1949, %add3A_1950 : i32
        %get3A_1952 = arith.index_cast %rem3A_218 : i32 to index
        %get3A_1953 = arith.index_cast %add3A_1951 : i32 to index
        %get3A_1954 = arith.constant 112 : index
        %get3A_1955 = tpu.vector_load %arg7[%get3A_1952, %get3A_1953, %get3A_1954] {strides = array<i32>} : memref<2x128x128xf32, #tpu.memory_space<vmem>>, vector<16xf32>,
        %max3A_1956 = arith.maximumf %get3A_1870, %get3A_1899 : vector<16xf32>
        %swap3A_1957 = arith.index_cast %squeeze3A_305 : i32 to index
        %swap3A_1958 = arith.constant 0 : index
        %swap3A_1959 = tpu.vector_load %arg9[%swap3A_1957, %swap3A_1958] {strides = array<i32>} : memref<264x128xf32, #tpu.memory_space<vmem>>, vector<16xf32>,
        tpu.vector_store %arg9[%swap3A_1957, %swap3A_1958], %max3A_1956 {strides = array<i32>} : memref<264x128xf32, #tpu.memory_space<vmem>>, vector<16xf32>,
        %max3A_1960 = arith.maximumf %get3A_1873, %get3A_1907 : vector<16xf32>
        %swap3A_1961 = arith.index_cast %squeeze3A_305 : i32 to index
        %swap3A_1962 = arith.constant 16 : index
        %swap3A_1963 = tpu.vector_load %arg9[%swap3A_1961, %swap3A_1962] {strides = array<i32>} : memref<264x128xf32, #tpu.memory_space<vmem>>, vector<16xf32>,
        tpu.vector_store %arg9[%swap3A_1961, %swap3A_1962], %max3A_1960 {strides = array<i32>} : memref<264x128xf32, #tpu.memory_space<vmem>>, vector<16xf32>,
        %max3A_1964 = arith.maximumf %get3A_1876, %get3A_1915 : vector<16xf32>
        %swap3A_1965 = arith.index_cast %squeeze3A_305 : i32 to index
        %swap3A_1966 = arith.constant 32 : index
        %swap3A_1967 = tpu.vector_load %arg9[%swap3A_1965, %swap3A_1966] {strides = array<i32>} : memref<264x128xf32, #tpu.memory_space<vmem>>, vector<16xf32>,
        tpu.vector_store %arg9[%swap3A_1965, %swap3A_1966], %max3A_1964 {strides = array<i32>} : memref<264x128xf32, #tpu.memory_space<vmem>>, vector<16xf32>,
        %max3A_1968 = arith.maximumf %get3A_1879, %get3A_1923 : vector<16xf32>
        %swap3A_1969 = arith.index_cast %squeeze3A_305 : i32 to index
        %swap3A_1970 = arith.constant 48 : index
        %swap3A_1971 = tpu.vector_load %arg9[%swap3A_1969, %swap3A_1970] {strides = array<i32>} : memref<264x128xf32, #tpu.memory_space<vmem>>, vector<16xf32>,
        tpu.vector_store %arg9[%swap3A_1969, %swap3A_1970], %max3A_1968 {strides = array<i32>} : memref<264x128xf32, #tpu.memory_space<vmem>>, vector<16xf32>,
        %max3A_1972 = arith.maximumf %get3A_1882, %get3A_1931 : vector<16xf32>
        %swap3A_1973 = arith.index_cast %squeeze3A_305 : i32 to index
        %swap3A_1974 = arith.constant 64 : index
        %swap3A_1975 = tpu.vector_load %arg9[%swap3A_1973, %swap3A_1974] {strides = array<i32>} : memref<264x128xf32, #tpu.memory_space<vmem>>, vector<16xf32>,
        tpu.vector_store %arg9[%swap3A_1973, %swap3A_1974], %max3A_1972 {strides = array<i32>} : memref<264x128xf32, #tpu.memory_space<vmem>>, vector<16xf32>,
        %max3A_1976 = arith.maximumf %get3A_1885, %get3A_1939 : vector<16xf32>
        %swap3A_1977 = arith.index_cast %squeeze3A_305 : i32 to index
        %swap3A_1978 = arith.constant 80 : index
        %swap3A_1979 = tpu.vector_load %arg9[%swap3A_1977, %swap3A_1978] {strides = array<i32>} : memref<264x128xf32, #tpu.memory_space<vmem>>, vector<16xf32>,
        tpu.vector_store %arg9[%swap3A_1977, %swap3A_1978], %max3A_1976 {strides = array<i32>} : memref<264x128xf32, #tpu.memory_space<vmem>>, vector<16xf32>,
        %max3A_1980 = arith.maximumf %get3A_1888, %get3A_1947 : vector<16xf32>
        %swap3A_1981 = arith.index_cast %squeeze3A_305 : i32 to index
        %swap3A_1982 = arith.constant 96 : index
        %swap3A_1983 = tpu.vector_load %arg9[%swap3A_1981, %swap3A_1982] {strides = array<i32>} : memref<264x128xf32, #tpu.memory_space<vmem>>, vector<16xf32>,
        tpu.vector_store %arg9[%swap3A_1981, %swap3A_1982], %max3A_1980 {strides = array<i32>} : memref<264x128xf32, #tpu.memory_space<vmem>>, vector<16xf32>,
        %max3A_1984 = arith.maximumf %get3A_1891, %get3A_1955 : vector<16xf32>
        %swap3A_1985 = arith.index_cast %squeeze3A_305 : i32 to index
        %swap3A_1986 = arith.constant 112 : index
        %swap3A_1987 = tpu.vector_load %arg9[%swap3A_1985, %swap3A_1986] {strides = array<i32>} : memref<264x128xf32, #tpu.memory_space<vmem>>, vector<16xf32>,
        tpu.vector_store %arg9[%swap3A_1985, %swap3A_1986], %max3A_1984 {strides = array<i32>} : memref<264x128xf32, #tpu.memory_space<vmem>>, vector<16xf32>,
        %get3A_1988 = arith.index_cast %squeeze3A_307 : i32 to index
        %get3A_1989 = arith.constant 0 : index
        %get3A_1990 = tpu.vector_load %arg8[%get3A_1988, %get3A_1989] {strides = array<i32>} : memref<264x128xf32, #tpu.memory_space<vmem>>, vector<16xf32>,
        %get3A_1991 = arith.index_cast %squeeze3A_307 : i32 to index
        %get3A_1992 = arith.constant 16 : index
        %get3A_1993 = tpu.vector_load %arg8[%get3A_1991, %get3A_1992] {strides = array<i32>} : memref<264x128xf32, #tpu.memory_space<vmem>>, vector<16xf32>,
        %get3A_1994 = arith.index_cast %squeeze3A_307 : i32 to index
        %get3A_1995 = arith.constant 32 : index
        %get3A_1996 = tpu.vector_load %arg8[%get3A_1994, %get3A_1995] {strides = array<i32>} : memref<264x128xf32, #tpu.memory_space<vmem>>, vector<16xf32>,
        %get3A_1997 = arith.index_cast %squeeze3A_307 : i32 to index
        %get3A_1998 = arith.constant 48 : index
        %get3A_1999 = tpu.vector_load %arg8[%get3A_1997, %get3A_1998] {strides = array<i32>} : memref<264x128xf32, #tpu.memory_space<vmem>>, vector<16xf32>,
        %get3A_2000 = arith.index_cast %squeeze3A_307 : i32 to index
        %get3A_2001 = arith.constant 64 : index
        %get3A_2002 = tpu.vector_load %arg8[%get3A_2000, %get3A_2001] {strides = array<i32>} : memref<264x128xf32, #tpu.memory_space<vmem>>, vector<16xf32>,
        %get3A_2003 = arith.index_cast %squeeze3A_307 : i32 to index
        %get3A_2004 = arith.constant 80 : index
        %get3A_2005 = tpu.vector_load %arg8[%get3A_2003, %get3A_2004] {strides = array<i32>} : memref<264x128xf32, #tpu.memory_space<vmem>>, vector<16xf32>,
        %get3A_2006 = arith.index_cast %squeeze3A_307 : i32 to index
        %get3A_2007 = arith.constant 96 : index
        %get3A_2008 = tpu.vector_load %arg8[%get3A_2006, %get3A_2007] {strides = array<i32>} : memref<264x128xf32, #tpu.memory_space<vmem>>, vector<16xf32>,
        %get3A_2009 = arith.index_cast %squeeze3A_307 : i32 to index
        %get3A_2010 = arith.constant 112 : index
        %get3A_2011 = tpu.vector_load %arg8[%get3A_2009, %get3A_2010] {strides = array<i32>} : memref<264x128xf32, #tpu.memory_space<vmem>>, vector<16xf32>,
        %mul3A_2012 = arith.constant 16 : i32
        %mul3A_2013 = arith.muli %scan3A_260, %mul3A_2012 : i32
        %add3A_2014 = arith.constant 14 : i32
        %add3A_2015 = arith.addi %mul3A_2013, %add3A_2014 : i32
        %get3A_2016 = arith.index_cast %rem3A_218 : i32 to index
        %get3A_2017 = arith.index_cast %add3A_2015 : i32 to index
        %get3A_2018 = arith.constant 0 : index
        %get3A_2019 = tpu.vector_load %arg7[%get3A_2016, %get3A_2017, %get3A_2018] {strides = array<i32>} : memref<2x128x128xf32, #tpu.memory_space<vmem>>, vector<16xf32>,
        %mul3A_2020 = arith.constant 16 : i32
        %mul3A_2021 = arith.muli %scan3A_260, %mul3A_2020 : i32
        %add3A_2022 = arith.constant 14 : i32
        %add3A_2023 = arith.addi %mul3A_2021, %add3A_2022 : i32
        %get3A_2024 = arith.index_cast %rem3A_218 : i32 to index
        %get3A_2025 = arith.index_cast %add3A_2023 : i32 to index
        %get3A_2026 = arith.constant 16 : index
        %get3A_2027 = tpu.vector_load %arg7[%get3A_2024, %get3A_2025, %get3A_2026] {strides = array<i32>} : memref<2x128x128xf32, #tpu.memory_space<vmem>>, vector<16xf32>,
        %mul3A_2028 = arith.constant 16 : i32
        %mul3A_2029 = arith.muli %scan3A_260, %mul3A_2028 : i32
        %add3A_2030 = arith.constant 14 : i32
        %add3A_2031 = arith.addi %mul3A_2029, %add3A_2030 : i32
        %get3A_2032 = arith.index_cast %rem3A_218 : i32 to index
        %get3A_2033 = arith.index_cast %add3A_2031 : i32 to index
        %get3A_2034 = arith.constant 32 : index
        %get3A_2035 = tpu.vector_load %arg7[%get3A_2032, %get3A_2033, %get3A_2034] {strides = array<i32>} : memref<2x128x128xf32, #tpu.memory_space<vmem>>, vector<16xf32>,
        %mul3A_2036 = arith.constant 16 : i32
        %mul3A_2037 = arith.muli %scan3A_260, %mul3A_2036 : i32
        %add3A_2038 = arith.constant 14 : i32
        %add3A_2039 = arith.addi %mul3A_2037, %add3A_2038 : i32
        %get3A_2040 = arith.index_cast %rem3A_218 : i32 to index
        %get3A_2041 = arith.index_cast %add3A_2039 : i32 to index
        %get3A_2042 = arith.constant 48 : index
        %get3A_2043 = tpu.vector_load %arg7[%get3A_2040, %get3A_2041, %get3A_2042] {strides = array<i32>} : memref<2x128x128xf32, #tpu.memory_space<vmem>>, vector<16xf32>,
        %mul3A_2044 = arith.constant 16 : i32
        %mul3A_2045 = arith.muli %scan3A_260, %mul3A_2044 : i32
        %add3A_2046 = arith.constant 14 : i32
        %add3A_2047 = arith.addi %mul3A_2045, %add3A_2046 : i32
        %get3A_2048 = arith.index_cast %rem3A_218 : i32 to index
        %get3A_2049 = arith.index_cast %add3A_2047 : i32 to index
        %get3A_2050 = arith.constant 64 : index
        %get3A_2051 = tpu.vector_load %arg7[%get3A_2048, %get3A_2049, %get3A_2050] {strides = array<i32>} : memref<2x128x128xf32, #tpu.memory_space<vmem>>, vector<16xf32>,
        %mul3A_2052 = arith.constant 16 : i32
        %mul3A_2053 = arith.muli %scan3A_260, %mul3A_2052 : i32
        %add3A_2054 = arith.constant 14 : i32
        %add3A_2055 = arith.addi %mul3A_2053, %add3A_2054 : i32
        %get3A_2056 = arith.index_cast %rem3A_218 : i32 to index
        %get3A_2057 = arith.index_cast %add3A_2055 : i32 to index
        %get3A_2058 = arith.constant 80 : index
        %get3A_2059 = tpu.vector_load %arg7[%get3A_2056, %get3A_2057, %get3A_2058] {strides = array<i32>} : memref<2x128x128xf32, #tpu.memory_space<vmem>>, vector<16xf32>,
        %mul3A_2060 = arith.constant 16 : i32
        %mul3A_2061 = arith.muli %scan3A_260, %mul3A_2060 : i32
        %add3A_2062 = arith.constant 14 : i32
        %add3A_2063 = arith.addi %mul3A_2061, %add3A_2062 : i32
        %get3A_2064 = arith.index_cast %rem3A_218 : i32 to index
        %get3A_2065 = arith.index_cast %add3A_2063 : i32 to index
        %get3A_2066 = arith.constant 96 : index
        %get3A_2067 = tpu.vector_load %arg7[%get3A_2064, %get3A_2065, %get3A_2066] {strides = array<i32>} : memref<2x128x128xf32, #tpu.memory_space<vmem>>, vector<16xf32>,
        %mul3A_2068 = arith.constant 16 : i32
        %mul3A_2069 = arith.muli %scan3A_260, %mul3A_2068 : i32
        %add3A_2070 = arith.constant 14 : i32
        %add3A_2071 = arith.addi %mul3A_2069, %add3A_2070 : i32
        %get3A_2072 = arith.index_cast %rem3A_218 : i32 to index
        %get3A_2073 = arith.index_cast %add3A_2071 : i32 to index
        %get3A_2074 = arith.constant 112 : index
        %get3A_2075 = tpu.vector_load %arg7[%get3A_2072, %get3A_2073, %get3A_2074] {strides = array<i32>} : memref<2x128x128xf32, #tpu.memory_space<vmem>>, vector<16xf32>,
        %max3A_2076 = arith.maximumf %get3A_1990, %get3A_2019 : vector<16xf32>
        %swap3A_2077 = arith.index_cast %squeeze3A_307 : i32 to index
        %swap3A_2078 = arith.constant 0 : index
        %swap3A_2079 = tpu.vector_load %arg8[%swap3A_2077, %swap3A_2078] {strides = array<i32>} : memref<264x128xf32, #tpu.memory_space<vmem>>, vector<16xf32>,
        tpu.vector_store %arg8[%swap3A_2077, %swap3A_2078], %max3A_2076 {strides = array<i32>} : memref<264x128xf32, #tpu.memory_space<vmem>>, vector<16xf32>,
        %max3A_2080 = arith.maximumf %get3A_1993, %get3A_2027 : vector<16xf32>
        %swap3A_2081 = arith.index_cast %squeeze3A_307 : i32 to index
        %swap3A_2082 = arith.constant 16 : index
        %swap3A_2083 = tpu.vector_load %arg8[%swap3A_2081, %swap3A_2082] {strides = array<i32>} : memref<264x128xf32, #tpu.memory_space<vmem>>, vector<16xf32>,
        tpu.vector_store %arg8[%swap3A_2081, %swap3A_2082], %max3A_2080 {strides = array<i32>} : memref<264x128xf32, #tpu.memory_space<vmem>>, vector<16xf32>,
        %max3A_2084 = arith.maximumf %get3A_1996, %get3A_2035 : vector<16xf32>
        %swap3A_2085 = arith.index_cast %squeeze3A_307 : i32 to index
        %swap3A_2086 = arith.constant 32 : index
        %swap3A_2087 = tpu.vector_load %arg8[%swap3A_2085, %swap3A_2086] {strides = array<i32>} : memref<264x128xf32, #tpu.memory_space<vmem>>, vector<16xf32>,
        tpu.vector_store %arg8[%swap3A_2085, %swap3A_2086], %max3A_2084 {strides = array<i32>} : memref<264x128xf32, #tpu.memory_space<vmem>>, vector<16xf32>,
        %max3A_2088 = arith.maximumf %get3A_1999, %get3A_2043 : vector<16xf32>
        %swap3A_2089 = arith.index_cast %squeeze3A_307 : i32 to index
        %swap3A_2090 = arith.constant 48 : index
        %swap3A_2091 = tpu.vector_load %arg8[%swap3A_2089, %swap3A_2090] {strides = array<i32>} : memref<264x128xf32, #tpu.memory_space<vmem>>, vector<16xf32>,
        tpu.vector_store %arg8[%swap3A_2089, %swap3A_2090], %max3A_2088 {strides = array<i32>} : memref<264x128xf32, #tpu.memory_space<vmem>>, vector<16xf32>,
        %max3A_2092 = arith.maximumf %get3A_2002, %get3A_2051 : vector<16xf32>
        %swap3A_2093 = arith.index_cast %squeeze3A_307 : i32 to index
        %swap3A_2094 = arith.constant 64 : index
        %swap3A_2095 = tpu.vector_load %arg8[%swap3A_2093, %swap3A_2094] {strides = array<i32>} : memref<264x128xf32, #tpu.memory_space<vmem>>, vector<16xf32>,
        tpu.vector_store %arg8[%swap3A_2093, %swap3A_2094], %max3A_2092 {strides = array<i32>} : memref<264x128xf32, #tpu.memory_space<vmem>>, vector<16xf32>,
        %max3A_2096 = arith.maximumf %get3A_2005, %get3A_2059 : vector<16xf32>
        %swap3A_2097 = arith.index_cast %squeeze3A_307 : i32 to index
        %swap3A_2098 = arith.constant 80 : index
        %swap3A_2099 = tpu.vector_load %arg8[%swap3A_2097, %swap3A_2098] {strides = array<i32>} : memref<264x128xf32, #tpu.memory_space<vmem>>, vector<16xf32>,
        tpu.vector_store %arg8[%swap3A_2097, %swap3A_2098], %max3A_2096 {strides = array<i32>} : memref<264x128xf32, #tpu.memory_space<vmem>>, vector<16xf32>,
        %max3A_2100 = arith.maximumf %get3A_2008, %get3A_2067 : vector<16xf32>
        %swap3A_2101 = arith.index_cast %squeeze3A_307 : i32 to index
        %swap3A_2102 = arith.constant 96 : index
        %swap3A_2103 = tpu.vector_load %arg8[%swap3A_2101, %swap3A_2102] {strides = array<i32>} : memref<264x128xf32, #tpu.memory_space<vmem>>, vector<16xf32>,
        tpu.vector_store %arg8[%swap3A_2101, %swap3A_2102], %max3A_2100 {strides = array<i32>} : memref<264x128xf32, #tpu.memory_space<vmem>>, vector<16xf32>,
        %max3A_2104 = arith.maximumf %get3A_2011, %get3A_2075 : vector<16xf32>
        %swap3A_2105 = arith.index_cast %squeeze3A_307 : i32 to index
        %swap3A_2106 = arith.constant 112 : index
        %swap3A_2107 = tpu.vector_load %arg8[%swap3A_2105, %swap3A_2106] {strides = array<i32>} : memref<264x128xf32, #tpu.memory_space<vmem>>, vector<16xf32>,
        tpu.vector_store %arg8[%swap3A_2105, %swap3A_2106], %max3A_2104 {strides = array<i32>} : memref<264x128xf32, #tpu.memory_space<vmem>>, vector<16xf32>,
        %get3A_2108 = arith.index_cast %squeeze3A_309 : i32 to index
        %get3A_2109 = arith.constant 0 : index
        %get3A_2110 = tpu.vector_load %arg9[%get3A_2108, %get3A_2109] {strides = array<i32>} : memref<264x128xf32, #tpu.memory_space<vmem>>, vector<16xf32>,
        %get3A_2111 = arith.index_cast %squeeze3A_309 : i32 to index
        %get3A_2112 = arith.constant 16 : index
        %get3A_2113 = tpu.vector_load %arg9[%get3A_2111, %get3A_2112] {strides = array<i32>} : memref<264x128xf32, #tpu.memory_space<vmem>>, vector<16xf32>,
        %get3A_2114 = arith.index_cast %squeeze3A_309 : i32 to index
        %get3A_2115 = arith.constant 32 : index
        %get3A_2116 = tpu.vector_load %arg9[%get3A_2114, %get3A_2115] {strides = array<i32>} : memref<264x128xf32, #tpu.memory_space<vmem>>, vector<16xf32>,
        %get3A_2117 = arith.index_cast %squeeze3A_309 : i32 to index
        %get3A_2118 = arith.constant 48 : index
        %get3A_2119 = tpu.vector_load %arg9[%get3A_2117, %get3A_2118] {strides = array<i32>} : memref<264x128xf32, #tpu.memory_space<vmem>>, vector<16xf32>,
        %get3A_2120 = arith.index_cast %squeeze3A_309 : i32 to index
        %get3A_2121 = arith.constant 64 : index
        %get3A_2122 = tpu.vector_load %arg9[%get3A_2120, %get3A_2121] {strides = array<i32>} : memref<264x128xf32, #tpu.memory_space<vmem>>, vector<16xf32>,
        %get3A_2123 = arith.index_cast %squeeze3A_309 : i32 to index
        %get3A_2124 = arith.constant 80 : index
        %get3A_2125 = tpu.vector_load %arg9[%get3A_2123, %get3A_2124] {strides = array<i32>} : memref<264x128xf32, #tpu.memory_space<vmem>>, vector<16xf32>,
        %get3A_2126 = arith.index_cast %squeeze3A_309 : i32 to index
        %get3A_2127 = arith.constant 96 : index
        %get3A_2128 = tpu.vector_load %arg9[%get3A_2126, %get3A_2127] {strides = array<i32>} : memref<264x128xf32, #tpu.memory_space<vmem>>, vector<16xf32>,
        %get3A_2129 = arith.index_cast %squeeze3A_309 : i32 to index
        %get3A_2130 = arith.constant 112 : index
        %get3A_2131 = tpu.vector_load %arg9[%get3A_2129, %get3A_2130] {strides = array<i32>} : memref<264x128xf32, #tpu.memory_space<vmem>>, vector<16xf32>,
        %mul3A_2132 = arith.constant 16 : i32
        %mul3A_2133 = arith.muli %scan3A_260, %mul3A_2132 : i32
        %add3A_2134 = arith.constant 15 : i32
        %add3A_2135 = arith.addi %mul3A_2133, %add3A_2134 : i32
        %get3A_2136 = arith.index_cast %rem3A_218 : i32 to index
        %get3A_2137 = arith.index_cast %add3A_2135 : i32 to index
        %get3A_2138 = arith.constant 0 : index
        %get3A_2139 = tpu.vector_load %arg7[%get3A_2136, %get3A_2137, %get3A_2138] {strides = array<i32>} : memref<2x128x128xf32, #tpu.memory_space<vmem>>, vector<16xf32>,
        %mul3A_2140 = arith.constant 16 : i32
        %mul3A_2141 = arith.muli %scan3A_260, %mul3A_2140 : i32
        %add3A_2142 = arith.constant 15 : i32
        %add3A_2143 = arith.addi %mul3A_2141, %add3A_2142 : i32
        %get3A_2144 = arith.index_cast %rem3A_218 : i32 to index
        %get3A_2145 = arith.index_cast %add3A_2143 : i32 to index
        %get3A_2146 = arith.constant 16 : index
        %get3A_2147 = tpu.vector_load %arg7[%get3A_2144, %get3A_2145, %get3A_2146] {strides = array<i32>} : memref<2x128x128xf32, #tpu.memory_space<vmem>>, vector<16xf32>,
        %mul3A_2148 = arith.constant 16 : i32
        %mul3A_2149 = arith.muli %scan3A_260, %mul3A_2148 : i32
        %add3A_2150 = arith.constant 15 : i32
        %add3A_2151 = arith.addi %mul3A_2149, %add3A_2150 : i32
        %get3A_2152 = arith.index_cast %rem3A_218 : i32 to index
        %get3A_2153 = arith.index_cast %add3A_2151 : i32 to index
        %get3A_2154 = arith.constant 32 : index
        %get3A_2155 = tpu.vector_load %arg7[%get3A_2152, %get3A_2153, %get3A_2154] {strides = array<i32>} : memref<2x128x128xf32, #tpu.memory_space<vmem>>, vector<16xf32>,
        %mul3A_2156 = arith.constant 16 : i32
        %mul3A_2157 = arith.muli %scan3A_260, %mul3A_2156 : i32
        %add3A_2158 = arith.constant 15 : i32
        %add3A_2159 = arith.addi %mul3A_2157, %add3A_2158 : i32
        %get3A_2160 = arith.index_cast %rem3A_218 : i32 to index
        %get3A_2161 = arith.index_cast %add3A_2159 : i32 to index
        %get3A_2162 = arith.constant 48 : index
        %get3A_2163 = tpu.vector_load %arg7[%get3A_2160, %get3A_2161, %get3A_2162] {strides = array<i32>} : memref<2x128x128xf32, #tpu.memory_space<vmem>>, vector<16xf32>,
        %mul3A_2164 = arith.constant 16 : i32
        %mul3A_2165 = arith.muli %scan3A_260, %mul3A_2164 : i32
        %add3A_2166 = arith.constant 15 : i32
        %add3A_2167 = arith.addi %mul3A_2165, %add3A_2166 : i32
        %get3A_2168 = arith.index_cast %rem3A_218 : i32 to index
        %get3A_2169 = arith.index_cast %add3A_2167 : i32 to index
        %get3A_2170 = arith.constant 64 : index
        %get3A_2171 = tpu.vector_load %arg7[%get3A_2168, %get3A_2169, %get3A_2170] {strides = array<i32>} : memref<2x128x128xf32, #tpu.memory_space<vmem>>, vector<16xf32>,
        %mul3A_2172 = arith.constant 16 : i32
        %mul3A_2173 = arith.muli %scan3A_260, %mul3A_2172 : i32
        %add3A_2174 = arith.constant 15 : i32
        %add3A_2175 = arith.addi %mul3A_2173, %add3A_2174 : i32
        %get3A_2176 = arith.index_cast %rem3A_218 : i32 to index
        %get3A_2177 = arith.index_cast %add3A_2175 : i32 to index
        %get3A_2178 = arith.constant 80 : index
        %get3A_2179 = tpu.vector_load %arg7[%get3A_2176, %get3A_2177, %get3A_2178] {strides = array<i32>} : memref<2x128x128xf32, #tpu.memory_space<vmem>>, vector<16xf32>,
        %mul3A_2180 = arith.constant 16 : i32
        %mul3A_2181 = arith.muli %scan3A_260, %mul3A_2180 : i32
        %add3A_2182 = arith.constant 15 : i32
        %add3A_2183 = arith.addi %mul3A_2181, %add3A_2182 : i32
        %get3A_2184 = arith.index_cast %rem3A_218 : i32 to index
        %get3A_2185 = arith.index_cast %add3A_2183 : i32 to index
        %get3A_2186 = arith.constant 96 : index
        %get3A_2187 = tpu.vector_load %arg7[%get3A_2184, %get3A_2185, %get3A_2186] {strides = array<i32>} : memref<2x128x128xf32, #tpu.memory_space<vmem>>, vector<16xf32>,
        %mul3A_2188 = arith.constant 16 : i32
        %mul3A_2189 = arith.muli %scan3A_260, %mul3A_2188 : i32
        %add3A_2190 = arith.constant 15 : i32
        %add3A_2191 = arith.addi %mul3A_2189, %add3A_2190 : i32
        %get3A_2192 = arith.index_cast %rem3A_218 : i32 to index
        %get3A_2193 = arith.index_cast %add3A_2191 : i32 to index
        %get3A_2194 = arith.constant 112 : index
        %get3A_2195 = tpu.vector_load %arg7[%get3A_2192, %get3A_2193, %get3A_2194] {strides = array<i32>} : memref<2x128x128xf32, #tpu.memory_space<vmem>>, vector<16xf32>,
        %max3A_2196 = arith.maximumf %get3A_2110, %get3A_2139 : vector<16xf32>
        %swap3A_2197 = arith.index_cast %squeeze3A_309 : i32 to index
        %swap3A_2198 = arith.constant 0 : index
        %swap3A_2199 = tpu.vector_load %arg9[%swap3A_2197, %swap3A_2198] {strides = array<i32>} : memref<264x128xf32, #tpu.memory_space<vmem>>, vector<16xf32>,
        tpu.vector_store %arg9[%swap3A_2197, %swap3A_2198], %max3A_2196 {strides = array<i32>} : memref<264x128xf32, #tpu.memory_space<vmem>>, vector<16xf32>,
        %max3A_2200 = arith.maximumf %get3A_2113, %get3A_2147 : vector<16xf32>
        %swap3A_2201 = arith.index_cast %squeeze3A_309 : i32 to index
        %swap3A_2202 = arith.constant 16 : index
        %swap3A_2203 = tpu.vector_load %arg9[%swap3A_2201, %swap3A_2202] {strides = array<i32>} : memref<264x128xf32, #tpu.memory_space<vmem>>, vector<16xf32>,
        tpu.vector_store %arg9[%swap3A_2201, %swap3A_2202], %max3A_2200 {strides = array<i32>} : memref<264x128xf32, #tpu.memory_space<vmem>>, vector<16xf32>,
        %max3A_2204 = arith.maximumf %get3A_2116, %get3A_2155 : vector<16xf32>
        %swap3A_2205 = arith.index_cast %squeeze3A_309 : i32 to index
        %swap3A_2206 = arith.constant 32 : index
        %swap3A_2207 = tpu.vector_load %arg9[%swap3A_2205, %swap3A_2206] {strides = array<i32>} : memref<264x128xf32, #tpu.memory_space<vmem>>, vector<16xf32>,
        tpu.vector_store %arg9[%swap3A_2205, %swap3A_2206], %max3A_2204 {strides = array<i32>} : memref<264x128xf32, #tpu.memory_space<vmem>>, vector<16xf32>,
        %max3A_2208 = arith.maximumf %get3A_2119, %get3A_2163 : vector<16xf32>
        %swap3A_2209 = arith.index_cast %squeeze3A_309 : i32 to index
        %swap3A_2210 = arith.constant 48 : index
        %swap3A_2211 = tpu.vector_load %arg9[%swap3A_2209, %swap3A_2210] {strides = array<i32>} : memref<264x128xf32, #tpu.memory_space<vmem>>, vector<16xf32>,
        tpu.vector_store %arg9[%swap3A_2209, %swap3A_2210], %max3A_2208 {strides = array<i32>} : memref<264x128xf32, #tpu.memory_space<vmem>>, vector<16xf32>,
        %max3A_2212 = arith.maximumf %get3A_2122, %get3A_2171 : vector<16xf32>
        %swap3A_2213 = arith.index_cast %squeeze3A_309 : i32 to index
        %swap3A_2214 = arith.constant 64 : index
        %swap3A_2215 = tpu.vector_load %arg9[%swap3A_2213, %swap3A_2214] {strides = array<i32>} : memref<264x128xf32, #tpu.memory_space<vmem>>, vector<16xf32>,
        tpu.vector_store %arg9[%swap3A_2213, %swap3A_2214], %max3A_2212 {strides = array<i32>} : memref<264x128xf32, #tpu.memory_space<vmem>>, vector<16xf32>,
        %max3A_2216 = arith.maximumf %get3A_2125, %get3A_2179 : vector<16xf32>
        %swap3A_2217 = arith.index_cast %squeeze3A_309 : i32 to index
        %swap3A_2218 = arith.constant 80 : index
        %swap3A_2219 = tpu.vector_load %arg9[%swap3A_2217, %swap3A_2218] {strides = array<i32>} : memref<264x128xf32, #tpu.memory_space<vmem>>, vector<16xf32>,
        tpu.vector_store %arg9[%swap3A_2217, %swap3A_2218], %max3A_2216 {strides = array<i32>} : memref<264x128xf32, #tpu.memory_space<vmem>>, vector<16xf32>,
        %max3A_2220 = arith.maximumf %get3A_2128, %get3A_2187 : vector<16xf32>
        %swap3A_2221 = arith.index_cast %squeeze3A_309 : i32 to index
        %swap3A_2222 = arith.constant 96 : index
        %swap3A_2223 = tpu.vector_load %arg9[%swap3A_2221, %swap3A_2222] {strides = array<i32>} : memref<264x128xf32, #tpu.memory_space<vmem>>, vector<16xf32>,
        tpu.vector_store %arg9[%swap3A_2221, %swap3A_2222], %max3A_2220 {strides = array<i32>} : memref<264x128xf32, #tpu.memory_space<vmem>>, vector<16xf32>,
        %max3A_2224 = arith.maximumf %get3A_2131, %get3A_2195 : vector<16xf32>
        %swap3A_2225 = arith.index_cast %squeeze3A_309 : i32 to index
        %swap3A_2226 = arith.constant 112 : index
        %swap3A_2227 = tpu.vector_load %arg9[%swap3A_2225, %swap3A_2226] {strides = array<i32>} : memref<264x128xf32, #tpu.memory_space<vmem>>, vector<16xf32>,
        tpu.vector_store %arg9[%swap3A_2225, %swap3A_2226], %max3A_2224 {strides = array<i32>} : memref<264x128xf32, #tpu.memory_space<vmem>>, vector<16xf32>,
        %scan3A_2228 = arith.constant 0 : i32
        scf.yield %scan3A_2228 : i32
      }
      %scan3A_258 = arith.constant 8 : i32
      %while3A_259 = arith.constant 0 : i32
      scf.yield %while3A_259 : i32
    }
    %while3A_196 = arith.constant 1 : i32
    %while3A_197 = scf.for %while3A_215 = %while3A_193 to %while3A_189 step %while3A_196 iter_args(%while3A_216 = %while3A_195) -> (i32)  : i32 {
      %rem3A_217 = arith.constant 2 : i32
      %rem3A_218 = arith.remsi %while3A_215, %rem3A_217 : i32
      %mul3A_219 = arith.constant 128 : i32
      %mul3A_220 = arith.muli %while3A_215, %mul3A_219 : i32
      %dma_wait3A = arith.constant 0 : i32
      %dma_wait3A_221 = tpu.memref_slice %arg6[%rem3A_218, %dma_wait3A] : memref<2x128xi32, #tpu.memory_space<vmem>> -> memref<1x128xi32, #tpu.memory_space<vmem>>
      %dma_wait3A_222 = tpu.memref_squeeze %dma_wait3A_221 : memref<1x128xi32, #tpu.memory_space<vmem>> -> memref<128xi32, #tpu.memory_space<vmem>>
      %dma_wait3A_223 = tpu.memref_slice %arg3[%mul3A_220] : memref<320000xi32, #tpu.memory_space<hbm>> -> memref<128xi32, #tpu.memory_space<hbm>>
      %dma_wait3A_224 = tpu.memref_slice %arg12[%rem3A_218] : memref<2x!tpu.dma_semaphore, #tpu.memory_space<semaphore_mem>> -> memref<1x!tpu.dma_semaphore, #tpu.memory_space<semaphore_mem>>
      %dma_wait3A_225 = tpu.memref_squeeze %dma_wait3A_224 : memref<1x!tpu.dma_semaphore, #tpu.memory_space<semaphore_mem>> -> memref<!tpu.dma_semaphore, #tpu.memory_space<semaphore_mem>>
      %dma_wait3A_226 = arith.constant 0 : i32
      %dma_wait3A_227 = tpu.memref_slice %arg6[%rem3A_218, %dma_wait3A_226] : memref<2x128xi32, #tpu.memory_space<vmem>> -> memref<1x128xi32, #tpu.memory_space<vmem>>
      %dma_wait3A_228 = tpu.memref_squeeze %dma_wait3A_227 : memref<1x128xi32, #tpu.memory_space<vmem>> -> memref<128xi32, #tpu.memory_space<vmem>>
      %dma_wait3A_229 = tpu.memref_slice %arg3[%mul3A_220] : memref<320000xi32, #tpu.memory_space<hbm>> -> memref<128xi32, #tpu.memory_space<hbm>>
      tpu.wait_dma2 semaphore(%dma_wait3A_225 : memref<!tpu.dma_semaphore, #tpu.memory_space<semaphore_mem>>) src(%dma_wait3A_229 : memref<128xi32, #tpu.memory_space<hbm>>) dst(%dma_wait3A_228 : memref<128xi32, #tpu.memory_space<vmem>>)
      %add3A_230 = arith.constant 1 : i32
      %add3A_231 = arith.addi %while3A_215, %add3A_230 : i32
      %lt3A_232 = arith.cmpi slt, %add3A_231, %select_n3A_186 : i32
      %convert_element_type3A_233 = arith.extui %lt3A_232 : i1 to i32
      %cond3A_234 = arith.constant 0 : i32
      %cond3A_235 = arith.cmpi ne, %convert_element_type3A_233, %cond3A_234 : i32
      scf.if %cond3A_235 {
        %add3A_260 = arith.constant 1 : i32
        %add3A_261 = arith.addi %while3A_215, %add3A_260 : i32
        %rem3A_262 = arith.constant 2 : i32
        %rem3A_263 = arith.remsi %add3A_261, %rem3A_262 : i32
        %mul3A_264 = arith.constant 128 : i32
        %mul3A_265 = arith.muli %add3A_261, %mul3A_264 : i32
        %dma_start3A = arith.constant 0 : i32
        %dma_start3A_266 = tpu.memref_slice %arg6[%rem3A_263, %dma_start3A] : memref<2x128xi32, #tpu.memory_space<vmem>> -> memref<1x128xi32, #tpu.memory_space<vmem>>
        %dma_start3A_267 = tpu.memref_squeeze %dma_start3A_266 : memref<1x128xi32, #tpu.memory_space<vmem>> -> memref<128xi32, #tpu.memory_space<vmem>>
        %dma_start3A_268 = tpu.memref_slice %arg3[%mul3A_265] : memref<320000xi32, #tpu.memory_space<hbm>> -> memref<128xi32, #tpu.memory_space<hbm>>
        %dma_start3A_269 = tpu.memref_slice %arg12[%rem3A_263] : memref<2x!tpu.dma_semaphore, #tpu.memory_space<semaphore_mem>> -> memref<1x!tpu.dma_semaphore, #tpu.memory_space<semaphore_mem>>
        %dma_start3A_270 = tpu.memref_squeeze %dma_start3A_269 : memref<1x!tpu.dma_semaphore, #tpu.memory_space<semaphore_mem>> -> memref<!tpu.dma_semaphore, #tpu.memory_space<semaphore_mem>>
        %dma_start3A_271 = arith.constant 0 : i32
        %dma_start3A_272 = tpu.memref_slice %arg6[%rem3A_263, %dma_start3A_271] : memref<2x128xi32, #tpu.memory_space<vmem>> -> memref<1x128xi32, #tpu.memory_space<vmem>>
        %dma_start3A_273 = tpu.memref_squeeze %dma_start3A_272 : memref<1x128xi32, #tpu.memory_space<vmem>> -> memref<128xi32, #tpu.memory_space<vmem>>
        %dma_start3A_274 = tpu.memref_slice %arg3[%mul3A_265] : memref<320000xi32, #tpu.memory_space<hbm>> -> memref<128xi32, #tpu.memory_space<hbm>>
        tpu.enqueue_dma source(%dma_start3A_274 : memref<128xi32, #tpu.memory_space<hbm>>) target(%dma_start3A_273 : memref<128xi32, #tpu.memory_space<vmem>>) target_semaphore(%dma_start3A_270 : memref<!tpu.dma_semaphore, #tpu.memory_space<semaphore_mem>>)
        %mul3A_275 = arith.constant 128 : i32
        %mul3A_276 = arith.muli %add3A_261, %mul3A_275 : i32
        %dma_start3A_277 = arith.constant 0 : i32
        %dma_start3A_278 = arith.constant 0 : i32
        %dma_start3A_279 = tpu.memref_slice %arg7[%rem3A_263, %dma_start3A_277, %dma_start3A_278] : memref<2x128x128xf32, #tpu.memory_space<vmem>> -> memref<1x128x128xf32, #tpu.memory_space<vmem>>
        %dma_start3A_280 = tpu.memref_squeeze %dma_start3A_279 : memref<1x128x128xf32, #tpu.memory_space<vmem>> -> memref<128x128xf32, #tpu.memory_space<vmem>>
        %dma_start3A_281 = arith.constant 0 : i32
        %dma_start3A_282 = tpu.memref_slice %arg2[%mul3A_276, %dma_start3A_281] : memref<320000x128xf32, #tpu.memory_space<hbm>> -> memref<128x128xf32, #tpu.memory_space<hbm>>
        %dma_start3A_283 = tpu.memref_slice %arg13[%rem3A_263] : memref<2x!tpu.dma_semaphore, #tpu.memory_space<semaphore_mem>> -> memref<1x!tpu.dma_semaphore, #tpu.memory_space<semaphore_mem>>
        %dma_start3A_284 = tpu.memref_squeeze %dma_start3A_283 : memref<1x!tpu.dma_semaphore, #tpu.memory_space<semaphore_mem>> -> memref<!tpu.dma_semaphore, #tpu.memory_space<semaphore_mem>>
        %dma_start3A_285 = arith.constant 0 : i32
        %dma_start3A_286 = arith.constant 0 : i32
        %dma_start3A_287 = tpu.memref_slice %arg7[%rem3A_263, %dma_start3A_285, %dma_start3A_286] : memref<2x128x128xf32, #tpu.memory_space<vmem>> -> memref<1x128x128xf32, #tpu.memory_space<vmem>>
        %dma_start3A_288 = tpu.memref_squeeze %dma_start3A_287 : memref<1x128x128xf32, #tpu.memory_space<vmem>> -> memref<128x128xf32, #tpu.memory_space<vmem>>
        %dma_start3A_289 = arith.constant 0 : i32
        %dma_start3A_290 = tpu.memref_slice %arg2[%mul3A_276, %dma_start3A_289] : memref<320000x128xf32, #tpu.memory_space<hbm>> -> memref<128x128xf32, #tpu.memory_space<hbm>>
        tpu.enqueue_dma source(%dma_start3A_290 : memref<128x128xf32, #tpu.memory_space<hbm>>) target(%dma_start3A_288 : memref<128x128xf32, #tpu.memory_space<vmem>>) target_semaphore(%dma_start3A_284 : memref<!tpu.dma_semaphore, #tpu.memory_space<semaphore_mem>>)
      } else {
      }
      %mul3A_236 = arith.constant 128 : i32
      %mul3A_237 = arith.muli %while3A_215, %mul3A_236 : i32
      %dma_wait3A_238 = arith.constant 0 : i32
      %dma_wait3A_239 = arith.constant 0 : i32
      %dma_wait3A_240 = tpu.memref_slice %arg7[%rem3A_218, %dma_wait3A_238, %dma_wait3A_239] : memref<2x128x128xf32, #tpu.memory_space<vmem>> -> memref<1x128x128xf32, #tpu.memory_space<vmem>>
      %dma_wait3A_241 = tpu.memref_squeeze %dma_wait3A_240 : memref<1x128x128xf32, #tpu.memory_space<vmem>> -> memref<128x128xf32, #tpu.memory_space<vmem>>
      %dma_wait3A_242 = arith.constant 0 : i32
      %dma_wait3A_243 = tpu.memref_slice %arg2[%mul3A_237, %dma_wait3A_242] : memref<320000x128xf32, #tpu.memory_space<hbm>> -> memref<128x128xf32, #tpu.memory_space<hbm>>
      %dma_wait3A_244 = tpu.memref_slice %arg13[%rem3A_218] : memref<2x!tpu.dma_semaphore, #tpu.memory_space<semaphore_mem>> -> memref<1x!tpu.dma_semaphore, #tpu.memory_space<semaphore_mem>>
      %dma_wait3A_245 = tpu.memref_squeeze %dma_wait3A_244 : memref<1x!tpu.dma_semaphore, #tpu.memory_space<semaphore_mem>> -> memref<!tpu.dma_semaphore, #tpu.memory_space<semaphore_mem>>
      %dma_wait3A_246 = arith.constant 0 : i32
      %dma_wait3A_247 = arith.constant 0 : i32
      %dma_wait3A_248 = tpu.memref_slice %arg7[%rem3A_218, %dma_wait3A_246, %dma_wait3A_247] : memref<2x128x128xf32, #tpu.memory_space<vmem>> -> memref<1x128x128xf32, #tpu.memory_space<vmem>>
      %dma_wait3A_249 = tpu.memref_squeeze %dma_wait3A_248 : memref<1x128x128xf32, #tpu.memory_space<vmem>> -> memref<128x128xf32, #tpu.memory_space<vmem>>
      %dma_wait3A_250 = arith.constant 0 : i32
      %dma_wait3A_251 = tpu.memref_slice %arg2[%mul3A_237, %dma_wait3A_250] : memref<320000x128xf32, #tpu.memory_space<hbm>> -> memref<128x128xf32, #tpu.memory_space<hbm>>
      tpu.wait_dma2 semaphore(%dma_wait3A_245 : memref<!tpu.dma_semaphore, #tpu.memory_space<semaphore_mem>>) src(%dma_wait3A_251 : memref<128x128xf32, #tpu.memory_space<hbm>>) dst(%dma_wait3A_249 : memref<128x128xf32, #tpu.memory_space<vmem>>)
      %scan3A_252 = arith.constant 0 : i32
      %scan3A_253 = arith.constant 0 : i32
      %scan3A_254 = arith.constant 8 : i32
      %scan3A_255 = arith.addi %scan3A_253, %scan3A_254 : i32
      %scan3A_256 = arith.constant 1 : i32
      %scan3A_257 = scf.for %scan3A_260 = %scan3A_253 to %scan3A_255 step %scan3A_256 iter_args(%scan3A_261 = %scan3A_252) -> (i32)  : i32 {
        %mul3A_262 = arith.constant 16 : i32
        %mul3A_263 = arith.muli %scan3A_260, %mul3A_262 : i32
        %get3A_264 = arith.index_cast %rem3A_218 : i32 to index
        %get3A_265 = arith.index_cast %mul3A_263 : i32 to index
        %get3A_266 = tpu.vector_load %arg6[%get3A_264, %get3A_265] {strides = array<i32>} : memref<2x128xi32, #tpu.memory_space<vmem>>, vector<16xi32>,
        %sub3A_267 = vector.broadcast %mul3A_21 : i32 to vector<16xi32>
        %sub3A_268 = arith.subi %get3A_266, %sub3A_267 : vector<16xi32>
        %ge3A = arith.constant 0 : i32
        %ge3A_269 = vector.broadcast %ge3A : i32 to vector<16xi32>
        %ge3A_270 = arith.cmpi sge, %sub3A_268, %ge3A_269 : vector<16xi32>
        %lt3A_271 = arith.constant 256 : i32
        %lt3A_272 = vector.broadcast %lt3A_271 : i32 to vector<16xi32>
        %lt3A_273 = arith.cmpi slt, %sub3A_268, %lt3A_272 : vector<16xi32>
        %and3A_274 = arith.andi %ge3A_270, %lt3A_273 : vector<16xi1>
        %jit3A_275 = arith.constant 256 : i32
        %broadcast_in_dim3A_276 = vector.broadcast %jit3A_275 : i32 to vector<16xi32>
        %select_n3A_277 = arith.select %and3A_274, %sub3A_268, %broadcast_in_dim3A_276 : vector<16xi1>, vector<16xi32>
        %slice3A_278 = vector.extract_strided_slice %select_n3A_277 {offsets = [0], sizes = [1], strides = [1]} : vector<16xi32> to vector<1xi32>
        %squeeze3A_279 = vector.extract %slice3A_278[0] : i32 from vector<1xi32>
        %slice3A_280 = vector.extract_strided_slice %select_n3A_277 {offsets = [1], sizes = [1], strides = [1]} : vector<16xi32> to vector<1xi32>
        %squeeze3A_281 = vector.extract %slice3A_280[0] : i32 from vector<1xi32>
        %slice3A_282 = vector.extract_strided_slice %select_n3A_277 {offsets = [2], sizes = [1], strides = [1]} : vector<16xi32> to vector<1xi32>
        %squeeze3A_283 = vector.extract %slice3A_282[0] : i32 from vector<1xi32>
        %slice3A_284 = vector.extract_strided_slice %select_n3A_277 {offsets = [3], sizes = [1], strides = [1]} : vector<16xi32> to vector<1xi32>
        %squeeze3A_285 = vector.extract %slice3A_284[0] : i32 from vector<1xi32>
        %slice3A_286 = vector.extract_strided_slice %select_n3A_277 {offsets = [4], sizes = [1], strides = [1]} : vector<16xi32> to vector<1xi32>
        %squeeze3A_287 = vector.extract %slice3A_286[0] : i32 from vector<1xi32>
        %slice3A_288 = vector.extract_strided_slice %select_n3A_277 {offsets = [5], sizes = [1], strides = [1]} : vector<16xi32> to vector<1xi32>
        %squeeze3A_289 = vector.extract %slice3A_288[0] : i32 from vector<1xi32>
        %slice3A_290 = vector.extract_strided_slice %select_n3A_277 {offsets = [6], sizes = [1], strides = [1]} : vector<16xi32> to vector<1xi32>
        %squeeze3A_291 = vector.extract %slice3A_290[0] : i32 from vector<1xi32>
        %slice3A_292 = vector.extract_strided_slice %select_n3A_277 {offsets = [7], sizes = [1], strides = [1]} : vector<16xi32> to vector<1xi32>
        %squeeze3A_293 = vector.extract %slice3A_292[0] : i32 from vector<1xi32>
        %slice3A_294 = vector.extract_strided_slice %select_n3A_277 {offsets = [8], sizes = [1], strides = [1]} : vector<16xi32> to vector<1xi32>
        %squeeze3A_295 = vector.extract %slice3A_294[0] : i32 from vector<1xi32>
        %slice3A_296 = vector.extract_strided_slice %select_n3A_277 {offsets = [9], sizes = [1], strides = [1]} : vector<16xi32> to vector<1xi32>
        %squeeze3A_297 = vector.extract %slice3A_296[0] : i32 from vector<1xi32>
        %slice3A_298 = vector.extract_strided_slice %select_n3A_277 {offsets = [10], sizes = [1], strides = [1]} : vector<16xi32> to vector<1xi32>
        %squeeze3A_299 = vector.extract %slice3A_298[0] : i32 from vector<1xi32>
        %slice3A_300 = vector.extract_strided_slice %select_n3A_277 {offsets = [11], sizes = [1], strides = [1]} : vector<16xi32> to vector<1xi32>
        %squeeze3A_301 = vector.extract %slice3A_300[0] : i32 from vector<1xi32>
        %slice3A_302 = vector.extract_strided_slice %select_n3A_277 {offsets = [12], sizes = [1], strides = [1]} : vector<16xi32> to vector<1xi32>
        %squeeze3A_303 = vector.extract %slice3A_302[0] : i32 from vector<1xi32>
        %slice3A_304 = vector.extract_strided_slice %select_n3A_277 {offsets = [13], sizes = [1], strides = [1]} : vector<16xi32> to vector<1xi32>
        %squeeze3A_305 = vector.extract %slice3A_304[0] : i32 from vector<1xi32>
        %slice3A_306 = vector.extract_strided_slice %select_n3A_277 {offsets = [14], sizes = [1], strides = [1]} : vector<16xi32> to vector<1xi32>
        %squeeze3A_307 = vector.extract %slice3A_306[0] : i32 from vector<1xi32>
        %slice3A_308 = vector.extract_strided_slice %select_n3A_277 {offsets = [15], sizes = [1], strides = [1]} : vector<16xi32> to vector<1xi32>
        %squeeze3A_309 = vector.extract %slice3A_308[0] : i32 from vector<1xi32>
        %get3A_310 = arith.index_cast %squeeze3A_279 : i32 to index
        %get3A_311 = arith.constant 0 : index
        %get3A_312 = tpu.vector_load %arg8[%get3A_310, %get3A_311] {strides = array<i32>} : memref<264x128xf32, #tpu.memory_space<vmem>>, vector<16xf32>,
        %get3A_313 = arith.index_cast %squeeze3A_279 : i32 to index
        %get3A_314 = arith.constant 16 : index
        %get3A_315 = tpu.vector_load %arg8[%get3A_313, %get3A_314] {strides = array<i32>} : memref<264x128xf32, #tpu.memory_space<vmem>>, vector<16xf32>,
        %get3A_316 = arith.index_cast %squeeze3A_279 : i32 to index
        %get3A_317 = arith.constant 32 : index
        %get3A_318 = tpu.vector_load %arg8[%get3A_316, %get3A_317] {strides = array<i32>} : memref<264x128xf32, #tpu.memory_space<vmem>>, vector<16xf32>,
        %get3A_319 = arith.index_cast %squeeze3A_279 : i32 to index
        %get3A_320 = arith.constant 48 : index
        %get3A_321 = tpu.vector_load %arg8[%get3A_319, %get3A_320] {strides = array<i32>} : memref<264x128xf32, #tpu.memory_space<vmem>>, vector<16xf32>,
        %get3A_322 = arith.index_cast %squeeze3A_279 : i32 to index
        %get3A_323 = arith.constant 64 : index
        %get3A_324 = tpu.vector_load %arg8[%get3A_322, %get3A_323] {strides = array<i32>} : memref<264x128xf32, #tpu.memory_space<vmem>>, vector<16xf32>,
        %get3A_325 = arith.index_cast %squeeze3A_279 : i32 to index
        %get3A_326 = arith.constant 80 : index
        %get3A_327 = tpu.vector_load %arg8[%get3A_325, %get3A_326] {strides = array<i32>} : memref<264x128xf32, #tpu.memory_space<vmem>>, vector<16xf32>,
        %get3A_328 = arith.index_cast %squeeze3A_279 : i32 to index
        %get3A_329 = arith.constant 96 : index
        %get3A_330 = tpu.vector_load %arg8[%get3A_328, %get3A_329] {strides = array<i32>} : memref<264x128xf32, #tpu.memory_space<vmem>>, vector<16xf32>,
        %get3A_331 = arith.index_cast %squeeze3A_279 : i32 to index
        %get3A_332 = arith.constant 112 : index
        %get3A_333 = tpu.vector_load %arg8[%get3A_331, %get3A_332] {strides = array<i32>} : memref<264x128xf32, #tpu.memory_space<vmem>>, vector<16xf32>,
        %mul3A_334 = arith.constant 16 : i32
        %mul3A_335 = arith.muli %scan3A_260, %mul3A_334 : i32
        %add3A_336 = arith.constant 0 : i32
        %add3A_337 = arith.addi %mul3A_335, %add3A_336 : i32
        %get3A_338 = arith.index_cast %rem3A_218 : i32 to index
        %get3A_339 = arith.index_cast %add3A_337 : i32 to index
        %get3A_340 = arith.constant 0 : index
        %get3A_341 = tpu.vector_load %arg7[%get3A_338, %get3A_339, %get3A_340] {strides = array<i32>} : memref<2x128x128xf32, #tpu.memory_space<vmem>>, vector<16xf32>,
        %mul3A_342 = arith.constant 16 : i32
        %mul3A_343 = arith.muli %scan3A_260, %mul3A_342 : i32
        %add3A_344 = arith.constant 0 : i32
        %add3A_345 = arith.addi %mul3A_343, %add3A_344 : i32
        %get3A_346 = arith.index_cast %rem3A_218 : i32 to index
        %get3A_347 = arith.index_cast %add3A_345 : i32 to index
        %get3A_348 = arith.constant 16 : index
        %get3A_349 = tpu.vector_load %arg7[%get3A_346, %get3A_347, %get3A_348] {strides = array<i32>} : memref<2x128x128xf32, #tpu.memory_space<vmem>>, vector<16xf32>,
        %mul3A_350 = arith.constant 16 : i32
        %mul3A_351 = arith.muli %scan3A_260, %mul3A_350 : i32
        %add3A_352 = arith.constant 0 : i32
        %add3A_353 = arith.addi %mul3A_351, %add3A_352 : i32
        %get3A_354 = arith.index_cast %rem3A_218 : i32 to index
        %get3A_355 = arith.index_cast %add3A_353 : i32 to index
        %get3A_356 = arith.constant 32 : index
        %get3A_357 = tpu.vector_load %arg7[%get3A_354, %get3A_355, %get3A_356] {strides = array<i32>} : memref<2x128x128xf32, #tpu.memory_space<vmem>>, vector<16xf32>,
        %mul3A_358 = arith.constant 16 : i32
        %mul3A_359 = arith.muli %scan3A_260, %mul3A_358 : i32
        %add3A_360 = arith.constant 0 : i32
        %add3A_361 = arith.addi %mul3A_359, %add3A_360 : i32
        %get3A_362 = arith.index_cast %rem3A_218 : i32 to index
        %get3A_363 = arith.index_cast %add3A_361 : i32 to index
        %get3A_364 = arith.constant 48 : index
        %get3A_365 = tpu.vector_load %arg7[%get3A_362, %get3A_363, %get3A_364] {strides = array<i32>} : memref<2x128x128xf32, #tpu.memory_space<vmem>>, vector<16xf32>,
        %mul3A_366 = arith.constant 16 : i32
        %mul3A_367 = arith.muli %scan3A_260, %mul3A_366 : i32
        %add3A_368 = arith.constant 0 : i32
        %add3A_369 = arith.addi %mul3A_367, %add3A_368 : i32
        %get3A_370 = arith.index_cast %rem3A_218 : i32 to index
        %get3A_371 = arith.index_cast %add3A_369 : i32 to index
        %get3A_372 = arith.constant 64 : index
        %get3A_373 = tpu.vector_load %arg7[%get3A_370, %get3A_371, %get3A_372] {strides = array<i32>} : memref<2x128x128xf32, #tpu.memory_space<vmem>>, vector<16xf32>,
        %mul3A_374 = arith.constant 16 : i32
        %mul3A_375 = arith.muli %scan3A_260, %mul3A_374 : i32
        %add3A_376 = arith.constant 0 : i32
        %add3A_377 = arith.addi %mul3A_375, %add3A_376 : i32
        %get3A_378 = arith.index_cast %rem3A_218 : i32 to index
        %get3A_379 = arith.index_cast %add3A_377 : i32 to index
        %get3A_380 = arith.constant 80 : index
        %get3A_381 = tpu.vector_load %arg7[%get3A_378, %get3A_379, %get3A_380] {strides = array<i32>} : memref<2x128x128xf32, #tpu.memory_space<vmem>>, vector<16xf32>,
        %mul3A_382 = arith.constant 16 : i32
        %mul3A_383 = arith.muli %scan3A_260, %mul3A_382 : i32
        %add3A_384 = arith.constant 0 : i32
        %add3A_385 = arith.addi %mul3A_383, %add3A_384 : i32
        %get3A_386 = arith.index_cast %rem3A_218 : i32 to index
        %get3A_387 = arith.index_cast %add3A_385 : i32 to index
        %get3A_388 = arith.constant 96 : index
        %get3A_389 = tpu.vector_load %arg7[%get3A_386, %get3A_387, %get3A_388] {strides = array<i32>} : memref<2x128x128xf32, #tpu.memory_space<vmem>>, vector<16xf32>,
        %mul3A_390 = arith.constant 16 : i32
        %mul3A_391 = arith.muli %scan3A_260, %mul3A_390 : i32
        %add3A_392 = arith.constant 0 : i32
        %add3A_393 = arith.addi %mul3A_391, %add3A_392 : i32
        %get3A_394 = arith.index_cast %rem3A_218 : i32 to index
        %get3A_395 = arith.index_cast %add3A_393 : i32 to index
        %get3A_396 = arith.constant 112 : index
        %get3A_397 = tpu.vector_load %arg7[%get3A_394, %get3A_395, %get3A_396] {strides = array<i32>} : memref<2x128x128xf32, #tpu.memory_space<vmem>>, vector<16xf32>,
        %max3A = arith.maximumf %get3A_312, %get3A_341 : vector<16xf32>
        %swap3A = arith.index_cast %squeeze3A_279 : i32 to index
        %swap3A_398 = arith.constant 0 : index
        %swap3A_399 = tpu.vector_load %arg8[%swap3A, %swap3A_398] {strides = array<i32>} : memref<264x128xf32, #tpu.memory_space<vmem>>, vector<16xf32>,
        tpu.vector_store %arg8[%swap3A, %swap3A_398], %max3A {strides = array<i32>} : memref<264x128xf32, #tpu.memory_space<vmem>>, vector<16xf32>,
        %max3A_400 = arith.maximumf %get3A_315, %get3A_349 : vector<16xf32>
        %swap3A_401 = arith.index_cast %squeeze3A_279 : i32 to index
        %swap3A_402 = arith.constant 16 : index
        %swap3A_403 = tpu.vector_load %arg8[%swap3A_401, %swap3A_402] {strides = array<i32>} : memref<264x128xf32, #tpu.memory_space<vmem>>, vector<16xf32>,
        tpu.vector_store %arg8[%swap3A_401, %swap3A_402], %max3A_400 {strides = array<i32>} : memref<264x128xf32, #tpu.memory_space<vmem>>, vector<16xf32>,
        %max3A_404 = arith.maximumf %get3A_318, %get3A_357 : vector<16xf32>
        %swap3A_405 = arith.index_cast %squeeze3A_279 : i32 to index
        %swap3A_406 = arith.constant 32 : index
        %swap3A_407 = tpu.vector_load %arg8[%swap3A_405, %swap3A_406] {strides = array<i32>} : memref<264x128xf32, #tpu.memory_space<vmem>>, vector<16xf32>,
        tpu.vector_store %arg8[%swap3A_405, %swap3A_406], %max3A_404 {strides = array<i32>} : memref<264x128xf32, #tpu.memory_space<vmem>>, vector<16xf32>,
        %max3A_408 = arith.maximumf %get3A_321, %get3A_365 : vector<16xf32>
        %swap3A_409 = arith.index_cast %squeeze3A_279 : i32 to index
        %swap3A_410 = arith.constant 48 : index
        %swap3A_411 = tpu.vector_load %arg8[%swap3A_409, %swap3A_410] {strides = array<i32>} : memref<264x128xf32, #tpu.memory_space<vmem>>, vector<16xf32>,
        tpu.vector_store %arg8[%swap3A_409, %swap3A_410], %max3A_408 {strides = array<i32>} : memref<264x128xf32, #tpu.memory_space<vmem>>, vector<16xf32>,
        %max3A_412 = arith.maximumf %get3A_324, %get3A_373 : vector<16xf32>
        %swap3A_413 = arith.index_cast %squeeze3A_279 : i32 to index
        %swap3A_414 = arith.constant 64 : index
        %swap3A_415 = tpu.vector_load %arg8[%swap3A_413, %swap3A_414] {strides = array<i32>} : memref<264x128xf32, #tpu.memory_space<vmem>>, vector<16xf32>,
        tpu.vector_store %arg8[%swap3A_413, %swap3A_414], %max3A_412 {strides = array<i32>} : memref<264x128xf32, #tpu.memory_space<vmem>>, vector<16xf32>,
        %max3A_416 = arith.maximumf %get3A_327, %get3A_381 : vector<16xf32>
        %swap3A_417 = arith.index_cast %squeeze3A_279 : i32 to index
        %swap3A_418 = arith.constant 80 : index
        %swap3A_419 = tpu.vector_load %arg8[%swap3A_417, %swap3A_418] {strides = array<i32>} : memref<264x128xf32, #tpu.memory_space<vmem>>, vector<16xf32>,
        tpu.vector_store %arg8[%swap3A_417, %swap3A_418], %max3A_416 {strides = array<i32>} : memref<264x128xf32, #tpu.memory_space<vmem>>, vector<16xf32>,
        %max3A_420 = arith.maximumf %get3A_330, %get3A_389 : vector<16xf32>
        %swap3A_421 = arith.index_cast %squeeze3A_279 : i32 to index
        %swap3A_422 = arith.constant 96 : index
        %swap3A_423 = tpu.vector_load %arg8[%swap3A_421, %swap3A_422] {strides = array<i32>} : memref<264x128xf32, #tpu.memory_space<vmem>>, vector<16xf32>,
        tpu.vector_store %arg8[%swap3A_421, %swap3A_422], %max3A_420 {strides = array<i32>} : memref<264x128xf32, #tpu.memory_space<vmem>>, vector<16xf32>,
        %max3A_424 = arith.maximumf %get3A_333, %get3A_397 : vector<16xf32>
        %swap3A_425 = arith.index_cast %squeeze3A_279 : i32 to index
        %swap3A_426 = arith.constant 112 : index
        %swap3A_427 = tpu.vector_load %arg8[%swap3A_425, %swap3A_426] {strides = array<i32>} : memref<264x128xf32, #tpu.memory_space<vmem>>, vector<16xf32>,
        tpu.vector_store %arg8[%swap3A_425, %swap3A_426], %max3A_424 {strides = array<i32>} : memref<264x128xf32, #tpu.memory_space<vmem>>, vector<16xf32>,
        %get3A_428 = arith.index_cast %squeeze3A_281 : i32 to index
        %get3A_429 = arith.constant 0 : index
        %get3A_430 = tpu.vector_load %arg9[%get3A_428, %get3A_429] {strides = array<i32>} : memref<264x128xf32, #tpu.memory_space<vmem>>, vector<16xf32>,
        %get3A_431 = arith.index_cast %squeeze3A_281 : i32 to index
        %get3A_432 = arith.constant 16 : index
        %get3A_433 = tpu.vector_load %arg9[%get3A_431, %get3A_432] {strides = array<i32>} : memref<264x128xf32, #tpu.memory_space<vmem>>, vector<16xf32>,
        %get3A_434 = arith.index_cast %squeeze3A_281 : i32 to index
        %get3A_435 = arith.constant 32 : index
        %get3A_436 = tpu.vector_load %arg9[%get3A_434, %get3A_435] {strides = array<i32>} : memref<264x128xf32, #tpu.memory_space<vmem>>, vector<16xf32>,
        %get3A_437 = arith.index_cast %squeeze3A_281 : i32 to index
        %get3A_438 = arith.constant 48 : index
        %get3A_439 = tpu.vector_load %arg9[%get3A_437, %get3A_438] {strides = array<i32>} : memref<264x128xf32, #tpu.memory_space<vmem>>, vector<16xf32>,
        %get3A_440 = arith.index_cast %squeeze3A_281 : i32 to index
        %get3A_441 = arith.constant 64 : index
        %get3A_442 = tpu.vector_load %arg9[%get3A_440, %get3A_441] {strides = array<i32>} : memref<264x128xf32, #tpu.memory_space<vmem>>, vector<16xf32>,
        %get3A_443 = arith.index_cast %squeeze3A_281 : i32 to index
        %get3A_444 = arith.constant 80 : index
        %get3A_445 = tpu.vector_load %arg9[%get3A_443, %get3A_444] {strides = array<i32>} : memref<264x128xf32, #tpu.memory_space<vmem>>, vector<16xf32>,
        %get3A_446 = arith.index_cast %squeeze3A_281 : i32 to index
        %get3A_447 = arith.constant 96 : index
        %get3A_448 = tpu.vector_load %arg9[%get3A_446, %get3A_447] {strides = array<i32>} : memref<264x128xf32, #tpu.memory_space<vmem>>, vector<16xf32>,
        %get3A_449 = arith.index_cast %squeeze3A_281 : i32 to index
        %get3A_450 = arith.constant 112 : index
        %get3A_451 = tpu.vector_load %arg9[%get3A_449, %get3A_450] {strides = array<i32>} : memref<264x128xf32, #tpu.memory_space<vmem>>, vector<16xf32>,
        %mul3A_452 = arith.constant 16 : i32
        %mul3A_453 = arith.muli %scan3A_260, %mul3A_452 : i32
        %add3A_454 = arith.constant 1 : i32
        %add3A_455 = arith.addi %mul3A_453, %add3A_454 : i32
        %get3A_456 = arith.index_cast %rem3A_218 : i32 to index
        %get3A_457 = arith.index_cast %add3A_455 : i32 to index
        %get3A_458 = arith.constant 0 : index
        %get3A_459 = tpu.vector_load %arg7[%get3A_456, %get3A_457, %get3A_458] {strides = array<i32>} : memref<2x128x128xf32, #tpu.memory_space<vmem>>, vector<16xf32>,
        %mul3A_460 = arith.constant 16 : i32
        %mul3A_461 = arith.muli %scan3A_260, %mul3A_460 : i32
        %add3A_462 = arith.constant 1 : i32
        %add3A_463 = arith.addi %mul3A_461, %add3A_462 : i32
        %get3A_464 = arith.index_cast %rem3A_218 : i32 to index
        %get3A_465 = arith.index_cast %add3A_463 : i32 to index
        %get3A_466 = arith.constant 16 : index
        %get3A_467 = tpu.vector_load %arg7[%get3A_464, %get3A_465, %get3A_466] {strides = array<i32>} : memref<2x128x128xf32, #tpu.memory_space<vmem>>, vector<16xf32>,
        %mul3A_468 = arith.constant 16 : i32
        %mul3A_469 = arith.muli %scan3A_260, %mul3A_468 : i32
        %add3A_470 = arith.constant 1 : i32
        %add3A_471 = arith.addi %mul3A_469, %add3A_470 : i32
        %get3A_472 = arith.index_cast %rem3A_218 : i32 to index
        %get3A_473 = arith.index_cast %add3A_471 : i32 to index
        %get3A_474 = arith.constant 32 : index
        %get3A_475 = tpu.vector_load %arg7[%get3A_472, %get3A_473, %get3A_474] {strides = array<i32>} : memref<2x128x128xf32, #tpu.memory_space<vmem>>, vector<16xf32>,
        %mul3A_476 = arith.constant 16 : i32
        %mul3A_477 = arith.muli %scan3A_260, %mul3A_476 : i32
        %add3A_478 = arith.constant 1 : i32
        %add3A_479 = arith.addi %mul3A_477, %add3A_478 : i32
        %get3A_480 = arith.index_cast %rem3A_218 : i32 to index
        %get3A_481 = arith.index_cast %add3A_479 : i32 to index
        %get3A_482 = arith.constant 48 : index
        %get3A_483 = tpu.vector_load %arg7[%get3A_480, %get3A_481, %get3A_482] {strides = array<i32>} : memref<2x128x128xf32, #tpu.memory_space<vmem>>, vector<16xf32>,
        %mul3A_484 = arith.constant 16 : i32
        %mul3A_485 = arith.muli %scan3A_260, %mul3A_484 : i32
        %add3A_486 = arith.constant 1 : i32
        %add3A_487 = arith.addi %mul3A_485, %add3A_486 : i32
        %get3A_488 = arith.index_cast %rem3A_218 : i32 to index
        %get3A_489 = arith.index_cast %add3A_487 : i32 to index
        %get3A_490 = arith.constant 64 : index
        %get3A_491 = tpu.vector_load %arg7[%get3A_488, %get3A_489, %get3A_490] {strides = array<i32>} : memref<2x128x128xf32, #tpu.memory_space<vmem>>, vector<16xf32>,
        %mul3A_492 = arith.constant 16 : i32
        %mul3A_493 = arith.muli %scan3A_260, %mul3A_492 : i32
        %add3A_494 = arith.constant 1 : i32
        %add3A_495 = arith.addi %mul3A_493, %add3A_494 : i32
        %get3A_496 = arith.index_cast %rem3A_218 : i32 to index
        %get3A_497 = arith.index_cast %add3A_495 : i32 to index
        %get3A_498 = arith.constant 80 : index
        %get3A_499 = tpu.vector_load %arg7[%get3A_496, %get3A_497, %get3A_498] {strides = array<i32>} : memref<2x128x128xf32, #tpu.memory_space<vmem>>, vector<16xf32>,
        %mul3A_500 = arith.constant 16 : i32
        %mul3A_501 = arith.muli %scan3A_260, %mul3A_500 : i32
        %add3A_502 = arith.constant 1 : i32
        %add3A_503 = arith.addi %mul3A_501, %add3A_502 : i32
        %get3A_504 = arith.index_cast %rem3A_218 : i32 to index
        %get3A_505 = arith.index_cast %add3A_503 : i32 to index
        %get3A_506 = arith.constant 96 : index
        %get3A_507 = tpu.vector_load %arg7[%get3A_504, %get3A_505, %get3A_506] {strides = array<i32>} : memref<2x128x128xf32, #tpu.memory_space<vmem>>, vector<16xf32>,
        %mul3A_508 = arith.constant 16 : i32
        %mul3A_509 = arith.muli %scan3A_260, %mul3A_508 : i32
        %add3A_510 = arith.constant 1 : i32
        %add3A_511 = arith.addi %mul3A_509, %add3A_510 : i32
        %get3A_512 = arith.index_cast %rem3A_218 : i32 to index
        %get3A_513 = arith.index_cast %add3A_511 : i32 to index
        %get3A_514 = arith.constant 112 : index
        %get3A_515 = tpu.vector_load %arg7[%get3A_512, %get3A_513, %get3A_514] {strides = array<i32>} : memref<2x128x128xf32, #tpu.memory_space<vmem>>, vector<16xf32>,
        %max3A_516 = arith.maximumf %get3A_430, %get3A_459 : vector<16xf32>
        %swap3A_517 = arith.index_cast %squeeze3A_281 : i32 to index
        %swap3A_518 = arith.constant 0 : index
        %swap3A_519 = tpu.vector_load %arg9[%swap3A_517, %swap3A_518] {strides = array<i32>} : memref<264x128xf32, #tpu.memory_space<vmem>>, vector<16xf32>,
        tpu.vector_store %arg9[%swap3A_517, %swap3A_518], %max3A_516 {strides = array<i32>} : memref<264x128xf32, #tpu.memory_space<vmem>>, vector<16xf32>,
        %max3A_520 = arith.maximumf %get3A_433, %get3A_467 : vector<16xf32>
        %swap3A_521 = arith.index_cast %squeeze3A_281 : i32 to index
        %swap3A_522 = arith.constant 16 : index
        %swap3A_523 = tpu.vector_load %arg9[%swap3A_521, %swap3A_522] {strides = array<i32>} : memref<264x128xf32, #tpu.memory_space<vmem>>, vector<16xf32>,
        tpu.vector_store %arg9[%swap3A_521, %swap3A_522], %max3A_520 {strides = array<i32>} : memref<264x128xf32, #tpu.memory_space<vmem>>, vector<16xf32>,
        %max3A_524 = arith.maximumf %get3A_436, %get3A_475 : vector<16xf32>
        %swap3A_525 = arith.index_cast %squeeze3A_281 : i32 to index
        %swap3A_526 = arith.constant 32 : index
        %swap3A_527 = tpu.vector_load %arg9[%swap3A_525, %swap3A_526] {strides = array<i32>} : memref<264x128xf32, #tpu.memory_space<vmem>>, vector<16xf32>,
        tpu.vector_store %arg9[%swap3A_525, %swap3A_526], %max3A_524 {strides = array<i32>} : memref<264x128xf32, #tpu.memory_space<vmem>>, vector<16xf32>,
        %max3A_528 = arith.maximumf %get3A_439, %get3A_483 : vector<16xf32>
        %swap3A_529 = arith.index_cast %squeeze3A_281 : i32 to index
        %swap3A_530 = arith.constant 48 : index
        %swap3A_531 = tpu.vector_load %arg9[%swap3A_529, %swap3A_530] {strides = array<i32>} : memref<264x128xf32, #tpu.memory_space<vmem>>, vector<16xf32>,
        tpu.vector_store %arg9[%swap3A_529, %swap3A_530], %max3A_528 {strides = array<i32>} : memref<264x128xf32, #tpu.memory_space<vmem>>, vector<16xf32>,
        %max3A_532 = arith.maximumf %get3A_442, %get3A_491 : vector<16xf32>
        %swap3A_533 = arith.index_cast %squeeze3A_281 : i32 to index
        %swap3A_534 = arith.constant 64 : index
        %swap3A_535 = tpu.vector_load %arg9[%swap3A_533, %swap3A_534] {strides = array<i32>} : memref<264x128xf32, #tpu.memory_space<vmem>>, vector<16xf32>,
        tpu.vector_store %arg9[%swap3A_533, %swap3A_534], %max3A_532 {strides = array<i32>} : memref<264x128xf32, #tpu.memory_space<vmem>>, vector<16xf32>,
        %max3A_536 = arith.maximumf %get3A_445, %get3A_499 : vector<16xf32>
        %swap3A_537 = arith.index_cast %squeeze3A_281 : i32 to index
        %swap3A_538 = arith.constant 80 : index
        %swap3A_539 = tpu.vector_load %arg9[%swap3A_537, %swap3A_538] {strides = array<i32>} : memref<264x128xf32, #tpu.memory_space<vmem>>, vector<16xf32>,
        tpu.vector_store %arg9[%swap3A_537, %swap3A_538], %max3A_536 {strides = array<i32>} : memref<264x128xf32, #tpu.memory_space<vmem>>, vector<16xf32>,
        %max3A_540 = arith.maximumf %get3A_448, %get3A_507 : vector<16xf32>
        %swap3A_541 = arith.index_cast %squeeze3A_281 : i32 to index
        %swap3A_542 = arith.constant 96 : index
        %swap3A_543 = tpu.vector_load %arg9[%swap3A_541, %swap3A_542] {strides = array<i32>} : memref<264x128xf32, #tpu.memory_space<vmem>>, vector<16xf32>,
        tpu.vector_store %arg9[%swap3A_541, %swap3A_542], %max3A_540 {strides = array<i32>} : memref<264x128xf32, #tpu.memory_space<vmem>>, vector<16xf32>,
        %max3A_544 = arith.maximumf %get3A_451, %get3A_515 : vector<16xf32>
        %swap3A_545 = arith.index_cast %squeeze3A_281 : i32 to index
        %swap3A_546 = arith.constant 112 : index
        %swap3A_547 = tpu.vector_load %arg9[%swap3A_545, %swap3A_546] {strides = array<i32>} : memref<264x128xf32, #tpu.memory_space<vmem>>, vector<16xf32>,
        tpu.vector_store %arg9[%swap3A_545, %swap3A_546], %max3A_544 {strides = array<i32>} : memref<264x128xf32, #tpu.memory_space<vmem>>, vector<16xf32>,
        %get3A_548 = arith.index_cast %squeeze3A_283 : i32 to index
        %get3A_549 = arith.constant 0 : index
        %get3A_550 = tpu.vector_load %arg8[%get3A_548, %get3A_549] {strides = array<i32>} : memref<264x128xf32, #tpu.memory_space<vmem>>, vector<16xf32>,
        %get3A_551 = arith.index_cast %squeeze3A_283 : i32 to index
        %get3A_552 = arith.constant 16 : index
        %get3A_553 = tpu.vector_load %arg8[%get3A_551, %get3A_552] {strides = array<i32>} : memref<264x128xf32, #tpu.memory_space<vmem>>, vector<16xf32>,
        %get3A_554 = arith.index_cast %squeeze3A_283 : i32 to index
        %get3A_555 = arith.constant 32 : index
        %get3A_556 = tpu.vector_load %arg8[%get3A_554, %get3A_555] {strides = array<i32>} : memref<264x128xf32, #tpu.memory_space<vmem>>, vector<16xf32>,
        %get3A_557 = arith.index_cast %squeeze3A_283 : i32 to index
        %get3A_558 = arith.constant 48 : index
        %get3A_559 = tpu.vector_load %arg8[%get3A_557, %get3A_558] {strides = array<i32>} : memref<264x128xf32, #tpu.memory_space<vmem>>, vector<16xf32>,
        %get3A_560 = arith.index_cast %squeeze3A_283 : i32 to index
        %get3A_561 = arith.constant 64 : index
        %get3A_562 = tpu.vector_load %arg8[%get3A_560, %get3A_561] {strides = array<i32>} : memref<264x128xf32, #tpu.memory_space<vmem>>, vector<16xf32>,
        %get3A_563 = arith.index_cast %squeeze3A_283 : i32 to index
        %get3A_564 = arith.constant 80 : index
        %get3A_565 = tpu.vector_load %arg8[%get3A_563, %get3A_564] {strides = array<i32>} : memref<264x128xf32, #tpu.memory_space<vmem>>, vector<16xf32>,
        %get3A_566 = arith.index_cast %squeeze3A_283 : i32 to index
        %get3A_567 = arith.constant 96 : index
        %get3A_568 = tpu.vector_load %arg8[%get3A_566, %get3A_567] {strides = array<i32>} : memref<264x128xf32, #tpu.memory_space<vmem>>, vector<16xf32>,
        %get3A_569 = arith.index_cast %squeeze3A_283 : i32 to index
        %get3A_570 = arith.constant 112 : index
        %get3A_571 = tpu.vector_load %arg8[%get3A_569, %get3A_570] {strides = array<i32>} : memref<264x128xf32, #tpu.memory_space<vmem>>, vector<16xf32>,
        %mul3A_572 = arith.constant 16 : i32
        %mul3A_573 = arith.muli %scan3A_260, %mul3A_572 : i32
        %add3A_574 = arith.constant 2 : i32
        %add3A_575 = arith.addi %mul3A_573, %add3A_574 : i32
        %get3A_576 = arith.index_cast %rem3A_218 : i32 to index
        %get3A_577 = arith.index_cast %add3A_575 : i32 to index
        %get3A_578 = arith.constant 0 : index
        %get3A_579 = tpu.vector_load %arg7[%get3A_576, %get3A_577, %get3A_578] {strides = array<i32>} : memref<2x128x128xf32, #tpu.memory_space<vmem>>, vector<16xf32>,
        %mul3A_580 = arith.constant 16 : i32
        %mul3A_581 = arith.muli %scan3A_260, %mul3A_580 : i32
        %add3A_582 = arith.constant 2 : i32
        %add3A_583 = arith.addi %mul3A_581, %add3A_582 : i32
        %get3A_584 = arith.index_cast %rem3A_218 : i32 to index
        %get3A_585 = arith.index_cast %add3A_583 : i32 to index
        %get3A_586 = arith.constant 16 : index
        %get3A_587 = tpu.vector_load %arg7[%get3A_584, %get3A_585, %get3A_586] {strides = array<i32>} : memref<2x128x128xf32, #tpu.memory_space<vmem>>, vector<16xf32>,
        %mul3A_588 = arith.constant 16 : i32
        %mul3A_589 = arith.muli %scan3A_260, %mul3A_588 : i32
        %add3A_590 = arith.constant 2 : i32
        %add3A_591 = arith.addi %mul3A_589, %add3A_590 : i32
        %get3A_592 = arith.index_cast %rem3A_218 : i32 to index
        %get3A_593 = arith.index_cast %add3A_591 : i32 to index
        %get3A_594 = arith.constant 32 : index
        %get3A_595 = tpu.vector_load %arg7[%get3A_592, %get3A_593, %get3A_594] {strides = array<i32>} : memref<2x128x128xf32, #tpu.memory_space<vmem>>, vector<16xf32>,
        %mul3A_596 = arith.constant 16 : i32
        %mul3A_597 = arith.muli %scan3A_260, %mul3A_596 : i32
        %add3A_598 = arith.constant 2 : i32
        %add3A_599 = arith.addi %mul3A_597, %add3A_598 : i32
        %get3A_600 = arith.index_cast %rem3A_218 : i32 to index
        %get3A_601 = arith.index_cast %add3A_599 : i32 to index
        %get3A_602 = arith.constant 48 : index
        %get3A_603 = tpu.vector_load %arg7[%get3A_600, %get3A_601, %get3A_602] {strides = array<i32>} : memref<2x128x128xf32, #tpu.memory_space<vmem>>, vector<16xf32>,
        %mul3A_604 = arith.constant 16 : i32
        %mul3A_605 = arith.muli %scan3A_260, %mul3A_604 : i32
        %add3A_606 = arith.constant 2 : i32
        %add3A_607 = arith.addi %mul3A_605, %add3A_606 : i32
        %get3A_608 = arith.index_cast %rem3A_218 : i32 to index
        %get3A_609 = arith.index_cast %add3A_607 : i32 to index
        %get3A_610 = arith.constant 64 : index
        %get3A_611 = tpu.vector_load %arg7[%get3A_608, %get3A_609, %get3A_610] {strides = array<i32>} : memref<2x128x128xf32, #tpu.memory_space<vmem>>, vector<16xf32>,
        %mul3A_612 = arith.constant 16 : i32
        %mul3A_613 = arith.muli %scan3A_260, %mul3A_612 : i32
        %add3A_614 = arith.constant 2 : i32
        %add3A_615 = arith.addi %mul3A_613, %add3A_614 : i32
        %get3A_616 = arith.index_cast %rem3A_218 : i32 to index
        %get3A_617 = arith.index_cast %add3A_615 : i32 to index
        %get3A_618 = arith.constant 80 : index
        %get3A_619 = tpu.vector_load %arg7[%get3A_616, %get3A_617, %get3A_618] {strides = array<i32>} : memref<2x128x128xf32, #tpu.memory_space<vmem>>, vector<16xf32>,
        %mul3A_620 = arith.constant 16 : i32
        %mul3A_621 = arith.muli %scan3A_260, %mul3A_620 : i32
        %add3A_622 = arith.constant 2 : i32
        %add3A_623 = arith.addi %mul3A_621, %add3A_622 : i32
        %get3A_624 = arith.index_cast %rem3A_218 : i32 to index
        %get3A_625 = arith.index_cast %add3A_623 : i32 to index
        %get3A_626 = arith.constant 96 : index
        %get3A_627 = tpu.vector_load %arg7[%get3A_624, %get3A_625, %get3A_626] {strides = array<i32>} : memref<2x128x128xf32, #tpu.memory_space<vmem>>, vector<16xf32>,
        %mul3A_628 = arith.constant 16 : i32
        %mul3A_629 = arith.muli %scan3A_260, %mul3A_628 : i32
        %add3A_630 = arith.constant 2 : i32
        %add3A_631 = arith.addi %mul3A_629, %add3A_630 : i32
        %get3A_632 = arith.index_cast %rem3A_218 : i32 to index
        %get3A_633 = arith.index_cast %add3A_631 : i32 to index
        %get3A_634 = arith.constant 112 : index
        %get3A_635 = tpu.vector_load %arg7[%get3A_632, %get3A_633, %get3A_634] {strides = array<i32>} : memref<2x128x128xf32, #tpu.memory_space<vmem>>, vector<16xf32>,
        %max3A_636 = arith.maximumf %get3A_550, %get3A_579 : vector<16xf32>
        %swap3A_637 = arith.index_cast %squeeze3A_283 : i32 to index
        %swap3A_638 = arith.constant 0 : index
        %swap3A_639 = tpu.vector_load %arg8[%swap3A_637, %swap3A_638] {strides = array<i32>} : memref<264x128xf32, #tpu.memory_space<vmem>>, vector<16xf32>,
        tpu.vector_store %arg8[%swap3A_637, %swap3A_638], %max3A_636 {strides = array<i32>} : memref<264x128xf32, #tpu.memory_space<vmem>>, vector<16xf32>,
        %max3A_640 = arith.maximumf %get3A_553, %get3A_587 : vector<16xf32>
        %swap3A_641 = arith.index_cast %squeeze3A_283 : i32 to index
        %swap3A_642 = arith.constant 16 : index
        %swap3A_643 = tpu.vector_load %arg8[%swap3A_641, %swap3A_642] {strides = array<i32>} : memref<264x128xf32, #tpu.memory_space<vmem>>, vector<16xf32>,
        tpu.vector_store %arg8[%swap3A_641, %swap3A_642], %max3A_640 {strides = array<i32>} : memref<264x128xf32, #tpu.memory_space<vmem>>, vector<16xf32>,
        %max3A_644 = arith.maximumf %get3A_556, %get3A_595 : vector<16xf32>
        %swap3A_645 = arith.index_cast %squeeze3A_283 : i32 to index
        %swap3A_646 = arith.constant 32 : index
        %swap3A_647 = tpu.vector_load %arg8[%swap3A_645, %swap3A_646] {strides = array<i32>} : memref<264x128xf32, #tpu.memory_space<vmem>>, vector<16xf32>,
        tpu.vector_store %arg8[%swap3A_645, %swap3A_646], %max3A_644 {strides = array<i32>} : memref<264x128xf32, #tpu.memory_space<vmem>>, vector<16xf32>,
        %max3A_648 = arith.maximumf %get3A_559, %get3A_603 : vector<16xf32>
        %swap3A_649 = arith.index_cast %squeeze3A_283 : i32 to index
        %swap3A_650 = arith.constant 48 : index
        %swap3A_651 = tpu.vector_load %arg8[%swap3A_649, %swap3A_650] {strides = array<i32>} : memref<264x128xf32, #tpu.memory_space<vmem>>, vector<16xf32>,
        tpu.vector_store %arg8[%swap3A_649, %swap3A_650], %max3A_648 {strides = array<i32>} : memref<264x128xf32, #tpu.memory_space<vmem>>, vector<16xf32>,
        %max3A_652 = arith.maximumf %get3A_562, %get3A_611 : vector<16xf32>
        %swap3A_653 = arith.index_cast %squeeze3A_283 : i32 to index
        %swap3A_654 = arith.constant 64 : index
        %swap3A_655 = tpu.vector_load %arg8[%swap3A_653, %swap3A_654] {strides = array<i32>} : memref<264x128xf32, #tpu.memory_space<vmem>>, vector<16xf32>,
        tpu.vector_store %arg8[%swap3A_653, %swap3A_654], %max3A_652 {strides = array<i32>} : memref<264x128xf32, #tpu.memory_space<vmem>>, vector<16xf32>,
        %max3A_656 = arith.maximumf %get3A_565, %get3A_619 : vector<16xf32>
        %swap3A_657 = arith.index_cast %squeeze3A_283 : i32 to index
        %swap3A_658 = arith.constant 80 : index
        %swap3A_659 = tpu.vector_load %arg8[%swap3A_657, %swap3A_658] {strides = array<i32>} : memref<264x128xf32, #tpu.memory_space<vmem>>, vector<16xf32>,
        tpu.vector_store %arg8[%swap3A_657, %swap3A_658], %max3A_656 {strides = array<i32>} : memref<264x128xf32, #tpu.memory_space<vmem>>, vector<16xf32>,
        %max3A_660 = arith.maximumf %get3A_568, %get3A_627 : vector<16xf32>
        %swap3A_661 = arith.index_cast %squeeze3A_283 : i32 to index
        %swap3A_662 = arith.constant 96 : index
        %swap3A_663 = tpu.vector_load %arg8[%swap3A_661, %swap3A_662] {strides = array<i32>} : memref<264x128xf32, #tpu.memory_space<vmem>>, vector<16xf32>,
        tpu.vector_store %arg8[%swap3A_661, %swap3A_662], %max3A_660 {strides = array<i32>} : memref<264x128xf32, #tpu.memory_space<vmem>>, vector<16xf32>,
        %max3A_664 = arith.maximumf %get3A_571, %get3A_635 : vector<16xf32>
        %swap3A_665 = arith.index_cast %squeeze3A_283 : i32 to index
        %swap3A_666 = arith.constant 112 : index
        %swap3A_667 = tpu.vector_load %arg8[%swap3A_665, %swap3A_666] {strides = array<i32>} : memref<264x128xf32, #tpu.memory_space<vmem>>, vector<16xf32>,
        tpu.vector_store %arg8[%swap3A_665, %swap3A_666], %max3A_664 {strides = array<i32>} : memref<264x128xf32, #tpu.memory_space<vmem>>, vector<16xf32>,
        %get3A_668 = arith.index_cast %squeeze3A_285 : i32 to index
        %get3A_669 = arith.constant 0 : index
        %get3A_670 = tpu.vector_load %arg9[%get3A_668, %get3A_669] {strides = array<i32>} : memref<264x128xf32, #tpu.memory_space<vmem>>, vector<16xf32>,
        %get3A_671 = arith.index_cast %squeeze3A_285 : i32 to index
        %get3A_672 = arith.constant 16 : index
        %get3A_673 = tpu.vector_load %arg9[%get3A_671, %get3A_672] {strides = array<i32>} : memref<264x128xf32, #tpu.memory_space<vmem>>, vector<16xf32>,
        %get3A_674 = arith.index_cast %squeeze3A_285 : i32 to index
        %get3A_675 = arith.constant 32 : index
        %get3A_676 = tpu.vector_load %arg9[%get3A_674, %get3A_675] {strides = array<i32>} : memref<264x128xf32, #tpu.memory_space<vmem>>, vector<16xf32>,
        %get3A_677 = arith.index_cast %squeeze3A_285 : i32 to index
        %get3A_678 = arith.constant 48 : index
        %get3A_679 = tpu.vector_load %arg9[%get3A_677, %get3A_678] {strides = array<i32>} : memref<264x128xf32, #tpu.memory_space<vmem>>, vector<16xf32>,
        %get3A_680 = arith.index_cast %squeeze3A_285 : i32 to index
        %get3A_681 = arith.constant 64 : index
        %get3A_682 = tpu.vector_load %arg9[%get3A_680, %get3A_681] {strides = array<i32>} : memref<264x128xf32, #tpu.memory_space<vmem>>, vector<16xf32>,
        %get3A_683 = arith.index_cast %squeeze3A_285 : i32 to index
        %get3A_684 = arith.constant 80 : index
        %get3A_685 = tpu.vector_load %arg9[%get3A_683, %get3A_684] {strides = array<i32>} : memref<264x128xf32, #tpu.memory_space<vmem>>, vector<16xf32>,
        %get3A_686 = arith.index_cast %squeeze3A_285 : i32 to index
        %get3A_687 = arith.constant 96 : index
        %get3A_688 = tpu.vector_load %arg9[%get3A_686, %get3A_687] {strides = array<i32>} : memref<264x128xf32, #tpu.memory_space<vmem>>, vector<16xf32>,
        %get3A_689 = arith.index_cast %squeeze3A_285 : i32 to index
        %get3A_690 = arith.constant 112 : index
        %get3A_691 = tpu.vector_load %arg9[%get3A_689, %get3A_690] {strides = array<i32>} : memref<264x128xf32, #tpu.memory_space<vmem>>, vector<16xf32>,
        %mul3A_692 = arith.constant 16 : i32
        %mul3A_693 = arith.muli %scan3A_260, %mul3A_692 : i32
        %add3A_694 = arith.constant 3 : i32
        %add3A_695 = arith.addi %mul3A_693, %add3A_694 : i32
        %get3A_696 = arith.index_cast %rem3A_218 : i32 to index
        %get3A_697 = arith.index_cast %add3A_695 : i32 to index
        %get3A_698 = arith.constant 0 : index
        %get3A_699 = tpu.vector_load %arg7[%get3A_696, %get3A_697, %get3A_698] {strides = array<i32>} : memref<2x128x128xf32, #tpu.memory_space<vmem>>, vector<16xf32>,
        %mul3A_700 = arith.constant 16 : i32
        %mul3A_701 = arith.muli %scan3A_260, %mul3A_700 : i32
        %add3A_702 = arith.constant 3 : i32
        %add3A_703 = arith.addi %mul3A_701, %add3A_702 : i32
        %get3A_704 = arith.index_cast %rem3A_218 : i32 to index
        %get3A_705 = arith.index_cast %add3A_703 : i32 to index
        %get3A_706 = arith.constant 16 : index
        %get3A_707 = tpu.vector_load %arg7[%get3A_704, %get3A_705, %get3A_706] {strides = array<i32>} : memref<2x128x128xf32, #tpu.memory_space<vmem>>, vector<16xf32>,
        %mul3A_708 = arith.constant 16 : i32
        %mul3A_709 = arith.muli %scan3A_260, %mul3A_708 : i32
        %add3A_710 = arith.constant 3 : i32
        %add3A_711 = arith.addi %mul3A_709, %add3A_710 : i32
        %get3A_712 = arith.index_cast %rem3A_218 : i32 to index
        %get3A_713 = arith.index_cast %add3A_711 : i32 to index
        %get3A_714 = arith.constant 32 : index
        %get3A_715 = tpu.vector_load %arg7[%get3A_712, %get3A_713, %get3A_714] {strides = array<i32>} : memref<2x128x128xf32, #tpu.memory_space<vmem>>, vector<16xf32>,
        %mul3A_716 = arith.constant 16 : i32
        %mul3A_717 = arith.muli %scan3A_260, %mul3A_716 : i32
        %add3A_718 = arith.constant 3 : i32
        %add3A_719 = arith.addi %mul3A_717, %add3A_718 : i32
        %get3A_720 = arith.index_cast %rem3A_218 : i32 to index
        %get3A_721 = arith.index_cast %add3A_719 : i32 to index
        %get3A_722 = arith.constant 48 : index
        %get3A_723 = tpu.vector_load %arg7[%get3A_720, %get3A_721, %get3A_722] {strides = array<i32>} : memref<2x128x128xf32, #tpu.memory_space<vmem>>, vector<16xf32>,
        %mul3A_724 = arith.constant 16 : i32
        %mul3A_725 = arith.muli %scan3A_260, %mul3A_724 : i32
        %add3A_726 = arith.constant 3 : i32
        %add3A_727 = arith.addi %mul3A_725, %add3A_726 : i32
        %get3A_728 = arith.index_cast %rem3A_218 : i32 to index
        %get3A_729 = arith.index_cast %add3A_727 : i32 to index
        %get3A_730 = arith.constant 64 : index
        %get3A_731 = tpu.vector_load %arg7[%get3A_728, %get3A_729, %get3A_730] {strides = array<i32>} : memref<2x128x128xf32, #tpu.memory_space<vmem>>, vector<16xf32>,
        %mul3A_732 = arith.constant 16 : i32
        %mul3A_733 = arith.muli %scan3A_260, %mul3A_732 : i32
        %add3A_734 = arith.constant 3 : i32
        %add3A_735 = arith.addi %mul3A_733, %add3A_734 : i32
        %get3A_736 = arith.index_cast %rem3A_218 : i32 to index
        %get3A_737 = arith.index_cast %add3A_735 : i32 to index
        %get3A_738 = arith.constant 80 : index
        %get3A_739 = tpu.vector_load %arg7[%get3A_736, %get3A_737, %get3A_738] {strides = array<i32>} : memref<2x128x128xf32, #tpu.memory_space<vmem>>, vector<16xf32>,
        %mul3A_740 = arith.constant 16 : i32
        %mul3A_741 = arith.muli %scan3A_260, %mul3A_740 : i32
        %add3A_742 = arith.constant 3 : i32
        %add3A_743 = arith.addi %mul3A_741, %add3A_742 : i32
        %get3A_744 = arith.index_cast %rem3A_218 : i32 to index
        %get3A_745 = arith.index_cast %add3A_743 : i32 to index
        %get3A_746 = arith.constant 96 : index
        %get3A_747 = tpu.vector_load %arg7[%get3A_744, %get3A_745, %get3A_746] {strides = array<i32>} : memref<2x128x128xf32, #tpu.memory_space<vmem>>, vector<16xf32>,
        %mul3A_748 = arith.constant 16 : i32
        %mul3A_749 = arith.muli %scan3A_260, %mul3A_748 : i32
        %add3A_750 = arith.constant 3 : i32
        %add3A_751 = arith.addi %mul3A_749, %add3A_750 : i32
        %get3A_752 = arith.index_cast %rem3A_218 : i32 to index
        %get3A_753 = arith.index_cast %add3A_751 : i32 to index
        %get3A_754 = arith.constant 112 : index
        %get3A_755 = tpu.vector_load %arg7[%get3A_752, %get3A_753, %get3A_754] {strides = array<i32>} : memref<2x128x128xf32, #tpu.memory_space<vmem>>, vector<16xf32>,
        %max3A_756 = arith.maximumf %get3A_670, %get3A_699 : vector<16xf32>
        %swap3A_757 = arith.index_cast %squeeze3A_285 : i32 to index
        %swap3A_758 = arith.constant 0 : index
        %swap3A_759 = tpu.vector_load %arg9[%swap3A_757, %swap3A_758] {strides = array<i32>} : memref<264x128xf32, #tpu.memory_space<vmem>>, vector<16xf32>,
        tpu.vector_store %arg9[%swap3A_757, %swap3A_758], %max3A_756 {strides = array<i32>} : memref<264x128xf32, #tpu.memory_space<vmem>>, vector<16xf32>,
        %max3A_760 = arith.maximumf %get3A_673, %get3A_707 : vector<16xf32>
        %swap3A_761 = arith.index_cast %squeeze3A_285 : i32 to index
        %swap3A_762 = arith.constant 16 : index
        %swap3A_763 = tpu.vector_load %arg9[%swap3A_761, %swap3A_762] {strides = array<i32>} : memref<264x128xf32, #tpu.memory_space<vmem>>, vector<16xf32>,
        tpu.vector_store %arg9[%swap3A_761, %swap3A_762], %max3A_760 {strides = array<i32>} : memref<264x128xf32, #tpu.memory_space<vmem>>, vector<16xf32>,
        %max3A_764 = arith.maximumf %get3A_676, %get3A_715 : vector<16xf32>
        %swap3A_765 = arith.index_cast %squeeze3A_285 : i32 to index
        %swap3A_766 = arith.constant 32 : index
        %swap3A_767 = tpu.vector_load %arg9[%swap3A_765, %swap3A_766] {strides = array<i32>} : memref<264x128xf32, #tpu.memory_space<vmem>>, vector<16xf32>,
        tpu.vector_store %arg9[%swap3A_765, %swap3A_766], %max3A_764 {strides = array<i32>} : memref<264x128xf32, #tpu.memory_space<vmem>>, vector<16xf32>,
        %max3A_768 = arith.maximumf %get3A_679, %get3A_723 : vector<16xf32>
        %swap3A_769 = arith.index_cast %squeeze3A_285 : i32 to index
        %swap3A_770 = arith.constant 48 : index
        %swap3A_771 = tpu.vector_load %arg9[%swap3A_769, %swap3A_770] {strides = array<i32>} : memref<264x128xf32, #tpu.memory_space<vmem>>, vector<16xf32>,
        tpu.vector_store %arg9[%swap3A_769, %swap3A_770], %max3A_768 {strides = array<i32>} : memref<264x128xf32, #tpu.memory_space<vmem>>, vector<16xf32>,
        %max3A_772 = arith.maximumf %get3A_682, %get3A_731 : vector<16xf32>
        %swap3A_773 = arith.index_cast %squeeze3A_285 : i32 to index
        %swap3A_774 = arith.constant 64 : index
        %swap3A_775 = tpu.vector_load %arg9[%swap3A_773, %swap3A_774] {strides = array<i32>} : memref<264x128xf32, #tpu.memory_space<vmem>>, vector<16xf32>,
        tpu.vector_store %arg9[%swap3A_773, %swap3A_774], %max3A_772 {strides = array<i32>} : memref<264x128xf32, #tpu.memory_space<vmem>>, vector<16xf32>,
        %max3A_776 = arith.maximumf %get3A_685, %get3A_739 : vector<16xf32>
        %swap3A_777 = arith.index_cast %squeeze3A_285 : i32 to index
        %swap3A_778 = arith.constant 80 : index
        %swap3A_779 = tpu.vector_load %arg9[%swap3A_777, %swap3A_778] {strides = array<i32>} : memref<264x128xf32, #tpu.memory_space<vmem>>, vector<16xf32>,
        tpu.vector_store %arg9[%swap3A_777, %swap3A_778], %max3A_776 {strides = array<i32>} : memref<264x128xf32, #tpu.memory_space<vmem>>, vector<16xf32>,
        %max3A_780 = arith.maximumf %get3A_688, %get3A_747 : vector<16xf32>
        %swap3A_781 = arith.index_cast %squeeze3A_285 : i32 to index
        %swap3A_782 = arith.constant 96 : index
        %swap3A_783 = tpu.vector_load %arg9[%swap3A_781, %swap3A_782] {strides = array<i32>} : memref<264x128xf32, #tpu.memory_space<vmem>>, vector<16xf32>,
        tpu.vector_store %arg9[%swap3A_781, %swap3A_782], %max3A_780 {strides = array<i32>} : memref<264x128xf32, #tpu.memory_space<vmem>>, vector<16xf32>,
        %max3A_784 = arith.maximumf %get3A_691, %get3A_755 : vector<16xf32>
        %swap3A_785 = arith.index_cast %squeeze3A_285 : i32 to index
        %swap3A_786 = arith.constant 112 : index
        %swap3A_787 = tpu.vector_load %arg9[%swap3A_785, %swap3A_786] {strides = array<i32>} : memref<264x128xf32, #tpu.memory_space<vmem>>, vector<16xf32>,
        tpu.vector_store %arg9[%swap3A_785, %swap3A_786], %max3A_784 {strides = array<i32>} : memref<264x128xf32, #tpu.memory_space<vmem>>, vector<16xf32>,
        %get3A_788 = arith.index_cast %squeeze3A_287 : i32 to index
        %get3A_789 = arith.constant 0 : index
        %get3A_790 = tpu.vector_load %arg8[%get3A_788, %get3A_789] {strides = array<i32>} : memref<264x128xf32, #tpu.memory_space<vmem>>, vector<16xf32>,
        %get3A_791 = arith.index_cast %squeeze3A_287 : i32 to index
        %get3A_792 = arith.constant 16 : index
        %get3A_793 = tpu.vector_load %arg8[%get3A_791, %get3A_792] {strides = array<i32>} : memref<264x128xf32, #tpu.memory_space<vmem>>, vector<16xf32>,
        %get3A_794 = arith.index_cast %squeeze3A_287 : i32 to index
        %get3A_795 = arith.constant 32 : index
        %get3A_796 = tpu.vector_load %arg8[%get3A_794, %get3A_795] {strides = array<i32>} : memref<264x128xf32, #tpu.memory_space<vmem>>, vector<16xf32>,
        %get3A_797 = arith.index_cast %squeeze3A_287 : i32 to index
        %get3A_798 = arith.constant 48 : index
        %get3A_799 = tpu.vector_load %arg8[%get3A_797, %get3A_798] {strides = array<i32>} : memref<264x128xf32, #tpu.memory_space<vmem>>, vector<16xf32>,
        %get3A_800 = arith.index_cast %squeeze3A_287 : i32 to index
        %get3A_801 = arith.constant 64 : index
        %get3A_802 = tpu.vector_load %arg8[%get3A_800, %get3A_801] {strides = array<i32>} : memref<264x128xf32, #tpu.memory_space<vmem>>, vector<16xf32>,
        %get3A_803 = arith.index_cast %squeeze3A_287 : i32 to index
        %get3A_804 = arith.constant 80 : index
        %get3A_805 = tpu.vector_load %arg8[%get3A_803, %get3A_804] {strides = array<i32>} : memref<264x128xf32, #tpu.memory_space<vmem>>, vector<16xf32>,
        %get3A_806 = arith.index_cast %squeeze3A_287 : i32 to index
        %get3A_807 = arith.constant 96 : index
        %get3A_808 = tpu.vector_load %arg8[%get3A_806, %get3A_807] {strides = array<i32>} : memref<264x128xf32, #tpu.memory_space<vmem>>, vector<16xf32>,
        %get3A_809 = arith.index_cast %squeeze3A_287 : i32 to index
        %get3A_810 = arith.constant 112 : index
        %get3A_811 = tpu.vector_load %arg8[%get3A_809, %get3A_810] {strides = array<i32>} : memref<264x128xf32, #tpu.memory_space<vmem>>, vector<16xf32>,
        %mul3A_812 = arith.constant 16 : i32
        %mul3A_813 = arith.muli %scan3A_260, %mul3A_812 : i32
        %add3A_814 = arith.constant 4 : i32
        %add3A_815 = arith.addi %mul3A_813, %add3A_814 : i32
        %get3A_816 = arith.index_cast %rem3A_218 : i32 to index
        %get3A_817 = arith.index_cast %add3A_815 : i32 to index
        %get3A_818 = arith.constant 0 : index
        %get3A_819 = tpu.vector_load %arg7[%get3A_816, %get3A_817, %get3A_818] {strides = array<i32>} : memref<2x128x128xf32, #tpu.memory_space<vmem>>, vector<16xf32>,
        %mul3A_820 = arith.constant 16 : i32
        %mul3A_821 = arith.muli %scan3A_260, %mul3A_820 : i32
        %add3A_822 = arith.constant 4 : i32
        %add3A_823 = arith.addi %mul3A_821, %add3A_822 : i32
        %get3A_824 = arith.index_cast %rem3A_218 : i32 to index
        %get3A_825 = arith.index_cast %add3A_823 : i32 to index
        %get3A_826 = arith.constant 16 : index
        %get3A_827 = tpu.vector_load %arg7[%get3A_824, %get3A_825, %get3A_826] {strides = array<i32>} : memref<2x128x128xf32, #tpu.memory_space<vmem>>, vector<16xf32>,
        %mul3A_828 = arith.constant 16 : i32
        %mul3A_829 = arith.muli %scan3A_260, %mul3A_828 : i32
        %add3A_830 = arith.constant 4 : i32
        %add3A_831 = arith.addi %mul3A_829, %add3A_830 : i32
        %get3A_832 = arith.index_cast %rem3A_218 : i32 to index
        %get3A_833 = arith.index_cast %add3A_831 : i32 to index
        %get3A_834 = arith.constant 32 : index
        %get3A_835 = tpu.vector_load %arg7[%get3A_832, %get3A_833, %get3A_834] {strides = array<i32>} : memref<2x128x128xf32, #tpu.memory_space<vmem>>, vector<16xf32>,
        %mul3A_836 = arith.constant 16 : i32
        %mul3A_837 = arith.muli %scan3A_260, %mul3A_836 : i32
        %add3A_838 = arith.constant 4 : i32
        %add3A_839 = arith.addi %mul3A_837, %add3A_838 : i32
        %get3A_840 = arith.index_cast %rem3A_218 : i32 to index
        %get3A_841 = arith.index_cast %add3A_839 : i32 to index
        %get3A_842 = arith.constant 48 : index
        %get3A_843 = tpu.vector_load %arg7[%get3A_840, %get3A_841, %get3A_842] {strides = array<i32>} : memref<2x128x128xf32, #tpu.memory_space<vmem>>, vector<16xf32>,
        %mul3A_844 = arith.constant 16 : i32
        %mul3A_845 = arith.muli %scan3A_260, %mul3A_844 : i32
        %add3A_846 = arith.constant 4 : i32
        %add3A_847 = arith.addi %mul3A_845, %add3A_846 : i32
        %get3A_848 = arith.index_cast %rem3A_218 : i32 to index
        %get3A_849 = arith.index_cast %add3A_847 : i32 to index
        %get3A_850 = arith.constant 64 : index
        %get3A_851 = tpu.vector_load %arg7[%get3A_848, %get3A_849, %get3A_850] {strides = array<i32>} : memref<2x128x128xf32, #tpu.memory_space<vmem>>, vector<16xf32>,
        %mul3A_852 = arith.constant 16 : i32
        %mul3A_853 = arith.muli %scan3A_260, %mul3A_852 : i32
        %add3A_854 = arith.constant 4 : i32
        %add3A_855 = arith.addi %mul3A_853, %add3A_854 : i32
        %get3A_856 = arith.index_cast %rem3A_218 : i32 to index
        %get3A_857 = arith.index_cast %add3A_855 : i32 to index
        %get3A_858 = arith.constant 80 : index
        %get3A_859 = tpu.vector_load %arg7[%get3A_856, %get3A_857, %get3A_858] {strides = array<i32>} : memref<2x128x128xf32, #tpu.memory_space<vmem>>, vector<16xf32>,
        %mul3A_860 = arith.constant 16 : i32
        %mul3A_861 = arith.muli %scan3A_260, %mul3A_860 : i32
        %add3A_862 = arith.constant 4 : i32
        %add3A_863 = arith.addi %mul3A_861, %add3A_862 : i32
        %get3A_864 = arith.index_cast %rem3A_218 : i32 to index
        %get3A_865 = arith.index_cast %add3A_863 : i32 to index
        %get3A_866 = arith.constant 96 : index
        %get3A_867 = tpu.vector_load %arg7[%get3A_864, %get3A_865, %get3A_866] {strides = array<i32>} : memref<2x128x128xf32, #tpu.memory_space<vmem>>, vector<16xf32>,
        %mul3A_868 = arith.constant 16 : i32
        %mul3A_869 = arith.muli %scan3A_260, %mul3A_868 : i32
        %add3A_870 = arith.constant 4 : i32
        %add3A_871 = arith.addi %mul3A_869, %add3A_870 : i32
        %get3A_872 = arith.index_cast %rem3A_218 : i32 to index
        %get3A_873 = arith.index_cast %add3A_871 : i32 to index
        %get3A_874 = arith.constant 112 : index
        %get3A_875 = tpu.vector_load %arg7[%get3A_872, %get3A_873, %get3A_874] {strides = array<i32>} : memref<2x128x128xf32, #tpu.memory_space<vmem>>, vector<16xf32>,
        %max3A_876 = arith.maximumf %get3A_790, %get3A_819 : vector<16xf32>
        %swap3A_877 = arith.index_cast %squeeze3A_287 : i32 to index
        %swap3A_878 = arith.constant 0 : index
        %swap3A_879 = tpu.vector_load %arg8[%swap3A_877, %swap3A_878] {strides = array<i32>} : memref<264x128xf32, #tpu.memory_space<vmem>>, vector<16xf32>,
        tpu.vector_store %arg8[%swap3A_877, %swap3A_878], %max3A_876 {strides = array<i32>} : memref<264x128xf32, #tpu.memory_space<vmem>>, vector<16xf32>,
        %max3A_880 = arith.maximumf %get3A_793, %get3A_827 : vector<16xf32>
        %swap3A_881 = arith.index_cast %squeeze3A_287 : i32 to index
        %swap3A_882 = arith.constant 16 : index
        %swap3A_883 = tpu.vector_load %arg8[%swap3A_881, %swap3A_882] {strides = array<i32>} : memref<264x128xf32, #tpu.memory_space<vmem>>, vector<16xf32>,
        tpu.vector_store %arg8[%swap3A_881, %swap3A_882], %max3A_880 {strides = array<i32>} : memref<264x128xf32, #tpu.memory_space<vmem>>, vector<16xf32>,
        %max3A_884 = arith.maximumf %get3A_796, %get3A_835 : vector<16xf32>
        %swap3A_885 = arith.index_cast %squeeze3A_287 : i32 to index
        %swap3A_886 = arith.constant 32 : index
        %swap3A_887 = tpu.vector_load %arg8[%swap3A_885, %swap3A_886] {strides = array<i32>} : memref<264x128xf32, #tpu.memory_space<vmem>>, vector<16xf32>,
        tpu.vector_store %arg8[%swap3A_885, %swap3A_886], %max3A_884 {strides = array<i32>} : memref<264x128xf32, #tpu.memory_space<vmem>>, vector<16xf32>,
        %max3A_888 = arith.maximumf %get3A_799, %get3A_843 : vector<16xf32>
        %swap3A_889 = arith.index_cast %squeeze3A_287 : i32 to index
        %swap3A_890 = arith.constant 48 : index
        %swap3A_891 = tpu.vector_load %arg8[%swap3A_889, %swap3A_890] {strides = array<i32>} : memref<264x128xf32, #tpu.memory_space<vmem>>, vector<16xf32>,
        tpu.vector_store %arg8[%swap3A_889, %swap3A_890], %max3A_888 {strides = array<i32>} : memref<264x128xf32, #tpu.memory_space<vmem>>, vector<16xf32>,
        %max3A_892 = arith.maximumf %get3A_802, %get3A_851 : vector<16xf32>
        %swap3A_893 = arith.index_cast %squeeze3A_287 : i32 to index
        %swap3A_894 = arith.constant 64 : index
        %swap3A_895 = tpu.vector_load %arg8[%swap3A_893, %swap3A_894] {strides = array<i32>} : memref<264x128xf32, #tpu.memory_space<vmem>>, vector<16xf32>,
        tpu.vector_store %arg8[%swap3A_893, %swap3A_894], %max3A_892 {strides = array<i32>} : memref<264x128xf32, #tpu.memory_space<vmem>>, vector<16xf32>,
        %max3A_896 = arith.maximumf %get3A_805, %get3A_859 : vector<16xf32>
        %swap3A_897 = arith.index_cast %squeeze3A_287 : i32 to index
        %swap3A_898 = arith.constant 80 : index
        %swap3A_899 = tpu.vector_load %arg8[%swap3A_897, %swap3A_898] {strides = array<i32>} : memref<264x128xf32, #tpu.memory_space<vmem>>, vector<16xf32>,
        tpu.vector_store %arg8[%swap3A_897, %swap3A_898], %max3A_896 {strides = array<i32>} : memref<264x128xf32, #tpu.memory_space<vmem>>, vector<16xf32>,
        %max3A_900 = arith.maximumf %get3A_808, %get3A_867 : vector<16xf32>
        %swap3A_901 = arith.index_cast %squeeze3A_287 : i32 to index
        %swap3A_902 = arith.constant 96 : index
        %swap3A_903 = tpu.vector_load %arg8[%swap3A_901, %swap3A_902] {strides = array<i32>} : memref<264x128xf32, #tpu.memory_space<vmem>>, vector<16xf32>,
        tpu.vector_store %arg8[%swap3A_901, %swap3A_902], %max3A_900 {strides = array<i32>} : memref<264x128xf32, #tpu.memory_space<vmem>>, vector<16xf32>,
        %max3A_904 = arith.maximumf %get3A_811, %get3A_875 : vector<16xf32>
        %swap3A_905 = arith.index_cast %squeeze3A_287 : i32 to index
        %swap3A_906 = arith.constant 112 : index
        %swap3A_907 = tpu.vector_load %arg8[%swap3A_905, %swap3A_906] {strides = array<i32>} : memref<264x128xf32, #tpu.memory_space<vmem>>, vector<16xf32>,
        tpu.vector_store %arg8[%swap3A_905, %swap3A_906], %max3A_904 {strides = array<i32>} : memref<264x128xf32, #tpu.memory_space<vmem>>, vector<16xf32>,
        %get3A_908 = arith.index_cast %squeeze3A_289 : i32 to index
        %get3A_909 = arith.constant 0 : index
        %get3A_910 = tpu.vector_load %arg9[%get3A_908, %get3A_909] {strides = array<i32>} : memref<264x128xf32, #tpu.memory_space<vmem>>, vector<16xf32>,
        %get3A_911 = arith.index_cast %squeeze3A_289 : i32 to index
        %get3A_912 = arith.constant 16 : index
        %get3A_913 = tpu.vector_load %arg9[%get3A_911, %get3A_912] {strides = array<i32>} : memref<264x128xf32, #tpu.memory_space<vmem>>, vector<16xf32>,
        %get3A_914 = arith.index_cast %squeeze3A_289 : i32 to index
        %get3A_915 = arith.constant 32 : index
        %get3A_916 = tpu.vector_load %arg9[%get3A_914, %get3A_915] {strides = array<i32>} : memref<264x128xf32, #tpu.memory_space<vmem>>, vector<16xf32>,
        %get3A_917 = arith.index_cast %squeeze3A_289 : i32 to index
        %get3A_918 = arith.constant 48 : index
        %get3A_919 = tpu.vector_load %arg9[%get3A_917, %get3A_918] {strides = array<i32>} : memref<264x128xf32, #tpu.memory_space<vmem>>, vector<16xf32>,
        %get3A_920 = arith.index_cast %squeeze3A_289 : i32 to index
        %get3A_921 = arith.constant 64 : index
        %get3A_922 = tpu.vector_load %arg9[%get3A_920, %get3A_921] {strides = array<i32>} : memref<264x128xf32, #tpu.memory_space<vmem>>, vector<16xf32>,
        %get3A_923 = arith.index_cast %squeeze3A_289 : i32 to index
        %get3A_924 = arith.constant 80 : index
        %get3A_925 = tpu.vector_load %arg9[%get3A_923, %get3A_924] {strides = array<i32>} : memref<264x128xf32, #tpu.memory_space<vmem>>, vector<16xf32>,
        %get3A_926 = arith.index_cast %squeeze3A_289 : i32 to index
        %get3A_927 = arith.constant 96 : index
        %get3A_928 = tpu.vector_load %arg9[%get3A_926, %get3A_927] {strides = array<i32>} : memref<264x128xf32, #tpu.memory_space<vmem>>, vector<16xf32>,
        %get3A_929 = arith.index_cast %squeeze3A_289 : i32 to index
        %get3A_930 = arith.constant 112 : index
        %get3A_931 = tpu.vector_load %arg9[%get3A_929, %get3A_930] {strides = array<i32>} : memref<264x128xf32, #tpu.memory_space<vmem>>, vector<16xf32>,
        %mul3A_932 = arith.constant 16 : i32
        %mul3A_933 = arith.muli %scan3A_260, %mul3A_932 : i32
        %add3A_934 = arith.constant 5 : i32
        %add3A_935 = arith.addi %mul3A_933, %add3A_934 : i32
        %get3A_936 = arith.index_cast %rem3A_218 : i32 to index
        %get3A_937 = arith.index_cast %add3A_935 : i32 to index
        %get3A_938 = arith.constant 0 : index
        %get3A_939 = tpu.vector_load %arg7[%get3A_936, %get3A_937, %get3A_938] {strides = array<i32>} : memref<2x128x128xf32, #tpu.memory_space<vmem>>, vector<16xf32>,
        %mul3A_940 = arith.constant 16 : i32
        %mul3A_941 = arith.muli %scan3A_260, %mul3A_940 : i32
        %add3A_942 = arith.constant 5 : i32
        %add3A_943 = arith.addi %mul3A_941, %add3A_942 : i32
        %get3A_944 = arith.index_cast %rem3A_218 : i32 to index
        %get3A_945 = arith.index_cast %add3A_943 : i32 to index
        %get3A_946 = arith.constant 16 : index
        %get3A_947 = tpu.vector_load %arg7[%get3A_944, %get3A_945, %get3A_946] {strides = array<i32>} : memref<2x128x128xf32, #tpu.memory_space<vmem>>, vector<16xf32>,
        %mul3A_948 = arith.constant 16 : i32
        %mul3A_949 = arith.muli %scan3A_260, %mul3A_948 : i32
        %add3A_950 = arith.constant 5 : i32
        %add3A_951 = arith.addi %mul3A_949, %add3A_950 : i32
        %get3A_952 = arith.index_cast %rem3A_218 : i32 to index
        %get3A_953 = arith.index_cast %add3A_951 : i32 to index
        %get3A_954 = arith.constant 32 : index
        %get3A_955 = tpu.vector_load %arg7[%get3A_952, %get3A_953, %get3A_954] {strides = array<i32>} : memref<2x128x128xf32, #tpu.memory_space<vmem>>, vector<16xf32>,
        %mul3A_956 = arith.constant 16 : i32
        %mul3A_957 = arith.muli %scan3A_260, %mul3A_956 : i32
        %add3A_958 = arith.constant 5 : i32
        %add3A_959 = arith.addi %mul3A_957, %add3A_958 : i32
        %get3A_960 = arith.index_cast %rem3A_218 : i32 to index
        %get3A_961 = arith.index_cast %add3A_959 : i32 to index
        %get3A_962 = arith.constant 48 : index
        %get3A_963 = tpu.vector_load %arg7[%get3A_960, %get3A_961, %get3A_962] {strides = array<i32>} : memref<2x128x128xf32, #tpu.memory_space<vmem>>, vector<16xf32>,
        %mul3A_964 = arith.constant 16 : i32
        %mul3A_965 = arith.muli %scan3A_260, %mul3A_964 : i32
        %add3A_966 = arith.constant 5 : i32
        %add3A_967 = arith.addi %mul3A_965, %add3A_966 : i32
        %get3A_968 = arith.index_cast %rem3A_218 : i32 to index
        %get3A_969 = arith.index_cast %add3A_967 : i32 to index
        %get3A_970 = arith.constant 64 : index
        %get3A_971 = tpu.vector_load %arg7[%get3A_968, %get3A_969, %get3A_970] {strides = array<i32>} : memref<2x128x128xf32, #tpu.memory_space<vmem>>, vector<16xf32>,
        %mul3A_972 = arith.constant 16 : i32
        %mul3A_973 = arith.muli %scan3A_260, %mul3A_972 : i32
        %add3A_974 = arith.constant 5 : i32
        %add3A_975 = arith.addi %mul3A_973, %add3A_974 : i32
        %get3A_976 = arith.index_cast %rem3A_218 : i32 to index
        %get3A_977 = arith.index_cast %add3A_975 : i32 to index
        %get3A_978 = arith.constant 80 : index
        %get3A_979 = tpu.vector_load %arg7[%get3A_976, %get3A_977, %get3A_978] {strides = array<i32>} : memref<2x128x128xf32, #tpu.memory_space<vmem>>, vector<16xf32>,
        %mul3A_980 = arith.constant 16 : i32
        %mul3A_981 = arith.muli %scan3A_260, %mul3A_980 : i32
        %add3A_982 = arith.constant 5 : i32
        %add3A_983 = arith.addi %mul3A_981, %add3A_982 : i32
        %get3A_984 = arith.index_cast %rem3A_218 : i32 to index
        %get3A_985 = arith.index_cast %add3A_983 : i32 to index
        %get3A_986 = arith.constant 96 : index
        %get3A_987 = tpu.vector_load %arg7[%get3A_984, %get3A_985, %get3A_986] {strides = array<i32>} : memref<2x128x128xf32, #tpu.memory_space<vmem>>, vector<16xf32>,
        %mul3A_988 = arith.constant 16 : i32
        %mul3A_989 = arith.muli %scan3A_260, %mul3A_988 : i32
        %add3A_990 = arith.constant 5 : i32
        %add3A_991 = arith.addi %mul3A_989, %add3A_990 : i32
        %get3A_992 = arith.index_cast %rem3A_218 : i32 to index
        %get3A_993 = arith.index_cast %add3A_991 : i32 to index
        %get3A_994 = arith.constant 112 : index
        %get3A_995 = tpu.vector_load %arg7[%get3A_992, %get3A_993, %get3A_994] {strides = array<i32>} : memref<2x128x128xf32, #tpu.memory_space<vmem>>, vector<16xf32>,
        %max3A_996 = arith.maximumf %get3A_910, %get3A_939 : vector<16xf32>
        %swap3A_997 = arith.index_cast %squeeze3A_289 : i32 to index
        %swap3A_998 = arith.constant 0 : index
        %swap3A_999 = tpu.vector_load %arg9[%swap3A_997, %swap3A_998] {strides = array<i32>} : memref<264x128xf32, #tpu.memory_space<vmem>>, vector<16xf32>,
        tpu.vector_store %arg9[%swap3A_997, %swap3A_998], %max3A_996 {strides = array<i32>} : memref<264x128xf32, #tpu.memory_space<vmem>>, vector<16xf32>,
        %max3A_1000 = arith.maximumf %get3A_913, %get3A_947 : vector<16xf32>
        %swap3A_1001 = arith.index_cast %squeeze3A_289 : i32 to index
        %swap3A_1002 = arith.constant 16 : index
        %swap3A_1003 = tpu.vector_load %arg9[%swap3A_1001, %swap3A_1002] {strides = array<i32>} : memref<264x128xf32, #tpu.memory_space<vmem>>, vector<16xf32>,
        tpu.vector_store %arg9[%swap3A_1001, %swap3A_1002], %max3A_1000 {strides = array<i32>} : memref<264x128xf32, #tpu.memory_space<vmem>>, vector<16xf32>,
        %max3A_1004 = arith.maximumf %get3A_916, %get3A_955 : vector<16xf32>
        %swap3A_1005 = arith.index_cast %squeeze3A_289 : i32 to index
        %swap3A_1006 = arith.constant 32 : index
        %swap3A_1007 = tpu.vector_load %arg9[%swap3A_1005, %swap3A_1006] {strides = array<i32>} : memref<264x128xf32, #tpu.memory_space<vmem>>, vector<16xf32>,
        tpu.vector_store %arg9[%swap3A_1005, %swap3A_1006], %max3A_1004 {strides = array<i32>} : memref<264x128xf32, #tpu.memory_space<vmem>>, vector<16xf32>,
        %max3A_1008 = arith.maximumf %get3A_919, %get3A_963 : vector<16xf32>
        %swap3A_1009 = arith.index_cast %squeeze3A_289 : i32 to index
        %swap3A_1010 = arith.constant 48 : index
        %swap3A_1011 = tpu.vector_load %arg9[%swap3A_1009, %swap3A_1010] {strides = array<i32>} : memref<264x128xf32, #tpu.memory_space<vmem>>, vector<16xf32>,
        tpu.vector_store %arg9[%swap3A_1009, %swap3A_1010], %max3A_1008 {strides = array<i32>} : memref<264x128xf32, #tpu.memory_space<vmem>>, vector<16xf32>,
        %max3A_1012 = arith.maximumf %get3A_922, %get3A_971 : vector<16xf32>
        %swap3A_1013 = arith.index_cast %squeeze3A_289 : i32 to index
        %swap3A_1014 = arith.constant 64 : index
        %swap3A_1015 = tpu.vector_load %arg9[%swap3A_1013, %swap3A_1014] {strides = array<i32>} : memref<264x128xf32, #tpu.memory_space<vmem>>, vector<16xf32>,
        tpu.vector_store %arg9[%swap3A_1013, %swap3A_1014], %max3A_1012 {strides = array<i32>} : memref<264x128xf32, #tpu.memory_space<vmem>>, vector<16xf32>,
        %max3A_1016 = arith.maximumf %get3A_925, %get3A_979 : vector<16xf32>
        %swap3A_1017 = arith.index_cast %squeeze3A_289 : i32 to index
        %swap3A_1018 = arith.constant 80 : index
        %swap3A_1019 = tpu.vector_load %arg9[%swap3A_1017, %swap3A_1018] {strides = array<i32>} : memref<264x128xf32, #tpu.memory_space<vmem>>, vector<16xf32>,
        tpu.vector_store %arg9[%swap3A_1017, %swap3A_1018], %max3A_1016 {strides = array<i32>} : memref<264x128xf32, #tpu.memory_space<vmem>>, vector<16xf32>,
        %max3A_1020 = arith.maximumf %get3A_928, %get3A_987 : vector<16xf32>
        %swap3A_1021 = arith.index_cast %squeeze3A_289 : i32 to index
        %swap3A_1022 = arith.constant 96 : index
        %swap3A_1023 = tpu.vector_load %arg9[%swap3A_1021, %swap3A_1022] {strides = array<i32>} : memref<264x128xf32, #tpu.memory_space<vmem>>, vector<16xf32>,
        tpu.vector_store %arg9[%swap3A_1021, %swap3A_1022], %max3A_1020 {strides = array<i32>} : memref<264x128xf32, #tpu.memory_space<vmem>>, vector<16xf32>,
        %max3A_1024 = arith.maximumf %get3A_931, %get3A_995 : vector<16xf32>
        %swap3A_1025 = arith.index_cast %squeeze3A_289 : i32 to index
        %swap3A_1026 = arith.constant 112 : index
        %swap3A_1027 = tpu.vector_load %arg9[%swap3A_1025, %swap3A_1026] {strides = array<i32>} : memref<264x128xf32, #tpu.memory_space<vmem>>, vector<16xf32>,
        tpu.vector_store %arg9[%swap3A_1025, %swap3A_1026], %max3A_1024 {strides = array<i32>} : memref<264x128xf32, #tpu.memory_space<vmem>>, vector<16xf32>,
        %get3A_1028 = arith.index_cast %squeeze3A_291 : i32 to index
        %get3A_1029 = arith.constant 0 : index
        %get3A_1030 = tpu.vector_load %arg8[%get3A_1028, %get3A_1029] {strides = array<i32>} : memref<264x128xf32, #tpu.memory_space<vmem>>, vector<16xf32>,
        %get3A_1031 = arith.index_cast %squeeze3A_291 : i32 to index
        %get3A_1032 = arith.constant 16 : index
        %get3A_1033 = tpu.vector_load %arg8[%get3A_1031, %get3A_1032] {strides = array<i32>} : memref<264x128xf32, #tpu.memory_space<vmem>>, vector<16xf32>,
        %get3A_1034 = arith.index_cast %squeeze3A_291 : i32 to index
        %get3A_1035 = arith.constant 32 : index
        %get3A_1036 = tpu.vector_load %arg8[%get3A_1034, %get3A_1035] {strides = array<i32>} : memref<264x128xf32, #tpu.memory_space<vmem>>, vector<16xf32>,
        %get3A_1037 = arith.index_cast %squeeze3A_291 : i32 to index
        %get3A_1038 = arith.constant 48 : index
        %get3A_1039 = tpu.vector_load %arg8[%get3A_1037, %get3A_1038] {strides = array<i32>} : memref<264x128xf32, #tpu.memory_space<vmem>>, vector<16xf32>,
        %get3A_1040 = arith.index_cast %squeeze3A_291 : i32 to index
        %get3A_1041 = arith.constant 64 : index
        %get3A_1042 = tpu.vector_load %arg8[%get3A_1040, %get3A_1041] {strides = array<i32>} : memref<264x128xf32, #tpu.memory_space<vmem>>, vector<16xf32>,
        %get3A_1043 = arith.index_cast %squeeze3A_291 : i32 to index
        %get3A_1044 = arith.constant 80 : index
        %get3A_1045 = tpu.vector_load %arg8[%get3A_1043, %get3A_1044] {strides = array<i32>} : memref<264x128xf32, #tpu.memory_space<vmem>>, vector<16xf32>,
        %get3A_1046 = arith.index_cast %squeeze3A_291 : i32 to index
        %get3A_1047 = arith.constant 96 : index
        %get3A_1048 = tpu.vector_load %arg8[%get3A_1046, %get3A_1047] {strides = array<i32>} : memref<264x128xf32, #tpu.memory_space<vmem>>, vector<16xf32>,
        %get3A_1049 = arith.index_cast %squeeze3A_291 : i32 to index
        %get3A_1050 = arith.constant 112 : index
        %get3A_1051 = tpu.vector_load %arg8[%get3A_1049, %get3A_1050] {strides = array<i32>} : memref<264x128xf32, #tpu.memory_space<vmem>>, vector<16xf32>,
        %mul3A_1052 = arith.constant 16 : i32
        %mul3A_1053 = arith.muli %scan3A_260, %mul3A_1052 : i32
        %add3A_1054 = arith.constant 6 : i32
        %add3A_1055 = arith.addi %mul3A_1053, %add3A_1054 : i32
        %get3A_1056 = arith.index_cast %rem3A_218 : i32 to index
        %get3A_1057 = arith.index_cast %add3A_1055 : i32 to index
        %get3A_1058 = arith.constant 0 : index
        %get3A_1059 = tpu.vector_load %arg7[%get3A_1056, %get3A_1057, %get3A_1058] {strides = array<i32>} : memref<2x128x128xf32, #tpu.memory_space<vmem>>, vector<16xf32>,
        %mul3A_1060 = arith.constant 16 : i32
        %mul3A_1061 = arith.muli %scan3A_260, %mul3A_1060 : i32
        %add3A_1062 = arith.constant 6 : i32
        %add3A_1063 = arith.addi %mul3A_1061, %add3A_1062 : i32
        %get3A_1064 = arith.index_cast %rem3A_218 : i32 to index
        %get3A_1065 = arith.index_cast %add3A_1063 : i32 to index
        %get3A_1066 = arith.constant 16 : index
        %get3A_1067 = tpu.vector_load %arg7[%get3A_1064, %get3A_1065, %get3A_1066] {strides = array<i32>} : memref<2x128x128xf32, #tpu.memory_space<vmem>>, vector<16xf32>,
        %mul3A_1068 = arith.constant 16 : i32
        %mul3A_1069 = arith.muli %scan3A_260, %mul3A_1068 : i32
        %add3A_1070 = arith.constant 6 : i32
        %add3A_1071 = arith.addi %mul3A_1069, %add3A_1070 : i32
        %get3A_1072 = arith.index_cast %rem3A_218 : i32 to index
        %get3A_1073 = arith.index_cast %add3A_1071 : i32 to index
        %get3A_1074 = arith.constant 32 : index
        %get3A_1075 = tpu.vector_load %arg7[%get3A_1072, %get3A_1073, %get3A_1074] {strides = array<i32>} : memref<2x128x128xf32, #tpu.memory_space<vmem>>, vector<16xf32>,
        %mul3A_1076 = arith.constant 16 : i32
        %mul3A_1077 = arith.muli %scan3A_260, %mul3A_1076 : i32
        %add3A_1078 = arith.constant 6 : i32
        %add3A_1079 = arith.addi %mul3A_1077, %add3A_1078 : i32
        %get3A_1080 = arith.index_cast %rem3A_218 : i32 to index
        %get3A_1081 = arith.index_cast %add3A_1079 : i32 to index
        %get3A_1082 = arith.constant 48 : index
        %get3A_1083 = tpu.vector_load %arg7[%get3A_1080, %get3A_1081, %get3A_1082] {strides = array<i32>} : memref<2x128x128xf32, #tpu.memory_space<vmem>>, vector<16xf32>,
        %mul3A_1084 = arith.constant 16 : i32
        %mul3A_1085 = arith.muli %scan3A_260, %mul3A_1084 : i32
        %add3A_1086 = arith.constant 6 : i32
        %add3A_1087 = arith.addi %mul3A_1085, %add3A_1086 : i32
        %get3A_1088 = arith.index_cast %rem3A_218 : i32 to index
        %get3A_1089 = arith.index_cast %add3A_1087 : i32 to index
        %get3A_1090 = arith.constant 64 : index
        %get3A_1091 = tpu.vector_load %arg7[%get3A_1088, %get3A_1089, %get3A_1090] {strides = array<i32>} : memref<2x128x128xf32, #tpu.memory_space<vmem>>, vector<16xf32>,
        %mul3A_1092 = arith.constant 16 : i32
        %mul3A_1093 = arith.muli %scan3A_260, %mul3A_1092 : i32
        %add3A_1094 = arith.constant 6 : i32
        %add3A_1095 = arith.addi %mul3A_1093, %add3A_1094 : i32
        %get3A_1096 = arith.index_cast %rem3A_218 : i32 to index
        %get3A_1097 = arith.index_cast %add3A_1095 : i32 to index
        %get3A_1098 = arith.constant 80 : index
        %get3A_1099 = tpu.vector_load %arg7[%get3A_1096, %get3A_1097, %get3A_1098] {strides = array<i32>} : memref<2x128x128xf32, #tpu.memory_space<vmem>>, vector<16xf32>,
        %mul3A_1100 = arith.constant 16 : i32
        %mul3A_1101 = arith.muli %scan3A_260, %mul3A_1100 : i32
        %add3A_1102 = arith.constant 6 : i32
        %add3A_1103 = arith.addi %mul3A_1101, %add3A_1102 : i32
        %get3A_1104 = arith.index_cast %rem3A_218 : i32 to index
        %get3A_1105 = arith.index_cast %add3A_1103 : i32 to index
        %get3A_1106 = arith.constant 96 : index
        %get3A_1107 = tpu.vector_load %arg7[%get3A_1104, %get3A_1105, %get3A_1106] {strides = array<i32>} : memref<2x128x128xf32, #tpu.memory_space<vmem>>, vector<16xf32>,
        %mul3A_1108 = arith.constant 16 : i32
        %mul3A_1109 = arith.muli %scan3A_260, %mul3A_1108 : i32
        %add3A_1110 = arith.constant 6 : i32
        %add3A_1111 = arith.addi %mul3A_1109, %add3A_1110 : i32
        %get3A_1112 = arith.index_cast %rem3A_218 : i32 to index
        %get3A_1113 = arith.index_cast %add3A_1111 : i32 to index
        %get3A_1114 = arith.constant 112 : index
        %get3A_1115 = tpu.vector_load %arg7[%get3A_1112, %get3A_1113, %get3A_1114] {strides = array<i32>} : memref<2x128x128xf32, #tpu.memory_space<vmem>>, vector<16xf32>,
        %max3A_1116 = arith.maximumf %get3A_1030, %get3A_1059 : vector<16xf32>
        %swap3A_1117 = arith.index_cast %squeeze3A_291 : i32 to index
        %swap3A_1118 = arith.constant 0 : index
        %swap3A_1119 = tpu.vector_load %arg8[%swap3A_1117, %swap3A_1118] {strides = array<i32>} : memref<264x128xf32, #tpu.memory_space<vmem>>, vector<16xf32>,
        tpu.vector_store %arg8[%swap3A_1117, %swap3A_1118], %max3A_1116 {strides = array<i32>} : memref<264x128xf32, #tpu.memory_space<vmem>>, vector<16xf32>,
        %max3A_1120 = arith.maximumf %get3A_1033, %get3A_1067 : vector<16xf32>
        %swap3A_1121 = arith.index_cast %squeeze3A_291 : i32 to index
        %swap3A_1122 = arith.constant 16 : index
        %swap3A_1123 = tpu.vector_load %arg8[%swap3A_1121, %swap3A_1122] {strides = array<i32>} : memref<264x128xf32, #tpu.memory_space<vmem>>, vector<16xf32>,
        tpu.vector_store %arg8[%swap3A_1121, %swap3A_1122], %max3A_1120 {strides = array<i32>} : memref<264x128xf32, #tpu.memory_space<vmem>>, vector<16xf32>,
        %max3A_1124 = arith.maximumf %get3A_1036, %get3A_1075 : vector<16xf32>
        %swap3A_1125 = arith.index_cast %squeeze3A_291 : i32 to index
        %swap3A_1126 = arith.constant 32 : index
        %swap3A_1127 = tpu.vector_load %arg8[%swap3A_1125, %swap3A_1126] {strides = array<i32>} : memref<264x128xf32, #tpu.memory_space<vmem>>, vector<16xf32>,
        tpu.vector_store %arg8[%swap3A_1125, %swap3A_1126], %max3A_1124 {strides = array<i32>} : memref<264x128xf32, #tpu.memory_space<vmem>>, vector<16xf32>,
        %max3A_1128 = arith.maximumf %get3A_1039, %get3A_1083 : vector<16xf32>
        %swap3A_1129 = arith.index_cast %squeeze3A_291 : i32 to index
        %swap3A_1130 = arith.constant 48 : index
        %swap3A_1131 = tpu.vector_load %arg8[%swap3A_1129, %swap3A_1130] {strides = array<i32>} : memref<264x128xf32, #tpu.memory_space<vmem>>, vector<16xf32>,
        tpu.vector_store %arg8[%swap3A_1129, %swap3A_1130], %max3A_1128 {strides = array<i32>} : memref<264x128xf32, #tpu.memory_space<vmem>>, vector<16xf32>,
        %max3A_1132 = arith.maximumf %get3A_1042, %get3A_1091 : vector<16xf32>
        %swap3A_1133 = arith.index_cast %squeeze3A_291 : i32 to index
        %swap3A_1134 = arith.constant 64 : index
        %swap3A_1135 = tpu.vector_load %arg8[%swap3A_1133, %swap3A_1134] {strides = array<i32>} : memref<264x128xf32, #tpu.memory_space<vmem>>, vector<16xf32>,
        tpu.vector_store %arg8[%swap3A_1133, %swap3A_1134], %max3A_1132 {strides = array<i32>} : memref<264x128xf32, #tpu.memory_space<vmem>>, vector<16xf32>,
        %max3A_1136 = arith.maximumf %get3A_1045, %get3A_1099 : vector<16xf32>
        %swap3A_1137 = arith.index_cast %squeeze3A_291 : i32 to index
        %swap3A_1138 = arith.constant 80 : index
        %swap3A_1139 = tpu.vector_load %arg8[%swap3A_1137, %swap3A_1138] {strides = array<i32>} : memref<264x128xf32, #tpu.memory_space<vmem>>, vector<16xf32>,
        tpu.vector_store %arg8[%swap3A_1137, %swap3A_1138], %max3A_1136 {strides = array<i32>} : memref<264x128xf32, #tpu.memory_space<vmem>>, vector<16xf32>,
        %max3A_1140 = arith.maximumf %get3A_1048, %get3A_1107 : vector<16xf32>
        %swap3A_1141 = arith.index_cast %squeeze3A_291 : i32 to index
        %swap3A_1142 = arith.constant 96 : index
        %swap3A_1143 = tpu.vector_load %arg8[%swap3A_1141, %swap3A_1142] {strides = array<i32>} : memref<264x128xf32, #tpu.memory_space<vmem>>, vector<16xf32>,
        tpu.vector_store %arg8[%swap3A_1141, %swap3A_1142], %max3A_1140 {strides = array<i32>} : memref<264x128xf32, #tpu.memory_space<vmem>>, vector<16xf32>,
        %max3A_1144 = arith.maximumf %get3A_1051, %get3A_1115 : vector<16xf32>
        %swap3A_1145 = arith.index_cast %squeeze3A_291 : i32 to index
        %swap3A_1146 = arith.constant 112 : index
        %swap3A_1147 = tpu.vector_load %arg8[%swap3A_1145, %swap3A_1146] {strides = array<i32>} : memref<264x128xf32, #tpu.memory_space<vmem>>, vector<16xf32>,
        tpu.vector_store %arg8[%swap3A_1145, %swap3A_1146], %max3A_1144 {strides = array<i32>} : memref<264x128xf32, #tpu.memory_space<vmem>>, vector<16xf32>,
        %get3A_1148 = arith.index_cast %squeeze3A_293 : i32 to index
        %get3A_1149 = arith.constant 0 : index
        %get3A_1150 = tpu.vector_load %arg9[%get3A_1148, %get3A_1149] {strides = array<i32>} : memref<264x128xf32, #tpu.memory_space<vmem>>, vector<16xf32>,
        %get3A_1151 = arith.index_cast %squeeze3A_293 : i32 to index
        %get3A_1152 = arith.constant 16 : index
        %get3A_1153 = tpu.vector_load %arg9[%get3A_1151, %get3A_1152] {strides = array<i32>} : memref<264x128xf32, #tpu.memory_space<vmem>>, vector<16xf32>,
        %get3A_1154 = arith.index_cast %squeeze3A_293 : i32 to index
        %get3A_1155 = arith.constant 32 : index
        %get3A_1156 = tpu.vector_load %arg9[%get3A_1154, %get3A_1155] {strides = array<i32>} : memref<264x128xf32, #tpu.memory_space<vmem>>, vector<16xf32>,
        %get3A_1157 = arith.index_cast %squeeze3A_293 : i32 to index
        %get3A_1158 = arith.constant 48 : index
        %get3A_1159 = tpu.vector_load %arg9[%get3A_1157, %get3A_1158] {strides = array<i32>} : memref<264x128xf32, #tpu.memory_space<vmem>>, vector<16xf32>,
        %get3A_1160 = arith.index_cast %squeeze3A_293 : i32 to index
        %get3A_1161 = arith.constant 64 : index
        %get3A_1162 = tpu.vector_load %arg9[%get3A_1160, %get3A_1161] {strides = array<i32>} : memref<264x128xf32, #tpu.memory_space<vmem>>, vector<16xf32>,
        %get3A_1163 = arith.index_cast %squeeze3A_293 : i32 to index
        %get3A_1164 = arith.constant 80 : index
        %get3A_1165 = tpu.vector_load %arg9[%get3A_1163, %get3A_1164] {strides = array<i32>} : memref<264x128xf32, #tpu.memory_space<vmem>>, vector<16xf32>,
        %get3A_1166 = arith.index_cast %squeeze3A_293 : i32 to index
        %get3A_1167 = arith.constant 96 : index
        %get3A_1168 = tpu.vector_load %arg9[%get3A_1166, %get3A_1167] {strides = array<i32>} : memref<264x128xf32, #tpu.memory_space<vmem>>, vector<16xf32>,
        %get3A_1169 = arith.index_cast %squeeze3A_293 : i32 to index
        %get3A_1170 = arith.constant 112 : index
        %get3A_1171 = tpu.vector_load %arg9[%get3A_1169, %get3A_1170] {strides = array<i32>} : memref<264x128xf32, #tpu.memory_space<vmem>>, vector<16xf32>,
        %mul3A_1172 = arith.constant 16 : i32
        %mul3A_1173 = arith.muli %scan3A_260, %mul3A_1172 : i32
        %add3A_1174 = arith.constant 7 : i32
        %add3A_1175 = arith.addi %mul3A_1173, %add3A_1174 : i32
        %get3A_1176 = arith.index_cast %rem3A_218 : i32 to index
        %get3A_1177 = arith.index_cast %add3A_1175 : i32 to index
        %get3A_1178 = arith.constant 0 : index
        %get3A_1179 = tpu.vector_load %arg7[%get3A_1176, %get3A_1177, %get3A_1178] {strides = array<i32>} : memref<2x128x128xf32, #tpu.memory_space<vmem>>, vector<16xf32>,
        %mul3A_1180 = arith.constant 16 : i32
        %mul3A_1181 = arith.muli %scan3A_260, %mul3A_1180 : i32
        %add3A_1182 = arith.constant 7 : i32
        %add3A_1183 = arith.addi %mul3A_1181, %add3A_1182 : i32
        %get3A_1184 = arith.index_cast %rem3A_218 : i32 to index
        %get3A_1185 = arith.index_cast %add3A_1183 : i32 to index
        %get3A_1186 = arith.constant 16 : index
        %get3A_1187 = tpu.vector_load %arg7[%get3A_1184, %get3A_1185, %get3A_1186] {strides = array<i32>} : memref<2x128x128xf32, #tpu.memory_space<vmem>>, vector<16xf32>,
        %mul3A_1188 = arith.constant 16 : i32
        %mul3A_1189 = arith.muli %scan3A_260, %mul3A_1188 : i32
        %add3A_1190 = arith.constant 7 : i32
        %add3A_1191 = arith.addi %mul3A_1189, %add3A_1190 : i32
        %get3A_1192 = arith.index_cast %rem3A_218 : i32 to index
        %get3A_1193 = arith.index_cast %add3A_1191 : i32 to index
        %get3A_1194 = arith.constant 32 : index
        %get3A_1195 = tpu.vector_load %arg7[%get3A_1192, %get3A_1193, %get3A_1194] {strides = array<i32>} : memref<2x128x128xf32, #tpu.memory_space<vmem>>, vector<16xf32>,
        %mul3A_1196 = arith.constant 16 : i32
        %mul3A_1197 = arith.muli %scan3A_260, %mul3A_1196 : i32
        %add3A_1198 = arith.constant 7 : i32
        %add3A_1199 = arith.addi %mul3A_1197, %add3A_1198 : i32
        %get3A_1200 = arith.index_cast %rem3A_218 : i32 to index
        %get3A_1201 = arith.index_cast %add3A_1199 : i32 to index
        %get3A_1202 = arith.constant 48 : index
        %get3A_1203 = tpu.vector_load %arg7[%get3A_1200, %get3A_1201, %get3A_1202] {strides = array<i32>} : memref<2x128x128xf32, #tpu.memory_space<vmem>>, vector<16xf32>,
        %mul3A_1204 = arith.constant 16 : i32
        %mul3A_1205 = arith.muli %scan3A_260, %mul3A_1204 : i32
        %add3A_1206 = arith.constant 7 : i32
        %add3A_1207 = arith.addi %mul3A_1205, %add3A_1206 : i32
        %get3A_1208 = arith.index_cast %rem3A_218 : i32 to index
        %get3A_1209 = arith.index_cast %add3A_1207 : i32 to index
        %get3A_1210 = arith.constant 64 : index
        %get3A_1211 = tpu.vector_load %arg7[%get3A_1208, %get3A_1209, %get3A_1210] {strides = array<i32>} : memref<2x128x128xf32, #tpu.memory_space<vmem>>, vector<16xf32>,
        %mul3A_1212 = arith.constant 16 : i32
        %mul3A_1213 = arith.muli %scan3A_260, %mul3A_1212 : i32
        %add3A_1214 = arith.constant 7 : i32
        %add3A_1215 = arith.addi %mul3A_1213, %add3A_1214 : i32
        %get3A_1216 = arith.index_cast %rem3A_218 : i32 to index
        %get3A_1217 = arith.index_cast %add3A_1215 : i32 to index
        %get3A_1218 = arith.constant 80 : index
        %get3A_1219 = tpu.vector_load %arg7[%get3A_1216, %get3A_1217, %get3A_1218] {strides = array<i32>} : memref<2x128x128xf32, #tpu.memory_space<vmem>>, vector<16xf32>,
        %mul3A_1220 = arith.constant 16 : i32
        %mul3A_1221 = arith.muli %scan3A_260, %mul3A_1220 : i32
        %add3A_1222 = arith.constant 7 : i32
        %add3A_1223 = arith.addi %mul3A_1221, %add3A_1222 : i32
        %get3A_1224 = arith.index_cast %rem3A_218 : i32 to index
        %get3A_1225 = arith.index_cast %add3A_1223 : i32 to index
        %get3A_1226 = arith.constant 96 : index
        %get3A_1227 = tpu.vector_load %arg7[%get3A_1224, %get3A_1225, %get3A_1226] {strides = array<i32>} : memref<2x128x128xf32, #tpu.memory_space<vmem>>, vector<16xf32>,
        %mul3A_1228 = arith.constant 16 : i32
        %mul3A_1229 = arith.muli %scan3A_260, %mul3A_1228 : i32
        %add3A_1230 = arith.constant 7 : i32
        %add3A_1231 = arith.addi %mul3A_1229, %add3A_1230 : i32
        %get3A_1232 = arith.index_cast %rem3A_218 : i32 to index
        %get3A_1233 = arith.index_cast %add3A_1231 : i32 to index
        %get3A_1234 = arith.constant 112 : index
        %get3A_1235 = tpu.vector_load %arg7[%get3A_1232, %get3A_1233, %get3A_1234] {strides = array<i32>} : memref<2x128x128xf32, #tpu.memory_space<vmem>>, vector<16xf32>,
        %max3A_1236 = arith.maximumf %get3A_1150, %get3A_1179 : vector<16xf32>
        %swap3A_1237 = arith.index_cast %squeeze3A_293 : i32 to index
        %swap3A_1238 = arith.constant 0 : index
        %swap3A_1239 = tpu.vector_load %arg9[%swap3A_1237, %swap3A_1238] {strides = array<i32>} : memref<264x128xf32, #tpu.memory_space<vmem>>, vector<16xf32>,
        tpu.vector_store %arg9[%swap3A_1237, %swap3A_1238], %max3A_1236 {strides = array<i32>} : memref<264x128xf32, #tpu.memory_space<vmem>>, vector<16xf32>,
        %max3A_1240 = arith.maximumf %get3A_1153, %get3A_1187 : vector<16xf32>
        %swap3A_1241 = arith.index_cast %squeeze3A_293 : i32 to index
        %swap3A_1242 = arith.constant 16 : index
        %swap3A_1243 = tpu.vector_load %arg9[%swap3A_1241, %swap3A_1242] {strides = array<i32>} : memref<264x128xf32, #tpu.memory_space<vmem>>, vector<16xf32>,
        tpu.vector_store %arg9[%swap3A_1241, %swap3A_1242], %max3A_1240 {strides = array<i32>} : memref<264x128xf32, #tpu.memory_space<vmem>>, vector<16xf32>,
        %max3A_1244 = arith.maximumf %get3A_1156, %get3A_1195 : vector<16xf32>
        %swap3A_1245 = arith.index_cast %squeeze3A_293 : i32 to index
        %swap3A_1246 = arith.constant 32 : index
        %swap3A_1247 = tpu.vector_load %arg9[%swap3A_1245, %swap3A_1246] {strides = array<i32>} : memref<264x128xf32, #tpu.memory_space<vmem>>, vector<16xf32>,
        tpu.vector_store %arg9[%swap3A_1245, %swap3A_1246], %max3A_1244 {strides = array<i32>} : memref<264x128xf32, #tpu.memory_space<vmem>>, vector<16xf32>,
        %max3A_1248 = arith.maximumf %get3A_1159, %get3A_1203 : vector<16xf32>
        %swap3A_1249 = arith.index_cast %squeeze3A_293 : i32 to index
        %swap3A_1250 = arith.constant 48 : index
        %swap3A_1251 = tpu.vector_load %arg9[%swap3A_1249, %swap3A_1250] {strides = array<i32>} : memref<264x128xf32, #tpu.memory_space<vmem>>, vector<16xf32>,
        tpu.vector_store %arg9[%swap3A_1249, %swap3A_1250], %max3A_1248 {strides = array<i32>} : memref<264x128xf32, #tpu.memory_space<vmem>>, vector<16xf32>,
        %max3A_1252 = arith.maximumf %get3A_1162, %get3A_1211 : vector<16xf32>
        %swap3A_1253 = arith.index_cast %squeeze3A_293 : i32 to index
        %swap3A_1254 = arith.constant 64 : index
        %swap3A_1255 = tpu.vector_load %arg9[%swap3A_1253, %swap3A_1254] {strides = array<i32>} : memref<264x128xf32, #tpu.memory_space<vmem>>, vector<16xf32>,
        tpu.vector_store %arg9[%swap3A_1253, %swap3A_1254], %max3A_1252 {strides = array<i32>} : memref<264x128xf32, #tpu.memory_space<vmem>>, vector<16xf32>,
        %max3A_1256 = arith.maximumf %get3A_1165, %get3A_1219 : vector<16xf32>
        %swap3A_1257 = arith.index_cast %squeeze3A_293 : i32 to index
        %swap3A_1258 = arith.constant 80 : index
        %swap3A_1259 = tpu.vector_load %arg9[%swap3A_1257, %swap3A_1258] {strides = array<i32>} : memref<264x128xf32, #tpu.memory_space<vmem>>, vector<16xf32>,
        tpu.vector_store %arg9[%swap3A_1257, %swap3A_1258], %max3A_1256 {strides = array<i32>} : memref<264x128xf32, #tpu.memory_space<vmem>>, vector<16xf32>,
        %max3A_1260 = arith.maximumf %get3A_1168, %get3A_1227 : vector<16xf32>
        %swap3A_1261 = arith.index_cast %squeeze3A_293 : i32 to index
        %swap3A_1262 = arith.constant 96 : index
        %swap3A_1263 = tpu.vector_load %arg9[%swap3A_1261, %swap3A_1262] {strides = array<i32>} : memref<264x128xf32, #tpu.memory_space<vmem>>, vector<16xf32>,
        tpu.vector_store %arg9[%swap3A_1261, %swap3A_1262], %max3A_1260 {strides = array<i32>} : memref<264x128xf32, #tpu.memory_space<vmem>>, vector<16xf32>,
        %max3A_1264 = arith.maximumf %get3A_1171, %get3A_1235 : vector<16xf32>
        %swap3A_1265 = arith.index_cast %squeeze3A_293 : i32 to index
        %swap3A_1266 = arith.constant 112 : index
        %swap3A_1267 = tpu.vector_load %arg9[%swap3A_1265, %swap3A_1266] {strides = array<i32>} : memref<264x128xf32, #tpu.memory_space<vmem>>, vector<16xf32>,
        tpu.vector_store %arg9[%swap3A_1265, %swap3A_1266], %max3A_1264 {strides = array<i32>} : memref<264x128xf32, #tpu.memory_space<vmem>>, vector<16xf32>,
        %get3A_1268 = arith.index_cast %squeeze3A_295 : i32 to index
        %get3A_1269 = arith.constant 0 : index
        %get3A_1270 = tpu.vector_load %arg8[%get3A_1268, %get3A_1269] {strides = array<i32>} : memref<264x128xf32, #tpu.memory_space<vmem>>, vector<16xf32>,
        %get3A_1271 = arith.index_cast %squeeze3A_295 : i32 to index
        %get3A_1272 = arith.constant 16 : index
        %get3A_1273 = tpu.vector_load %arg8[%get3A_1271, %get3A_1272] {strides = array<i32>} : memref<264x128xf32, #tpu.memory_space<vmem>>, vector<16xf32>,
        %get3A_1274 = arith.index_cast %squeeze3A_295 : i32 to index
        %get3A_1275 = arith.constant 32 : index
        %get3A_1276 = tpu.vector_load %arg8[%get3A_1274, %get3A_1275] {strides = array<i32>} : memref<264x128xf32, #tpu.memory_space<vmem>>, vector<16xf32>,
        %get3A_1277 = arith.index_cast %squeeze3A_295 : i32 to index
        %get3A_1278 = arith.constant 48 : index
        %get3A_1279 = tpu.vector_load %arg8[%get3A_1277, %get3A_1278] {strides = array<i32>} : memref<264x128xf32, #tpu.memory_space<vmem>>, vector<16xf32>,
        %get3A_1280 = arith.index_cast %squeeze3A_295 : i32 to index
        %get3A_1281 = arith.constant 64 : index
        %get3A_1282 = tpu.vector_load %arg8[%get3A_1280, %get3A_1281] {strides = array<i32>} : memref<264x128xf32, #tpu.memory_space<vmem>>, vector<16xf32>,
        %get3A_1283 = arith.index_cast %squeeze3A_295 : i32 to index
        %get3A_1284 = arith.constant 80 : index
        %get3A_1285 = tpu.vector_load %arg8[%get3A_1283, %get3A_1284] {strides = array<i32>} : memref<264x128xf32, #tpu.memory_space<vmem>>, vector<16xf32>,
        %get3A_1286 = arith.index_cast %squeeze3A_295 : i32 to index
        %get3A_1287 = arith.constant 96 : index
        %get3A_1288 = tpu.vector_load %arg8[%get3A_1286, %get3A_1287] {strides = array<i32>} : memref<264x128xf32, #tpu.memory_space<vmem>>, vector<16xf32>,
        %get3A_1289 = arith.index_cast %squeeze3A_295 : i32 to index
        %get3A_1290 = arith.constant 112 : index
        %get3A_1291 = tpu.vector_load %arg8[%get3A_1289, %get3A_1290] {strides = array<i32>} : memref<264x128xf32, #tpu.memory_space<vmem>>, vector<16xf32>,
        %mul3A_1292 = arith.constant 16 : i32
        %mul3A_1293 = arith.muli %scan3A_260, %mul3A_1292 : i32
        %add3A_1294 = arith.constant 8 : i32
        %add3A_1295 = arith.addi %mul3A_1293, %add3A_1294 : i32
        %get3A_1296 = arith.index_cast %rem3A_218 : i32 to index
        %get3A_1297 = arith.index_cast %add3A_1295 : i32 to index
        %get3A_1298 = arith.constant 0 : index
        %get3A_1299 = tpu.vector_load %arg7[%get3A_1296, %get3A_1297, %get3A_1298] {strides = array<i32>} : memref<2x128x128xf32, #tpu.memory_space<vmem>>, vector<16xf32>,
        %mul3A_1300 = arith.constant 16 : i32
        %mul3A_1301 = arith.muli %scan3A_260, %mul3A_1300 : i32
        %add3A_1302 = arith.constant 8 : i32
        %add3A_1303 = arith.addi %mul3A_1301, %add3A_1302 : i32
        %get3A_1304 = arith.index_cast %rem3A_218 : i32 to index
        %get3A_1305 = arith.index_cast %add3A_1303 : i32 to index
        %get3A_1306 = arith.constant 16 : index
        %get3A_1307 = tpu.vector_load %arg7[%get3A_1304, %get3A_1305, %get3A_1306] {strides = array<i32>} : memref<2x128x128xf32, #tpu.memory_space<vmem>>, vector<16xf32>,
        %mul3A_1308 = arith.constant 16 : i32
        %mul3A_1309 = arith.muli %scan3A_260, %mul3A_1308 : i32
        %add3A_1310 = arith.constant 8 : i32
        %add3A_1311 = arith.addi %mul3A_1309, %add3A_1310 : i32
        %get3A_1312 = arith.index_cast %rem3A_218 : i32 to index
        %get3A_1313 = arith.index_cast %add3A_1311 : i32 to index
        %get3A_1314 = arith.constant 32 : index
        %get3A_1315 = tpu.vector_load %arg7[%get3A_1312, %get3A_1313, %get3A_1314] {strides = array<i32>} : memref<2x128x128xf32, #tpu.memory_space<vmem>>, vector<16xf32>,
        %mul3A_1316 = arith.constant 16 : i32
        %mul3A_1317 = arith.muli %scan3A_260, %mul3A_1316 : i32
        %add3A_1318 = arith.constant 8 : i32
        %add3A_1319 = arith.addi %mul3A_1317, %add3A_1318 : i32
        %get3A_1320 = arith.index_cast %rem3A_218 : i32 to index
        %get3A_1321 = arith.index_cast %add3A_1319 : i32 to index
        %get3A_1322 = arith.constant 48 : index
        %get3A_1323 = tpu.vector_load %arg7[%get3A_1320, %get3A_1321, %get3A_1322] {strides = array<i32>} : memref<2x128x128xf32, #tpu.memory_space<vmem>>, vector<16xf32>,
        %mul3A_1324 = arith.constant 16 : i32
        %mul3A_1325 = arith.muli %scan3A_260, %mul3A_1324 : i32
        %add3A_1326 = arith.constant 8 : i32
        %add3A_1327 = arith.addi %mul3A_1325, %add3A_1326 : i32
        %get3A_1328 = arith.index_cast %rem3A_218 : i32 to index
        %get3A_1329 = arith.index_cast %add3A_1327 : i32 to index
        %get3A_1330 = arith.constant 64 : index
        %get3A_1331 = tpu.vector_load %arg7[%get3A_1328, %get3A_1329, %get3A_1330] {strides = array<i32>} : memref<2x128x128xf32, #tpu.memory_space<vmem>>, vector<16xf32>,
        %mul3A_1332 = arith.constant 16 : i32
        %mul3A_1333 = arith.muli %scan3A_260, %mul3A_1332 : i32
        %add3A_1334 = arith.constant 8 : i32
        %add3A_1335 = arith.addi %mul3A_1333, %add3A_1334 : i32
        %get3A_1336 = arith.index_cast %rem3A_218 : i32 to index
        %get3A_1337 = arith.index_cast %add3A_1335 : i32 to index
        %get3A_1338 = arith.constant 80 : index
        %get3A_1339 = tpu.vector_load %arg7[%get3A_1336, %get3A_1337, %get3A_1338] {strides = array<i32>} : memref<2x128x128xf32, #tpu.memory_space<vmem>>, vector<16xf32>,
        %mul3A_1340 = arith.constant 16 : i32
        %mul3A_1341 = arith.muli %scan3A_260, %mul3A_1340 : i32
        %add3A_1342 = arith.constant 8 : i32
        %add3A_1343 = arith.addi %mul3A_1341, %add3A_1342 : i32
        %get3A_1344 = arith.index_cast %rem3A_218 : i32 to index
        %get3A_1345 = arith.index_cast %add3A_1343 : i32 to index
        %get3A_1346 = arith.constant 96 : index
        %get3A_1347 = tpu.vector_load %arg7[%get3A_1344, %get3A_1345, %get3A_1346] {strides = array<i32>} : memref<2x128x128xf32, #tpu.memory_space<vmem>>, vector<16xf32>,
        %mul3A_1348 = arith.constant 16 : i32
        %mul3A_1349 = arith.muli %scan3A_260, %mul3A_1348 : i32
        %add3A_1350 = arith.constant 8 : i32
        %add3A_1351 = arith.addi %mul3A_1349, %add3A_1350 : i32
        %get3A_1352 = arith.index_cast %rem3A_218 : i32 to index
        %get3A_1353 = arith.index_cast %add3A_1351 : i32 to index
        %get3A_1354 = arith.constant 112 : index
        %get3A_1355 = tpu.vector_load %arg7[%get3A_1352, %get3A_1353, %get3A_1354] {strides = array<i32>} : memref<2x128x128xf32, #tpu.memory_space<vmem>>, vector<16xf32>,
        %max3A_1356 = arith.maximumf %get3A_1270, %get3A_1299 : vector<16xf32>
        %swap3A_1357 = arith.index_cast %squeeze3A_295 : i32 to index
        %swap3A_1358 = arith.constant 0 : index
        %swap3A_1359 = tpu.vector_load %arg8[%swap3A_1357, %swap3A_1358] {strides = array<i32>} : memref<264x128xf32, #tpu.memory_space<vmem>>, vector<16xf32>,
        tpu.vector_store %arg8[%swap3A_1357, %swap3A_1358], %max3A_1356 {strides = array<i32>} : memref<264x128xf32, #tpu.memory_space<vmem>>, vector<16xf32>,
        %max3A_1360 = arith.maximumf %get3A_1273, %get3A_1307 : vector<16xf32>
        %swap3A_1361 = arith.index_cast %squeeze3A_295 : i32 to index
        %swap3A_1362 = arith.constant 16 : index
        %swap3A_1363 = tpu.vector_load %arg8[%swap3A_1361, %swap3A_1362] {strides = array<i32>} : memref<264x128xf32, #tpu.memory_space<vmem>>, vector<16xf32>,
        tpu.vector_store %arg8[%swap3A_1361, %swap3A_1362], %max3A_1360 {strides = array<i32>} : memref<264x128xf32, #tpu.memory_space<vmem>>, vector<16xf32>,
        %max3A_1364 = arith.maximumf %get3A_1276, %get3A_1315 : vector<16xf32>
        %swap3A_1365 = arith.index_cast %squeeze3A_295 : i32 to index
        %swap3A_1366 = arith.constant 32 : index
        %swap3A_1367 = tpu.vector_load %arg8[%swap3A_1365, %swap3A_1366] {strides = array<i32>} : memref<264x128xf32, #tpu.memory_space<vmem>>, vector<16xf32>,
        tpu.vector_store %arg8[%swap3A_1365, %swap3A_1366], %max3A_1364 {strides = array<i32>} : memref<264x128xf32, #tpu.memory_space<vmem>>, vector<16xf32>,
        %max3A_1368 = arith.maximumf %get3A_1279, %get3A_1323 : vector<16xf32>
        %swap3A_1369 = arith.index_cast %squeeze3A_295 : i32 to index
        %swap3A_1370 = arith.constant 48 : index
        %swap3A_1371 = tpu.vector_load %arg8[%swap3A_1369, %swap3A_1370] {strides = array<i32>} : memref<264x128xf32, #tpu.memory_space<vmem>>, vector<16xf32>,
        tpu.vector_store %arg8[%swap3A_1369, %swap3A_1370], %max3A_1368 {strides = array<i32>} : memref<264x128xf32, #tpu.memory_space<vmem>>, vector<16xf32>,
        %max3A_1372 = arith.maximumf %get3A_1282, %get3A_1331 : vector<16xf32>
        %swap3A_1373 = arith.index_cast %squeeze3A_295 : i32 to index
        %swap3A_1374 = arith.constant 64 : index
        %swap3A_1375 = tpu.vector_load %arg8[%swap3A_1373, %swap3A_1374] {strides = array<i32>} : memref<264x128xf32, #tpu.memory_space<vmem>>, vector<16xf32>,
        tpu.vector_store %arg8[%swap3A_1373, %swap3A_1374], %max3A_1372 {strides = array<i32>} : memref<264x128xf32, #tpu.memory_space<vmem>>, vector<16xf32>,
        %max3A_1376 = arith.maximumf %get3A_1285, %get3A_1339 : vector<16xf32>
        %swap3A_1377 = arith.index_cast %squeeze3A_295 : i32 to index
        %swap3A_1378 = arith.constant 80 : index
        %swap3A_1379 = tpu.vector_load %arg8[%swap3A_1377, %swap3A_1378] {strides = array<i32>} : memref<264x128xf32, #tpu.memory_space<vmem>>, vector<16xf32>,
        tpu.vector_store %arg8[%swap3A_1377, %swap3A_1378], %max3A_1376 {strides = array<i32>} : memref<264x128xf32, #tpu.memory_space<vmem>>, vector<16xf32>,
        %max3A_1380 = arith.maximumf %get3A_1288, %get3A_1347 : vector<16xf32>
        %swap3A_1381 = arith.index_cast %squeeze3A_295 : i32 to index
        %swap3A_1382 = arith.constant 96 : index
        %swap3A_1383 = tpu.vector_load %arg8[%swap3A_1381, %swap3A_1382] {strides = array<i32>} : memref<264x128xf32, #tpu.memory_space<vmem>>, vector<16xf32>,
        tpu.vector_store %arg8[%swap3A_1381, %swap3A_1382], %max3A_1380 {strides = array<i32>} : memref<264x128xf32, #tpu.memory_space<vmem>>, vector<16xf32>,
        %max3A_1384 = arith.maximumf %get3A_1291, %get3A_1355 : vector<16xf32>
        %swap3A_1385 = arith.index_cast %squeeze3A_295 : i32 to index
        %swap3A_1386 = arith.constant 112 : index
        %swap3A_1387 = tpu.vector_load %arg8[%swap3A_1385, %swap3A_1386] {strides = array<i32>} : memref<264x128xf32, #tpu.memory_space<vmem>>, vector<16xf32>,
        tpu.vector_store %arg8[%swap3A_1385, %swap3A_1386], %max3A_1384 {strides = array<i32>} : memref<264x128xf32, #tpu.memory_space<vmem>>, vector<16xf32>,
        %get3A_1388 = arith.index_cast %squeeze3A_297 : i32 to index
        %get3A_1389 = arith.constant 0 : index
        %get3A_1390 = tpu.vector_load %arg9[%get3A_1388, %get3A_1389] {strides = array<i32>} : memref<264x128xf32, #tpu.memory_space<vmem>>, vector<16xf32>,
        %get3A_1391 = arith.index_cast %squeeze3A_297 : i32 to index
        %get3A_1392 = arith.constant 16 : index
        %get3A_1393 = tpu.vector_load %arg9[%get3A_1391, %get3A_1392] {strides = array<i32>} : memref<264x128xf32, #tpu.memory_space<vmem>>, vector<16xf32>,
        %get3A_1394 = arith.index_cast %squeeze3A_297 : i32 to index
        %get3A_1395 = arith.constant 32 : index
        %get3A_1396 = tpu.vector_load %arg9[%get3A_1394, %get3A_1395] {strides = array<i32>} : memref<264x128xf32, #tpu.memory_space<vmem>>, vector<16xf32>,
        %get3A_1397 = arith.index_cast %squeeze3A_297 : i32 to index
        %get3A_1398 = arith.constant 48 : index
        %get3A_1399 = tpu.vector_load %arg9[%get3A_1397, %get3A_1398] {strides = array<i32>} : memref<264x128xf32, #tpu.memory_space<vmem>>, vector<16xf32>,
        %get3A_1400 = arith.index_cast %squeeze3A_297 : i32 to index
        %get3A_1401 = arith.constant 64 : index
        %get3A_1402 = tpu.vector_load %arg9[%get3A_1400, %get3A_1401] {strides = array<i32>} : memref<264x128xf32, #tpu.memory_space<vmem>>, vector<16xf32>,
        %get3A_1403 = arith.index_cast %squeeze3A_297 : i32 to index
        %get3A_1404 = arith.constant 80 : index
        %get3A_1405 = tpu.vector_load %arg9[%get3A_1403, %get3A_1404] {strides = array<i32>} : memref<264x128xf32, #tpu.memory_space<vmem>>, vector<16xf32>,
        %get3A_1406 = arith.index_cast %squeeze3A_297 : i32 to index
        %get3A_1407 = arith.constant 96 : index
        %get3A_1408 = tpu.vector_load %arg9[%get3A_1406, %get3A_1407] {strides = array<i32>} : memref<264x128xf32, #tpu.memory_space<vmem>>, vector<16xf32>,
        %get3A_1409 = arith.index_cast %squeeze3A_297 : i32 to index
        %get3A_1410 = arith.constant 112 : index
        %get3A_1411 = tpu.vector_load %arg9[%get3A_1409, %get3A_1410] {strides = array<i32>} : memref<264x128xf32, #tpu.memory_space<vmem>>, vector<16xf32>,
        %mul3A_1412 = arith.constant 16 : i32
        %mul3A_1413 = arith.muli %scan3A_260, %mul3A_1412 : i32
        %add3A_1414 = arith.constant 9 : i32
        %add3A_1415 = arith.addi %mul3A_1413, %add3A_1414 : i32
        %get3A_1416 = arith.index_cast %rem3A_218 : i32 to index
        %get3A_1417 = arith.index_cast %add3A_1415 : i32 to index
        %get3A_1418 = arith.constant 0 : index
        %get3A_1419 = tpu.vector_load %arg7[%get3A_1416, %get3A_1417, %get3A_1418] {strides = array<i32>} : memref<2x128x128xf32, #tpu.memory_space<vmem>>, vector<16xf32>,
        %mul3A_1420 = arith.constant 16 : i32
        %mul3A_1421 = arith.muli %scan3A_260, %mul3A_1420 : i32
        %add3A_1422 = arith.constant 9 : i32
        %add3A_1423 = arith.addi %mul3A_1421, %add3A_1422 : i32
        %get3A_1424 = arith.index_cast %rem3A_218 : i32 to index
        %get3A_1425 = arith.index_cast %add3A_1423 : i32 to index
        %get3A_1426 = arith.constant 16 : index
        %get3A_1427 = tpu.vector_load %arg7[%get3A_1424, %get3A_1425, %get3A_1426] {strides = array<i32>} : memref<2x128x128xf32, #tpu.memory_space<vmem>>, vector<16xf32>,
        %mul3A_1428 = arith.constant 16 : i32
        %mul3A_1429 = arith.muli %scan3A_260, %mul3A_1428 : i32
        %add3A_1430 = arith.constant 9 : i32
        %add3A_1431 = arith.addi %mul3A_1429, %add3A_1430 : i32
        %get3A_1432 = arith.index_cast %rem3A_218 : i32 to index
        %get3A_1433 = arith.index_cast %add3A_1431 : i32 to index
        %get3A_1434 = arith.constant 32 : index
        %get3A_1435 = tpu.vector_load %arg7[%get3A_1432, %get3A_1433, %get3A_1434] {strides = array<i32>} : memref<2x128x128xf32, #tpu.memory_space<vmem>>, vector<16xf32>,
        %mul3A_1436 = arith.constant 16 : i32
        %mul3A_1437 = arith.muli %scan3A_260, %mul3A_1436 : i32
        %add3A_1438 = arith.constant 9 : i32
        %add3A_1439 = arith.addi %mul3A_1437, %add3A_1438 : i32
        %get3A_1440 = arith.index_cast %rem3A_218 : i32 to index
        %get3A_1441 = arith.index_cast %add3A_1439 : i32 to index
        %get3A_1442 = arith.constant 48 : index
        %get3A_1443 = tpu.vector_load %arg7[%get3A_1440, %get3A_1441, %get3A_1442] {strides = array<i32>} : memref<2x128x128xf32, #tpu.memory_space<vmem>>, vector<16xf32>,
        %mul3A_1444 = arith.constant 16 : i32
        %mul3A_1445 = arith.muli %scan3A_260, %mul3A_1444 : i32
        %add3A_1446 = arith.constant 9 : i32
        %add3A_1447 = arith.addi %mul3A_1445, %add3A_1446 : i32
        %get3A_1448 = arith.index_cast %rem3A_218 : i32 to index
        %get3A_1449 = arith.index_cast %add3A_1447 : i32 to index
        %get3A_1450 = arith.constant 64 : index
        %get3A_1451 = tpu.vector_load %arg7[%get3A_1448, %get3A_1449, %get3A_1450] {strides = array<i32>} : memref<2x128x128xf32, #tpu.memory_space<vmem>>, vector<16xf32>,
        %mul3A_1452 = arith.constant 16 : i32
        %mul3A_1453 = arith.muli %scan3A_260, %mul3A_1452 : i32
        %add3A_1454 = arith.constant 9 : i32
        %add3A_1455 = arith.addi %mul3A_1453, %add3A_1454 : i32
        %get3A_1456 = arith.index_cast %rem3A_218 : i32 to index
        %get3A_1457 = arith.index_cast %add3A_1455 : i32 to index
        %get3A_1458 = arith.constant 80 : index
        %get3A_1459 = tpu.vector_load %arg7[%get3A_1456, %get3A_1457, %get3A_1458] {strides = array<i32>} : memref<2x128x128xf32, #tpu.memory_space<vmem>>, vector<16xf32>,
        %mul3A_1460 = arith.constant 16 : i32
        %mul3A_1461 = arith.muli %scan3A_260, %mul3A_1460 : i32
        %add3A_1462 = arith.constant 9 : i32
        %add3A_1463 = arith.addi %mul3A_1461, %add3A_1462 : i32
        %get3A_1464 = arith.index_cast %rem3A_218 : i32 to index
        %get3A_1465 = arith.index_cast %add3A_1463 : i32 to index
        %get3A_1466 = arith.constant 96 : index
        %get3A_1467 = tpu.vector_load %arg7[%get3A_1464, %get3A_1465, %get3A_1466] {strides = array<i32>} : memref<2x128x128xf32, #tpu.memory_space<vmem>>, vector<16xf32>,
        %mul3A_1468 = arith.constant 16 : i32
        %mul3A_1469 = arith.muli %scan3A_260, %mul3A_1468 : i32
        %add3A_1470 = arith.constant 9 : i32
        %add3A_1471 = arith.addi %mul3A_1469, %add3A_1470 : i32
        %get3A_1472 = arith.index_cast %rem3A_218 : i32 to index
        %get3A_1473 = arith.index_cast %add3A_1471 : i32 to index
        %get3A_1474 = arith.constant 112 : index
        %get3A_1475 = tpu.vector_load %arg7[%get3A_1472, %get3A_1473, %get3A_1474] {strides = array<i32>} : memref<2x128x128xf32, #tpu.memory_space<vmem>>, vector<16xf32>,
        %max3A_1476 = arith.maximumf %get3A_1390, %get3A_1419 : vector<16xf32>
        %swap3A_1477 = arith.index_cast %squeeze3A_297 : i32 to index
        %swap3A_1478 = arith.constant 0 : index
        %swap3A_1479 = tpu.vector_load %arg9[%swap3A_1477, %swap3A_1478] {strides = array<i32>} : memref<264x128xf32, #tpu.memory_space<vmem>>, vector<16xf32>,
        tpu.vector_store %arg9[%swap3A_1477, %swap3A_1478], %max3A_1476 {strides = array<i32>} : memref<264x128xf32, #tpu.memory_space<vmem>>, vector<16xf32>,
        %max3A_1480 = arith.maximumf %get3A_1393, %get3A_1427 : vector<16xf32>
        %swap3A_1481 = arith.index_cast %squeeze3A_297 : i32 to index
        %swap3A_1482 = arith.constant 16 : index
        %swap3A_1483 = tpu.vector_load %arg9[%swap3A_1481, %swap3A_1482] {strides = array<i32>} : memref<264x128xf32, #tpu.memory_space<vmem>>, vector<16xf32>,
        tpu.vector_store %arg9[%swap3A_1481, %swap3A_1482], %max3A_1480 {strides = array<i32>} : memref<264x128xf32, #tpu.memory_space<vmem>>, vector<16xf32>,
        %max3A_1484 = arith.maximumf %get3A_1396, %get3A_1435 : vector<16xf32>
        %swap3A_1485 = arith.index_cast %squeeze3A_297 : i32 to index
        %swap3A_1486 = arith.constant 32 : index
        %swap3A_1487 = tpu.vector_load %arg9[%swap3A_1485, %swap3A_1486] {strides = array<i32>} : memref<264x128xf32, #tpu.memory_space<vmem>>, vector<16xf32>,
        tpu.vector_store %arg9[%swap3A_1485, %swap3A_1486], %max3A_1484 {strides = array<i32>} : memref<264x128xf32, #tpu.memory_space<vmem>>, vector<16xf32>,
        %max3A_1488 = arith.maximumf %get3A_1399, %get3A_1443 : vector<16xf32>
        %swap3A_1489 = arith.index_cast %squeeze3A_297 : i32 to index
        %swap3A_1490 = arith.constant 48 : index
        %swap3A_1491 = tpu.vector_load %arg9[%swap3A_1489, %swap3A_1490] {strides = array<i32>} : memref<264x128xf32, #tpu.memory_space<vmem>>, vector<16xf32>,
        tpu.vector_store %arg9[%swap3A_1489, %swap3A_1490], %max3A_1488 {strides = array<i32>} : memref<264x128xf32, #tpu.memory_space<vmem>>, vector<16xf32>,
        %max3A_1492 = arith.maximumf %get3A_1402, %get3A_1451 : vector<16xf32>
        %swap3A_1493 = arith.index_cast %squeeze3A_297 : i32 to index
        %swap3A_1494 = arith.constant 64 : index
        %swap3A_1495 = tpu.vector_load %arg9[%swap3A_1493, %swap3A_1494] {strides = array<i32>} : memref<264x128xf32, #tpu.memory_space<vmem>>, vector<16xf32>,
        tpu.vector_store %arg9[%swap3A_1493, %swap3A_1494], %max3A_1492 {strides = array<i32>} : memref<264x128xf32, #tpu.memory_space<vmem>>, vector<16xf32>,
        %max3A_1496 = arith.maximumf %get3A_1405, %get3A_1459 : vector<16xf32>
        %swap3A_1497 = arith.index_cast %squeeze3A_297 : i32 to index
        %swap3A_1498 = arith.constant 80 : index
        %swap3A_1499 = tpu.vector_load %arg9[%swap3A_1497, %swap3A_1498] {strides = array<i32>} : memref<264x128xf32, #tpu.memory_space<vmem>>, vector<16xf32>,
        tpu.vector_store %arg9[%swap3A_1497, %swap3A_1498], %max3A_1496 {strides = array<i32>} : memref<264x128xf32, #tpu.memory_space<vmem>>, vector<16xf32>,
        %max3A_1500 = arith.maximumf %get3A_1408, %get3A_1467 : vector<16xf32>
        %swap3A_1501 = arith.index_cast %squeeze3A_297 : i32 to index
        %swap3A_1502 = arith.constant 96 : index
        %swap3A_1503 = tpu.vector_load %arg9[%swap3A_1501, %swap3A_1502] {strides = array<i32>} : memref<264x128xf32, #tpu.memory_space<vmem>>, vector<16xf32>,
        tpu.vector_store %arg9[%swap3A_1501, %swap3A_1502], %max3A_1500 {strides = array<i32>} : memref<264x128xf32, #tpu.memory_space<vmem>>, vector<16xf32>,
        %max3A_1504 = arith.maximumf %get3A_1411, %get3A_1475 : vector<16xf32>
        %swap3A_1505 = arith.index_cast %squeeze3A_297 : i32 to index
        %swap3A_1506 = arith.constant 112 : index
        %swap3A_1507 = tpu.vector_load %arg9[%swap3A_1505, %swap3A_1506] {strides = array<i32>} : memref<264x128xf32, #tpu.memory_space<vmem>>, vector<16xf32>,
        tpu.vector_store %arg9[%swap3A_1505, %swap3A_1506], %max3A_1504 {strides = array<i32>} : memref<264x128xf32, #tpu.memory_space<vmem>>, vector<16xf32>,
        %get3A_1508 = arith.index_cast %squeeze3A_299 : i32 to index
        %get3A_1509 = arith.constant 0 : index
        %get3A_1510 = tpu.vector_load %arg8[%get3A_1508, %get3A_1509] {strides = array<i32>} : memref<264x128xf32, #tpu.memory_space<vmem>>, vector<16xf32>,
        %get3A_1511 = arith.index_cast %squeeze3A_299 : i32 to index
        %get3A_1512 = arith.constant 16 : index
        %get3A_1513 = tpu.vector_load %arg8[%get3A_1511, %get3A_1512] {strides = array<i32>} : memref<264x128xf32, #tpu.memory_space<vmem>>, vector<16xf32>,
        %get3A_1514 = arith.index_cast %squeeze3A_299 : i32 to index
        %get3A_1515 = arith.constant 32 : index
        %get3A_1516 = tpu.vector_load %arg8[%get3A_1514, %get3A_1515] {strides = array<i32>} : memref<264x128xf32, #tpu.memory_space<vmem>>, vector<16xf32>,
        %get3A_1517 = arith.index_cast %squeeze3A_299 : i32 to index
        %get3A_1518 = arith.constant 48 : index
        %get3A_1519 = tpu.vector_load %arg8[%get3A_1517, %get3A_1518] {strides = array<i32>} : memref<264x128xf32, #tpu.memory_space<vmem>>, vector<16xf32>,
        %get3A_1520 = arith.index_cast %squeeze3A_299 : i32 to index
        %get3A_1521 = arith.constant 64 : index
        %get3A_1522 = tpu.vector_load %arg8[%get3A_1520, %get3A_1521] {strides = array<i32>} : memref<264x128xf32, #tpu.memory_space<vmem>>, vector<16xf32>,
        %get3A_1523 = arith.index_cast %squeeze3A_299 : i32 to index
        %get3A_1524 = arith.constant 80 : index
        %get3A_1525 = tpu.vector_load %arg8[%get3A_1523, %get3A_1524] {strides = array<i32>} : memref<264x128xf32, #tpu.memory_space<vmem>>, vector<16xf32>,
        %get3A_1526 = arith.index_cast %squeeze3A_299 : i32 to index
        %get3A_1527 = arith.constant 96 : index
        %get3A_1528 = tpu.vector_load %arg8[%get3A_1526, %get3A_1527] {strides = array<i32>} : memref<264x128xf32, #tpu.memory_space<vmem>>, vector<16xf32>,
        %get3A_1529 = arith.index_cast %squeeze3A_299 : i32 to index
        %get3A_1530 = arith.constant 112 : index
        %get3A_1531 = tpu.vector_load %arg8[%get3A_1529, %get3A_1530] {strides = array<i32>} : memref<264x128xf32, #tpu.memory_space<vmem>>, vector<16xf32>,
        %mul3A_1532 = arith.constant 16 : i32
        %mul3A_1533 = arith.muli %scan3A_260, %mul3A_1532 : i32
        %add3A_1534 = arith.constant 10 : i32
        %add3A_1535 = arith.addi %mul3A_1533, %add3A_1534 : i32
        %get3A_1536 = arith.index_cast %rem3A_218 : i32 to index
        %get3A_1537 = arith.index_cast %add3A_1535 : i32 to index
        %get3A_1538 = arith.constant 0 : index
        %get3A_1539 = tpu.vector_load %arg7[%get3A_1536, %get3A_1537, %get3A_1538] {strides = array<i32>} : memref<2x128x128xf32, #tpu.memory_space<vmem>>, vector<16xf32>,
        %mul3A_1540 = arith.constant 16 : i32
        %mul3A_1541 = arith.muli %scan3A_260, %mul3A_1540 : i32
        %add3A_1542 = arith.constant 10 : i32
        %add3A_1543 = arith.addi %mul3A_1541, %add3A_1542 : i32
        %get3A_1544 = arith.index_cast %rem3A_218 : i32 to index
        %get3A_1545 = arith.index_cast %add3A_1543 : i32 to index
        %get3A_1546 = arith.constant 16 : index
        %get3A_1547 = tpu.vector_load %arg7[%get3A_1544, %get3A_1545, %get3A_1546] {strides = array<i32>} : memref<2x128x128xf32, #tpu.memory_space<vmem>>, vector<16xf32>,
        %mul3A_1548 = arith.constant 16 : i32
        %mul3A_1549 = arith.muli %scan3A_260, %mul3A_1548 : i32
        %add3A_1550 = arith.constant 10 : i32
        %add3A_1551 = arith.addi %mul3A_1549, %add3A_1550 : i32
        %get3A_1552 = arith.index_cast %rem3A_218 : i32 to index
        %get3A_1553 = arith.index_cast %add3A_1551 : i32 to index
        %get3A_1554 = arith.constant 32 : index
        %get3A_1555 = tpu.vector_load %arg7[%get3A_1552, %get3A_1553, %get3A_1554] {strides = array<i32>} : memref<2x128x128xf32, #tpu.memory_space<vmem>>, vector<16xf32>,
        %mul3A_1556 = arith.constant 16 : i32
        %mul3A_1557 = arith.muli %scan3A_260, %mul3A_1556 : i32
        %add3A_1558 = arith.constant 10 : i32
        %add3A_1559 = arith.addi %mul3A_1557, %add3A_1558 : i32
        %get3A_1560 = arith.index_cast %rem3A_218 : i32 to index
        %get3A_1561 = arith.index_cast %add3A_1559 : i32 to index
        %get3A_1562 = arith.constant 48 : index
        %get3A_1563 = tpu.vector_load %arg7[%get3A_1560, %get3A_1561, %get3A_1562] {strides = array<i32>} : memref<2x128x128xf32, #tpu.memory_space<vmem>>, vector<16xf32>,
        %mul3A_1564 = arith.constant 16 : i32
        %mul3A_1565 = arith.muli %scan3A_260, %mul3A_1564 : i32
        %add3A_1566 = arith.constant 10 : i32
        %add3A_1567 = arith.addi %mul3A_1565, %add3A_1566 : i32
        %get3A_1568 = arith.index_cast %rem3A_218 : i32 to index
        %get3A_1569 = arith.index_cast %add3A_1567 : i32 to index
        %get3A_1570 = arith.constant 64 : index
        %get3A_1571 = tpu.vector_load %arg7[%get3A_1568, %get3A_1569, %get3A_1570] {strides = array<i32>} : memref<2x128x128xf32, #tpu.memory_space<vmem>>, vector<16xf32>,
        %mul3A_1572 = arith.constant 16 : i32
        %mul3A_1573 = arith.muli %scan3A_260, %mul3A_1572 : i32
        %add3A_1574 = arith.constant 10 : i32
        %add3A_1575 = arith.addi %mul3A_1573, %add3A_1574 : i32
        %get3A_1576 = arith.index_cast %rem3A_218 : i32 to index
        %get3A_1577 = arith.index_cast %add3A_1575 : i32 to index
        %get3A_1578 = arith.constant 80 : index
        %get3A_1579 = tpu.vector_load %arg7[%get3A_1576, %get3A_1577, %get3A_1578] {strides = array<i32>} : memref<2x128x128xf32, #tpu.memory_space<vmem>>, vector<16xf32>,
        %mul3A_1580 = arith.constant 16 : i32
        %mul3A_1581 = arith.muli %scan3A_260, %mul3A_1580 : i32
        %add3A_1582 = arith.constant 10 : i32
        %add3A_1583 = arith.addi %mul3A_1581, %add3A_1582 : i32
        %get3A_1584 = arith.index_cast %rem3A_218 : i32 to index
        %get3A_1585 = arith.index_cast %add3A_1583 : i32 to index
        %get3A_1586 = arith.constant 96 : index
        %get3A_1587 = tpu.vector_load %arg7[%get3A_1584, %get3A_1585, %get3A_1586] {strides = array<i32>} : memref<2x128x128xf32, #tpu.memory_space<vmem>>, vector<16xf32>,
        %mul3A_1588 = arith.constant 16 : i32
        %mul3A_1589 = arith.muli %scan3A_260, %mul3A_1588 : i32
        %add3A_1590 = arith.constant 10 : i32
        %add3A_1591 = arith.addi %mul3A_1589, %add3A_1590 : i32
        %get3A_1592 = arith.index_cast %rem3A_218 : i32 to index
        %get3A_1593 = arith.index_cast %add3A_1591 : i32 to index
        %get3A_1594 = arith.constant 112 : index
        %get3A_1595 = tpu.vector_load %arg7[%get3A_1592, %get3A_1593, %get3A_1594] {strides = array<i32>} : memref<2x128x128xf32, #tpu.memory_space<vmem>>, vector<16xf32>,
        %max3A_1596 = arith.maximumf %get3A_1510, %get3A_1539 : vector<16xf32>
        %swap3A_1597 = arith.index_cast %squeeze3A_299 : i32 to index
        %swap3A_1598 = arith.constant 0 : index
        %swap3A_1599 = tpu.vector_load %arg8[%swap3A_1597, %swap3A_1598] {strides = array<i32>} : memref<264x128xf32, #tpu.memory_space<vmem>>, vector<16xf32>,
        tpu.vector_store %arg8[%swap3A_1597, %swap3A_1598], %max3A_1596 {strides = array<i32>} : memref<264x128xf32, #tpu.memory_space<vmem>>, vector<16xf32>,
        %max3A_1600 = arith.maximumf %get3A_1513, %get3A_1547 : vector<16xf32>
        %swap3A_1601 = arith.index_cast %squeeze3A_299 : i32 to index
        %swap3A_1602 = arith.constant 16 : index
        %swap3A_1603 = tpu.vector_load %arg8[%swap3A_1601, %swap3A_1602] {strides = array<i32>} : memref<264x128xf32, #tpu.memory_space<vmem>>, vector<16xf32>,
        tpu.vector_store %arg8[%swap3A_1601, %swap3A_1602], %max3A_1600 {strides = array<i32>} : memref<264x128xf32, #tpu.memory_space<vmem>>, vector<16xf32>,
        %max3A_1604 = arith.maximumf %get3A_1516, %get3A_1555 : vector<16xf32>
        %swap3A_1605 = arith.index_cast %squeeze3A_299 : i32 to index
        %swap3A_1606 = arith.constant 32 : index
        %swap3A_1607 = tpu.vector_load %arg8[%swap3A_1605, %swap3A_1606] {strides = array<i32>} : memref<264x128xf32, #tpu.memory_space<vmem>>, vector<16xf32>,
        tpu.vector_store %arg8[%swap3A_1605, %swap3A_1606], %max3A_1604 {strides = array<i32>} : memref<264x128xf32, #tpu.memory_space<vmem>>, vector<16xf32>,
        %max3A_1608 = arith.maximumf %get3A_1519, %get3A_1563 : vector<16xf32>
        %swap3A_1609 = arith.index_cast %squeeze3A_299 : i32 to index
        %swap3A_1610 = arith.constant 48 : index
        %swap3A_1611 = tpu.vector_load %arg8[%swap3A_1609, %swap3A_1610] {strides = array<i32>} : memref<264x128xf32, #tpu.memory_space<vmem>>, vector<16xf32>,
        tpu.vector_store %arg8[%swap3A_1609, %swap3A_1610], %max3A_1608 {strides = array<i32>} : memref<264x128xf32, #tpu.memory_space<vmem>>, vector<16xf32>,
        %max3A_1612 = arith.maximumf %get3A_1522, %get3A_1571 : vector<16xf32>
        %swap3A_1613 = arith.index_cast %squeeze3A_299 : i32 to index
        %swap3A_1614 = arith.constant 64 : index
        %swap3A_1615 = tpu.vector_load %arg8[%swap3A_1613, %swap3A_1614] {strides = array<i32>} : memref<264x128xf32, #tpu.memory_space<vmem>>, vector<16xf32>,
        tpu.vector_store %arg8[%swap3A_1613, %swap3A_1614], %max3A_1612 {strides = array<i32>} : memref<264x128xf32, #tpu.memory_space<vmem>>, vector<16xf32>,
        %max3A_1616 = arith.maximumf %get3A_1525, %get3A_1579 : vector<16xf32>
        %swap3A_1617 = arith.index_cast %squeeze3A_299 : i32 to index
        %swap3A_1618 = arith.constant 80 : index
        %swap3A_1619 = tpu.vector_load %arg8[%swap3A_1617, %swap3A_1618] {strides = array<i32>} : memref<264x128xf32, #tpu.memory_space<vmem>>, vector<16xf32>,
        tpu.vector_store %arg8[%swap3A_1617, %swap3A_1618], %max3A_1616 {strides = array<i32>} : memref<264x128xf32, #tpu.memory_space<vmem>>, vector<16xf32>,
        %max3A_1620 = arith.maximumf %get3A_1528, %get3A_1587 : vector<16xf32>
        %swap3A_1621 = arith.index_cast %squeeze3A_299 : i32 to index
        %swap3A_1622 = arith.constant 96 : index
        %swap3A_1623 = tpu.vector_load %arg8[%swap3A_1621, %swap3A_1622] {strides = array<i32>} : memref<264x128xf32, #tpu.memory_space<vmem>>, vector<16xf32>,
        tpu.vector_store %arg8[%swap3A_1621, %swap3A_1622], %max3A_1620 {strides = array<i32>} : memref<264x128xf32, #tpu.memory_space<vmem>>, vector<16xf32>,
        %max3A_1624 = arith.maximumf %get3A_1531, %get3A_1595 : vector<16xf32>
        %swap3A_1625 = arith.index_cast %squeeze3A_299 : i32 to index
        %swap3A_1626 = arith.constant 112 : index
        %swap3A_1627 = tpu.vector_load %arg8[%swap3A_1625, %swap3A_1626] {strides = array<i32>} : memref<264x128xf32, #tpu.memory_space<vmem>>, vector<16xf32>,
        tpu.vector_store %arg8[%swap3A_1625, %swap3A_1626], %max3A_1624 {strides = array<i32>} : memref<264x128xf32, #tpu.memory_space<vmem>>, vector<16xf32>,
        %get3A_1628 = arith.index_cast %squeeze3A_301 : i32 to index
        %get3A_1629 = arith.constant 0 : index
        %get3A_1630 = tpu.vector_load %arg9[%get3A_1628, %get3A_1629] {strides = array<i32>} : memref<264x128xf32, #tpu.memory_space<vmem>>, vector<16xf32>,
        %get3A_1631 = arith.index_cast %squeeze3A_301 : i32 to index
        %get3A_1632 = arith.constant 16 : index
        %get3A_1633 = tpu.vector_load %arg9[%get3A_1631, %get3A_1632] {strides = array<i32>} : memref<264x128xf32, #tpu.memory_space<vmem>>, vector<16xf32>,
        %get3A_1634 = arith.index_cast %squeeze3A_301 : i32 to index
        %get3A_1635 = arith.constant 32 : index
        %get3A_1636 = tpu.vector_load %arg9[%get3A_1634, %get3A_1635] {strides = array<i32>} : memref<264x128xf32, #tpu.memory_space<vmem>>, vector<16xf32>,
        %get3A_1637 = arith.index_cast %squeeze3A_301 : i32 to index
        %get3A_1638 = arith.constant 48 : index
        %get3A_1639 = tpu.vector_load %arg9[%get3A_1637, %get3A_1638] {strides = array<i32>} : memref<264x128xf32, #tpu.memory_space<vmem>>, vector<16xf32>,
        %get3A_1640 = arith.index_cast %squeeze3A_301 : i32 to index
        %get3A_1641 = arith.constant 64 : index
        %get3A_1642 = tpu.vector_load %arg9[%get3A_1640, %get3A_1641] {strides = array<i32>} : memref<264x128xf32, #tpu.memory_space<vmem>>, vector<16xf32>,
        %get3A_1643 = arith.index_cast %squeeze3A_301 : i32 to index
        %get3A_1644 = arith.constant 80 : index
        %get3A_1645 = tpu.vector_load %arg9[%get3A_1643, %get3A_1644] {strides = array<i32>} : memref<264x128xf32, #tpu.memory_space<vmem>>, vector<16xf32>,
        %get3A_1646 = arith.index_cast %squeeze3A_301 : i32 to index
        %get3A_1647 = arith.constant 96 : index
        %get3A_1648 = tpu.vector_load %arg9[%get3A_1646, %get3A_1647] {strides = array<i32>} : memref<264x128xf32, #tpu.memory_space<vmem>>, vector<16xf32>,
        %get3A_1649 = arith.index_cast %squeeze3A_301 : i32 to index
        %get3A_1650 = arith.constant 112 : index
        %get3A_1651 = tpu.vector_load %arg9[%get3A_1649, %get3A_1650] {strides = array<i32>} : memref<264x128xf32, #tpu.memory_space<vmem>>, vector<16xf32>,
        %mul3A_1652 = arith.constant 16 : i32
        %mul3A_1653 = arith.muli %scan3A_260, %mul3A_1652 : i32
        %add3A_1654 = arith.constant 11 : i32
        %add3A_1655 = arith.addi %mul3A_1653, %add3A_1654 : i32
        %get3A_1656 = arith.index_cast %rem3A_218 : i32 to index
        %get3A_1657 = arith.index_cast %add3A_1655 : i32 to index
        %get3A_1658 = arith.constant 0 : index
        %get3A_1659 = tpu.vector_load %arg7[%get3A_1656, %get3A_1657, %get3A_1658] {strides = array<i32>} : memref<2x128x128xf32, #tpu.memory_space<vmem>>, vector<16xf32>,
        %mul3A_1660 = arith.constant 16 : i32
        %mul3A_1661 = arith.muli %scan3A_260, %mul3A_1660 : i32
        %add3A_1662 = arith.constant 11 : i32
        %add3A_1663 = arith.addi %mul3A_1661, %add3A_1662 : i32
        %get3A_1664 = arith.index_cast %rem3A_218 : i32 to index
        %get3A_1665 = arith.index_cast %add3A_1663 : i32 to index
        %get3A_1666 = arith.constant 16 : index
        %get3A_1667 = tpu.vector_load %arg7[%get3A_1664, %get3A_1665, %get3A_1666] {strides = array<i32>} : memref<2x128x128xf32, #tpu.memory_space<vmem>>, vector<16xf32>,
        %mul3A_1668 = arith.constant 16 : i32
        %mul3A_1669 = arith.muli %scan3A_260, %mul3A_1668 : i32
        %add3A_1670 = arith.constant 11 : i32
        %add3A_1671 = arith.addi %mul3A_1669, %add3A_1670 : i32
        %get3A_1672 = arith.index_cast %rem3A_218 : i32 to index
        %get3A_1673 = arith.index_cast %add3A_1671 : i32 to index
        %get3A_1674 = arith.constant 32 : index
        %get3A_1675 = tpu.vector_load %arg7[%get3A_1672, %get3A_1673, %get3A_1674] {strides = array<i32>} : memref<2x128x128xf32, #tpu.memory_space<vmem>>, vector<16xf32>,
        %mul3A_1676 = arith.constant 16 : i32
        %mul3A_1677 = arith.muli %scan3A_260, %mul3A_1676 : i32
        %add3A_1678 = arith.constant 11 : i32
        %add3A_1679 = arith.addi %mul3A_1677, %add3A_1678 : i32
        %get3A_1680 = arith.index_cast %rem3A_218 : i32 to index
        %get3A_1681 = arith.index_cast %add3A_1679 : i32 to index
        %get3A_1682 = arith.constant 48 : index
        %get3A_1683 = tpu.vector_load %arg7[%get3A_1680, %get3A_1681, %get3A_1682] {strides = array<i32>} : memref<2x128x128xf32, #tpu.memory_space<vmem>>, vector<16xf32>,
        %mul3A_1684 = arith.constant 16 : i32
        %mul3A_1685 = arith.muli %scan3A_260, %mul3A_1684 : i32
        %add3A_1686 = arith.constant 11 : i32
        %add3A_1687 = arith.addi %mul3A_1685, %add3A_1686 : i32
        %get3A_1688 = arith.index_cast %rem3A_218 : i32 to index
        %get3A_1689 = arith.index_cast %add3A_1687 : i32 to index
        %get3A_1690 = arith.constant 64 : index
        %get3A_1691 = tpu.vector_load %arg7[%get3A_1688, %get3A_1689, %get3A_1690] {strides = array<i32>} : memref<2x128x128xf32, #tpu.memory_space<vmem>>, vector<16xf32>,
        %mul3A_1692 = arith.constant 16 : i32
        %mul3A_1693 = arith.muli %scan3A_260, %mul3A_1692 : i32
        %add3A_1694 = arith.constant 11 : i32
        %add3A_1695 = arith.addi %mul3A_1693, %add3A_1694 : i32
        %get3A_1696 = arith.index_cast %rem3A_218 : i32 to index
        %get3A_1697 = arith.index_cast %add3A_1695 : i32 to index
        %get3A_1698 = arith.constant 80 : index
        %get3A_1699 = tpu.vector_load %arg7[%get3A_1696, %get3A_1697, %get3A_1698] {strides = array<i32>} : memref<2x128x128xf32, #tpu.memory_space<vmem>>, vector<16xf32>,
        %mul3A_1700 = arith.constant 16 : i32
        %mul3A_1701 = arith.muli %scan3A_260, %mul3A_1700 : i32
        %add3A_1702 = arith.constant 11 : i32
        %add3A_1703 = arith.addi %mul3A_1701, %add3A_1702 : i32
        %get3A_1704 = arith.index_cast %rem3A_218 : i32 to index
        %get3A_1705 = arith.index_cast %add3A_1703 : i32 to index
        %get3A_1706 = arith.constant 96 : index
        %get3A_1707 = tpu.vector_load %arg7[%get3A_1704, %get3A_1705, %get3A_1706] {strides = array<i32>} : memref<2x128x128xf32, #tpu.memory_space<vmem>>, vector<16xf32>,
        %mul3A_1708 = arith.constant 16 : i32
        %mul3A_1709 = arith.muli %scan3A_260, %mul3A_1708 : i32
        %add3A_1710 = arith.constant 11 : i32
        %add3A_1711 = arith.addi %mul3A_1709, %add3A_1710 : i32
        %get3A_1712 = arith.index_cast %rem3A_218 : i32 to index
        %get3A_1713 = arith.index_cast %add3A_1711 : i32 to index
        %get3A_1714 = arith.constant 112 : index
        %get3A_1715 = tpu.vector_load %arg7[%get3A_1712, %get3A_1713, %get3A_1714] {strides = array<i32>} : memref<2x128x128xf32, #tpu.memory_space<vmem>>, vector<16xf32>,
        %max3A_1716 = arith.maximumf %get3A_1630, %get3A_1659 : vector<16xf32>
        %swap3A_1717 = arith.index_cast %squeeze3A_301 : i32 to index
        %swap3A_1718 = arith.constant 0 : index
        %swap3A_1719 = tpu.vector_load %arg9[%swap3A_1717, %swap3A_1718] {strides = array<i32>} : memref<264x128xf32, #tpu.memory_space<vmem>>, vector<16xf32>,
        tpu.vector_store %arg9[%swap3A_1717, %swap3A_1718], %max3A_1716 {strides = array<i32>} : memref<264x128xf32, #tpu.memory_space<vmem>>, vector<16xf32>,
        %max3A_1720 = arith.maximumf %get3A_1633, %get3A_1667 : vector<16xf32>
        %swap3A_1721 = arith.index_cast %squeeze3A_301 : i32 to index
        %swap3A_1722 = arith.constant 16 : index
        %swap3A_1723 = tpu.vector_load %arg9[%swap3A_1721, %swap3A_1722] {strides = array<i32>} : memref<264x128xf32, #tpu.memory_space<vmem>>, vector<16xf32>,
        tpu.vector_store %arg9[%swap3A_1721, %swap3A_1722], %max3A_1720 {strides = array<i32>} : memref<264x128xf32, #tpu.memory_space<vmem>>, vector<16xf32>,
        %max3A_1724 = arith.maximumf %get3A_1636, %get3A_1675 : vector<16xf32>
        %swap3A_1725 = arith.index_cast %squeeze3A_301 : i32 to index
        %swap3A_1726 = arith.constant 32 : index
        %swap3A_1727 = tpu.vector_load %arg9[%swap3A_1725, %swap3A_1726] {strides = array<i32>} : memref<264x128xf32, #tpu.memory_space<vmem>>, vector<16xf32>,
        tpu.vector_store %arg9[%swap3A_1725, %swap3A_1726], %max3A_1724 {strides = array<i32>} : memref<264x128xf32, #tpu.memory_space<vmem>>, vector<16xf32>,
        %max3A_1728 = arith.maximumf %get3A_1639, %get3A_1683 : vector<16xf32>
        %swap3A_1729 = arith.index_cast %squeeze3A_301 : i32 to index
        %swap3A_1730 = arith.constant 48 : index
        %swap3A_1731 = tpu.vector_load %arg9[%swap3A_1729, %swap3A_1730] {strides = array<i32>} : memref<264x128xf32, #tpu.memory_space<vmem>>, vector<16xf32>,
        tpu.vector_store %arg9[%swap3A_1729, %swap3A_1730], %max3A_1728 {strides = array<i32>} : memref<264x128xf32, #tpu.memory_space<vmem>>, vector<16xf32>,
        %max3A_1732 = arith.maximumf %get3A_1642, %get3A_1691 : vector<16xf32>
        %swap3A_1733 = arith.index_cast %squeeze3A_301 : i32 to index
        %swap3A_1734 = arith.constant 64 : index
        %swap3A_1735 = tpu.vector_load %arg9[%swap3A_1733, %swap3A_1734] {strides = array<i32>} : memref<264x128xf32, #tpu.memory_space<vmem>>, vector<16xf32>,
        tpu.vector_store %arg9[%swap3A_1733, %swap3A_1734], %max3A_1732 {strides = array<i32>} : memref<264x128xf32, #tpu.memory_space<vmem>>, vector<16xf32>,
        %max3A_1736 = arith.maximumf %get3A_1645, %get3A_1699 : vector<16xf32>
        %swap3A_1737 = arith.index_cast %squeeze3A_301 : i32 to index
        %swap3A_1738 = arith.constant 80 : index
        %swap3A_1739 = tpu.vector_load %arg9[%swap3A_1737, %swap3A_1738] {strides = array<i32>} : memref<264x128xf32, #tpu.memory_space<vmem>>, vector<16xf32>,
        tpu.vector_store %arg9[%swap3A_1737, %swap3A_1738], %max3A_1736 {strides = array<i32>} : memref<264x128xf32, #tpu.memory_space<vmem>>, vector<16xf32>,
        %max3A_1740 = arith.maximumf %get3A_1648, %get3A_1707 : vector<16xf32>
        %swap3A_1741 = arith.index_cast %squeeze3A_301 : i32 to index
        %swap3A_1742 = arith.constant 96 : index
        %swap3A_1743 = tpu.vector_load %arg9[%swap3A_1741, %swap3A_1742] {strides = array<i32>} : memref<264x128xf32, #tpu.memory_space<vmem>>, vector<16xf32>,
        tpu.vector_store %arg9[%swap3A_1741, %swap3A_1742], %max3A_1740 {strides = array<i32>} : memref<264x128xf32, #tpu.memory_space<vmem>>, vector<16xf32>,
        %max3A_1744 = arith.maximumf %get3A_1651, %get3A_1715 : vector<16xf32>
        %swap3A_1745 = arith.index_cast %squeeze3A_301 : i32 to index
        %swap3A_1746 = arith.constant 112 : index
        %swap3A_1747 = tpu.vector_load %arg9[%swap3A_1745, %swap3A_1746] {strides = array<i32>} : memref<264x128xf32, #tpu.memory_space<vmem>>, vector<16xf32>,
        tpu.vector_store %arg9[%swap3A_1745, %swap3A_1746], %max3A_1744 {strides = array<i32>} : memref<264x128xf32, #tpu.memory_space<vmem>>, vector<16xf32>,
        %get3A_1748 = arith.index_cast %squeeze3A_303 : i32 to index
        %get3A_1749 = arith.constant 0 : index
        %get3A_1750 = tpu.vector_load %arg8[%get3A_1748, %get3A_1749] {strides = array<i32>} : memref<264x128xf32, #tpu.memory_space<vmem>>, vector<16xf32>,
        %get3A_1751 = arith.index_cast %squeeze3A_303 : i32 to index
        %get3A_1752 = arith.constant 16 : index
        %get3A_1753 = tpu.vector_load %arg8[%get3A_1751, %get3A_1752] {strides = array<i32>} : memref<264x128xf32, #tpu.memory_space<vmem>>, vector<16xf32>,
        %get3A_1754 = arith.index_cast %squeeze3A_303 : i32 to index
        %get3A_1755 = arith.constant 32 : index
        %get3A_1756 = tpu.vector_load %arg8[%get3A_1754, %get3A_1755] {strides = array<i32>} : memref<264x128xf32, #tpu.memory_space<vmem>>, vector<16xf32>,
        %get3A_1757 = arith.index_cast %squeeze3A_303 : i32 to index
        %get3A_1758 = arith.constant 48 : index
        %get3A_1759 = tpu.vector_load %arg8[%get3A_1757, %get3A_1758] {strides = array<i32>} : memref<264x128xf32, #tpu.memory_space<vmem>>, vector<16xf32>,
        %get3A_1760 = arith.index_cast %squeeze3A_303 : i32 to index
        %get3A_1761 = arith.constant 64 : index
        %get3A_1762 = tpu.vector_load %arg8[%get3A_1760, %get3A_1761] {strides = array<i32>} : memref<264x128xf32, #tpu.memory_space<vmem>>, vector<16xf32>,
        %get3A_1763 = arith.index_cast %squeeze3A_303 : i32 to index
        %get3A_1764 = arith.constant 80 : index
        %get3A_1765 = tpu.vector_load %arg8[%get3A_1763, %get3A_1764] {strides = array<i32>} : memref<264x128xf32, #tpu.memory_space<vmem>>, vector<16xf32>,
        %get3A_1766 = arith.index_cast %squeeze3A_303 : i32 to index
        %get3A_1767 = arith.constant 96 : index
        %get3A_1768 = tpu.vector_load %arg8[%get3A_1766, %get3A_1767] {strides = array<i32>} : memref<264x128xf32, #tpu.memory_space<vmem>>, vector<16xf32>,
        %get3A_1769 = arith.index_cast %squeeze3A_303 : i32 to index
        %get3A_1770 = arith.constant 112 : index
        %get3A_1771 = tpu.vector_load %arg8[%get3A_1769, %get3A_1770] {strides = array<i32>} : memref<264x128xf32, #tpu.memory_space<vmem>>, vector<16xf32>,
        %mul3A_1772 = arith.constant 16 : i32
        %mul3A_1773 = arith.muli %scan3A_260, %mul3A_1772 : i32
        %add3A_1774 = arith.constant 12 : i32
        %add3A_1775 = arith.addi %mul3A_1773, %add3A_1774 : i32
        %get3A_1776 = arith.index_cast %rem3A_218 : i32 to index
        %get3A_1777 = arith.index_cast %add3A_1775 : i32 to index
        %get3A_1778 = arith.constant 0 : index
        %get3A_1779 = tpu.vector_load %arg7[%get3A_1776, %get3A_1777, %get3A_1778] {strides = array<i32>} : memref<2x128x128xf32, #tpu.memory_space<vmem>>, vector<16xf32>,
        %mul3A_1780 = arith.constant 16 : i32
        %mul3A_1781 = arith.muli %scan3A_260, %mul3A_1780 : i32
        %add3A_1782 = arith.constant 12 : i32
        %add3A_1783 = arith.addi %mul3A_1781, %add3A_1782 : i32
        %get3A_1784 = arith.index_cast %rem3A_218 : i32 to index
        %get3A_1785 = arith.index_cast %add3A_1783 : i32 to index
        %get3A_1786 = arith.constant 16 : index
        %get3A_1787 = tpu.vector_load %arg7[%get3A_1784, %get3A_1785, %get3A_1786] {strides = array<i32>} : memref<2x128x128xf32, #tpu.memory_space<vmem>>, vector<16xf32>,
        %mul3A_1788 = arith.constant 16 : i32
        %mul3A_1789 = arith.muli %scan3A_260, %mul3A_1788 : i32
        %add3A_1790 = arith.constant 12 : i32
        %add3A_1791 = arith.addi %mul3A_1789, %add3A_1790 : i32
        %get3A_1792 = arith.index_cast %rem3A_218 : i32 to index
        %get3A_1793 = arith.index_cast %add3A_1791 : i32 to index
        %get3A_1794 = arith.constant 32 : index
        %get3A_1795 = tpu.vector_load %arg7[%get3A_1792, %get3A_1793, %get3A_1794] {strides = array<i32>} : memref<2x128x128xf32, #tpu.memory_space<vmem>>, vector<16xf32>,
        %mul3A_1796 = arith.constant 16 : i32
        %mul3A_1797 = arith.muli %scan3A_260, %mul3A_1796 : i32
        %add3A_1798 = arith.constant 12 : i32
        %add3A_1799 = arith.addi %mul3A_1797, %add3A_1798 : i32
        %get3A_1800 = arith.index_cast %rem3A_218 : i32 to index
        %get3A_1801 = arith.index_cast %add3A_1799 : i32 to index
        %get3A_1802 = arith.constant 48 : index
        %get3A_1803 = tpu.vector_load %arg7[%get3A_1800, %get3A_1801, %get3A_1802] {strides = array<i32>} : memref<2x128x128xf32, #tpu.memory_space<vmem>>, vector<16xf32>,
        %mul3A_1804 = arith.constant 16 : i32
        %mul3A_1805 = arith.muli %scan3A_260, %mul3A_1804 : i32
        %add3A_1806 = arith.constant 12 : i32
        %add3A_1807 = arith.addi %mul3A_1805, %add3A_1806 : i32
        %get3A_1808 = arith.index_cast %rem3A_218 : i32 to index
        %get3A_1809 = arith.index_cast %add3A_1807 : i32 to index
        %get3A_1810 = arith.constant 64 : index
        %get3A_1811 = tpu.vector_load %arg7[%get3A_1808, %get3A_1809, %get3A_1810] {strides = array<i32>} : memref<2x128x128xf32, #tpu.memory_space<vmem>>, vector<16xf32>,
        %mul3A_1812 = arith.constant 16 : i32
        %mul3A_1813 = arith.muli %scan3A_260, %mul3A_1812 : i32
        %add3A_1814 = arith.constant 12 : i32
        %add3A_1815 = arith.addi %mul3A_1813, %add3A_1814 : i32
        %get3A_1816 = arith.index_cast %rem3A_218 : i32 to index
        %get3A_1817 = arith.index_cast %add3A_1815 : i32 to index
        %get3A_1818 = arith.constant 80 : index
        %get3A_1819 = tpu.vector_load %arg7[%get3A_1816, %get3A_1817, %get3A_1818] {strides = array<i32>} : memref<2x128x128xf32, #tpu.memory_space<vmem>>, vector<16xf32>,
        %mul3A_1820 = arith.constant 16 : i32
        %mul3A_1821 = arith.muli %scan3A_260, %mul3A_1820 : i32
        %add3A_1822 = arith.constant 12 : i32
        %add3A_1823 = arith.addi %mul3A_1821, %add3A_1822 : i32
        %get3A_1824 = arith.index_cast %rem3A_218 : i32 to index
        %get3A_1825 = arith.index_cast %add3A_1823 : i32 to index
        %get3A_1826 = arith.constant 96 : index
        %get3A_1827 = tpu.vector_load %arg7[%get3A_1824, %get3A_1825, %get3A_1826] {strides = array<i32>} : memref<2x128x128xf32, #tpu.memory_space<vmem>>, vector<16xf32>,
        %mul3A_1828 = arith.constant 16 : i32
        %mul3A_1829 = arith.muli %scan3A_260, %mul3A_1828 : i32
        %add3A_1830 = arith.constant 12 : i32
        %add3A_1831 = arith.addi %mul3A_1829, %add3A_1830 : i32
        %get3A_1832 = arith.index_cast %rem3A_218 : i32 to index
        %get3A_1833 = arith.index_cast %add3A_1831 : i32 to index
        %get3A_1834 = arith.constant 112 : index
        %get3A_1835 = tpu.vector_load %arg7[%get3A_1832, %get3A_1833, %get3A_1834] {strides = array<i32>} : memref<2x128x128xf32, #tpu.memory_space<vmem>>, vector<16xf32>,
        %max3A_1836 = arith.maximumf %get3A_1750, %get3A_1779 : vector<16xf32>
        %swap3A_1837 = arith.index_cast %squeeze3A_303 : i32 to index
        %swap3A_1838 = arith.constant 0 : index
        %swap3A_1839 = tpu.vector_load %arg8[%swap3A_1837, %swap3A_1838] {strides = array<i32>} : memref<264x128xf32, #tpu.memory_space<vmem>>, vector<16xf32>,
        tpu.vector_store %arg8[%swap3A_1837, %swap3A_1838], %max3A_1836 {strides = array<i32>} : memref<264x128xf32, #tpu.memory_space<vmem>>, vector<16xf32>,
        %max3A_1840 = arith.maximumf %get3A_1753, %get3A_1787 : vector<16xf32>
        %swap3A_1841 = arith.index_cast %squeeze3A_303 : i32 to index
        %swap3A_1842 = arith.constant 16 : index
        %swap3A_1843 = tpu.vector_load %arg8[%swap3A_1841, %swap3A_1842] {strides = array<i32>} : memref<264x128xf32, #tpu.memory_space<vmem>>, vector<16xf32>,
        tpu.vector_store %arg8[%swap3A_1841, %swap3A_1842], %max3A_1840 {strides = array<i32>} : memref<264x128xf32, #tpu.memory_space<vmem>>, vector<16xf32>,
        %max3A_1844 = arith.maximumf %get3A_1756, %get3A_1795 : vector<16xf32>
        %swap3A_1845 = arith.index_cast %squeeze3A_303 : i32 to index
        %swap3A_1846 = arith.constant 32 : index
        %swap3A_1847 = tpu.vector_load %arg8[%swap3A_1845, %swap3A_1846] {strides = array<i32>} : memref<264x128xf32, #tpu.memory_space<vmem>>, vector<16xf32>,
        tpu.vector_store %arg8[%swap3A_1845, %swap3A_1846], %max3A_1844 {strides = array<i32>} : memref<264x128xf32, #tpu.memory_space<vmem>>, vector<16xf32>,
        %max3A_1848 = arith.maximumf %get3A_1759, %get3A_1803 : vector<16xf32>
        %swap3A_1849 = arith.index_cast %squeeze3A_303 : i32 to index
        %swap3A_1850 = arith.constant 48 : index
        %swap3A_1851 = tpu.vector_load %arg8[%swap3A_1849, %swap3A_1850] {strides = array<i32>} : memref<264x128xf32, #tpu.memory_space<vmem>>, vector<16xf32>,
        tpu.vector_store %arg8[%swap3A_1849, %swap3A_1850], %max3A_1848 {strides = array<i32>} : memref<264x128xf32, #tpu.memory_space<vmem>>, vector<16xf32>,
        %max3A_1852 = arith.maximumf %get3A_1762, %get3A_1811 : vector<16xf32>
        %swap3A_1853 = arith.index_cast %squeeze3A_303 : i32 to index
        %swap3A_1854 = arith.constant 64 : index
        %swap3A_1855 = tpu.vector_load %arg8[%swap3A_1853, %swap3A_1854] {strides = array<i32>} : memref<264x128xf32, #tpu.memory_space<vmem>>, vector<16xf32>,
        tpu.vector_store %arg8[%swap3A_1853, %swap3A_1854], %max3A_1852 {strides = array<i32>} : memref<264x128xf32, #tpu.memory_space<vmem>>, vector<16xf32>,
        %max3A_1856 = arith.maximumf %get3A_1765, %get3A_1819 : vector<16xf32>
        %swap3A_1857 = arith.index_cast %squeeze3A_303 : i32 to index
        %swap3A_1858 = arith.constant 80 : index
        %swap3A_1859 = tpu.vector_load %arg8[%swap3A_1857, %swap3A_1858] {strides = array<i32>} : memref<264x128xf32, #tpu.memory_space<vmem>>, vector<16xf32>,
        tpu.vector_store %arg8[%swap3A_1857, %swap3A_1858], %max3A_1856 {strides = array<i32>} : memref<264x128xf32, #tpu.memory_space<vmem>>, vector<16xf32>,
        %max3A_1860 = arith.maximumf %get3A_1768, %get3A_1827 : vector<16xf32>
        %swap3A_1861 = arith.index_cast %squeeze3A_303 : i32 to index
        %swap3A_1862 = arith.constant 96 : index
        %swap3A_1863 = tpu.vector_load %arg8[%swap3A_1861, %swap3A_1862] {strides = array<i32>} : memref<264x128xf32, #tpu.memory_space<vmem>>, vector<16xf32>,
        tpu.vector_store %arg8[%swap3A_1861, %swap3A_1862], %max3A_1860 {strides = array<i32>} : memref<264x128xf32, #tpu.memory_space<vmem>>, vector<16xf32>,
        %max3A_1864 = arith.maximumf %get3A_1771, %get3A_1835 : vector<16xf32>
        %swap3A_1865 = arith.index_cast %squeeze3A_303 : i32 to index
        %swap3A_1866 = arith.constant 112 : index
        %swap3A_1867 = tpu.vector_load %arg8[%swap3A_1865, %swap3A_1866] {strides = array<i32>} : memref<264x128xf32, #tpu.memory_space<vmem>>, vector<16xf32>,
        tpu.vector_store %arg8[%swap3A_1865, %swap3A_1866], %max3A_1864 {strides = array<i32>} : memref<264x128xf32, #tpu.memory_space<vmem>>, vector<16xf32>,
        %get3A_1868 = arith.index_cast %squeeze3A_305 : i32 to index
        %get3A_1869 = arith.constant 0 : index
        %get3A_1870 = tpu.vector_load %arg9[%get3A_1868, %get3A_1869] {strides = array<i32>} : memref<264x128xf32, #tpu.memory_space<vmem>>, vector<16xf32>,
        %get3A_1871 = arith.index_cast %squeeze3A_305 : i32 to index
        %get3A_1872 = arith.constant 16 : index
        %get3A_1873 = tpu.vector_load %arg9[%get3A_1871, %get3A_1872] {strides = array<i32>} : memref<264x128xf32, #tpu.memory_space<vmem>>, vector<16xf32>,
        %get3A_1874 = arith.index_cast %squeeze3A_305 : i32 to index
        %get3A_1875 = arith.constant 32 : index
        %get3A_1876 = tpu.vector_load %arg9[%get3A_1874, %get3A_1875] {strides = array<i32>} : memref<264x128xf32, #tpu.memory_space<vmem>>, vector<16xf32>,
        %get3A_1877 = arith.index_cast %squeeze3A_305 : i32 to index
        %get3A_1878 = arith.constant 48 : index
        %get3A_1879 = tpu.vector_load %arg9[%get3A_1877, %get3A_1878] {strides = array<i32>} : memref<264x128xf32, #tpu.memory_space<vmem>>, vector<16xf32>,
        %get3A_1880 = arith.index_cast %squeeze3A_305 : i32 to index
        %get3A_1881 = arith.constant 64 : index
        %get3A_1882 = tpu.vector_load %arg9[%get3A_1880, %get3A_1881] {strides = array<i32>} : memref<264x128xf32, #tpu.memory_space<vmem>>, vector<16xf32>,
        %get3A_1883 = arith.index_cast %squeeze3A_305 : i32 to index
        %get3A_1884 = arith.constant 80 : index
        %get3A_1885 = tpu.vector_load %arg9[%get3A_1883, %get3A_1884] {strides = array<i32>} : memref<264x128xf32, #tpu.memory_space<vmem>>, vector<16xf32>,
        %get3A_1886 = arith.index_cast %squeeze3A_305 : i32 to index
        %get3A_1887 = arith.constant 96 : index
        %get3A_1888 = tpu.vector_load %arg9[%get3A_1886, %get3A_1887] {strides = array<i32>} : memref<264x128xf32, #tpu.memory_space<vmem>>, vector<16xf32>,
        %get3A_1889 = arith.index_cast %squeeze3A_305 : i32 to index
        %get3A_1890 = arith.constant 112 : index
        %get3A_1891 = tpu.vector_load %arg9[%get3A_1889, %get3A_1890] {strides = array<i32>} : memref<264x128xf32, #tpu.memory_space<vmem>>, vector<16xf32>,
        %mul3A_1892 = arith.constant 16 : i32
        %mul3A_1893 = arith.muli %scan3A_260, %mul3A_1892 : i32
        %add3A_1894 = arith.constant 13 : i32
        %add3A_1895 = arith.addi %mul3A_1893, %add3A_1894 : i32
        %get3A_1896 = arith.index_cast %rem3A_218 : i32 to index
        %get3A_1897 = arith.index_cast %add3A_1895 : i32 to index
        %get3A_1898 = arith.constant 0 : index
        %get3A_1899 = tpu.vector_load %arg7[%get3A_1896, %get3A_1897, %get3A_1898] {strides = array<i32>} : memref<2x128x128xf32, #tpu.memory_space<vmem>>, vector<16xf32>,
        %mul3A_1900 = arith.constant 16 : i32
        %mul3A_1901 = arith.muli %scan3A_260, %mul3A_1900 : i32
        %add3A_1902 = arith.constant 13 : i32
        %add3A_1903 = arith.addi %mul3A_1901, %add3A_1902 : i32
        %get3A_1904 = arith.index_cast %rem3A_218 : i32 to index
        %get3A_1905 = arith.index_cast %add3A_1903 : i32 to index
        %get3A_1906 = arith.constant 16 : index
        %get3A_1907 = tpu.vector_load %arg7[%get3A_1904, %get3A_1905, %get3A_1906] {strides = array<i32>} : memref<2x128x128xf32, #tpu.memory_space<vmem>>, vector<16xf32>,
        %mul3A_1908 = arith.constant 16 : i32
        %mul3A_1909 = arith.muli %scan3A_260, %mul3A_1908 : i32
        %add3A_1910 = arith.constant 13 : i32
        %add3A_1911 = arith.addi %mul3A_1909, %add3A_1910 : i32
        %get3A_1912 = arith.index_cast %rem3A_218 : i32 to index
        %get3A_1913 = arith.index_cast %add3A_1911 : i32 to index
        %get3A_1914 = arith.constant 32 : index
        %get3A_1915 = tpu.vector_load %arg7[%get3A_1912, %get3A_1913, %get3A_1914] {strides = array<i32>} : memref<2x128x128xf32, #tpu.memory_space<vmem>>, vector<16xf32>,
        %mul3A_1916 = arith.constant 16 : i32
        %mul3A_1917 = arith.muli %scan3A_260, %mul3A_1916 : i32
        %add3A_1918 = arith.constant 13 : i32
        %add3A_1919 = arith.addi %mul3A_1917, %add3A_1918 : i32
        %get3A_1920 = arith.index_cast %rem3A_218 : i32 to index
        %get3A_1921 = arith.index_cast %add3A_1919 : i32 to index
        %get3A_1922 = arith.constant 48 : index
        %get3A_1923 = tpu.vector_load %arg7[%get3A_1920, %get3A_1921, %get3A_1922] {strides = array<i32>} : memref<2x128x128xf32, #tpu.memory_space<vmem>>, vector<16xf32>,
        %mul3A_1924 = arith.constant 16 : i32
        %mul3A_1925 = arith.muli %scan3A_260, %mul3A_1924 : i32
        %add3A_1926 = arith.constant 13 : i32
        %add3A_1927 = arith.addi %mul3A_1925, %add3A_1926 : i32
        %get3A_1928 = arith.index_cast %rem3A_218 : i32 to index
        %get3A_1929 = arith.index_cast %add3A_1927 : i32 to index
        %get3A_1930 = arith.constant 64 : index
        %get3A_1931 = tpu.vector_load %arg7[%get3A_1928, %get3A_1929, %get3A_1930] {strides = array<i32>} : memref<2x128x128xf32, #tpu.memory_space<vmem>>, vector<16xf32>,
        %mul3A_1932 = arith.constant 16 : i32
        %mul3A_1933 = arith.muli %scan3A_260, %mul3A_1932 : i32
        %add3A_1934 = arith.constant 13 : i32
        %add3A_1935 = arith.addi %mul3A_1933, %add3A_1934 : i32
        %get3A_1936 = arith.index_cast %rem3A_218 : i32 to index
        %get3A_1937 = arith.index_cast %add3A_1935 : i32 to index
        %get3A_1938 = arith.constant 80 : index
        %get3A_1939 = tpu.vector_load %arg7[%get3A_1936, %get3A_1937, %get3A_1938] {strides = array<i32>} : memref<2x128x128xf32, #tpu.memory_space<vmem>>, vector<16xf32>,
        %mul3A_1940 = arith.constant 16 : i32
        %mul3A_1941 = arith.muli %scan3A_260, %mul3A_1940 : i32
        %add3A_1942 = arith.constant 13 : i32
        %add3A_1943 = arith.addi %mul3A_1941, %add3A_1942 : i32
        %get3A_1944 = arith.index_cast %rem3A_218 : i32 to index
        %get3A_1945 = arith.index_cast %add3A_1943 : i32 to index
        %get3A_1946 = arith.constant 96 : index
        %get3A_1947 = tpu.vector_load %arg7[%get3A_1944, %get3A_1945, %get3A_1946] {strides = array<i32>} : memref<2x128x128xf32, #tpu.memory_space<vmem>>, vector<16xf32>,
        %mul3A_1948 = arith.constant 16 : i32
        %mul3A_1949 = arith.muli %scan3A_260, %mul3A_1948 : i32
        %add3A_1950 = arith.constant 13 : i32
        %add3A_1951 = arith.addi %mul3A_1949, %add3A_1950 : i32
        %get3A_1952 = arith.index_cast %rem3A_218 : i32 to index
        %get3A_1953 = arith.index_cast %add3A_1951 : i32 to index
        %get3A_1954 = arith.constant 112 : index
        %get3A_1955 = tpu.vector_load %arg7[%get3A_1952, %get3A_1953, %get3A_1954] {strides = array<i32>} : memref<2x128x128xf32, #tpu.memory_space<vmem>>, vector<16xf32>,
        %max3A_1956 = arith.maximumf %get3A_1870, %get3A_1899 : vector<16xf32>
        %swap3A_1957 = arith.index_cast %squeeze3A_305 : i32 to index
        %swap3A_1958 = arith.constant 0 : index
        %swap3A_1959 = tpu.vector_load %arg9[%swap3A_1957, %swap3A_1958] {strides = array<i32>} : memref<264x128xf32, #tpu.memory_space<vmem>>, vector<16xf32>,
        tpu.vector_store %arg9[%swap3A_1957, %swap3A_1958], %max3A_1956 {strides = array<i32>} : memref<264x128xf32, #tpu.memory_space<vmem>>, vector<16xf32>,
        %max3A_1960 = arith.maximumf %get3A_1873, %get3A_1907 : vector<16xf32>
        %swap3A_1961 = arith.index_cast %squeeze3A_305 : i32 to index
        %swap3A_1962 = arith.constant 16 : index
        %swap3A_1963 = tpu.vector_load %arg9[%swap3A_1961, %swap3A_1962] {strides = array<i32>} : memref<264x128xf32, #tpu.memory_space<vmem>>, vector<16xf32>,
        tpu.vector_store %arg9[%swap3A_1961, %swap3A_1962], %max3A_1960 {strides = array<i32>} : memref<264x128xf32, #tpu.memory_space<vmem>>, vector<16xf32>,
        %max3A_1964 = arith.maximumf %get3A_1876, %get3A_1915 : vector<16xf32>
        %swap3A_1965 = arith.index_cast %squeeze3A_305 : i32 to index
        %swap3A_1966 = arith.constant 32 : index
        %swap3A_1967 = tpu.vector_load %arg9[%swap3A_1965, %swap3A_1966] {strides = array<i32>} : memref<264x128xf32, #tpu.memory_space<vmem>>, vector<16xf32>,
        tpu.vector_store %arg9[%swap3A_1965, %swap3A_1966], %max3A_1964 {strides = array<i32>} : memref<264x128xf32, #tpu.memory_space<vmem>>, vector<16xf32>,
        %max3A_1968 = arith.maximumf %get3A_1879, %get3A_1923 : vector<16xf32>
        %swap3A_1969 = arith.index_cast %squeeze3A_305 : i32 to index
        %swap3A_1970 = arith.constant 48 : index
        %swap3A_1971 = tpu.vector_load %arg9[%swap3A_1969, %swap3A_1970] {strides = array<i32>} : memref<264x128xf32, #tpu.memory_space<vmem>>, vector<16xf32>,
        tpu.vector_store %arg9[%swap3A_1969, %swap3A_1970], %max3A_1968 {strides = array<i32>} : memref<264x128xf32, #tpu.memory_space<vmem>>, vector<16xf32>,
        %max3A_1972 = arith.maximumf %get3A_1882, %get3A_1931 : vector<16xf32>
        %swap3A_1973 = arith.index_cast %squeeze3A_305 : i32 to index
        %swap3A_1974 = arith.constant 64 : index
        %swap3A_1975 = tpu.vector_load %arg9[%swap3A_1973, %swap3A_1974] {strides = array<i32>} : memref<264x128xf32, #tpu.memory_space<vmem>>, vector<16xf32>,
        tpu.vector_store %arg9[%swap3A_1973, %swap3A_1974], %max3A_1972 {strides = array<i32>} : memref<264x128xf32, #tpu.memory_space<vmem>>, vector<16xf32>,
        %max3A_1976 = arith.maximumf %get3A_1885, %get3A_1939 : vector<16xf32>
        %swap3A_1977 = arith.index_cast %squeeze3A_305 : i32 to index
        %swap3A_1978 = arith.constant 80 : index
        %swap3A_1979 = tpu.vector_load %arg9[%swap3A_1977, %swap3A_1978] {strides = array<i32>} : memref<264x128xf32, #tpu.memory_space<vmem>>, vector<16xf32>,
        tpu.vector_store %arg9[%swap3A_1977, %swap3A_1978], %max3A_1976 {strides = array<i32>} : memref<264x128xf32, #tpu.memory_space<vmem>>, vector<16xf32>,
        %max3A_1980 = arith.maximumf %get3A_1888, %get3A_1947 : vector<16xf32>
        %swap3A_1981 = arith.index_cast %squeeze3A_305 : i32 to index
        %swap3A_1982 = arith.constant 96 : index
        %swap3A_1983 = tpu.vector_load %arg9[%swap3A_1981, %swap3A_1982] {strides = array<i32>} : memref<264x128xf32, #tpu.memory_space<vmem>>, vector<16xf32>,
        tpu.vector_store %arg9[%swap3A_1981, %swap3A_1982], %max3A_1980 {strides = array<i32>} : memref<264x128xf32, #tpu.memory_space<vmem>>, vector<16xf32>,
        %max3A_1984 = arith.maximumf %get3A_1891, %get3A_1955 : vector<16xf32>
        %swap3A_1985 = arith.index_cast %squeeze3A_305 : i32 to index
        %swap3A_1986 = arith.constant 112 : index
        %swap3A_1987 = tpu.vector_load %arg9[%swap3A_1985, %swap3A_1986] {strides = array<i32>} : memref<264x128xf32, #tpu.memory_space<vmem>>, vector<16xf32>,
        tpu.vector_store %arg9[%swap3A_1985, %swap3A_1986], %max3A_1984 {strides = array<i32>} : memref<264x128xf32, #tpu.memory_space<vmem>>, vector<16xf32>,
        %get3A_1988 = arith.index_cast %squeeze3A_307 : i32 to index
        %get3A_1989 = arith.constant 0 : index
        %get3A_1990 = tpu.vector_load %arg8[%get3A_1988, %get3A_1989] {strides = array<i32>} : memref<264x128xf32, #tpu.memory_space<vmem>>, vector<16xf32>,
        %get3A_1991 = arith.index_cast %squeeze3A_307 : i32 to index
        %get3A_1992 = arith.constant 16 : index
        %get3A_1993 = tpu.vector_load %arg8[%get3A_1991, %get3A_1992] {strides = array<i32>} : memref<264x128xf32, #tpu.memory_space<vmem>>, vector<16xf32>,
        %get3A_1994 = arith.index_cast %squeeze3A_307 : i32 to index
        %get3A_1995 = arith.constant 32 : index
        %get3A_1996 = tpu.vector_load %arg8[%get3A_1994, %get3A_1995] {strides = array<i32>} : memref<264x128xf32, #tpu.memory_space<vmem>>, vector<16xf32>,
        %get3A_1997 = arith.index_cast %squeeze3A_307 : i32 to index
        %get3A_1998 = arith.constant 48 : index
        %get3A_1999 = tpu.vector_load %arg8[%get3A_1997, %get3A_1998] {strides = array<i32>} : memref<264x128xf32, #tpu.memory_space<vmem>>, vector<16xf32>,
        %get3A_2000 = arith.index_cast %squeeze3A_307 : i32 to index
        %get3A_2001 = arith.constant 64 : index
        %get3A_2002 = tpu.vector_load %arg8[%get3A_2000, %get3A_2001] {strides = array<i32>} : memref<264x128xf32, #tpu.memory_space<vmem>>, vector<16xf32>,
        %get3A_2003 = arith.index_cast %squeeze3A_307 : i32 to index
        %get3A_2004 = arith.constant 80 : index
        %get3A_2005 = tpu.vector_load %arg8[%get3A_2003, %get3A_2004] {strides = array<i32>} : memref<264x128xf32, #tpu.memory_space<vmem>>, vector<16xf32>,
        %get3A_2006 = arith.index_cast %squeeze3A_307 : i32 to index
        %get3A_2007 = arith.constant 96 : index
        %get3A_2008 = tpu.vector_load %arg8[%get3A_2006, %get3A_2007] {strides = array<i32>} : memref<264x128xf32, #tpu.memory_space<vmem>>, vector<16xf32>,
        %get3A_2009 = arith.index_cast %squeeze3A_307 : i32 to index
        %get3A_2010 = arith.constant 112 : index
        %get3A_2011 = tpu.vector_load %arg8[%get3A_2009, %get3A_2010] {strides = array<i32>} : memref<264x128xf32, #tpu.memory_space<vmem>>, vector<16xf32>,
        %mul3A_2012 = arith.constant 16 : i32
        %mul3A_2013 = arith.muli %scan3A_260, %mul3A_2012 : i32
        %add3A_2014 = arith.constant 14 : i32
        %add3A_2015 = arith.addi %mul3A_2013, %add3A_2014 : i32
        %get3A_2016 = arith.index_cast %rem3A_218 : i32 to index
        %get3A_2017 = arith.index_cast %add3A_2015 : i32 to index
        %get3A_2018 = arith.constant 0 : index
        %get3A_2019 = tpu.vector_load %arg7[%get3A_2016, %get3A_2017, %get3A_2018] {strides = array<i32>} : memref<2x128x128xf32, #tpu.memory_space<vmem>>, vector<16xf32>,
        %mul3A_2020 = arith.constant 16 : i32
        %mul3A_2021 = arith.muli %scan3A_260, %mul3A_2020 : i32
        %add3A_2022 = arith.constant 14 : i32
        %add3A_2023 = arith.addi %mul3A_2021, %add3A_2022 : i32
        %get3A_2024 = arith.index_cast %rem3A_218 : i32 to index
        %get3A_2025 = arith.index_cast %add3A_2023 : i32 to index
        %get3A_2026 = arith.constant 16 : index
        %get3A_2027 = tpu.vector_load %arg7[%get3A_2024, %get3A_2025, %get3A_2026] {strides = array<i32>} : memref<2x128x128xf32, #tpu.memory_space<vmem>>, vector<16xf32>,
        %mul3A_2028 = arith.constant 16 : i32
        %mul3A_2029 = arith.muli %scan3A_260, %mul3A_2028 : i32
        %add3A_2030 = arith.constant 14 : i32
        %add3A_2031 = arith.addi %mul3A_2029, %add3A_2030 : i32
        %get3A_2032 = arith.index_cast %rem3A_218 : i32 to index
        %get3A_2033 = arith.index_cast %add3A_2031 : i32 to index
        %get3A_2034 = arith.constant 32 : index
        %get3A_2035 = tpu.vector_load %arg7[%get3A_2032, %get3A_2033, %get3A_2034] {strides = array<i32>} : memref<2x128x128xf32, #tpu.memory_space<vmem>>, vector<16xf32>,
        %mul3A_2036 = arith.constant 16 : i32
        %mul3A_2037 = arith.muli %scan3A_260, %mul3A_2036 : i32
        %add3A_2038 = arith.constant 14 : i32
        %add3A_2039 = arith.addi %mul3A_2037, %add3A_2038 : i32
        %get3A_2040 = arith.index_cast %rem3A_218 : i32 to index
        %get3A_2041 = arith.index_cast %add3A_2039 : i32 to index
        %get3A_2042 = arith.constant 48 : index
        %get3A_2043 = tpu.vector_load %arg7[%get3A_2040, %get3A_2041, %get3A_2042] {strides = array<i32>} : memref<2x128x128xf32, #tpu.memory_space<vmem>>, vector<16xf32>,
        %mul3A_2044 = arith.constant 16 : i32
        %mul3A_2045 = arith.muli %scan3A_260, %mul3A_2044 : i32
        %add3A_2046 = arith.constant 14 : i32
        %add3A_2047 = arith.addi %mul3A_2045, %add3A_2046 : i32
        %get3A_2048 = arith.index_cast %rem3A_218 : i32 to index
        %get3A_2049 = arith.index_cast %add3A_2047 : i32 to index
        %get3A_2050 = arith.constant 64 : index
        %get3A_2051 = tpu.vector_load %arg7[%get3A_2048, %get3A_2049, %get3A_2050] {strides = array<i32>} : memref<2x128x128xf32, #tpu.memory_space<vmem>>, vector<16xf32>,
        %mul3A_2052 = arith.constant 16 : i32
        %mul3A_2053 = arith.muli %scan3A_260, %mul3A_2052 : i32
        %add3A_2054 = arith.constant 14 : i32
        %add3A_2055 = arith.addi %mul3A_2053, %add3A_2054 : i32
        %get3A_2056 = arith.index_cast %rem3A_218 : i32 to index
        %get3A_2057 = arith.index_cast %add3A_2055 : i32 to index
        %get3A_2058 = arith.constant 80 : index
        %get3A_2059 = tpu.vector_load %arg7[%get3A_2056, %get3A_2057, %get3A_2058] {strides = array<i32>} : memref<2x128x128xf32, #tpu.memory_space<vmem>>, vector<16xf32>,
        %mul3A_2060 = arith.constant 16 : i32
        %mul3A_2061 = arith.muli %scan3A_260, %mul3A_2060 : i32
        %add3A_2062 = arith.constant 14 : i32
        %add3A_2063 = arith.addi %mul3A_2061, %add3A_2062 : i32
        %get3A_2064 = arith.index_cast %rem3A_218 : i32 to index
        %get3A_2065 = arith.index_cast %add3A_2063 : i32 to index
        %get3A_2066 = arith.constant 96 : index
        %get3A_2067 = tpu.vector_load %arg7[%get3A_2064, %get3A_2065, %get3A_2066] {strides = array<i32>} : memref<2x128x128xf32, #tpu.memory_space<vmem>>, vector<16xf32>,
        %mul3A_2068 = arith.constant 16 : i32
        %mul3A_2069 = arith.muli %scan3A_260, %mul3A_2068 : i32
        %add3A_2070 = arith.constant 14 : i32
        %add3A_2071 = arith.addi %mul3A_2069, %add3A_2070 : i32
        %get3A_2072 = arith.index_cast %rem3A_218 : i32 to index
        %get3A_2073 = arith.index_cast %add3A_2071 : i32 to index
        %get3A_2074 = arith.constant 112 : index
        %get3A_2075 = tpu.vector_load %arg7[%get3A_2072, %get3A_2073, %get3A_2074] {strides = array<i32>} : memref<2x128x128xf32, #tpu.memory_space<vmem>>, vector<16xf32>,
        %max3A_2076 = arith.maximumf %get3A_1990, %get3A_2019 : vector<16xf32>
        %swap3A_2077 = arith.index_cast %squeeze3A_307 : i32 to index
        %swap3A_2078 = arith.constant 0 : index
        %swap3A_2079 = tpu.vector_load %arg8[%swap3A_2077, %swap3A_2078] {strides = array<i32>} : memref<264x128xf32, #tpu.memory_space<vmem>>, vector<16xf32>,
        tpu.vector_store %arg8[%swap3A_2077, %swap3A_2078], %max3A_2076 {strides = array<i32>} : memref<264x128xf32, #tpu.memory_space<vmem>>, vector<16xf32>,
        %max3A_2080 = arith.maximumf %get3A_1993, %get3A_2027 : vector<16xf32>
        %swap3A_2081 = arith.index_cast %squeeze3A_307 : i32 to index
        %swap3A_2082 = arith.constant 16 : index
        %swap3A_2083 = tpu.vector_load %arg8[%swap3A_2081, %swap3A_2082] {strides = array<i32>} : memref<264x128xf32, #tpu.memory_space<vmem>>, vector<16xf32>,
        tpu.vector_store %arg8[%swap3A_2081, %swap3A_2082], %max3A_2080 {strides = array<i32>} : memref<264x128xf32, #tpu.memory_space<vmem>>, vector<16xf32>,
        %max3A_2084 = arith.maximumf %get3A_1996, %get3A_2035 : vector<16xf32>
        %swap3A_2085 = arith.index_cast %squeeze3A_307 : i32 to index
        %swap3A_2086 = arith.constant 32 : index
        %swap3A_2087 = tpu.vector_load %arg8[%swap3A_2085, %swap3A_2086] {strides = array<i32>} : memref<264x128xf32, #tpu.memory_space<vmem>>, vector<16xf32>,
        tpu.vector_store %arg8[%swap3A_2085, %swap3A_2086], %max3A_2084 {strides = array<i32>} : memref<264x128xf32, #tpu.memory_space<vmem>>, vector<16xf32>,
        %max3A_2088 = arith.maximumf %get3A_1999, %get3A_2043 : vector<16xf32>
        %swap3A_2089 = arith.index_cast %squeeze3A_307 : i32 to index
        %swap3A_2090 = arith.constant 48 : index
        %swap3A_2091 = tpu.vector_load %arg8[%swap3A_2089, %swap3A_2090] {strides = array<i32>} : memref<264x128xf32, #tpu.memory_space<vmem>>, vector<16xf32>,
        tpu.vector_store %arg8[%swap3A_2089, %swap3A_2090], %max3A_2088 {strides = array<i32>} : memref<264x128xf32, #tpu.memory_space<vmem>>, vector<16xf32>,
        %max3A_2092 = arith.maximumf %get3A_2002, %get3A_2051 : vector<16xf32>
        %swap3A_2093 = arith.index_cast %squeeze3A_307 : i32 to index
        %swap3A_2094 = arith.constant 64 : index
        %swap3A_2095 = tpu.vector_load %arg8[%swap3A_2093, %swap3A_2094] {strides = array<i32>} : memref<264x128xf32, #tpu.memory_space<vmem>>, vector<16xf32>,
        tpu.vector_store %arg8[%swap3A_2093, %swap3A_2094], %max3A_2092 {strides = array<i32>} : memref<264x128xf32, #tpu.memory_space<vmem>>, vector<16xf32>,
        %max3A_2096 = arith.maximumf %get3A_2005, %get3A_2059 : vector<16xf32>
        %swap3A_2097 = arith.index_cast %squeeze3A_307 : i32 to index
        %swap3A_2098 = arith.constant 80 : index
        %swap3A_2099 = tpu.vector_load %arg8[%swap3A_2097, %swap3A_2098] {strides = array<i32>} : memref<264x128xf32, #tpu.memory_space<vmem>>, vector<16xf32>,
        tpu.vector_store %arg8[%swap3A_2097, %swap3A_2098], %max3A_2096 {strides = array<i32>} : memref<264x128xf32, #tpu.memory_space<vmem>>, vector<16xf32>,
        %max3A_2100 = arith.maximumf %get3A_2008, %get3A_2067 : vector<16xf32>
        %swap3A_2101 = arith.index_cast %squeeze3A_307 : i32 to index
        %swap3A_2102 = arith.constant 96 : index
        %swap3A_2103 = tpu.vector_load %arg8[%swap3A_2101, %swap3A_2102] {strides = array<i32>} : memref<264x128xf32, #tpu.memory_space<vmem>>, vector<16xf32>,
        tpu.vector_store %arg8[%swap3A_2101, %swap3A_2102], %max3A_2100 {strides = array<i32>} : memref<264x128xf32, #tpu.memory_space<vmem>>, vector<16xf32>,
        %max3A_2104 = arith.maximumf %get3A_2011, %get3A_2075 : vector<16xf32>
        %swap3A_2105 = arith.index_cast %squeeze3A_307 : i32 to index
        %swap3A_2106 = arith.constant 112 : index
        %swap3A_2107 = tpu.vector_load %arg8[%swap3A_2105, %swap3A_2106] {strides = array<i32>} : memref<264x128xf32, #tpu.memory_space<vmem>>, vector<16xf32>,
        tpu.vector_store %arg8[%swap3A_2105, %swap3A_2106], %max3A_2104 {strides = array<i32>} : memref<264x128xf32, #tpu.memory_space<vmem>>, vector<16xf32>,
        %get3A_2108 = arith.index_cast %squeeze3A_309 : i32 to index
        %get3A_2109 = arith.constant 0 : index
        %get3A_2110 = tpu.vector_load %arg9[%get3A_2108, %get3A_2109] {strides = array<i32>} : memref<264x128xf32, #tpu.memory_space<vmem>>, vector<16xf32>,
        %get3A_2111 = arith.index_cast %squeeze3A_309 : i32 to index
        %get3A_2112 = arith.constant 16 : index
        %get3A_2113 = tpu.vector_load %arg9[%get3A_2111, %get3A_2112] {strides = array<i32>} : memref<264x128xf32, #tpu.memory_space<vmem>>, vector<16xf32>,
        %get3A_2114 = arith.index_cast %squeeze3A_309 : i32 to index
        %get3A_2115 = arith.constant 32 : index
        %get3A_2116 = tpu.vector_load %arg9[%get3A_2114, %get3A_2115] {strides = array<i32>} : memref<264x128xf32, #tpu.memory_space<vmem>>, vector<16xf32>,
        %get3A_2117 = arith.index_cast %squeeze3A_309 : i32 to index
        %get3A_2118 = arith.constant 48 : index
        %get3A_2119 = tpu.vector_load %arg9[%get3A_2117, %get3A_2118] {strides = array<i32>} : memref<264x128xf32, #tpu.memory_space<vmem>>, vector<16xf32>,
        %get3A_2120 = arith.index_cast %squeeze3A_309 : i32 to index
        %get3A_2121 = arith.constant 64 : index
        %get3A_2122 = tpu.vector_load %arg9[%get3A_2120, %get3A_2121] {strides = array<i32>} : memref<264x128xf32, #tpu.memory_space<vmem>>, vector<16xf32>,
        %get3A_2123 = arith.index_cast %squeeze3A_309 : i32 to index
        %get3A_2124 = arith.constant 80 : index
        %get3A_2125 = tpu.vector_load %arg9[%get3A_2123, %get3A_2124] {strides = array<i32>} : memref<264x128xf32, #tpu.memory_space<vmem>>, vector<16xf32>,
        %get3A_2126 = arith.index_cast %squeeze3A_309 : i32 to index
        %get3A_2127 = arith.constant 96 : index
        %get3A_2128 = tpu.vector_load %arg9[%get3A_2126, %get3A_2127] {strides = array<i32>} : memref<264x128xf32, #tpu.memory_space<vmem>>, vector<16xf32>,
        %get3A_2129 = arith.index_cast %squeeze3A_309 : i32 to index
        %get3A_2130 = arith.constant 112 : index
        %get3A_2131 = tpu.vector_load %arg9[%get3A_2129, %get3A_2130] {strides = array<i32>} : memref<264x128xf32, #tpu.memory_space<vmem>>, vector<16xf32>,
        %mul3A_2132 = arith.constant 16 : i32
        %mul3A_2133 = arith.muli %scan3A_260, %mul3A_2132 : i32
        %add3A_2134 = arith.constant 15 : i32
        %add3A_2135 = arith.addi %mul3A_2133, %add3A_2134 : i32
        %get3A_2136 = arith.index_cast %rem3A_218 : i32 to index
        %get3A_2137 = arith.index_cast %add3A_2135 : i32 to index
        %get3A_2138 = arith.constant 0 : index
        %get3A_2139 = tpu.vector_load %arg7[%get3A_2136, %get3A_2137, %get3A_2138] {strides = array<i32>} : memref<2x128x128xf32, #tpu.memory_space<vmem>>, vector<16xf32>,
        %mul3A_2140 = arith.constant 16 : i32
        %mul3A_2141 = arith.muli %scan3A_260, %mul3A_2140 : i32
        %add3A_2142 = arith.constant 15 : i32
        %add3A_2143 = arith.addi %mul3A_2141, %add3A_2142 : i32
        %get3A_2144 = arith.index_cast %rem3A_218 : i32 to index
        %get3A_2145 = arith.index_cast %add3A_2143 : i32 to index
        %get3A_2146 = arith.constant 16 : index
        %get3A_2147 = tpu.vector_load %arg7[%get3A_2144, %get3A_2145, %get3A_2146] {strides = array<i32>} : memref<2x128x128xf32, #tpu.memory_space<vmem>>, vector<16xf32>,
        %mul3A_2148 = arith.constant 16 : i32
        %mul3A_2149 = arith.muli %scan3A_260, %mul3A_2148 : i32
        %add3A_2150 = arith.constant 15 : i32
        %add3A_2151 = arith.addi %mul3A_2149, %add3A_2150 : i32
        %get3A_2152 = arith.index_cast %rem3A_218 : i32 to index
        %get3A_2153 = arith.index_cast %add3A_2151 : i32 to index
        %get3A_2154 = arith.constant 32 : index
        %get3A_2155 = tpu.vector_load %arg7[%get3A_2152, %get3A_2153, %get3A_2154] {strides = array<i32>} : memref<2x128x128xf32, #tpu.memory_space<vmem>>, vector<16xf32>,
        %mul3A_2156 = arith.constant 16 : i32
        %mul3A_2157 = arith.muli %scan3A_260, %mul3A_2156 : i32
        %add3A_2158 = arith.constant 15 : i32
        %add3A_2159 = arith.addi %mul3A_2157, %add3A_2158 : i32
        %get3A_2160 = arith.index_cast %rem3A_218 : i32 to index
        %get3A_2161 = arith.index_cast %add3A_2159 : i32 to index
        %get3A_2162 = arith.constant 48 : index
        %get3A_2163 = tpu.vector_load %arg7[%get3A_2160, %get3A_2161, %get3A_2162] {strides = array<i32>} : memref<2x128x128xf32, #tpu.memory_space<vmem>>, vector<16xf32>,
        %mul3A_2164 = arith.constant 16 : i32
        %mul3A_2165 = arith.muli %scan3A_260, %mul3A_2164 : i32
        %add3A_2166 = arith.constant 15 : i32
        %add3A_2167 = arith.addi %mul3A_2165, %add3A_2166 : i32
        %get3A_2168 = arith.index_cast %rem3A_218 : i32 to index
        %get3A_2169 = arith.index_cast %add3A_2167 : i32 to index
        %get3A_2170 = arith.constant 64 : index
        %get3A_2171 = tpu.vector_load %arg7[%get3A_2168, %get3A_2169, %get3A_2170] {strides = array<i32>} : memref<2x128x128xf32, #tpu.memory_space<vmem>>, vector<16xf32>,
        %mul3A_2172 = arith.constant 16 : i32
        %mul3A_2173 = arith.muli %scan3A_260, %mul3A_2172 : i32
        %add3A_2174 = arith.constant 15 : i32
        %add3A_2175 = arith.addi %mul3A_2173, %add3A_2174 : i32
        %get3A_2176 = arith.index_cast %rem3A_218 : i32 to index
        %get3A_2177 = arith.index_cast %add3A_2175 : i32 to index
        %get3A_2178 = arith.constant 80 : index
        %get3A_2179 = tpu.vector_load %arg7[%get3A_2176, %get3A_2177, %get3A_2178] {strides = array<i32>} : memref<2x128x128xf32, #tpu.memory_space<vmem>>, vector<16xf32>,
        %mul3A_2180 = arith.constant 16 : i32
        %mul3A_2181 = arith.muli %scan3A_260, %mul3A_2180 : i32
        %add3A_2182 = arith.constant 15 : i32
        %add3A_2183 = arith.addi %mul3A_2181, %add3A_2182 : i32
        %get3A_2184 = arith.index_cast %rem3A_218 : i32 to index
        %get3A_2185 = arith.index_cast %add3A_2183 : i32 to index
        %get3A_2186 = arith.constant 96 : index
        %get3A_2187 = tpu.vector_load %arg7[%get3A_2184, %get3A_2185, %get3A_2186] {strides = array<i32>} : memref<2x128x128xf32, #tpu.memory_space<vmem>>, vector<16xf32>,
        %mul3A_2188 = arith.constant 16 : i32
        %mul3A_2189 = arith.muli %scan3A_260, %mul3A_2188 : i32
        %add3A_2190 = arith.constant 15 : i32
        %add3A_2191 = arith.addi %mul3A_2189, %add3A_2190 : i32
        %get3A_2192 = arith.index_cast %rem3A_218 : i32 to index
        %get3A_2193 = arith.index_cast %add3A_2191 : i32 to index
        %get3A_2194 = arith.constant 112 : index
        %get3A_2195 = tpu.vector_load %arg7[%get3A_2192, %get3A_2193, %get3A_2194] {strides = array<i32>} : memref<2x128x128xf32, #tpu.memory_space<vmem>>, vector<16xf32>,
        %max3A_2196 = arith.maximumf %get3A_2110, %get3A_2139 : vector<16xf32>
        %swap3A_2197 = arith.index_cast %squeeze3A_309 : i32 to index
        %swap3A_2198 = arith.constant 0 : index
        %swap3A_2199 = tpu.vector_load %arg9[%swap3A_2197, %swap3A_2198] {strides = array<i32>} : memref<264x128xf32, #tpu.memory_space<vmem>>, vector<16xf32>,
        tpu.vector_store %arg9[%swap3A_2197, %swap3A_2198], %max3A_2196 {strides = array<i32>} : memref<264x128xf32, #tpu.memory_space<vmem>>, vector<16xf32>,
        %max3A_2200 = arith.maximumf %get3A_2113, %get3A_2147 : vector<16xf32>
        %swap3A_2201 = arith.index_cast %squeeze3A_309 : i32 to index
        %swap3A_2202 = arith.constant 16 : index
        %swap3A_2203 = tpu.vector_load %arg9[%swap3A_2201, %swap3A_2202] {strides = array<i32>} : memref<264x128xf32, #tpu.memory_space<vmem>>, vector<16xf32>,
        tpu.vector_store %arg9[%swap3A_2201, %swap3A_2202], %max3A_2200 {strides = array<i32>} : memref<264x128xf32, #tpu.memory_space<vmem>>, vector<16xf32>,
        %max3A_2204 = arith.maximumf %get3A_2116, %get3A_2155 : vector<16xf32>
        %swap3A_2205 = arith.index_cast %squeeze3A_309 : i32 to index
        %swap3A_2206 = arith.constant 32 : index
        %swap3A_2207 = tpu.vector_load %arg9[%swap3A_2205, %swap3A_2206] {strides = array<i32>} : memref<264x128xf32, #tpu.memory_space<vmem>>, vector<16xf32>,
        tpu.vector_store %arg9[%swap3A_2205, %swap3A_2206], %max3A_2204 {strides = array<i32>} : memref<264x128xf32, #tpu.memory_space<vmem>>, vector<16xf32>,
        %max3A_2208 = arith.maximumf %get3A_2119, %get3A_2163 : vector<16xf32>
        %swap3A_2209 = arith.index_cast %squeeze3A_309 : i32 to index
        %swap3A_2210 = arith.constant 48 : index
        %swap3A_2211 = tpu.vector_load %arg9[%swap3A_2209, %swap3A_2210] {strides = array<i32>} : memref<264x128xf32, #tpu.memory_space<vmem>>, vector<16xf32>,
        tpu.vector_store %arg9[%swap3A_2209, %swap3A_2210], %max3A_2208 {strides = array<i32>} : memref<264x128xf32, #tpu.memory_space<vmem>>, vector<16xf32>,
        %max3A_2212 = arith.maximumf %get3A_2122, %get3A_2171 : vector<16xf32>
        %swap3A_2213 = arith.index_cast %squeeze3A_309 : i32 to index
        %swap3A_2214 = arith.constant 64 : index
        %swap3A_2215 = tpu.vector_load %arg9[%swap3A_2213, %swap3A_2214] {strides = array<i32>} : memref<264x128xf32, #tpu.memory_space<vmem>>, vector<16xf32>,
        tpu.vector_store %arg9[%swap3A_2213, %swap3A_2214], %max3A_2212 {strides = array<i32>} : memref<264x128xf32, #tpu.memory_space<vmem>>, vector<16xf32>,
        %max3A_2216 = arith.maximumf %get3A_2125, %get3A_2179 : vector<16xf32>
        %swap3A_2217 = arith.index_cast %squeeze3A_309 : i32 to index
        %swap3A_2218 = arith.constant 80 : index
        %swap3A_2219 = tpu.vector_load %arg9[%swap3A_2217, %swap3A_2218] {strides = array<i32>} : memref<264x128xf32, #tpu.memory_space<vmem>>, vector<16xf32>,
        tpu.vector_store %arg9[%swap3A_2217, %swap3A_2218], %max3A_2216 {strides = array<i32>} : memref<264x128xf32, #tpu.memory_space<vmem>>, vector<16xf32>,
        %max3A_2220 = arith.maximumf %get3A_2128, %get3A_2187 : vector<16xf32>
        %swap3A_2221 = arith.index_cast %squeeze3A_309 : i32 to index
        %swap3A_2222 = arith.constant 96 : index
        %swap3A_2223 = tpu.vector_load %arg9[%swap3A_2221, %swap3A_2222] {strides = array<i32>} : memref<264x128xf32, #tpu.memory_space<vmem>>, vector<16xf32>,
        tpu.vector_store %arg9[%swap3A_2221, %swap3A_2222], %max3A_2220 {strides = array<i32>} : memref<264x128xf32, #tpu.memory_space<vmem>>, vector<16xf32>,
        %max3A_2224 = arith.maximumf %get3A_2131, %get3A_2195 : vector<16xf32>
        %swap3A_2225 = arith.index_cast %squeeze3A_309 : i32 to index
        %swap3A_2226 = arith.constant 112 : index
        %swap3A_2227 = tpu.vector_load %arg9[%swap3A_2225, %swap3A_2226] {strides = array<i32>} : memref<264x128xf32, #tpu.memory_space<vmem>>, vector<16xf32>,
        tpu.vector_store %arg9[%swap3A_2225, %swap3A_2226], %max3A_2224 {strides = array<i32>} : memref<264x128xf32, #tpu.memory_space<vmem>>, vector<16xf32>,
        %scan3A_2228 = arith.constant 0 : i32
        scf.yield %scan3A_2228 : i32
      }
      %scan3A_258 = arith.constant 8 : i32
      %while3A_259 = arith.constant 0 : i32
      scf.yield %while3A_259 : i32
    }
    %scan3A_198 = arith.constant 0 : i32
    %scan3A_199 = arith.constant 0 : i32
    %scan3A_200 = arith.constant 256 : i32
    %scan3A_201 = arith.addi %scan3A_199, %scan3A_200 : i32
    %scan3A_202 = arith.constant 1 : i32
    %scan3A_203 = scf.for %scan3A_215 = %scan3A_199 to %scan3A_201 step %scan3A_202 iter_args(%scan3A_216 = %scan3A_198) -> (i32)  : i32 {
      %get3A_217 = arith.index_cast %scan3A_215 : i32 to index
      %get3A_218 = arith.constant 0 : index
      %get3A_219 = tpu.vector_load %arg8[%get3A_217, %get3A_218] {strides = array<i32>} : memref<264x128xf32, #tpu.memory_space<vmem>>, vector<16xf32>,
      %get3A_220 = arith.index_cast %scan3A_215 : i32 to index
      %get3A_221 = arith.constant 0 : index
      %get3A_222 = tpu.vector_load %arg9[%get3A_220, %get3A_221] {strides = array<i32>} : memref<264x128xf32, #tpu.memory_space<vmem>>, vector<16xf32>,
      %max3A = arith.maximumf %get3A_219, %get3A_222 : vector<16xf32>
      %swap3A = arith.index_cast %scan3A_215 : i32 to index
      %swap3A_223 = arith.constant 0 : index
      %swap3A_224 = tpu.vector_load %arg8[%swap3A, %swap3A_223] {strides = array<i32>} : memref<264x128xf32, #tpu.memory_space<vmem>>, vector<16xf32>,
      tpu.vector_store %arg8[%swap3A, %swap3A_223], %max3A {strides = array<i32>} : memref<264x128xf32, #tpu.memory_space<vmem>>, vector<16xf32>,
      %get3A_225 = arith.index_cast %scan3A_215 : i32 to index
      %get3A_226 = arith.constant 16 : index
      %get3A_227 = tpu.vector_load %arg8[%get3A_225, %get3A_226] {strides = array<i32>} : memref<264x128xf32, #tpu.memory_space<vmem>>, vector<16xf32>,
      %get3A_228 = arith.index_cast %scan3A_215 : i32 to index
      %get3A_229 = arith.constant 16 : index
      %get3A_230 = tpu.vector_load %arg9[%get3A_228, %get3A_229] {strides = array<i32>} : memref<264x128xf32, #tpu.memory_space<vmem>>, vector<16xf32>,
      %max3A_231 = arith.maximumf %get3A_227, %get3A_230 : vector<16xf32>
      %swap3A_232 = arith.index_cast %scan3A_215 : i32 to index
      %swap3A_233 = arith.constant 16 : index
      %swap3A_234 = tpu.vector_load %arg8[%swap3A_232, %swap3A_233] {strides = array<i32>} : memref<264x128xf32, #tpu.memory_space<vmem>>, vector<16xf32>,
      tpu.vector_store %arg8[%swap3A_232, %swap3A_233], %max3A_231 {strides = array<i32>} : memref<264x128xf32, #tpu.memory_space<vmem>>, vector<16xf32>,
      %get3A_235 = arith.index_cast %scan3A_215 : i32 to index
      %get3A_236 = arith.constant 32 : index
      %get3A_237 = tpu.vector_load %arg8[%get3A_235, %get3A_236] {strides = array<i32>} : memref<264x128xf32, #tpu.memory_space<vmem>>, vector<16xf32>,
      %get3A_238 = arith.index_cast %scan3A_215 : i32 to index
      %get3A_239 = arith.constant 32 : index
      %get3A_240 = tpu.vector_load %arg9[%get3A_238, %get3A_239] {strides = array<i32>} : memref<264x128xf32, #tpu.memory_space<vmem>>, vector<16xf32>,
      %max3A_241 = arith.maximumf %get3A_237, %get3A_240 : vector<16xf32>
      %swap3A_242 = arith.index_cast %scan3A_215 : i32 to index
      %swap3A_243 = arith.constant 32 : index
      %swap3A_244 = tpu.vector_load %arg8[%swap3A_242, %swap3A_243] {strides = array<i32>} : memref<264x128xf32, #tpu.memory_space<vmem>>, vector<16xf32>,
      tpu.vector_store %arg8[%swap3A_242, %swap3A_243], %max3A_241 {strides = array<i32>} : memref<264x128xf32, #tpu.memory_space<vmem>>, vector<16xf32>,
      %get3A_245 = arith.index_cast %scan3A_215 : i32 to index
      %get3A_246 = arith.constant 48 : index
      %get3A_247 = tpu.vector_load %arg8[%get3A_245, %get3A_246] {strides = array<i32>} : memref<264x128xf32, #tpu.memory_space<vmem>>, vector<16xf32>,
      %get3A_248 = arith.index_cast %scan3A_215 : i32 to index
      %get3A_249 = arith.constant 48 : index
      %get3A_250 = tpu.vector_load %arg9[%get3A_248, %get3A_249] {strides = array<i32>} : memref<264x128xf32, #tpu.memory_space<vmem>>, vector<16xf32>,
      %max3A_251 = arith.maximumf %get3A_247, %get3A_250 : vector<16xf32>
      %swap3A_252 = arith.index_cast %scan3A_215 : i32 to index
      %swap3A_253 = arith.constant 48 : index
      %swap3A_254 = tpu.vector_load %arg8[%swap3A_252, %swap3A_253] {strides = array<i32>} : memref<264x128xf32, #tpu.memory_space<vmem>>, vector<16xf32>,
      tpu.vector_store %arg8[%swap3A_252, %swap3A_253], %max3A_251 {strides = array<i32>} : memref<264x128xf32, #tpu.memory_space<vmem>>, vector<16xf32>,
      %get3A_255 = arith.index_cast %scan3A_215 : i32 to index
      %get3A_256 = arith.constant 64 : index
      %get3A_257 = tpu.vector_load %arg8[%get3A_255, %get3A_256] {strides = array<i32>} : memref<264x128xf32, #tpu.memory_space<vmem>>, vector<16xf32>,
      %get3A_258 = arith.index_cast %scan3A_215 : i32 to index
      %get3A_259 = arith.constant 64 : index
      %get3A_260 = tpu.vector_load %arg9[%get3A_258, %get3A_259] {strides = array<i32>} : memref<264x128xf32, #tpu.memory_space<vmem>>, vector<16xf32>,
      %max3A_261 = arith.maximumf %get3A_257, %get3A_260 : vector<16xf32>
      %swap3A_262 = arith.index_cast %scan3A_215 : i32 to index
      %swap3A_263 = arith.constant 64 : index
      %swap3A_264 = tpu.vector_load %arg8[%swap3A_262, %swap3A_263] {strides = array<i32>} : memref<264x128xf32, #tpu.memory_space<vmem>>, vector<16xf32>,
      tpu.vector_store %arg8[%swap3A_262, %swap3A_263], %max3A_261 {strides = array<i32>} : memref<264x128xf32, #tpu.memory_space<vmem>>, vector<16xf32>,
      %get3A_265 = arith.index_cast %scan3A_215 : i32 to index
      %get3A_266 = arith.constant 80 : index
      %get3A_267 = tpu.vector_load %arg8[%get3A_265, %get3A_266] {strides = array<i32>} : memref<264x128xf32, #tpu.memory_space<vmem>>, vector<16xf32>,
      %get3A_268 = arith.index_cast %scan3A_215 : i32 to index
      %get3A_269 = arith.constant 80 : index
      %get3A_270 = tpu.vector_load %arg9[%get3A_268, %get3A_269] {strides = array<i32>} : memref<264x128xf32, #tpu.memory_space<vmem>>, vector<16xf32>,
      %max3A_271 = arith.maximumf %get3A_267, %get3A_270 : vector<16xf32>
      %swap3A_272 = arith.index_cast %scan3A_215 : i32 to index
      %swap3A_273 = arith.constant 80 : index
      %swap3A_274 = tpu.vector_load %arg8[%swap3A_272, %swap3A_273] {strides = array<i32>} : memref<264x128xf32, #tpu.memory_space<vmem>>, vector<16xf32>,
      tpu.vector_store %arg8[%swap3A_272, %swap3A_273], %max3A_271 {strides = array<i32>} : memref<264x128xf32, #tpu.memory_space<vmem>>, vector<16xf32>,
      %get3A_275 = arith.index_cast %scan3A_215 : i32 to index
      %get3A_276 = arith.constant 96 : index
      %get3A_277 = tpu.vector_load %arg8[%get3A_275, %get3A_276] {strides = array<i32>} : memref<264x128xf32, #tpu.memory_space<vmem>>, vector<16xf32>,
      %get3A_278 = arith.index_cast %scan3A_215 : i32 to index
      %get3A_279 = arith.constant 96 : index
      %get3A_280 = tpu.vector_load %arg9[%get3A_278, %get3A_279] {strides = array<i32>} : memref<264x128xf32, #tpu.memory_space<vmem>>, vector<16xf32>,
      %max3A_281 = arith.maximumf %get3A_277, %get3A_280 : vector<16xf32>
      %swap3A_282 = arith.index_cast %scan3A_215 : i32 to index
      %swap3A_283 = arith.constant 96 : index
      %swap3A_284 = tpu.vector_load %arg8[%swap3A_282, %swap3A_283] {strides = array<i32>} : memref<264x128xf32, #tpu.memory_space<vmem>>, vector<16xf32>,
      tpu.vector_store %arg8[%swap3A_282, %swap3A_283], %max3A_281 {strides = array<i32>} : memref<264x128xf32, #tpu.memory_space<vmem>>, vector<16xf32>,
      %get3A_285 = arith.index_cast %scan3A_215 : i32 to index
      %get3A_286 = arith.constant 112 : index
      %get3A_287 = tpu.vector_load %arg8[%get3A_285, %get3A_286] {strides = array<i32>} : memref<264x128xf32, #tpu.memory_space<vmem>>, vector<16xf32>,
      %get3A_288 = arith.index_cast %scan3A_215 : i32 to index
      %get3A_289 = arith.constant 112 : index
      %get3A_290 = tpu.vector_load %arg9[%get3A_288, %get3A_289] {strides = array<i32>} : memref<264x128xf32, #tpu.memory_space<vmem>>, vector<16xf32>,
      %max3A_291 = arith.maximumf %get3A_287, %get3A_290 : vector<16xf32>
      %swap3A_292 = arith.index_cast %scan3A_215 : i32 to index
      %swap3A_293 = arith.constant 112 : index
      %swap3A_294 = tpu.vector_load %arg8[%swap3A_292, %swap3A_293] {strides = array<i32>} : memref<264x128xf32, #tpu.memory_space<vmem>>, vector<16xf32>,
      tpu.vector_store %arg8[%swap3A_292, %swap3A_293], %max3A_291 {strides = array<i32>} : memref<264x128xf32, #tpu.memory_space<vmem>>, vector<16xf32>,
      %scan3A_295 = arith.constant 0 : i32
      scf.yield %scan3A_295 : i32
    }
    %scan3A_204 = arith.constant 256 : i32
    %eq3A_205 = arith.constant 1 : i32
    %eq3A_206 = arith.cmpi eq, %sub3A_17, %eq3A_205 : i32
    %convert_element_type3A_207 = arith.extui %eq3A_206 : i1 to i32
    %cond3A_208 = arith.constant 0 : i32
    %cond3A_209 = arith.cmpi ne, %convert_element_type3A_207, %cond3A_208 : i32
    scf.if %cond3A_209 {
      "tpu.region"() ({
        %run_scoped3A = tpu.sem_alloc : memref<!tpu.dma_semaphore, #tpu.memory_space<semaphore_mem>>
        %dma_start3A = arith.constant 0 : i32
        %dma_start3A_215 = arith.constant 0 : i32
        %dma_start3A_216 = tpu.memref_slice %arg8[%dma_start3A, %dma_start3A_215] : memref<264x128xf32, #tpu.memory_space<vmem>> -> memref<256x128xf32, #tpu.memory_space<vmem>>
        %dma_start3A_217 = arith.constant 0 : i32
        %dma_start3A_218 = arith.constant 0 : i32
        %dma_start3A_219 = tpu.memref_slice %arg11[%select_n3A, %dma_start3A_217, %dma_start3A_218] : memref<8x256x128xf32, #tpu.memory_space<vmem_shared>> -> memref<1x256x128xf32, #tpu.memory_space<vmem_shared>>
        %dma_start3A_220 = tpu.memref_squeeze %dma_start3A_219 : memref<1x256x128xf32, #tpu.memory_space<vmem_shared>> -> memref<256x128xf32, #tpu.memory_space<vmem_shared>>
        %dma_start3A_221 = arith.constant 0 : i32
        %dma_start3A_222 = arith.constant 0 : i32
        %dma_start3A_223 = tpu.memref_slice %arg11[%select_n3A, %dma_start3A_221, %dma_start3A_222] : memref<8x256x128xf32, #tpu.memory_space<vmem_shared>> -> memref<1x256x128xf32, #tpu.memory_space<vmem_shared>>
        %dma_start3A_224 = tpu.memref_squeeze %dma_start3A_223 : memref<1x256x128xf32, #tpu.memory_space<vmem_shared>> -> memref<256x128xf32, #tpu.memory_space<vmem_shared>>
        %dma_start3A_225 = arith.constant 0 : i32
        %dma_start3A_226 = arith.constant 0 : i32
        %dma_start3A_227 = tpu.memref_slice %arg8[%dma_start3A_225, %dma_start3A_226] : memref<264x128xf32, #tpu.memory_space<vmem>> -> memref<256x128xf32, #tpu.memory_space<vmem>>
        tpu.enqueue_dma source(%dma_start3A_227 : memref<256x128xf32, #tpu.memory_space<vmem>>) target(%dma_start3A_224 : memref<256x128xf32, #tpu.memory_space<vmem_shared>>) target_semaphore(%run_scoped3A : memref<!tpu.dma_semaphore, #tpu.memory_space<semaphore_mem>>)
        %dma_wait3A = arith.constant 0 : i32
        %dma_wait3A_228 = arith.constant 0 : i32
        %dma_wait3A_229 = tpu.memref_slice %arg8[%dma_wait3A, %dma_wait3A_228] : memref<264x128xf32, #tpu.memory_space<vmem>> -> memref<256x128xf32, #tpu.memory_space<vmem>>
        %dma_wait3A_230 = arith.constant 0 : i32
        %dma_wait3A_231 = arith.constant 0 : i32
        %dma_wait3A_232 = tpu.memref_slice %arg11[%select_n3A, %dma_wait3A_230, %dma_wait3A_231] : memref<8x256x128xf32, #tpu.memory_space<vmem_shared>> -> memref<1x256x128xf32, #tpu.memory_space<vmem_shared>>
        %dma_wait3A_233 = tpu.memref_squeeze %dma_wait3A_232 : memref<1x256x128xf32, #tpu.memory_space<vmem_shared>> -> memref<256x128xf32, #tpu.memory_space<vmem_shared>>
        %dma_wait3A_234 = arith.constant 0 : i32
        %dma_wait3A_235 = arith.constant 0 : i32
        %dma_wait3A_236 = tpu.memref_slice %arg11[%select_n3A, %dma_wait3A_234, %dma_wait3A_235] : memref<8x256x128xf32, #tpu.memory_space<vmem_shared>> -> memref<1x256x128xf32, #tpu.memory_space<vmem_shared>>
        %dma_wait3A_237 = tpu.memref_squeeze %dma_wait3A_236 : memref<1x256x128xf32, #tpu.memory_space<vmem_shared>> -> memref<256x128xf32, #tpu.memory_space<vmem_shared>>
        %dma_wait3A_238 = arith.constant 0 : i32
        %dma_wait3A_239 = arith.constant 0 : i32
        %dma_wait3A_240 = tpu.memref_slice %arg8[%dma_wait3A_238, %dma_wait3A_239] : memref<264x128xf32, #tpu.memory_space<vmem>> -> memref<256x128xf32, #tpu.memory_space<vmem>>
        tpu.wait_dma2 semaphore(%run_scoped3A : memref<!tpu.dma_semaphore, #tpu.memory_space<semaphore_mem>>) src(%dma_wait3A_240 : memref<256x128xf32, #tpu.memory_space<vmem>>) dst(%dma_wait3A_237 : memref<256x128xf32, #tpu.memory_space<vmem_shared>>)
        tpu.yield
      }) : () -> ()
    } else {
    }
    %barrier3A = arith.constant 0 : index
    tpu.barrier barrier_id(%barrier3A)
    %eq3A_210 = arith.constant 0 : i32
    %eq3A_211 = arith.cmpi eq, %sub3A_17, %eq3A_210 : i32
    %convert_element_type3A_212 = arith.extui %eq3A_211 : i1 to i32
    %cond3A_213 = arith.constant 0 : i32
    %cond3A_214 = arith.cmpi ne, %convert_element_type3A_212, %cond3A_213 : i32
    scf.if %cond3A_214 {
      "tpu.region"() ({
        %run_scoped3A = tpu.sem_alloc : memref<!tpu.dma_semaphore, #tpu.memory_space<semaphore_mem>>
        %dma_start3A = arith.constant 0 : i32
        %dma_start3A_222 = arith.constant 0 : i32
        %dma_start3A_223 = tpu.memref_slice %arg9[%dma_start3A, %dma_start3A_222] : memref<264x128xf32, #tpu.memory_space<vmem>> -> memref<256x128xf32, #tpu.memory_space<vmem>>
        %dma_start3A_224 = arith.constant 0 : i32
        %dma_start3A_225 = arith.constant 0 : i32
        %dma_start3A_226 = tpu.memref_slice %arg11[%select_n3A, %dma_start3A_224, %dma_start3A_225] : memref<8x256x128xf32, #tpu.memory_space<vmem_shared>> -> memref<1x256x128xf32, #tpu.memory_space<vmem_shared>>
        %dma_start3A_227 = tpu.memref_squeeze %dma_start3A_226 : memref<1x256x128xf32, #tpu.memory_space<vmem_shared>> -> memref<256x128xf32, #tpu.memory_space<vmem_shared>>
        %dma_start3A_228 = arith.constant 0 : i32
        %dma_start3A_229 = arith.constant 0 : i32
        %dma_start3A_230 = tpu.memref_slice %arg9[%dma_start3A_228, %dma_start3A_229] : memref<264x128xf32, #tpu.memory_space<vmem>> -> memref<256x128xf32, #tpu.memory_space<vmem>>
        %dma_start3A_231 = arith.constant 0 : i32
        %dma_start3A_232 = arith.constant 0 : i32
        %dma_start3A_233 = tpu.memref_slice %arg11[%select_n3A, %dma_start3A_231, %dma_start3A_232] : memref<8x256x128xf32, #tpu.memory_space<vmem_shared>> -> memref<1x256x128xf32, #tpu.memory_space<vmem_shared>>
        %dma_start3A_234 = tpu.memref_squeeze %dma_start3A_233 : memref<1x256x128xf32, #tpu.memory_space<vmem_shared>> -> memref<256x128xf32, #tpu.memory_space<vmem_shared>>
        tpu.enqueue_dma source(%dma_start3A_234 : memref<256x128xf32, #tpu.memory_space<vmem_shared>>) target(%dma_start3A_230 : memref<256x128xf32, #tpu.memory_space<vmem>>) target_semaphore(%run_scoped3A : memref<!tpu.dma_semaphore, #tpu.memory_space<semaphore_mem>>)
        %dma_wait3A = arith.constant 0 : i32
        %dma_wait3A_235 = arith.constant 0 : i32
        %dma_wait3A_236 = tpu.memref_slice %arg9[%dma_wait3A, %dma_wait3A_235] : memref<264x128xf32, #tpu.memory_space<vmem>> -> memref<256x128xf32, #tpu.memory_space<vmem>>
        %dma_wait3A_237 = arith.constant 0 : i32
        %dma_wait3A_238 = arith.constant 0 : i32
        %dma_wait3A_239 = tpu.memref_slice %arg11[%select_n3A, %dma_wait3A_237, %dma_wait3A_238] : memref<8x256x128xf32, #tpu.memory_space<vmem_shared>> -> memref<1x256x128xf32, #tpu.memory_space<vmem_shared>>
        %dma_wait3A_240 = tpu.memref_squeeze %dma_wait3A_239 : memref<1x256x128xf32, #tpu.memory_space<vmem_shared>> -> memref<256x128xf32, #tpu.memory_space<vmem_shared>>
        %dma_wait3A_241 = arith.constant 0 : i32
        %dma_wait3A_242 = arith.constant 0 : i32
        %dma_wait3A_243 = tpu.memref_slice %arg9[%dma_wait3A_241, %dma_wait3A_242] : memref<264x128xf32, #tpu.memory_space<vmem>> -> memref<256x128xf32, #tpu.memory_space<vmem>>
        %dma_wait3A_244 = arith.constant 0 : i32
        %dma_wait3A_245 = arith.constant 0 : i32
        %dma_wait3A_246 = tpu.memref_slice %arg11[%select_n3A, %dma_wait3A_244, %dma_wait3A_245] : memref<8x256x128xf32, #tpu.memory_space<vmem_shared>> -> memref<1x256x128xf32, #tpu.memory_space<vmem_shared>>
        %dma_wait3A_247 = tpu.memref_squeeze %dma_wait3A_246 : memref<1x256x128xf32, #tpu.memory_space<vmem_shared>> -> memref<256x128xf32, #tpu.memory_space<vmem_shared>>
        tpu.wait_dma2 semaphore(%run_scoped3A : memref<!tpu.dma_semaphore, #tpu.memory_space<semaphore_mem>>) src(%dma_wait3A_247 : memref<256x128xf32, #tpu.memory_space<vmem_shared>>) dst(%dma_wait3A_243 : memref<256x128xf32, #tpu.memory_space<vmem>>)
        tpu.yield
      }) : () -> ()
      %scan3A_215 = arith.constant 0 : i32
      %scan3A_216 = arith.constant 0 : i32
      %scan3A_217 = arith.constant 256 : i32
      %scan3A_218 = arith.addi %scan3A_216, %scan3A_217 : i32
      %scan3A_219 = arith.constant 1 : i32
      %scan3A_220 = scf.for %scan3A_222 = %scan3A_216 to %scan3A_218 step %scan3A_219 iter_args(%scan3A_223 = %scan3A_215) -> (i32)  : i32 {
        %get3A_224 = arith.index_cast %scan3A_222 : i32 to index
        %get3A_225 = arith.constant 0 : index
        %get3A_226 = tpu.vector_load %arg8[%get3A_224, %get3A_225] {strides = array<i32>} : memref<264x128xf32, #tpu.memory_space<vmem>>, vector<16xf32>,
        %get3A_227 = arith.index_cast %scan3A_222 : i32 to index
        %get3A_228 = arith.constant 0 : index
        %get3A_229 = tpu.vector_load %arg9[%get3A_227, %get3A_228] {strides = array<i32>} : memref<264x128xf32, #tpu.memory_space<vmem>>, vector<16xf32>,
        %max3A = arith.maximumf %get3A_226, %get3A_229 : vector<16xf32>
        %eq3A_230 = arith.constant 0xFF800000 : f32
        %eq3A_231 = vector.broadcast %eq3A_230 : f32 to vector<16xf32>
        %eq3A_232 = arith.cmpf oeq, %max3A, %eq3A_231 : vector<16xf32>
        %jit3A_233 = arith.constant 0.000000e+00 : f32
        %broadcast_in_dim3A_234 = vector.broadcast %jit3A_233 : f32 to vector<16xf32>
        %select_n3A_235 = arith.select %eq3A_232, %broadcast_in_dim3A_234, %max3A : vector<16xi1>, vector<16xf32>
        %swap3A = arith.index_cast %scan3A_222 : i32 to index
        %swap3A_236 = arith.constant 0 : index
        %swap3A_237 = tpu.vector_load %arg8[%swap3A, %swap3A_236] {strides = array<i32>} : memref<264x128xf32, #tpu.memory_space<vmem>>, vector<16xf32>,
        tpu.vector_store %arg8[%swap3A, %swap3A_236], %select_n3A_235 {strides = array<i32>} : memref<264x128xf32, #tpu.memory_space<vmem>>, vector<16xf32>,
        %get3A_238 = arith.index_cast %scan3A_222 : i32 to index
        %get3A_239 = arith.constant 16 : index
        %get3A_240 = tpu.vector_load %arg8[%get3A_238, %get3A_239] {strides = array<i32>} : memref<264x128xf32, #tpu.memory_space<vmem>>, vector<16xf32>,
        %get3A_241 = arith.index_cast %scan3A_222 : i32 to index
        %get3A_242 = arith.constant 16 : index
        %get3A_243 = tpu.vector_load %arg9[%get3A_241, %get3A_242] {strides = array<i32>} : memref<264x128xf32, #tpu.memory_space<vmem>>, vector<16xf32>,
        %max3A_244 = arith.maximumf %get3A_240, %get3A_243 : vector<16xf32>
        %eq3A_245 = arith.constant 0xFF800000 : f32
        %eq3A_246 = vector.broadcast %eq3A_245 : f32 to vector<16xf32>
        %eq3A_247 = arith.cmpf oeq, %max3A_244, %eq3A_246 : vector<16xf32>
        %jit3A_248 = arith.constant 0.000000e+00 : f32
        %broadcast_in_dim3A_249 = vector.broadcast %jit3A_248 : f32 to vector<16xf32>
        %select_n3A_250 = arith.select %eq3A_247, %broadcast_in_dim3A_249, %max3A_244 : vector<16xi1>, vector<16xf32>
        %swap3A_251 = arith.index_cast %scan3A_222 : i32 to index
        %swap3A_252 = arith.constant 16 : index
        %swap3A_253 = tpu.vector_load %arg8[%swap3A_251, %swap3A_252] {strides = array<i32>} : memref<264x128xf32, #tpu.memory_space<vmem>>, vector<16xf32>,
        tpu.vector_store %arg8[%swap3A_251, %swap3A_252], %select_n3A_250 {strides = array<i32>} : memref<264x128xf32, #tpu.memory_space<vmem>>, vector<16xf32>,
        %get3A_254 = arith.index_cast %scan3A_222 : i32 to index
        %get3A_255 = arith.constant 32 : index
        %get3A_256 = tpu.vector_load %arg8[%get3A_254, %get3A_255] {strides = array<i32>} : memref<264x128xf32, #tpu.memory_space<vmem>>, vector<16xf32>,
        %get3A_257 = arith.index_cast %scan3A_222 : i32 to index
        %get3A_258 = arith.constant 32 : index
        %get3A_259 = tpu.vector_load %arg9[%get3A_257, %get3A_258] {strides = array<i32>} : memref<264x128xf32, #tpu.memory_space<vmem>>, vector<16xf32>,
        %max3A_260 = arith.maximumf %get3A_256, %get3A_259 : vector<16xf32>
        %eq3A_261 = arith.constant 0xFF800000 : f32
        %eq3A_262 = vector.broadcast %eq3A_261 : f32 to vector<16xf32>
        %eq3A_263 = arith.cmpf oeq, %max3A_260, %eq3A_262 : vector<16xf32>
        %jit3A_264 = arith.constant 0.000000e+00 : f32
        %broadcast_in_dim3A_265 = vector.broadcast %jit3A_264 : f32 to vector<16xf32>
        %select_n3A_266 = arith.select %eq3A_263, %broadcast_in_dim3A_265, %max3A_260 : vector<16xi1>, vector<16xf32>
        %swap3A_267 = arith.index_cast %scan3A_222 : i32 to index
        %swap3A_268 = arith.constant 32 : index
        %swap3A_269 = tpu.vector_load %arg8[%swap3A_267, %swap3A_268] {strides = array<i32>} : memref<264x128xf32, #tpu.memory_space<vmem>>, vector<16xf32>,
        tpu.vector_store %arg8[%swap3A_267, %swap3A_268], %select_n3A_266 {strides = array<i32>} : memref<264x128xf32, #tpu.memory_space<vmem>>, vector<16xf32>,
        %get3A_270 = arith.index_cast %scan3A_222 : i32 to index
        %get3A_271 = arith.constant 48 : index
        %get3A_272 = tpu.vector_load %arg8[%get3A_270, %get3A_271] {strides = array<i32>} : memref<264x128xf32, #tpu.memory_space<vmem>>, vector<16xf32>,
        %get3A_273 = arith.index_cast %scan3A_222 : i32 to index
        %get3A_274 = arith.constant 48 : index
        %get3A_275 = tpu.vector_load %arg9[%get3A_273, %get3A_274] {strides = array<i32>} : memref<264x128xf32, #tpu.memory_space<vmem>>, vector<16xf32>,
        %max3A_276 = arith.maximumf %get3A_272, %get3A_275 : vector<16xf32>
        %eq3A_277 = arith.constant 0xFF800000 : f32
        %eq3A_278 = vector.broadcast %eq3A_277 : f32 to vector<16xf32>
        %eq3A_279 = arith.cmpf oeq, %max3A_276, %eq3A_278 : vector<16xf32>
        %jit3A_280 = arith.constant 0.000000e+00 : f32
        %broadcast_in_dim3A_281 = vector.broadcast %jit3A_280 : f32 to vector<16xf32>
        %select_n3A_282 = arith.select %eq3A_279, %broadcast_in_dim3A_281, %max3A_276 : vector<16xi1>, vector<16xf32>
        %swap3A_283 = arith.index_cast %scan3A_222 : i32 to index
        %swap3A_284 = arith.constant 48 : index
        %swap3A_285 = tpu.vector_load %arg8[%swap3A_283, %swap3A_284] {strides = array<i32>} : memref<264x128xf32, #tpu.memory_space<vmem>>, vector<16xf32>,
        tpu.vector_store %arg8[%swap3A_283, %swap3A_284], %select_n3A_282 {strides = array<i32>} : memref<264x128xf32, #tpu.memory_space<vmem>>, vector<16xf32>,
        %get3A_286 = arith.index_cast %scan3A_222 : i32 to index
        %get3A_287 = arith.constant 64 : index
        %get3A_288 = tpu.vector_load %arg8[%get3A_286, %get3A_287] {strides = array<i32>} : memref<264x128xf32, #tpu.memory_space<vmem>>, vector<16xf32>,
        %get3A_289 = arith.index_cast %scan3A_222 : i32 to index
        %get3A_290 = arith.constant 64 : index
        %get3A_291 = tpu.vector_load %arg9[%get3A_289, %get3A_290] {strides = array<i32>} : memref<264x128xf32, #tpu.memory_space<vmem>>, vector<16xf32>,
        %max3A_292 = arith.maximumf %get3A_288, %get3A_291 : vector<16xf32>
        %eq3A_293 = arith.constant 0xFF800000 : f32
        %eq3A_294 = vector.broadcast %eq3A_293 : f32 to vector<16xf32>
        %eq3A_295 = arith.cmpf oeq, %max3A_292, %eq3A_294 : vector<16xf32>
        %jit3A_296 = arith.constant 0.000000e+00 : f32
        %broadcast_in_dim3A_297 = vector.broadcast %jit3A_296 : f32 to vector<16xf32>
        %select_n3A_298 = arith.select %eq3A_295, %broadcast_in_dim3A_297, %max3A_292 : vector<16xi1>, vector<16xf32>
        %swap3A_299 = arith.index_cast %scan3A_222 : i32 to index
        %swap3A_300 = arith.constant 64 : index
        %swap3A_301 = tpu.vector_load %arg8[%swap3A_299, %swap3A_300] {strides = array<i32>} : memref<264x128xf32, #tpu.memory_space<vmem>>, vector<16xf32>,
        tpu.vector_store %arg8[%swap3A_299, %swap3A_300], %select_n3A_298 {strides = array<i32>} : memref<264x128xf32, #tpu.memory_space<vmem>>, vector<16xf32>,
        %get3A_302 = arith.index_cast %scan3A_222 : i32 to index
        %get3A_303 = arith.constant 80 : index
        %get3A_304 = tpu.vector_load %arg8[%get3A_302, %get3A_303] {strides = array<i32>} : memref<264x128xf32, #tpu.memory_space<vmem>>, vector<16xf32>,
        %get3A_305 = arith.index_cast %scan3A_222 : i32 to index
        %get3A_306 = arith.constant 80 : index
        %get3A_307 = tpu.vector_load %arg9[%get3A_305, %get3A_306] {strides = array<i32>} : memref<264x128xf32, #tpu.memory_space<vmem>>, vector<16xf32>,
        %max3A_308 = arith.maximumf %get3A_304, %get3A_307 : vector<16xf32>
        %eq3A_309 = arith.constant 0xFF800000 : f32
        %eq3A_310 = vector.broadcast %eq3A_309 : f32 to vector<16xf32>
        %eq3A_311 = arith.cmpf oeq, %max3A_308, %eq3A_310 : vector<16xf32>
        %jit3A_312 = arith.constant 0.000000e+00 : f32
        %broadcast_in_dim3A_313 = vector.broadcast %jit3A_312 : f32 to vector<16xf32>
        %select_n3A_314 = arith.select %eq3A_311, %broadcast_in_dim3A_313, %max3A_308 : vector<16xi1>, vector<16xf32>
        %swap3A_315 = arith.index_cast %scan3A_222 : i32 to index
        %swap3A_316 = arith.constant 80 : index
        %swap3A_317 = tpu.vector_load %arg8[%swap3A_315, %swap3A_316] {strides = array<i32>} : memref<264x128xf32, #tpu.memory_space<vmem>>, vector<16xf32>,
        tpu.vector_store %arg8[%swap3A_315, %swap3A_316], %select_n3A_314 {strides = array<i32>} : memref<264x128xf32, #tpu.memory_space<vmem>>, vector<16xf32>,
        %get3A_318 = arith.index_cast %scan3A_222 : i32 to index
        %get3A_319 = arith.constant 96 : index
        %get3A_320 = tpu.vector_load %arg8[%get3A_318, %get3A_319] {strides = array<i32>} : memref<264x128xf32, #tpu.memory_space<vmem>>, vector<16xf32>,
        %get3A_321 = arith.index_cast %scan3A_222 : i32 to index
        %get3A_322 = arith.constant 96 : index
        %get3A_323 = tpu.vector_load %arg9[%get3A_321, %get3A_322] {strides = array<i32>} : memref<264x128xf32, #tpu.memory_space<vmem>>, vector<16xf32>,
        %max3A_324 = arith.maximumf %get3A_320, %get3A_323 : vector<16xf32>
        %eq3A_325 = arith.constant 0xFF800000 : f32
        %eq3A_326 = vector.broadcast %eq3A_325 : f32 to vector<16xf32>
        %eq3A_327 = arith.cmpf oeq, %max3A_324, %eq3A_326 : vector<16xf32>
        %jit3A_328 = arith.constant 0.000000e+00 : f32
        %broadcast_in_dim3A_329 = vector.broadcast %jit3A_328 : f32 to vector<16xf32>
        %select_n3A_330 = arith.select %eq3A_327, %broadcast_in_dim3A_329, %max3A_324 : vector<16xi1>, vector<16xf32>
        %swap3A_331 = arith.index_cast %scan3A_222 : i32 to index
        %swap3A_332 = arith.constant 96 : index
        %swap3A_333 = tpu.vector_load %arg8[%swap3A_331, %swap3A_332] {strides = array<i32>} : memref<264x128xf32, #tpu.memory_space<vmem>>, vector<16xf32>,
        tpu.vector_store %arg8[%swap3A_331, %swap3A_332], %select_n3A_330 {strides = array<i32>} : memref<264x128xf32, #tpu.memory_space<vmem>>, vector<16xf32>,
        %get3A_334 = arith.index_cast %scan3A_222 : i32 to index
        %get3A_335 = arith.constant 112 : index
        %get3A_336 = tpu.vector_load %arg8[%get3A_334, %get3A_335] {strides = array<i32>} : memref<264x128xf32, #tpu.memory_space<vmem>>, vector<16xf32>,
        %get3A_337 = arith.index_cast %scan3A_222 : i32 to index
        %get3A_338 = arith.constant 112 : index
        %get3A_339 = tpu.vector_load %arg9[%get3A_337, %get3A_338] {strides = array<i32>} : memref<264x128xf32, #tpu.memory_space<vmem>>, vector<16xf32>,
        %max3A_340 = arith.maximumf %get3A_336, %get3A_339 : vector<16xf32>
        %eq3A_341 = arith.constant 0xFF800000 : f32
        %eq3A_342 = vector.broadcast %eq3A_341 : f32 to vector<16xf32>
        %eq3A_343 = arith.cmpf oeq, %max3A_340, %eq3A_342 : vector<16xf32>
        %jit3A_344 = arith.constant 0.000000e+00 : f32
        %broadcast_in_dim3A_345 = vector.broadcast %jit3A_344 : f32 to vector<16xf32>
        %select_n3A_346 = arith.select %eq3A_343, %broadcast_in_dim3A_345, %max3A_340 : vector<16xi1>, vector<16xf32>
        %swap3A_347 = arith.index_cast %scan3A_222 : i32 to index
        %swap3A_348 = arith.constant 112 : index
        %swap3A_349 = tpu.vector_load %arg8[%swap3A_347, %swap3A_348] {strides = array<i32>} : memref<264x128xf32, #tpu.memory_space<vmem>>, vector<16xf32>,
        tpu.vector_store %arg8[%swap3A_347, %swap3A_348], %select_n3A_346 {strides = array<i32>} : memref<264x128xf32, #tpu.memory_space<vmem>>, vector<16xf32>,
        %scan3A_350 = arith.constant 0 : i32
        scf.yield %scan3A_350 : i32
      }
      %scan3A_221 = arith.constant 256 : i32
      "tpu.region"() ({
        %run_scoped3A = tpu.sem_alloc : memref<!tpu.dma_semaphore, #tpu.memory_space<semaphore_mem>>
        %dma_start3A = arith.constant 0 : i32
        %dma_start3A_222 = arith.constant 0 : i32
        %dma_start3A_223 = tpu.memref_slice %arg8[%dma_start3A, %dma_start3A_222] : memref<264x128xf32, #tpu.memory_space<vmem>> -> memref<256x128xf32, #tpu.memory_space<vmem>>
        %dma_start3A_224 = arith.constant 0 : i32
        %dma_start3A_225 = tpu.memref_slice %arg5[%mul3A_21, %dma_start3A_224] : memref<4096x128xf32, #tpu.memory_space<hbm>> -> memref<256x128xf32, #tpu.memory_space<hbm>>
        %dma_start3A_226 = arith.constant 0 : i32
        %dma_start3A_227 = tpu.memref_slice %arg5[%mul3A_21, %dma_start3A_226] : memref<4096x128xf32, #tpu.memory_space<hbm>> -> memref<256x128xf32, #tpu.memory_space<hbm>>
        %dma_start3A_228 = arith.constant 0 : i32
        %dma_start3A_229 = arith.constant 0 : i32
        %dma_start3A_230 = tpu.memref_slice %arg8[%dma_start3A_228, %dma_start3A_229] : memref<264x128xf32, #tpu.memory_space<vmem>> -> memref<256x128xf32, #tpu.memory_space<vmem>>
        tpu.enqueue_dma source(%dma_start3A_230 : memref<256x128xf32, #tpu.memory_space<vmem>>) target(%dma_start3A_227 : memref<256x128xf32, #tpu.memory_space<hbm>>) target_semaphore(%run_scoped3A : memref<!tpu.dma_semaphore, #tpu.memory_space<semaphore_mem>>)
        %dma_wait3A = arith.constant 0 : i32
        %dma_wait3A_231 = arith.constant 0 : i32
        %dma_wait3A_232 = tpu.memref_slice %arg8[%dma_wait3A, %dma_wait3A_231] : memref<264x128xf32, #tpu.memory_space<vmem>> -> memref<256x128xf32, #tpu.memory_space<vmem>>
        %dma_wait3A_233 = arith.constant 0 : i32
        %dma_wait3A_234 = tpu.memref_slice %arg5[%mul3A_21, %dma_wait3A_233] : memref<4096x128xf32, #tpu.memory_space<hbm>> -> memref<256x128xf32, #tpu.memory_space<hbm>>
        %dma_wait3A_235 = arith.constant 0 : i32
        %dma_wait3A_236 = tpu.memref_slice %arg5[%mul3A_21, %dma_wait3A_235] : memref<4096x128xf32, #tpu.memory_space<hbm>> -> memref<256x128xf32, #tpu.memory_space<hbm>>
        %dma_wait3A_237 = arith.constant 0 : i32
        %dma_wait3A_238 = arith.constant 0 : i32
        %dma_wait3A_239 = tpu.memref_slice %arg8[%dma_wait3A_237, %dma_wait3A_238] : memref<264x128xf32, #tpu.memory_space<vmem>> -> memref<256x128xf32, #tpu.memory_space<vmem>>
        tpu.wait_dma2 semaphore(%run_scoped3A : memref<!tpu.dma_semaphore, #tpu.memory_space<semaphore_mem>>) src(%dma_wait3A_239 : memref<256x128xf32, #tpu.memory_space<vmem>>) dst(%dma_wait3A_236 : memref<256x128xf32, #tpu.memory_space<hbm>>)
        tpu.yield
      }) : () -> ()
    } else {
    }
    return
  }
}

module attributes {stable_mosaic.version = 14 : i64} {
  func.func @_cluster_body(%arg0: memref<2500x128xf32, #tpu.memory_space<vmem>>, %arg1: memref<2500x128xf32, #tpu.memory_space<vmem>>, %arg2: memref<2500x128xi32, #tpu.memory_space<vmem>>, %arg3: memref<2500x128xi32, #tpu.memory_space<vmem>>, %arg4: memref<8x128xi32, #tpu.memory_space<vmem>>) attributes {dimension_semantics = [], scalar_prefetch = 0 : i64, scratch_operands = 0 : i64, tpu.core_type = #tpu.core_type<tc>} {
    %get3A = arith.constant 0 : index
    %get3A_0 = arith.constant 0 : index
    %get3A_1 = vector.load %arg0[%get3A, %get3A_0] : memref<2500x128xf32, #tpu.memory_space<vmem>>, vector<2500x128xf32>
    %get3A_2 = arith.constant 0 : index
    %get3A_3 = arith.constant 0 : index
    %get3A_4 = vector.load %arg1[%get3A_2, %get3A_3] : memref<2500x128xf32, #tpu.memory_space<vmem>>, vector<2500x128xf32>
    %get3A_5 = arith.constant 0 : index
    %get3A_6 = arith.constant 0 : index
    %get3A_7 = vector.load %arg2[%get3A_5, %get3A_6] : memref<2500x128xi32, #tpu.memory_space<vmem>>, vector<2500x128xi32>
    %reduce_min3A = vector.shape_cast %get3A_1 : vector<2500x128xf32> to vector<1x2500x128xf32>
    %reduce_min3A_8 = arith.constant dense<0x7F800000> : vector<1xf32>
    %reduce_min3A_9 = vector.multi_reduction <minimumf>, %reduce_min3A, %reduce_min3A_8 [1, 2] : vector<1x2500x128xf32> to vector<1xf32>
    %reduce_min3A_10 = vector.shape_cast %reduce_min3A_9 : vector<1xf32> to vector<1x1x1xf32>
    %reduce_min3A_11 = vector.extract %reduce_min3A_10[0, 0, 0] : f32 from vector<1x1x1xf32>
    %reduce_max3A = vector.shape_cast %get3A_1 : vector<2500x128xf32> to vector<1x2500x128xf32>
    %reduce_max3A_12 = arith.constant dense<0xFF800000> : vector<1xf32>
    %reduce_max3A_13 = vector.multi_reduction <maximumf>, %reduce_max3A, %reduce_max3A_12 [1, 2] : vector<1x2500x128xf32> to vector<1xf32>
    %reduce_max3A_14 = vector.shape_cast %reduce_max3A_13 : vector<1xf32> to vector<1x1x1xf32>
    %reduce_max3A_15 = vector.extract %reduce_max3A_14[0, 0, 0] : f32 from vector<1x1x1xf32>
    %reduce_min3A_16 = vector.shape_cast %get3A_4 : vector<2500x128xf32> to vector<1x2500x128xf32>
    %reduce_min3A_17 = arith.constant dense<0x7F800000> : vector<1xf32>
    %reduce_min3A_18 = vector.multi_reduction <minimumf>, %reduce_min3A_16, %reduce_min3A_17 [1, 2] : vector<1x2500x128xf32> to vector<1xf32>
    %reduce_min3A_19 = vector.shape_cast %reduce_min3A_18 : vector<1xf32> to vector<1x1x1xf32>
    %reduce_min3A_20 = vector.extract %reduce_min3A_19[0, 0, 0] : f32 from vector<1x1x1xf32>
    %reduce_max3A_21 = vector.shape_cast %get3A_4 : vector<2500x128xf32> to vector<1x2500x128xf32>
    %reduce_max3A_22 = arith.constant dense<0xFF800000> : vector<1xf32>
    %reduce_max3A_23 = vector.multi_reduction <maximumf>, %reduce_max3A_21, %reduce_max3A_22 [1, 2] : vector<1x2500x128xf32> to vector<1xf32>
    %reduce_max3A_24 = vector.shape_cast %reduce_max3A_23 : vector<1xf32> to vector<1x1x1xf32>
    %reduce_max3A_25 = vector.extract %reduce_max3A_24[0, 0, 0] : f32 from vector<1x1x1xf32>
    %reduce_min3A_26 = vector.shape_cast %get3A_7 : vector<2500x128xi32> to vector<1x2500x128xi32>
    %reduce_min3A_27 = arith.constant dense<2147483647> : vector<1xi32>
    %reduce_min3A_28 = vector.multi_reduction <minsi>, %reduce_min3A_26, %reduce_min3A_27 [1, 2] : vector<1x2500x128xi32> to vector<1xi32>
    %reduce_min3A_29 = vector.shape_cast %reduce_min3A_28 : vector<1xi32> to vector<1x1x1xi32>
    %reduce_min3A_30 = vector.extract %reduce_min3A_29[0, 0, 0] : i32 from vector<1x1x1xi32>
    %sub3A = vector.broadcast %reduce_min3A_11 : f32 to vector<2500x128xf32>
    %sub3A_31 = arith.subf %get3A_1, %sub3A : vector<2500x128xf32>
    %div3A = arith.constant 6.250000e-02 : f32
    %div3A_32 = vector.broadcast %div3A : f32 to vector<2500x128xf32>
    %div3A_33 = arith.divf %sub3A_31, %div3A_32 : vector<2500x128xf32>
    %floor3A = math.floor %div3A_33 : vector<2500x128xf32>
    %convert_element_type3A = arith.fptosi %floor3A : vector<2500x128xf32> to vector<2500x128xi32>
    %sub3A_34 = vector.broadcast %reduce_min3A_20 : f32 to vector<2500x128xf32>
    %sub3A_35 = arith.subf %get3A_4, %sub3A_34 : vector<2500x128xf32>
    %div3A_36 = arith.constant 6.250000e-02 : f32
    %div3A_37 = vector.broadcast %div3A_36 : f32 to vector<2500x128xf32>
    %div3A_38 = arith.divf %sub3A_35, %div3A_37 : vector<2500x128xf32>
    %floor3A_39 = math.floor %div3A_38 : vector<2500x128xf32>
    %convert_element_type3A_40 = arith.fptosi %floor3A_39 : vector<2500x128xf32> to vector<2500x128xi32>
    %sub3A_41 = vector.broadcast %reduce_min3A_30 : i32 to vector<2500x128xi32>
    %sub3A_42 = arith.subi %get3A_7, %sub3A_41 : vector<2500x128xi32>
    %sub3A_43 = arith.subf %reduce_max3A_15, %reduce_min3A_11 : f32
    %div3A_44 = arith.constant 6.250000e-02 : f32
    %div3A_45 = arith.divf %sub3A_43, %div3A_44 : f32
    %floor3A_46 = math.floor %div3A_45 : f32
    %convert_element_type3A_47 = arith.fptosi %floor3A_46 : f32 to i32
    %add3A = arith.constant 1 : i32
    %add3A_48 = arith.addi %convert_element_type3A_47, %add3A : i32
    %sub3A_49 = arith.subf %reduce_max3A_25, %reduce_min3A_20 : f32
    %div3A_50 = arith.constant 6.250000e-02 : f32
    %div3A_51 = arith.divf %sub3A_49, %div3A_50 : f32
    %floor3A_52 = math.floor %div3A_51 : f32
    %convert_element_type3A_53 = arith.fptosi %floor3A_52 : f32 to i32
    %add3A_54 = arith.constant 1 : i32
    %add3A_55 = arith.addi %convert_element_type3A_53, %add3A_54 : i32
    %mul3A = arith.muli %add3A_48, %add3A_55 : i32
    %mul3A_56 = vector.broadcast %add3A_48 : i32 to vector<2500x128xi32>
    %mul3A_57 = arith.muli %convert_element_type3A_40, %mul3A_56 : vector<2500x128xi32>
    %add3A_58 = arith.addi %convert_element_type3A, %mul3A_57 : vector<2500x128xi32>
    %mul3A_59 = vector.broadcast %mul3A : i32 to vector<2500x128xi32>
    %mul3A_60 = arith.muli %sub3A_42, %mul3A_59 : vector<2500x128xi32>
    %add3A_61 = arith.addi %add3A_58, %mul3A_60 : vector<2500x128xi32>
    %swap3A = arith.constant 0 : index
    %swap3A_62 = arith.constant 0 : index
    %swap3A_63 = vector.load %arg3[%swap3A, %swap3A_62] : memref<2500x128xi32, #tpu.memory_space<vmem>>, vector<2500x128xi32>
    tpu.vector_store %arg3[%swap3A, %swap3A_62], %add3A_61 {strides = array<i32>} : memref<2500x128xi32, #tpu.memory_space<vmem>>, vector<2500x128xi32>,
    %iota3A = tpu.iota {dimensions = array<i32: 1>} : vector<8x128xi32>
    %iota3A_64 = tpu.iota {dimensions = array<i32: 0>} : vector<8x128xi32>
    %broadcast_in_dim3A = arith.constant 0 : i32
    %broadcast_in_dim3A_65 = vector.broadcast %broadcast_in_dim3A : i32 to vector<8x128xi32>
    %eq3A = arith.constant 0 : i32
    %eq3A_66 = vector.broadcast %eq3A : i32 to vector<2500x128xi32>
    %eq3A_67 = arith.cmpi eq, %sub3A_42, %eq3A_66 : vector<2500x128xi32>
    %convert_element_type3A_68 = arith.extui %eq3A_67 : vector<2500x128xi1> to vector<2500x128xi32>
    %reduce_sum3A = vector.shape_cast %convert_element_type3A_68 : vector<2500x128xi32> to vector<1x2500x128xi32>
    %reduce_sum3A_69 = arith.constant dense<0> : vector<1xi32>
    %reduce_sum3A_70 = vector.multi_reduction <add>, %reduce_sum3A, %reduce_sum3A_69 [1, 2] : vector<1x2500x128xi32> to vector<1xi32>
    %reduce_sum3A_71 = vector.shape_cast %reduce_sum3A_70 : vector<1xi32> to vector<1x1x1xi32>
    %reduce_sum3A_72 = vector.extract %reduce_sum3A_71[0, 0, 0] : i32 from vector<1x1x1xi32>
    %gt3A = arith.constant 0 : i32
    %gt3A_73 = vector.broadcast %gt3A : i32 to vector<8x128xi32>
    %gt3A_74 = arith.cmpi sgt, %iota3A, %gt3A_73 : vector<8x128xi32>
    %jit3A = arith.constant 0 : i32
    %broadcast_in_dim3A_75 = vector.broadcast %reduce_sum3A_72 : i32 to vector<8x128xi32>
    %broadcast_in_dim3A_76 = vector.broadcast %jit3A : i32 to vector<8x128xi32>
    %select_n3A = arith.select %gt3A_74, %broadcast_in_dim3A_75, %broadcast_in_dim3A_76 : vector<8x128xi1>, vector<8x128xi32>
    %add3A_77 = arith.addi %broadcast_in_dim3A_65, %select_n3A : vector<8x128xi32>
    %eq3A_78 = arith.constant 1 : i32
    %eq3A_79 = vector.broadcast %eq3A_78 : i32 to vector<2500x128xi32>
    %eq3A_80 = arith.cmpi eq, %sub3A_42, %eq3A_79 : vector<2500x128xi32>
    %convert_element_type3A_81 = arith.extui %eq3A_80 : vector<2500x128xi1> to vector<2500x128xi32>
    %reduce_sum3A_82 = vector.shape_cast %convert_element_type3A_81 : vector<2500x128xi32> to vector<1x2500x128xi32>
    %reduce_sum3A_83 = arith.constant dense<0> : vector<1xi32>
    %reduce_sum3A_84 = vector.multi_reduction <add>, %reduce_sum3A_82, %reduce_sum3A_83 [1, 2] : vector<1x2500x128xi32> to vector<1xi32>
    %reduce_sum3A_85 = vector.shape_cast %reduce_sum3A_84 : vector<1xi32> to vector<1x1x1xi32>
    %reduce_sum3A_86 = vector.extract %reduce_sum3A_85[0, 0, 0] : i32 from vector<1x1x1xi32>
    %gt3A_87 = arith.constant 1 : i32
    %gt3A_88 = vector.broadcast %gt3A_87 : i32 to vector<8x128xi32>
    %gt3A_89 = arith.cmpi sgt, %iota3A, %gt3A_88 : vector<8x128xi32>
    %jit3A_90 = arith.constant 0 : i32
    %broadcast_in_dim3A_91 = vector.broadcast %reduce_sum3A_86 : i32 to vector<8x128xi32>
    %broadcast_in_dim3A_92 = vector.broadcast %jit3A_90 : i32 to vector<8x128xi32>
    %select_n3A_93 = arith.select %gt3A_89, %broadcast_in_dim3A_91, %broadcast_in_dim3A_92 : vector<8x128xi1>, vector<8x128xi32>
    %add3A_94 = arith.addi %add3A_77, %select_n3A_93 : vector<8x128xi32>
    %eq3A_95 = arith.constant 2 : i32
    %eq3A_96 = vector.broadcast %eq3A_95 : i32 to vector<2500x128xi32>
    %eq3A_97 = arith.cmpi eq, %sub3A_42, %eq3A_96 : vector<2500x128xi32>
    %convert_element_type3A_98 = arith.extui %eq3A_97 : vector<2500x128xi1> to vector<2500x128xi32>
    %reduce_sum3A_99 = vector.shape_cast %convert_element_type3A_98 : vector<2500x128xi32> to vector<1x2500x128xi32>
    %reduce_sum3A_100 = arith.constant dense<0> : vector<1xi32>
    %reduce_sum3A_101 = vector.multi_reduction <add>, %reduce_sum3A_99, %reduce_sum3A_100 [1, 2] : vector<1x2500x128xi32> to vector<1xi32>
    %reduce_sum3A_102 = vector.shape_cast %reduce_sum3A_101 : vector<1xi32> to vector<1x1x1xi32>
    %reduce_sum3A_103 = vector.extract %reduce_sum3A_102[0, 0, 0] : i32 from vector<1x1x1xi32>
    %gt3A_104 = arith.constant 2 : i32
    %gt3A_105 = vector.broadcast %gt3A_104 : i32 to vector<8x128xi32>
    %gt3A_106 = arith.cmpi sgt, %iota3A, %gt3A_105 : vector<8x128xi32>
    %jit3A_107 = arith.constant 0 : i32
    %broadcast_in_dim3A_108 = vector.broadcast %reduce_sum3A_103 : i32 to vector<8x128xi32>
    %broadcast_in_dim3A_109 = vector.broadcast %jit3A_107 : i32 to vector<8x128xi32>
    %select_n3A_110 = arith.select %gt3A_106, %broadcast_in_dim3A_108, %broadcast_in_dim3A_109 : vector<8x128xi1>, vector<8x128xi32>
    %add3A_111 = arith.addi %add3A_94, %select_n3A_110 : vector<8x128xi32>
    %eq3A_112 = arith.constant 3 : i32
    %eq3A_113 = vector.broadcast %eq3A_112 : i32 to vector<2500x128xi32>
    %eq3A_114 = arith.cmpi eq, %sub3A_42, %eq3A_113 : vector<2500x128xi32>
    %convert_element_type3A_115 = arith.extui %eq3A_114 : vector<2500x128xi1> to vector<2500x128xi32>
    %reduce_sum3A_116 = vector.shape_cast %convert_element_type3A_115 : vector<2500x128xi32> to vector<1x2500x128xi32>
    %reduce_sum3A_117 = arith.constant dense<0> : vector<1xi32>
    %reduce_sum3A_118 = vector.multi_reduction <add>, %reduce_sum3A_116, %reduce_sum3A_117 [1, 2] : vector<1x2500x128xi32> to vector<1xi32>
    %reduce_sum3A_119 = vector.shape_cast %reduce_sum3A_118 : vector<1xi32> to vector<1x1x1xi32>
    %reduce_sum3A_120 = vector.extract %reduce_sum3A_119[0, 0, 0] : i32 from vector<1x1x1xi32>
    %gt3A_121 = arith.constant 3 : i32
    %gt3A_122 = vector.broadcast %gt3A_121 : i32 to vector<8x128xi32>
    %gt3A_123 = arith.cmpi sgt, %iota3A, %gt3A_122 : vector<8x128xi32>
    %jit3A_124 = arith.constant 0 : i32
    %broadcast_in_dim3A_125 = vector.broadcast %reduce_sum3A_120 : i32 to vector<8x128xi32>
    %broadcast_in_dim3A_126 = vector.broadcast %jit3A_124 : i32 to vector<8x128xi32>
    %select_n3A_127 = arith.select %gt3A_123, %broadcast_in_dim3A_125, %broadcast_in_dim3A_126 : vector<8x128xi1>, vector<8x128xi32>
    %add3A_128 = arith.addi %add3A_111, %select_n3A_127 : vector<8x128xi32>
    %eq3A_129 = arith.constant 4 : i32
    %eq3A_130 = vector.broadcast %eq3A_129 : i32 to vector<2500x128xi32>
    %eq3A_131 = arith.cmpi eq, %sub3A_42, %eq3A_130 : vector<2500x128xi32>
    %convert_element_type3A_132 = arith.extui %eq3A_131 : vector<2500x128xi1> to vector<2500x128xi32>
    %reduce_sum3A_133 = vector.shape_cast %convert_element_type3A_132 : vector<2500x128xi32> to vector<1x2500x128xi32>
    %reduce_sum3A_134 = arith.constant dense<0> : vector<1xi32>
    %reduce_sum3A_135 = vector.multi_reduction <add>, %reduce_sum3A_133, %reduce_sum3A_134 [1, 2] : vector<1x2500x128xi32> to vector<1xi32>
    %reduce_sum3A_136 = vector.shape_cast %reduce_sum3A_135 : vector<1xi32> to vector<1x1x1xi32>
    %reduce_sum3A_137 = vector.extract %reduce_sum3A_136[0, 0, 0] : i32 from vector<1x1x1xi32>
    %gt3A_138 = arith.constant 4 : i32
    %gt3A_139 = vector.broadcast %gt3A_138 : i32 to vector<8x128xi32>
    %gt3A_140 = arith.cmpi sgt, %iota3A, %gt3A_139 : vector<8x128xi32>
    %jit3A_141 = arith.constant 0 : i32
    %broadcast_in_dim3A_142 = vector.broadcast %reduce_sum3A_137 : i32 to vector<8x128xi32>
    %broadcast_in_dim3A_143 = vector.broadcast %jit3A_141 : i32 to vector<8x128xi32>
    %select_n3A_144 = arith.select %gt3A_140, %broadcast_in_dim3A_142, %broadcast_in_dim3A_143 : vector<8x128xi1>, vector<8x128xi32>
    %add3A_145 = arith.addi %add3A_128, %select_n3A_144 : vector<8x128xi32>
    %eq3A_146 = arith.constant 5 : i32
    %eq3A_147 = vector.broadcast %eq3A_146 : i32 to vector<2500x128xi32>
    %eq3A_148 = arith.cmpi eq, %sub3A_42, %eq3A_147 : vector<2500x128xi32>
    %convert_element_type3A_149 = arith.extui %eq3A_148 : vector<2500x128xi1> to vector<2500x128xi32>
    %reduce_sum3A_150 = vector.shape_cast %convert_element_type3A_149 : vector<2500x128xi32> to vector<1x2500x128xi32>
    %reduce_sum3A_151 = arith.constant dense<0> : vector<1xi32>
    %reduce_sum3A_152 = vector.multi_reduction <add>, %reduce_sum3A_150, %reduce_sum3A_151 [1, 2] : vector<1x2500x128xi32> to vector<1xi32>
    %reduce_sum3A_153 = vector.shape_cast %reduce_sum3A_152 : vector<1xi32> to vector<1x1x1xi32>
    %reduce_sum3A_154 = vector.extract %reduce_sum3A_153[0, 0, 0] : i32 from vector<1x1x1xi32>
    %gt3A_155 = arith.constant 5 : i32
    %gt3A_156 = vector.broadcast %gt3A_155 : i32 to vector<8x128xi32>
    %gt3A_157 = arith.cmpi sgt, %iota3A, %gt3A_156 : vector<8x128xi32>
    %jit3A_158 = arith.constant 0 : i32
    %broadcast_in_dim3A_159 = vector.broadcast %reduce_sum3A_154 : i32 to vector<8x128xi32>
    %broadcast_in_dim3A_160 = vector.broadcast %jit3A_158 : i32 to vector<8x128xi32>
    %select_n3A_161 = arith.select %gt3A_157, %broadcast_in_dim3A_159, %broadcast_in_dim3A_160 : vector<8x128xi1>, vector<8x128xi32>
    %add3A_162 = arith.addi %add3A_145, %select_n3A_161 : vector<8x128xi32>
    %eq3A_163 = arith.constant 6 : i32
    %eq3A_164 = vector.broadcast %eq3A_163 : i32 to vector<2500x128xi32>
    %eq3A_165 = arith.cmpi eq, %sub3A_42, %eq3A_164 : vector<2500x128xi32>
    %convert_element_type3A_166 = arith.extui %eq3A_165 : vector<2500x128xi1> to vector<2500x128xi32>
    %reduce_sum3A_167 = vector.shape_cast %convert_element_type3A_166 : vector<2500x128xi32> to vector<1x2500x128xi32>
    %reduce_sum3A_168 = arith.constant dense<0> : vector<1xi32>
    %reduce_sum3A_169 = vector.multi_reduction <add>, %reduce_sum3A_167, %reduce_sum3A_168 [1, 2] : vector<1x2500x128xi32> to vector<1xi32>
    %reduce_sum3A_170 = vector.shape_cast %reduce_sum3A_169 : vector<1xi32> to vector<1x1x1xi32>
    %reduce_sum3A_171 = vector.extract %reduce_sum3A_170[0, 0, 0] : i32 from vector<1x1x1xi32>
    %gt3A_172 = arith.constant 6 : i32
    %gt3A_173 = vector.broadcast %gt3A_172 : i32 to vector<8x128xi32>
    %gt3A_174 = arith.cmpi sgt, %iota3A, %gt3A_173 : vector<8x128xi32>
    %jit3A_175 = arith.constant 0 : i32
    %broadcast_in_dim3A_176 = vector.broadcast %reduce_sum3A_171 : i32 to vector<8x128xi32>
    %broadcast_in_dim3A_177 = vector.broadcast %jit3A_175 : i32 to vector<8x128xi32>
    %select_n3A_178 = arith.select %gt3A_174, %broadcast_in_dim3A_176, %broadcast_in_dim3A_177 : vector<8x128xi1>, vector<8x128xi32>
    %add3A_179 = arith.addi %add3A_162, %select_n3A_178 : vector<8x128xi32>
    %eq3A_180 = arith.constant 7 : i32
    %eq3A_181 = vector.broadcast %eq3A_180 : i32 to vector<2500x128xi32>
    %eq3A_182 = arith.cmpi eq, %sub3A_42, %eq3A_181 : vector<2500x128xi32>
    %convert_element_type3A_183 = arith.extui %eq3A_182 : vector<2500x128xi1> to vector<2500x128xi32>
    %reduce_sum3A_184 = vector.shape_cast %convert_element_type3A_183 : vector<2500x128xi32> to vector<1x2500x128xi32>
    %reduce_sum3A_185 = arith.constant dense<0> : vector<1xi32>
    %reduce_sum3A_186 = vector.multi_reduction <add>, %reduce_sum3A_184, %reduce_sum3A_185 [1, 2] : vector<1x2500x128xi32> to vector<1xi32>
    %reduce_sum3A_187 = vector.shape_cast %reduce_sum3A_186 : vector<1xi32> to vector<1x1x1xi32>
    %reduce_sum3A_188 = vector.extract %reduce_sum3A_187[0, 0, 0] : i32 from vector<1x1x1xi32>
    %gt3A_189 = arith.constant 7 : i32
    %gt3A_190 = vector.broadcast %gt3A_189 : i32 to vector<8x128xi32>
    %gt3A_191 = arith.cmpi sgt, %iota3A, %gt3A_190 : vector<8x128xi32>
    %jit3A_192 = arith.constant 0 : i32
    %broadcast_in_dim3A_193 = vector.broadcast %reduce_sum3A_188 : i32 to vector<8x128xi32>
    %broadcast_in_dim3A_194 = vector.broadcast %jit3A_192 : i32 to vector<8x128xi32>
    %select_n3A_195 = arith.select %gt3A_191, %broadcast_in_dim3A_193, %broadcast_in_dim3A_194 : vector<8x128xi1>, vector<8x128xi32>
    %add3A_196 = arith.addi %add3A_179, %select_n3A_195 : vector<8x128xi32>
    %eq3A_197 = arith.constant 8 : i32
    %eq3A_198 = vector.broadcast %eq3A_197 : i32 to vector<2500x128xi32>
    %eq3A_199 = arith.cmpi eq, %sub3A_42, %eq3A_198 : vector<2500x128xi32>
    %convert_element_type3A_200 = arith.extui %eq3A_199 : vector<2500x128xi1> to vector<2500x128xi32>
    %reduce_sum3A_201 = vector.shape_cast %convert_element_type3A_200 : vector<2500x128xi32> to vector<1x2500x128xi32>
    %reduce_sum3A_202 = arith.constant dense<0> : vector<1xi32>
    %reduce_sum3A_203 = vector.multi_reduction <add>, %reduce_sum3A_201, %reduce_sum3A_202 [1, 2] : vector<1x2500x128xi32> to vector<1xi32>
    %reduce_sum3A_204 = vector.shape_cast %reduce_sum3A_203 : vector<1xi32> to vector<1x1x1xi32>
    %reduce_sum3A_205 = vector.extract %reduce_sum3A_204[0, 0, 0] : i32 from vector<1x1x1xi32>
    %gt3A_206 = arith.constant 8 : i32
    %gt3A_207 = vector.broadcast %gt3A_206 : i32 to vector<8x128xi32>
    %gt3A_208 = arith.cmpi sgt, %iota3A, %gt3A_207 : vector<8x128xi32>
    %jit3A_209 = arith.constant 0 : i32
    %broadcast_in_dim3A_210 = vector.broadcast %reduce_sum3A_205 : i32 to vector<8x128xi32>
    %broadcast_in_dim3A_211 = vector.broadcast %jit3A_209 : i32 to vector<8x128xi32>
    %select_n3A_212 = arith.select %gt3A_208, %broadcast_in_dim3A_210, %broadcast_in_dim3A_211 : vector<8x128xi1>, vector<8x128xi32>
    %add3A_213 = arith.addi %add3A_196, %select_n3A_212 : vector<8x128xi32>
    %eq3A_214 = arith.constant 9 : i32
    %eq3A_215 = vector.broadcast %eq3A_214 : i32 to vector<2500x128xi32>
    %eq3A_216 = arith.cmpi eq, %sub3A_42, %eq3A_215 : vector<2500x128xi32>
    %convert_element_type3A_217 = arith.extui %eq3A_216 : vector<2500x128xi1> to vector<2500x128xi32>
    %reduce_sum3A_218 = vector.shape_cast %convert_element_type3A_217 : vector<2500x128xi32> to vector<1x2500x128xi32>
    %reduce_sum3A_219 = arith.constant dense<0> : vector<1xi32>
    %reduce_sum3A_220 = vector.multi_reduction <add>, %reduce_sum3A_218, %reduce_sum3A_219 [1, 2] : vector<1x2500x128xi32> to vector<1xi32>
    %reduce_sum3A_221 = vector.shape_cast %reduce_sum3A_220 : vector<1xi32> to vector<1x1x1xi32>
    %reduce_sum3A_222 = vector.extract %reduce_sum3A_221[0, 0, 0] : i32 from vector<1x1x1xi32>
    %gt3A_223 = arith.constant 9 : i32
    %gt3A_224 = vector.broadcast %gt3A_223 : i32 to vector<8x128xi32>
    %gt3A_225 = arith.cmpi sgt, %iota3A, %gt3A_224 : vector<8x128xi32>
    %jit3A_226 = arith.constant 0 : i32
    %broadcast_in_dim3A_227 = vector.broadcast %reduce_sum3A_222 : i32 to vector<8x128xi32>
    %broadcast_in_dim3A_228 = vector.broadcast %jit3A_226 : i32 to vector<8x128xi32>
    %select_n3A_229 = arith.select %gt3A_225, %broadcast_in_dim3A_227, %broadcast_in_dim3A_228 : vector<8x128xi1>, vector<8x128xi32>
    %add3A_230 = arith.addi %add3A_213, %select_n3A_229 : vector<8x128xi32>
    %eq3A_231 = arith.constant 10 : i32
    %eq3A_232 = vector.broadcast %eq3A_231 : i32 to vector<2500x128xi32>
    %eq3A_233 = arith.cmpi eq, %sub3A_42, %eq3A_232 : vector<2500x128xi32>
    %convert_element_type3A_234 = arith.extui %eq3A_233 : vector<2500x128xi1> to vector<2500x128xi32>
    %reduce_sum3A_235 = vector.shape_cast %convert_element_type3A_234 : vector<2500x128xi32> to vector<1x2500x128xi32>
    %reduce_sum3A_236 = arith.constant dense<0> : vector<1xi32>
    %reduce_sum3A_237 = vector.multi_reduction <add>, %reduce_sum3A_235, %reduce_sum3A_236 [1, 2] : vector<1x2500x128xi32> to vector<1xi32>
    %reduce_sum3A_238 = vector.shape_cast %reduce_sum3A_237 : vector<1xi32> to vector<1x1x1xi32>
    %reduce_sum3A_239 = vector.extract %reduce_sum3A_238[0, 0, 0] : i32 from vector<1x1x1xi32>
    %gt3A_240 = arith.constant 10 : i32
    %gt3A_241 = vector.broadcast %gt3A_240 : i32 to vector<8x128xi32>
    %gt3A_242 = arith.cmpi sgt, %iota3A, %gt3A_241 : vector<8x128xi32>
    %jit3A_243 = arith.constant 0 : i32
    %broadcast_in_dim3A_244 = vector.broadcast %reduce_sum3A_239 : i32 to vector<8x128xi32>
    %broadcast_in_dim3A_245 = vector.broadcast %jit3A_243 : i32 to vector<8x128xi32>
    %select_n3A_246 = arith.select %gt3A_242, %broadcast_in_dim3A_244, %broadcast_in_dim3A_245 : vector<8x128xi1>, vector<8x128xi32>
    %add3A_247 = arith.addi %add3A_230, %select_n3A_246 : vector<8x128xi32>
    %eq3A_248 = arith.constant 11 : i32
    %eq3A_249 = vector.broadcast %eq3A_248 : i32 to vector<2500x128xi32>
    %eq3A_250 = arith.cmpi eq, %sub3A_42, %eq3A_249 : vector<2500x128xi32>
    %convert_element_type3A_251 = arith.extui %eq3A_250 : vector<2500x128xi1> to vector<2500x128xi32>
    %reduce_sum3A_252 = vector.shape_cast %convert_element_type3A_251 : vector<2500x128xi32> to vector<1x2500x128xi32>
    %reduce_sum3A_253 = arith.constant dense<0> : vector<1xi32>
    %reduce_sum3A_254 = vector.multi_reduction <add>, %reduce_sum3A_252, %reduce_sum3A_253 [1, 2] : vector<1x2500x128xi32> to vector<1xi32>
    %reduce_sum3A_255 = vector.shape_cast %reduce_sum3A_254 : vector<1xi32> to vector<1x1x1xi32>
    %reduce_sum3A_256 = vector.extract %reduce_sum3A_255[0, 0, 0] : i32 from vector<1x1x1xi32>
    %gt3A_257 = arith.constant 11 : i32
    %gt3A_258 = vector.broadcast %gt3A_257 : i32 to vector<8x128xi32>
    %gt3A_259 = arith.cmpi sgt, %iota3A, %gt3A_258 : vector<8x128xi32>
    %jit3A_260 = arith.constant 0 : i32
    %broadcast_in_dim3A_261 = vector.broadcast %reduce_sum3A_256 : i32 to vector<8x128xi32>
    %broadcast_in_dim3A_262 = vector.broadcast %jit3A_260 : i32 to vector<8x128xi32>
    %select_n3A_263 = arith.select %gt3A_259, %broadcast_in_dim3A_261, %broadcast_in_dim3A_262 : vector<8x128xi1>, vector<8x128xi32>
    %add3A_264 = arith.addi %add3A_247, %select_n3A_263 : vector<8x128xi32>
    %eq3A_265 = arith.constant 12 : i32
    %eq3A_266 = vector.broadcast %eq3A_265 : i32 to vector<2500x128xi32>
    %eq3A_267 = arith.cmpi eq, %sub3A_42, %eq3A_266 : vector<2500x128xi32>
    %convert_element_type3A_268 = arith.extui %eq3A_267 : vector<2500x128xi1> to vector<2500x128xi32>
    %reduce_sum3A_269 = vector.shape_cast %convert_element_type3A_268 : vector<2500x128xi32> to vector<1x2500x128xi32>
    %reduce_sum3A_270 = arith.constant dense<0> : vector<1xi32>
    %reduce_sum3A_271 = vector.multi_reduction <add>, %reduce_sum3A_269, %reduce_sum3A_270 [1, 2] : vector<1x2500x128xi32> to vector<1xi32>
    %reduce_sum3A_272 = vector.shape_cast %reduce_sum3A_271 : vector<1xi32> to vector<1x1x1xi32>
    %reduce_sum3A_273 = vector.extract %reduce_sum3A_272[0, 0, 0] : i32 from vector<1x1x1xi32>
    %gt3A_274 = arith.constant 12 : i32
    %gt3A_275 = vector.broadcast %gt3A_274 : i32 to vector<8x128xi32>
    %gt3A_276 = arith.cmpi sgt, %iota3A, %gt3A_275 : vector<8x128xi32>
    %jit3A_277 = arith.constant 0 : i32
    %broadcast_in_dim3A_278 = vector.broadcast %reduce_sum3A_273 : i32 to vector<8x128xi32>
    %broadcast_in_dim3A_279 = vector.broadcast %jit3A_277 : i32 to vector<8x128xi32>
    %select_n3A_280 = arith.select %gt3A_276, %broadcast_in_dim3A_278, %broadcast_in_dim3A_279 : vector<8x128xi1>, vector<8x128xi32>
    %add3A_281 = arith.addi %add3A_264, %select_n3A_280 : vector<8x128xi32>
    %eq3A_282 = arith.constant 13 : i32
    %eq3A_283 = vector.broadcast %eq3A_282 : i32 to vector<2500x128xi32>
    %eq3A_284 = arith.cmpi eq, %sub3A_42, %eq3A_283 : vector<2500x128xi32>
    %convert_element_type3A_285 = arith.extui %eq3A_284 : vector<2500x128xi1> to vector<2500x128xi32>
    %reduce_sum3A_286 = vector.shape_cast %convert_element_type3A_285 : vector<2500x128xi32> to vector<1x2500x128xi32>
    %reduce_sum3A_287 = arith.constant dense<0> : vector<1xi32>
    %reduce_sum3A_288 = vector.multi_reduction <add>, %reduce_sum3A_286, %reduce_sum3A_287 [1, 2] : vector<1x2500x128xi32> to vector<1xi32>
    %reduce_sum3A_289 = vector.shape_cast %reduce_sum3A_288 : vector<1xi32> to vector<1x1x1xi32>
    %reduce_sum3A_290 = vector.extract %reduce_sum3A_289[0, 0, 0] : i32 from vector<1x1x1xi32>
    %gt3A_291 = arith.constant 13 : i32
    %gt3A_292 = vector.broadcast %gt3A_291 : i32 to vector<8x128xi32>
    %gt3A_293 = arith.cmpi sgt, %iota3A, %gt3A_292 : vector<8x128xi32>
    %jit3A_294 = arith.constant 0 : i32
    %broadcast_in_dim3A_295 = vector.broadcast %reduce_sum3A_290 : i32 to vector<8x128xi32>
    %broadcast_in_dim3A_296 = vector.broadcast %jit3A_294 : i32 to vector<8x128xi32>
    %select_n3A_297 = arith.select %gt3A_293, %broadcast_in_dim3A_295, %broadcast_in_dim3A_296 : vector<8x128xi1>, vector<8x128xi32>
    %add3A_298 = arith.addi %add3A_281, %select_n3A_297 : vector<8x128xi32>
    %eq3A_299 = arith.constant 14 : i32
    %eq3A_300 = vector.broadcast %eq3A_299 : i32 to vector<2500x128xi32>
    %eq3A_301 = arith.cmpi eq, %sub3A_42, %eq3A_300 : vector<2500x128xi32>
    %convert_element_type3A_302 = arith.extui %eq3A_301 : vector<2500x128xi1> to vector<2500x128xi32>
    %reduce_sum3A_303 = vector.shape_cast %convert_element_type3A_302 : vector<2500x128xi32> to vector<1x2500x128xi32>
    %reduce_sum3A_304 = arith.constant dense<0> : vector<1xi32>
    %reduce_sum3A_305 = vector.multi_reduction <add>, %reduce_sum3A_303, %reduce_sum3A_304 [1, 2] : vector<1x2500x128xi32> to vector<1xi32>
    %reduce_sum3A_306 = vector.shape_cast %reduce_sum3A_305 : vector<1xi32> to vector<1x1x1xi32>
    %reduce_sum3A_307 = vector.extract %reduce_sum3A_306[0, 0, 0] : i32 from vector<1x1x1xi32>
    %gt3A_308 = arith.constant 14 : i32
    %gt3A_309 = vector.broadcast %gt3A_308 : i32 to vector<8x128xi32>
    %gt3A_310 = arith.cmpi sgt, %iota3A, %gt3A_309 : vector<8x128xi32>
    %jit3A_311 = arith.constant 0 : i32
    %broadcast_in_dim3A_312 = vector.broadcast %reduce_sum3A_307 : i32 to vector<8x128xi32>
    %broadcast_in_dim3A_313 = vector.broadcast %jit3A_311 : i32 to vector<8x128xi32>
    %select_n3A_314 = arith.select %gt3A_310, %broadcast_in_dim3A_312, %broadcast_in_dim3A_313 : vector<8x128xi1>, vector<8x128xi32>
    %add3A_315 = arith.addi %add3A_298, %select_n3A_314 : vector<8x128xi32>
    %eq3A_316 = arith.constant 15 : i32
    %eq3A_317 = vector.broadcast %eq3A_316 : i32 to vector<2500x128xi32>
    %eq3A_318 = arith.cmpi eq, %sub3A_42, %eq3A_317 : vector<2500x128xi32>
    %convert_element_type3A_319 = arith.extui %eq3A_318 : vector<2500x128xi1> to vector<2500x128xi32>
    %reduce_sum3A_320 = vector.shape_cast %convert_element_type3A_319 : vector<2500x128xi32> to vector<1x2500x128xi32>
    %reduce_sum3A_321 = arith.constant dense<0> : vector<1xi32>
    %reduce_sum3A_322 = vector.multi_reduction <add>, %reduce_sum3A_320, %reduce_sum3A_321 [1, 2] : vector<1x2500x128xi32> to vector<1xi32>
    %reduce_sum3A_323 = vector.shape_cast %reduce_sum3A_322 : vector<1xi32> to vector<1x1x1xi32>
    %reduce_sum3A_324 = vector.extract %reduce_sum3A_323[0, 0, 0] : i32 from vector<1x1x1xi32>
    %gt3A_325 = arith.constant 15 : i32
    %gt3A_326 = vector.broadcast %gt3A_325 : i32 to vector<8x128xi32>
    %gt3A_327 = arith.cmpi sgt, %iota3A, %gt3A_326 : vector<8x128xi32>
    %jit3A_328 = arith.constant 0 : i32
    %broadcast_in_dim3A_329 = vector.broadcast %reduce_sum3A_324 : i32 to vector<8x128xi32>
    %broadcast_in_dim3A_330 = vector.broadcast %jit3A_328 : i32 to vector<8x128xi32>
    %select_n3A_331 = arith.select %gt3A_327, %broadcast_in_dim3A_329, %broadcast_in_dim3A_330 : vector<8x128xi1>, vector<8x128xi32>
    %add3A_332 = arith.addi %add3A_315, %select_n3A_331 : vector<8x128xi32>
    %eq3A_333 = arith.constant 1 : i32
    %eq3A_334 = vector.broadcast %eq3A_333 : i32 to vector<8x128xi32>
    %eq3A_335 = arith.cmpi eq, %iota3A_64, %eq3A_334 : vector<8x128xi32>
    %broadcast_in_dim3A_336 = vector.broadcast %mul3A : i32 to vector<8x128xi32>
    %select_n3A_337 = arith.select %eq3A_335, %broadcast_in_dim3A_336, %add3A_332 : vector<8x128xi1>, vector<8x128xi32>
    %swap3A_338 = arith.constant 0 : index
    %swap3A_339 = arith.constant 0 : index
    %swap3A_340 = vector.load %arg4[%swap3A_338, %swap3A_339] : memref<8x128xi32, #tpu.memory_space<vmem>>, vector<8x128xi32>
    tpu.vector_store %arg4[%swap3A_338, %swap3A_339], %select_n3A_337 {strides = array<i32>} : memref<8x128xi32, #tpu.memory_space<vmem>>, vector<8x128xi32>,
    return
  }
}

</mosaic_0001>

<sc_bundles>
// kernel: kernel.4.cloned.1.call-start
scs
__scs_entry_jumppad:
0x0: {  	(pc) =	sbr.rel $0x88, $3  }
0x1: {  	(tag) =	ssettag $0x0;
	lr =	simm.s32 $0x1  }
0x2: {  	[smem:$0x3F9E] =	sst lr;
	_ =	strace $0xD0000000  }
0x3: {  	_ = 	snop  }
0x4: {  	_ = 	snop  }
0x5: {  	_ = 	snop  }
0x6: {  	_ = 	snop  }
0x7: {  	_ = 	snop  }
__scs_overlays_trampoline_lowered:
0x8: {  	[smem:$0x3FAD] =	sst s0  }
0x9: {  	[smem:$0x3FAE] =	sst s1  }
0xa: {  	[smem:$0x3FAF] =	sst s2  }
0xb: {  	[smem:$0x3FB0] =	sst s3  }
0xc: {  	[smem:$0x3FB1] =	sst s4  }
0xd: {  	[smem:$0x3FB2] =	sst s5  }
0xe: {  	[smem:$0x3FB3] =	sst s6  }
0xf: {  	[smem:$0x3FB4] =	sst s7  }
0x10: {  	[smem:$0x3FB5] =	sst s8  }
0x11: {  	[smem:$0x3FB6] =	sst s9;
	s0 =	simm.s32 @!p0 $0x0  }
0x12: {  	s1 =	sld [smem:$0x3F9C];
	s0 =	simm.s32 @p0 $0x1  }
0x13: {  	[smem:$0x3FB7] =	sst s0;
	s0 =	simm.s32 @!p1 $0x0  }
0x14: {  	s2 =	sld [smem:$0x3F9B];
	s0 =	simm.s32 @p1 $0x1  }
0x15: {  	[smem:$0x3FB8] =	sst s0;
	s0 =	simm.s32 @!p2 $0x0  }
0x16: {  	s3 =	sld [smem:$0x3FDB];
	s0 =	simm.s32 @p2 $0x1  }
0x17: {  	s4 =	simm.s32 $0x1BF5;
	[smem:$0x3FBA] =	sst s0  }
0x18: {  	s0 =	sld [smem:$0x3F9D];
	_ =	swait.ge [sflag:s4], $0x0  }
0x19: {  	s7 =	sld [smem:$0x3F9E]  }
0x1a: {  	s8 =	sadd.s32 $0xFFFFE003, lr  }
0x1b: {  	s9 =	sadd.s32 $0xFFFFFEF7, lr;
	s5 =	simm.s32 $0xFFFFFFFF;
	p2 =	slt.u32 s8, $0xFFFFF086  }
0x1c: {  	p1 =	slt.u32 s9, $0xF7A;
	s5 =	simm.s32 @!p2 $0x0  }
0x1d: {  	s5 =	simm.s32 @p1 $0x1;
	p0 =	seq.s32 s7, s2  }
0x1e: {  	s7 =	smul.u32 @!p0 $0xF7A, s2;
	p2 =	seq.s32 @!p0 s5, $0x0  }
0x1f: {  	s9 =	smul.u32 $0xF7A, s1;
	s8 =	simm.s32 @!p0 $0x1BF5;
	p2 =	por !p2, p0  }
0x20: {  	[sflag:s8] =	ssyncset.s32 @!p0 $0xFFFFF086;
	s6 =	sadd.s32 @!p0 s3, s7;
	s7 =	simm.s32 @!p0 $0x108  }
0x21: {  	s3 =	sadd.s32 s3, s9;
	s6 =	sadd.s32 @!p0 $0x88, s6;
	s7 =	simm.s32 @p2 $0x1082  }
0x22: {  	[simem:s7], [sflag:s8] =	dma.local @!p0 [hbm:s6], $0xF7A  }
0x23: {  	s9 =	sor.u32 $0xD0000000, s2;
	s6 =	simm.s32 $0x108;
	_ =	swait.ge @!p0 [sflag:s8], $0x0  }
0x24: {  	s3 =	sadd.s32 $0x88, s3;
	s6 =	simm.s32 @!p1 $0x1082;
	[sflag:s4] =	ssyncset.s32 $0xFFFFF086  }
0x25: {  	[simem:s6], [sflag:s4] =	dma.local [hbm:s3], $0xF7A  }
0x26: {  	[smem:$0x3F9E] =	sst s1;
	(tag) =	ssettag s2;
	_ =	strace s9  }
0x27: {  	s1 =	sld [smem:$0x3FAE]  }
0x28: {  	s2 =	sld [smem:$0x3FAF]  }
0x29: {  	s4 =	sld [smem:$0x3FB1]  }
0x2a: {  	p0 =	seq.s32 s5, $0x0;
	s5 =	sld [smem:$0x3FB2]  }
0x2b: {  	s6 =	sld [smem:$0x3FB3]  }
0x2c: {  	s7 =	sld [smem:$0x3FB4]  }
0x2d: {  	s3 =	simm.s32 $0x108;
	s8 =	sld [smem:$0x3FB5]  }
0x2e: {  	s3 =	simm.s32 @!p0 $0x1082;
	s9 =	sld [smem:$0x3FB6]  }
0x2f: {  	lr =	sadd.s32 s0, s3;
	s0 =	sld [smem:$0x3FAD]  }
0x30: {  	s3 =	sld [smem:$0x3FB0]  }
0x31: {  	[smem:$0x3FB9] =	sst s10  }
0x32: {  	s10 =	sld [smem:$0x3FB7];
	_ =	sdelay $0x3  }
0x33: {  	p0 =	seq.s32 s10, $0x1;
	s10 =	sld [smem:$0x3FB9];
	_ =	sdelay $0x3  }
0x34: {  	[smem:$0x3FB9] =	sst s10  }
0x35: {  	s10 =	sld [smem:$0x3FB8];
	_ =	sdelay $0x3  }
0x36: {  	p1 =	seq.s32 s10, $0x1;
	s10 =	sld [smem:$0x3FB9];
	_ =	sdelay $0x3  }
0x37: {  	[smem:$0x3FB9] =	sst s10  }
0x38: {  	s10 =	sld [smem:$0x3FBA]  }
0x39: {  	_ = 	snop;
	(pc) =	sbr.ind lr, $3  }
0x3a: {  	_ = 	snop  }
0x3b: {  	_ = 	snop  }
0x3c: {  	p2 =	seq.s32 s10, $0x1;
	s10 =	sld [smem:$0x3FB9]  }
0x3d: {  	_ =	shalt  }
0x3e: {  	_ =	shalt  }
0x3f: {  	_ =	shalt  }
0x40: {  	_ =	shalt  }
0x41: {  	_ =	shalt  }
0x42: {  	_ =	shalt  }
0x43: {  	_ =	shalt  }
0x44: {  	_ =	shalt  }
0x45: {  	_ =	shalt  }
0x46: {  	_ =	shalt  }
0x47: {  	_ =	shalt  }
0x48: {  	_ =	shalt  }
0x49: {  	_ =	shalt  }
0x4a: {  	_ =	shalt  }
0x4b: {  	_ =	shalt  }
0x4c: {  	_ =	shalt  }
0x4d: {  	_ =	shalt  }
0x4e: {  	_ =	shalt  }
0x4f: {  	_ =	shalt  }
0x50: {  	_ =	shalt  }
0x51: {  	_ =	shalt  }
0x52: {  	_ =	shalt  }
0x53: {  	_ =	shalt  }
0x54: {  	_ =	shalt  }
0x55: {  	_ =	shalt  }
0x56: {  	_ =	shalt  }
0x57: {  	_ =	shalt  }
0x58: {  	_ =	shalt  }
0x59: {  	_ =	shalt  }
0x5a: {  	_ =	shalt  }
0x5b: {  	_ =	shalt  }
0x5c: {  	_ =	shalt  }
0x5d: {  	_ =	shalt  }
0x5e: {  	_ =	shalt  }
0x5f: {  	_ =	shalt  }
0x60: {  	_ =	shalt  }
0x61: {  	_ =	shalt  }
0x62: {  	_ =	shalt  }
0x63: {  	_ =	shalt  }
0x64: {  	_ =	shalt  }
0x65: {  	_ =	shalt  }
0x66: {  	_ =	shalt  }
0x67: {  	_ =	shalt  }
0x68: {  	_ =	shalt  }
0x69: {  	_ =	shalt  }
0x6a: {  	_ =	shalt  }
0x6b: {  	_ =	shalt  }
0x6c: {  	_ =	shalt  }
0x6d: {  	_ =	shalt  }
0x6e: {  	_ =	shalt  }
0x6f: {  	_ =	shalt  }
0x70: {  	_ =	shalt  }
0x71: {  	_ =	shalt  }
0x72: {  	_ =	shalt  }
0x73: {  	_ =	shalt  }
0x74: {  	_ =	shalt  }
0x75: {  	_ =	shalt  }
0x76: {  	_ =	shalt  }
0x77: {  	_ =	shalt  }
0x78: {  	_ =	shalt  }
0x79: {  	_ =	shalt  }
0x7a: {  	_ =	shalt  }
0x7b: {  	_ =	shalt  }
0x7c: {  	_ =	shalt  }
0x7d: {  	_ =	shalt  }
0x7e: {  	_ =	shalt  }
0x7f: {  	_ =	shalt  }
0x80: {  	_ =	shalt  }
0x81: {  	_ =	shalt  }
0x82: {  	_ =	shalt  }
0x83: {  	_ =	shalt  }
0x84: {  	_ =	shalt  }
0x85: {  	_ =	shalt  }
0x86: {  	_ =	shalt  }
0x87: {  	_ =	shalt  }
.Lfunc_end0:
.L_simem_size_0:
called_computation_lowered:
.L_overlay_start_0:
0x88: {  	s2 =	sld [smem:$0x3FD9]  }
0x89: {  	s3 =	sld [smem:$0x3FFE];
	_ =	sdelay $0x1  }
0x8a: {  	s1 =	srdreg.scid  }
0x8b: {  	s0 =	sand.u32 $0x1, s1  }
0x8c: {  	s17 =	sshll.u32 s0, $0xA;
	s2 =	sadd.s32 s3, s2  }
0x8d: {  	s2 =	sadd.s32 s2, s17  }
0x8e: {  	[smem:$0x3FC5] =	sst s2  }
0x8f: {  	_ = 	snop  }
0x90: {  	s2 =	sld [smem:$0x3FC9]  }
0x91: {  	s18 =	sld [smem:$0x3FD0];
	(tm) =	ssettm $0x1  }
0x92: {  	s4 =	sld [smem:$0x3FFB];
	_ =	sdelay $0x3  }
0x93: {  	_ =	strace s4  }
0x94: {  	s4 =	sld [smem:$0x3FFC];
	_ =	sdelay $0x3  }
0x95: {  	_ =	strace s4  }
0x96: {  	s4 =	sld [smem:$0x3FFD];
	_ =	sdelay $0x3  }
0x97: {  	_ =	strace s4  }
0x98: {  	_ =	strace $0x8FFFFFFF  }
0x99: {  	s19 =	sld [smem:$0x3FDB];
	_ =	sdelay $0x1  }
0x9a: {  	s5 =	simm.s32 $_scs_section_size  }
0x9b: {  	s6 =	simm.s32 $_size__tile_overlayer_lowered;
	s7 =	simm.s32 $_tile_overlayer_lowered  }
0x9c: {  	s22 =	simm.s32 $0x1BFF;
	s21 =	sshll.u32 s7, $0x1;
	s4 =	sadd.s32 s5, s19  }
0x9d: {  	s8 =	simm.s32 $0x0;
	s20 =	sshll.u32 s6, $0x1;
	s6 =	sadd.s32 s21, s4  }
0x9e: {  	[timem:s8], [sflag:s22] =	dma.local [hbm:s6], s20  }
0x9f: {  	_ =	swait.ge [sflag:s22], s20  }
0xa0: {  	s5 =	ssub.s32 $0x0, s20;
	[sflag:s22] =	ssyncset.done $0x0  }
0xa1: {  	[sflag:s22] =	ssyncadd.s32 s5;
	_ =	sdelay $0x1  }
0xa2: {  	s23 =	simm.s32 $0x1B8B  }
0xa3: {  	_ =	swait.ge [sflag:s23], $0x1  }
0xa4: {  	[sflag:s23] =	ssyncset.done $0x0  }
0xa5: {  	s25 =	simm.s32 $0x1B8E;
	s24 =	sld [smem:$0x3FFE];
	[sflag:s23] =	ssyncadd.s32 $0xFFFFFFFF  }
0xa6: {  	s26 =	simm.s32 $execute0_lowered;
	[smem:$0x3FD2] =	sst s25  }
0xa7: {  	s6 =	sshll.u32 s26, $0x1;
	_ =	strace $0x80000046;
	[dreg:$0x1] =	wrdreg $0xFFFFFFFF  }
0xa8: {  	s28 =	simm.s32 $_size_execute0_lowered;
	s4 =	sadd.s32 s4, s6;
	[dreg:$0x0] =	wrdreg $0x0  }
0xa9: {  	s6 =	sshll.u32 s28, $0x1;
	[dreg:$0x2] =	wrdreg s4  }
0xaa: {  	[dreg:$0x3] =	wrdreg s6  }
0xab: {  	[dreg:$0x4] =	wrdreg $0xC0  }
0xac: {  	_ =	task [dreg:s8], $0x5FFFF  }
0xad: {  	[dreg:$0x1] =	wrdreg $0xFFFFFFFF  }
0xae: {  	[dreg:$0x0] =	wrdreg $0x60  }
0xaf: {  	[dreg:$0x2] =	wrdreg s2  }
0xb0: {  	[dreg:$0x3] =	wrdreg s24  }
0xb1: {  	[dreg:$0x4] =	wrdreg s18  }
0xb2: {  	[dreg:$0x5] =	wrdreg $0x18D000  }
0xb3: {  	[dreg:$0x6] =	wrdreg $0x9  }
0xb4: {  	_ =	task.clear_ibuf [dreg:s8], $0x7FFFF;
	_ =	strace $0x90000046  }
0xb5: {  	s29 =	simm.s32 $0x9;
	_ =	strace $0x80000048  }
0xb6: {  	_ =	swait.ge [sflag:s29], $0x1  }
0xb7: {  	[sflag:s29] =	ssyncadd.s32 $0xFFFFFFFF  }
0xb8: {  	_ =	strace $0x90000048  }
0xb9: {  	_ =	sfence  }
0xba: {  	s30 =	sld [smem:$0x0];
	_ =	sdelay $0x2  }
0xbb: {  	s31 =	sshll.u32 s1, $0xD;
	s1 =	sshrl.u32 s1, $0x2  }
0xbc: {  	s3 =	sand.u32 $0x4000, s31;
	s1 =	sadd.s32 s1, s30  }
0xbd: {  	s0 =	sor.u32 s3, s0;
	s1 =	sshll.u32 s1, $0x11  }
0xbe: {  	s0 =	sor.u32 s1, s0  }
0xbf: {  	s0 =	sadd.s32 $0x8F2B, s0  }
0xc0: {  	[sflag:s0] =	ssyncadd.remote.s32 $0x1  }
0xc1: {  	_ =	sfence.sel $0xFFFF  }
0xc2: {  	[dreg:$0x0] =	wrdreg $0xFFFFFFFF;
	(pc) =	sbr.abs _section_cstart, $3  }
0xc3: {  	[dreg:$0x1] =	wrdreg $0xFFFFFFFF  }
0xc4: {  	_ =	task.clear_ibuf [dreg:s8], $0x2FFFF;
	_ =	strace $0x9FFFFFFF  }
0xc5: {  	(tm) =	ssettm $0x7FFFFFFF  }
tec
execute0_lowered:
.L_overlay_start_1:
0x0: {  	(tag) =	ssettag $0x1  }
0x1: {  	s1 =	rddreg [dreg:$0x0]  }
0x2: {  	s5 =	rddreg [dreg:$0x1]  }
0x3: {  	s10 =	rddreg [dreg:$0x2]  }
0x4: {  	s9 =	rddreg [dreg:$0x3]  }
0x5: {  	s0 =	rddreg [dreg:$0x4];
	s3 =	simm.s32 $0x0;
	s4 =	srdreg.scid  }
0x6: {  	s2 =	stileid.u32;
	s13 =	simm.s32 $0x5;
	s18 =	simm.s32 $0x10500  }
0x7: {  	s19 =	simm.s32 $0x6;
	s20 =	simm.s32 $0x8100;
	s21 =	simm.s32 $0x0  }
0x8: {  	[smem:$0x7FF] =	sst s3;
	s6 =	sand.u32 $0x1, s4;
	s8 =	sshrl.u32 s2, $0x1  }
0x9: {  	s4 =	sadd.s32 $0x400, s5;
	s5 =	sadd.s32 $0xA200, s5;
	s16 =	sand.u32 $0x1, s2  }
0xa: {  	_ =	strace $0x80000047;
	s7 =	sshll.u32 s6, $0xB;
	s11 =	sshll.u32 s8, $0x8  }
0xb: {  	s12 =	ssub.s32 $0x2, s6;
	s29 =	sshll.u32 s8, $0xF;
	s6 =	sor.u32 s7, s11  }
0xc: {  	s28 =	sshrl.u32 s12, $0x1;
	s7 =	simm.s32 $0x1;
	s9 =	sadd.s32 s29, s9  }
0xd: {  	p0 =	sgt.s32 s6, $0x0;
	s11 =	ssub.s32 s12, s28;
	s8 =	sor.u32 $0xFF, s6  }
.Ltmp0:
0xe: {  	s30 =	sshll.u32 s6, $0x4;
	s12 =	simm.s32 $0x18900;
	(pc) =	sbr.rel .LBB2_1-.Ltmp0, $4  }
0xf: {  	s14 =	sshra.s32 s6, $0x1F;
	s7 =	simm.s32 @!p0 $0x0;
	p0 =	slt.s32 s6, $0x0  }
0x10: {  	s10 =	sadd.s32 s10, s30;
	s11 =	smax.u32 s11, $0x1;
	s15 =	sshra.s32 s8, $0x1F  }
0x11: {  	v1 =	vimm.f32 $-Inf;
	s31 =	sxor.u32 s14, s6;
	s7 =	simm.s32 @p0 $0xFFFFFFFF;
	s17 =	sxor.u32 s15, s8  }
0x12: {  	vm0 =	vcmask $0x300;
	vm1 =	vcmask $0x704;
	v0 =	vmov s6;
	p0 =	seq.s32 s16, $0x0;
	s16 =	ssub.s32 s31, s14;
	s17 =	ssub.s32 s17, s15  }
.LBB2_11:
0x13: {  	[spmem:s9] =	stream.linear.scatter [tilespmem:s20], [sflag:$0x6], $0x8000, $0x38;
	[tilespmem:$0x1CD00] =	vst v63  }
0x14: {  	_ =	swait.ge [sflag:s19], $0x8000  }
0x15: {  	[sflag:s19] =	ssyncset.done $0x0  }
0x16: {  	[sflag:s19] =	ssyncadd.s32 $0xFFFF8000  }
0x17: {  	[bflag:$0x0] =	sbarrier.arrive $0xFFFF  }
.LBB2_15:
0x18: {  	s21 =	sadd.s32 $0x1, s21  }
0x19: {  	p1 =	sne.s32 s21, s11  }
.Ltmp1:
0x1a: {  	_ = 	snop;
	(pc) =	sbr.rel @!p1 .LBB2_16-.Ltmp1, $1  }
0x1b: {  	_ =	sdelay $0x3  }
.LBB2_1:
0x1c: {  	[tilespmem:s12], [sflag:$0x5] =	stream.linear.gather [hbm4b:s5+s3], $0x400, $0x38;
	[tilespmem:$0x1CD00] =	vst v63  }
0x1d: {  	_ =	swait.ge [sflag:s13], $0x400  }
0x1e: {  	[sflag:s13] =	ssyncset.done $0x0  }
0x1f: {  	s22 =	simm.s32 $0x0;
	s23 =	simm.s32 $0x200;
	[sflag:s13] =	ssyncadd.s32 $0xFFFFFC00  }
.LBB2_2:
0x20: {  	p1 =	sne.s32 s23, $0x20E00;
	[tilespmem:s22+$0x10570] =	vst v1  }
0x21: {  	[tilespmem:s22+$0x8100] =	vst v1  }
0x22: {  	[tilespmem:s22+$0x10500] =	vst v1  }
0x23: {  	[tilespmem:s22+$0x8110] =	vst v1  }
0x24: {  	[tilespmem:s22+$0x10510] =	vst v1  }
0x25: {  	[tilespmem:s22+$0x8120] =	vst v1  }
0x26: {  	[tilespmem:s22+$0x10520] =	vst v1  }
0x27: {  	[tilespmem:s22+$0x8130] =	vst v1  }
0x28: {  	[tilespmem:s22+$0x10530] =	vst v1  }
0x29: {  	[tilespmem:s22+$0x8140] =	vst v1  }
0x2a: {  	[tilespmem:s22+$0x10540] =	vst v1  }
.Ltmp2:
0x2b: {  	[tilespmem:s22+$0x8150] =	vst v1;
	(pc) =	sbr.rel @p1 .LBB2_2-.Ltmp2, $4  }
0x2c: {  	[tilespmem:s22+$0x10550] =	vst v1  }
0x2d: {  	[tilespmem:s22+$0x8160] =	vst v1  }
0x2e: {  	[tilespmem:s22+$0x10560] =	vst v1  }
0x2f: {  	[tilespmem:s22+$0x8170] =	vst v1;
	s22 =	sshra.s32 s23, $0x2;
	s23 =	sadd.s32 $0x200, s23  }
0x30: {  	[tilespmem:s22+$0x10570] =	vst v1  }
0x31: {  	[tilespmem:s22+$0x8100] =	vst v1  }
0x32: {  	[tilespmem:s22+$0x10500] =	vst v1  }
0x33: {  	[tilespmem:s22+$0x8110] =	vst v1  }
0x34: {  	[tilespmem:s22+$0x10510] =	vst v1  }
0x35: {  	[tilespmem:s22+$0x8120] =	vst v1  }
0x36: {  	[tilespmem:s22+$0x10520] =	vst v1  }
0x37: {  	[tilespmem:s22+$0x8130] =	vst v1  }
0x38: {  	[tilespmem:s22+$0x10530] =	vst v1  }
0x39: {  	[tilespmem:s22+$0x8140] =	vst v1  }
0x3a: {  	[tilespmem:s22+$0x10540] =	vst v1  }
0x3b: {  	[tilespmem:s22+$0x8150] =	vst v1  }
0x3c: {  	[tilespmem:s22+$0x10550] =	vst v1  }
0x3d: {  	[tilespmem:s22+$0x8160] =	vst v1  }
0x3e: {  	[tilespmem:s22+$0x10560] =	vst v1  }
0x3f: {  	[tilespmem:s22+$0x8170] =	vst v1  }
0x40: {  	v2 =	vld [tilespmem:$0x18980];
	_ =	sdelay $0x4  }
0x41: {  	(v2sf) =	vpush v2, $0x0;
	_ =	sdelay $0xe  }
0x42: {  	s22 =	spop (v2sf)  }
0x43: {  	s23 =	sshra.s32 s22, $0x1F  }
0x44: {  	s24 =	sxor.u32 s23, s22  }
0x45: {  	s24 =	ssub.s32 s24, s23  }
0x46: {  	(drf) =	sdiv.u32 s16, s24  }
0x47: {  	(drf) =	sdiv.u32 s17, s24;
	_ =	sdelay $0x7  }
0x48: {  	s25 =	sxor.u32 s23, s14;
	s28 =	spop (drf)  }
0x49: {  	s24 =	sxor.u32 s25, s28;
	s26 =	spop (drf);
	s28 =	sxor.u32 s23, s15  }
0x4a: {  	s24 =	ssub.s32 s24, s25;
	s29 =	sxor.u32 s28, s26  }
0x4b: {  	s30 =	smul.u32 s22, s24;
	s25 =	ssub.s32 s29, s28  }
0x4c: {  	s31 =	sor.u32 $0x1, s23;
	s22 =	smul.u32 s22, s25  }
0x4d: {  	p1 =	sne.s32 s7, s31;
	p2 =	sne.s32 s6, s30  }
0x4e: {  	p4 =	sgt.u32 s23, $0x1;
	p1 =	por !p2, !p1;
	p3 =	sne.s32 s8, s22  }
0x4f: {  	s22 =	simm.s32 $0x1;
	p1 =	por !p1, !p1;
	p2 =	por !p4, !p3  }
0x50: {  	s23 =	simm.s32 $0x1;
	s22 =	simm.s32 @!p1 $0x0;
	p1 =	por !p2, !p2  }
0x51: {  	s22 =	ssub.s32 s24, s22;
	s23 =	simm.s32 @!p1 $0x0  }
0x52: {  	p1 =	slt.s32 s22, $0x10;
	s23 =	ssub.s32 s25, s23  }
0x53: {  	s22 =	simm.s32 @!p1 $0x10;
	s23 =	sadd.s32 $0x1, s23  }
0x54: {  	p1 =	slt.s32 s23, $0x10;
	v2 =	vmov s22  }
0x55: {  	s23 =	simm.s32 @!p1 $0x10;
	v2 =	vnsel vm0, $0x0, v2  }
0x56: {  	v2 =	vsel vm1, s23, v2;
	_ =	sdelay $0x4  }
0x57: {  	v2 =	vld.idx.msk [tilespmem:v2+s12+$0x0], $0xffff;
	_ =	sdelay $0x4  }
0x58: {  	(v2sf) =	vpush v2, $0x0  }
0x59: {  	(v2sf) =	vpush v2, $0x1;
	_ =	sdelay $0xd  }
0x5a: {  	s28 =	spop (v2sf)  }
0x5b: {  	s25 =	simm.s32 $0x1;
	s29 =	sshra.s32 s28, $0x1F;
	s30 =	spop (v2sf)  }
0x5c: {  	s31 =	sand.u32 $0x7F, s28;
	p5 =	slt.s32 s28, $0x1;
	s23 =	sshrl.u32 s29, $0x19  }
0x5d: {  	s24 =	sadd.s32 $0x7F, s30;
	p6 =	sne.s32 s31, $0x0;
	s23 =	sadd.s32 s23, s28  }
0x5e: {  	s26 =	sand.u32 $0x7F, s24;
	p1 =	por !p5, !p6;
	p3 =	slt.s32 s24, $0x1  }
0x5f: {  	s29 =	sshra.s32 s24, $0x1F;
	p4 =	sne.s32 s26, $0x0;
	s28 =	sshra.s32 s23, $0x7  }
0x60: {  	p1 =	por !p1, !p1;
	s23 =	sshrl.u32 s29, $0x19;
	p2 =	por !p3, !p4  }
0x61: {  	s23 =	sadd.s32 s23, s24;
	s24 =	simm.s32 $0x1;
	p2 =	por !p2, !p2  }
0x62: {  	s25 =	simm.s32 @!p1 $0x0;
	s23 =	sshra.s32 s23, $0x7;
	s24 =	simm.s32 @!p2 $0x0  }
0x63: {  	s25 =	ssub.s32 s28, s25;
	s22 =	ssub.s32 s23, s24  }
0x64: {  	s23 =	sadd.s32 s25, s22  }
0x65: {  	s30 =	sand.u32 $0x1, s23  }
0x66: {  	p5 =	slt.s32 s23, $0x1;
	p6 =	seq.s32 s30, $0x1  }
0x67: {  	s31 =	sshrl.u32 s23, $0x1F;
	p1 =	por !p5, !p6  }
0x68: {  	s24 =	simm.s32 $0x1;
	s23 =	sadd.s32 s31, s23;
	p1 =	por !p1, !p1  }
0x69: {  	s23 =	sshra.s32 s23, $0x1;
	s24 =	simm.s32 @!p1 $0x0  }
0x6a: {  	s23 =	ssub.s32 s23, s24  }
0x6b: {  	s22 =	smov.u32 @p0 s23;
	s23 =	smov.u32 @p0 s25  }
0x6c: {  	p1 =	slt.s32 s23, s22  }
.Ltmp3:
0x6d: {  	_ = 	snop;
	(pc) =	sbr.rel @!p1 .LBB2_8-.Ltmp3, $1  }
0x6e: {  	_ =	sdelay $0x3  }
0x6f: {  	s24 =	sshrl.u32 s23, $0x1F  }
0x70: {  	s24 =	sadd.s32 s24, s23  }
0x71: {  	s25 =	sshll.u32 s23, $0x4;
	s24 =	sand.u32 $0xFFFFFFFE, s24  }
0x72: {  	s25 =	sand.u32 $0x1FFFFFF0, s25;
	s24 =	ssub.s32 s23, s24  }
0x73: {  	s31 =	sshll.u32 s23, $0xB;
	s25 =	sadd.s32 s4, s25;
	s26 =	sshll.u32 s24, $0x9  }
0x74: {  	s28 =	sadd.s32 $0x1, s24;
	s30 =	sshll.u32 s24, $0x10;
	s26 =	sshra.s32 s26, $0x2  }
0x75: {  	[tilespmem:s26], [sflag:s28] =	stream.linear.gather [hbm4b:s25+s3], $0x80, $0x38;
	[tilespmem:$0x1CD00] =	vst v63  }
0x76: {  	s25 =	sshra.s32 s30, $0x2;
	s26 =	sand.u32 $0x1FFFF800, s31  }
0x77: {  	s24 =	sadd.s32 $0x3, s24;
	s25 =	sor.u32 $0x100, s25;
	s26 =	sadd.s32 s1, s26  }
0x78: {  	[tilespmem:s25], [sflag:s24] =	stream.linear.gather [hbm4b:s26+s3], $0x4000, $0x38;
	[tilespmem:$0x1CD00] =	vst v63  }
.LBB2_6:
0x79: {  	s24 =	sshrl.u32 s23, $0x1F  }
0x7a: {  	s24 =	sadd.s32 s24, s23  }
0x7b: {  	s24 =	sand.u32 $0xFFFFFFFE, s24  }
0x7c: {  	s24 =	ssub.s32 s23, s24;
	s23 =	sadd.s32 $0x1, s23  }
0x7d: {  	p1 =	sge.s32 s23, s22  }
0x7e: {  	s25 =	sshrl.u32 @!p1 s23, $0x1F  }
0x7f: {  	s25 =	sadd.s32 @!p1 s25, s23  }
0x80: {  	s26 =	sadd.s32 $0x1, s24;
	s25 =	sand.u32 @!p1 $0xFFFFFFFE, s25  }
0x81: {  	_ =	swait.ge [sflag:s26], $0x80;
	s25 =	ssub.s32 @!p1 s23, s25  }
0x82: {  	s29 =	sshll.u32 @!p1 s23, $0x4;
	[sflag:s26] =	ssyncset.done $0x0;
	s28 =	sshll.u32 @!p1 s25, $0x9  }
0x83: {  	[sflag:s26] =	ssyncadd.s32 $0xFFFFFF80;
	s26 =	sshra.s32 @!p1 s28, $0x2;
	s28 =	sand.u32 @!p1 $0x1FFFFFF0, s29  }
0x84: {  	s30 =	simm.s32 @!p1 $0x0;
	s29 =	sadd.s32 @!p1 $0x1, s25;
	s28 =	sadd.s32 @!p1 s4, s28  }
0x85: {  	[tilespmem:s26], [sflag:s29] =	stream.linear.gather @!p1 [hbm4b:s28+s30], $0x80, $0x38;
	[tilespmem:$0x1CD00] =	vst v63  }
0x86: {  	s26 =	sshll.u32 @!p1 s25, $0x10;
	s28 =	sshll.u32 @!p1 s23, $0xB  }
0x87: {  	s31 =	sshll.u32 s24, $0x9;
	s26 =	sshra.s32 @!p1 s26, $0x2;
	s28 =	sand.u32 @!p1 $0x1FFFF800, s28  }
0x88: {  	s25 =	sadd.s32 @!p1 $0x3, s25;
	s26 =	sor.u32 @!p1 $0x100, s26;
	s28 =	sadd.s32 @!p1 s1, s28  }
0x89: {  	[tilespmem:s26], [sflag:s25] =	stream.linear.gather @!p1 [hbm4b:s28+s30], $0x4000, $0x38;
	[tilespmem:$0x1CD00] =	vst v63  }
0x8a: {  	s26 =	sshra.s32 s31, $0x2  }
0x8b: {  	s30 =	sadd.s32 $0x3, s24;
	v2 =	vmov s26  }
0x8c: {  	s24 =	sshll.u32 s24, $0x10;
	_ =	swait.ge [sflag:s30], $0x4000  }
0x8d: {  	s24 =	sshra.s32 s24, $0x2;
	[sflag:s30] =	ssyncset.done $0x0  }
0x8e: {  	s25 =	simm.s32 $0x0;
	s24 =	sor.u32 $0x500, s24;
	[sflag:s30] =	ssyncadd.s32 $0xFFFFC000  }
.LBB2_7:
0x8f: {  	s26 =	sshra.s32 s25, $0x2  }
0x90: {  	v3 =	vld.idx.msk [tilespmem:v2+s26+$0x0 ss:$0x1], $0xffff;
	_ =	sdelay $0x4  }
0x91: {  	v3 =	vsub.s32 v3, v0  }
0x92: {  	v3 =	vmin.u32 v3, $0x100  }
0x93: {  	v3 =	vshll.u32 v3, $0x7  }
0x94: {  	(v2sf) =	vpush v3, $0x1  }
0x95: {  	(v2sf) =	vpush v3, $0x0;
	_ =	sdelay $0x7  }
0x96: {  	v10 =	vld [tilespmem:s24+$0xFFFFFC00]  }
0x97: {  	v11 =	vld [tilespmem:s24+$0xFFFFFC10]  }
0x98: {  	v12 =	vld [tilespmem:s24+$0xFFFFFC20]  }
0x99: {  	v13 =	vld [tilespmem:s24+$0xFFFFFC30]  }
0x9a: {  	v14 =	vld [tilespmem:s24+$0xFFFFFC40]  }
0x9b: {  	v15 =	vld [tilespmem:s24+$0xFFFFFC50]  }
0x9c: {  	v16 =	vld [tilespmem:s24+$0xFFFFFC60];
	s28 =	spop (v2sf)  }
0x9d: {  	v17 =	vld [tilespmem:s24+$0xFFFFFC70];
	s29 =	spop (v2sf)  }
0x9e: {  	v4 =	vld [tilespmem:s29+$0x8100]  }
0x9f: {  	v5 =	vld [tilespmem:s29+$0x8110]  }
0xa0: {  	v6 =	vld [tilespmem:s29+$0x8120]  }
0xa1: {  	v7 =	vld [tilespmem:s29+$0x8130]  }
0xa2: {  	v8 =	vld [tilespmem:s29+$0x8140]  }
0xa3: {  	v9 =	vld [tilespmem:s29+$0x8150];
	v4 =	vmax.f32 v4, v10  }
0xa4: {  	v20 =	vld [tilespmem:s29+$0x8160];
	v21 =	vmax.f32 v5, v11;
	[tilespmem:s29+$0x8100] =	vst v4  }
0xa5: {  	v22 =	vld [tilespmem:s29+$0x8170];
	v23 =	vmax.f32 v6, v12;
	[tilespmem:s29+$0x8110] =	vst v21  }
0xa6: {  	v24 =	vmax.f32 v7, v13;
	[tilespmem:s29+$0x8120] =	vst v23  }
0xa7: {  	v25 =	vmax.f32 v8, v14;
	[tilespmem:s29+$0x8130] =	vst v24  }
0xa8: {  	v26 =	vmax.f32 v9, v15;
	[tilespmem:s29+$0x8140] =	vst v25  }
0xa9: {  	v27 =	vmax.f32 v20, v16;
	[tilespmem:s29+$0x8150] =	vst v26  }
0xaa: {  	v28 =	vmax.f32 v22, v17;
	[tilespmem:s29+$0x8160] =	vst v27  }
0xab: {  	[tilespmem:s29+$0x8170] =	vst v28  }
0xac: {  	v4 =	vld [tilespmem:s28+$0x10500]  }
0xad: {  	v29 =	vld [tilespmem:s28+$0x10510]  }
0xae: {  	v30 =	vld [tilespmem:s28+$0x10520]  }
0xaf: {  	v31 =	vld [tilespmem:s28+$0x10530]  }
0xb0: {  	v32 =	vld [tilespmem:s28+$0x10540]  }
0xb1: {  	v33 =	vld [tilespmem:s28+$0x10550]  }
0xb2: {  	v34 =	vld [tilespmem:s24+$0xFFFFFC80]  }
0xb3: {  	v35 =	vld [tilespmem:s24+$0xFFFFFC90]  }
0xb4: {  	v36 =	vld [tilespmem:s24+$0xFFFFFCA0]  }
0xb5: {  	v37 =	vld [tilespmem:s24+$0xFFFFFCB0]  }
0xb6: {  	v38 =	vld [tilespmem:s24+$0xFFFFFCC0]  }
0xb7: {  	v39 =	vld [tilespmem:s24+$0xFFFFFCD0]  }
0xb8: {  	v40 =	vld [tilespmem:s24+$0xFFFFFCE0]  }
0xb9: {  	(v2sf) =	vpush v3, $0x3;
	v41 =	vld [tilespmem:s24+$0xFFFFFCF0];
	v4 =	vmax.f32 v4, v34  }
0xba: {  	(v2sf) =	vpush v3, $0x2;
	v42 =	vld [tilespmem:s28+$0x10560];
	v43 =	vmax.f32 v29, v35;
	[tilespmem:s28+$0x10500] =	vst v4  }
0xbb: {  	v44 =	vld [tilespmem:s28+$0x10570];
	v45 =	vmax.f32 v30, v36;
	[tilespmem:s28+$0x10510] =	vst v43  }
0xbc: {  	v46 =	vmax.f32 v31, v37;
	[tilespmem:s28+$0x10520] =	vst v45  }
0xbd: {  	v47 =	vmax.f32 v32, v38;
	[tilespmem:s28+$0x10530] =	vst v46  }
0xbe: {  	v48 =	vmax.f32 v33, v39;
	[tilespmem:s28+$0x10540] =	vst v47  }
0xbf: {  	v49 =	vmax.f32 v42, v40;
	[tilespmem:s28+$0x10550] =	vst v48  }
0xc0: {  	v50 =	vmax.f32 v44, v41;
	[tilespmem:s28+$0x10560] =	vst v49  }
0xc1: {  	[tilespmem:s28+$0x10570] =	vst v50  }
0xc2: {  	v56 =	vld [tilespmem:s24+$0xFFFFFD00]  }
0xc3: {  	v57 =	vld [tilespmem:s24+$0xFFFFFD10]  }
0xc4: {  	v58 =	vld [tilespmem:s24+$0xFFFFFD20]  }
0xc5: {  	v59 =	vld [tilespmem:s24+$0xFFFFFD30]  }
0xc6: {  	v60 =	vld [tilespmem:s24+$0xFFFFFD40]  }
0xc7: {  	v61 =	vld [tilespmem:s24+$0xFFFFFD50]  }
0xc8: {  	s30 =	spop (v2sf);
	v62 =	vld [tilespmem:s24+$0xFFFFFD60]  }
0xc9: {  	s31 =	spop (v2sf);
	v63 =	vld [tilespmem:s24+$0xFFFFFD70]  }
0xca: {  	v4 =	vld [tilespmem:s31+$0x8100]  }
0xcb: {  	v51 =	vld [tilespmem:s31+$0x8110]  }
0xcc: {  	v52 =	vld [tilespmem:s31+$0x8120]  }
0xcd: {  	v53 =	vld [tilespmem:s31+$0x8130]  }
0xce: {  	v54 =	vld [tilespmem:s31+$0x8140]  }
0xcf: {  	v55 =	vld [tilespmem:s31+$0x8150];
	v4 =	vmax.f32 v4, v56  }
0xd0: {  	v20 =	vld [tilespmem:s31+$0x8160];
	v21 =	vmax.f32 v51, v57;
	[tilespmem:s31+$0x8100] =	vst v4  }
0xd1: {  	v22 =	vld [tilespmem:s31+$0x8170];
	v23 =	vmax.f32 v52, v58;
	[tilespmem:s31+$0x8110] =	vst v21  }
0xd2: {  	v24 =	vmax.f32 v53, v59;
	[tilespmem:s31+$0x8120] =	vst v23  }
0xd3: {  	v25 =	vmax.f32 v54, v60;
	[tilespmem:s31+$0x8130] =	vst v24  }
0xd4: {  	v26 =	vmax.f32 v55, v61;
	[tilespmem:s31+$0x8140] =	vst v25  }
0xd5: {  	v27 =	vmax.f32 v20, v62;
	[tilespmem:s31+$0x8150] =	vst v26  }
0xd6: {  	v28 =	vmax.f32 v22, v63;
	[tilespmem:s31+$0x8160] =	vst v27  }
0xd7: {  	[tilespmem:s31+$0x8170] =	vst v28  }
0xd8: {  	v4 =	vld [tilespmem:s30+$0x10500]  }
0xd9: {  	v29 =	vld [tilespmem:s30+$0x10510]  }
0xda: {  	v30 =	vld [tilespmem:s30+$0x10520]  }
0xdb: {  	v31 =	vld [tilespmem:s30+$0x10530]  }
0xdc: {  	v32 =	vld [tilespmem:s30+$0x10540]  }
0xdd: {  	v33 =	vld [tilespmem:s30+$0x10550]  }
0xde: {  	v34 =	vld [tilespmem:s24+$0xFFFFFD80]  }
0xdf: {  	v35 =	vld [tilespmem:s24+$0xFFFFFD90]  }
0xe0: {  	v36 =	vld [tilespmem:s24+$0xFFFFFDA0]  }
0xe1: {  	v37 =	vld [tilespmem:s24+$0xFFFFFDB0]  }
0xe2: {  	v38 =	vld [tilespmem:s24+$0xFFFFFDC0]  }
0xe3: {  	v39 =	vld [tilespmem:s24+$0xFFFFFDD0]  }
0xe4: {  	v40 =	vld [tilespmem:s24+$0xFFFFFDE0]  }
0xe5: {  	(v2sf) =	vpush v3, $0x5;
	v41 =	vld [tilespmem:s24+$0xFFFFFDF0];
	v4 =	vmax.f32 v4, v34  }
0xe6: {  	(v2sf) =	vpush v3, $0x4;
	v42 =	vld [tilespmem:s30+$0x10560];
	v43 =	vmax.f32 v29, v35;
	[tilespmem:s30+$0x10500] =	vst v4  }
0xe7: {  	v44 =	vld [tilespmem:s30+$0x10570];
	v45 =	vmax.f32 v30, v36;
	[tilespmem:s30+$0x10510] =	vst v43  }
0xe8: {  	v46 =	vmax.f32 v31, v37;
	[tilespmem:s30+$0x10520] =	vst v45  }
0xe9: {  	v47 =	vmax.f32 v32, v38;
	[tilespmem:s30+$0x10530] =	vst v46  }
0xea: {  	v48 =	vmax.f32 v33, v39;
	[tilespmem:s30+$0x10540] =	vst v47  }
0xeb: {  	v49 =	vmax.f32 v42, v40;
	[tilespmem:s30+$0x10550] =	vst v48  }
0xec: {  	v50 =	vmax.f32 v44, v41;
	[tilespmem:s30+$0x10560] =	vst v49  }
0xed: {  	[tilespmem:s30+$0x10570] =	vst v50  }
0xee: {  	v56 =	vld [tilespmem:s24+$0xFFFFFE00]  }
0xef: {  	v57 =	vld [tilespmem:s24+$0xFFFFFE10]  }
0xf0: {  	v58 =	vld [tilespmem:s24+$0xFFFFFE20]  }
0xf1: {  	v59 =	vld [tilespmem:s24+$0xFFFFFE30]  }
0xf2: {  	v60 =	vld [tilespmem:s24+$0xFFFFFE40]  }
0xf3: {  	v61 =	vld [tilespmem:s24+$0xFFFFFE50]  }
0xf4: {  	s29 =	spop (v2sf);
	v62 =	vld [tilespmem:s24+$0xFFFFFE60]  }
0xf5: {  	s30 =	spop (v2sf);
	v63 =	vld [tilespmem:s24+$0xFFFFFE70]  }
0xf6: {  	v4 =	vld [tilespmem:s30+$0x8100]  }
0xf7: {  	v51 =	vld [tilespmem:s30+$0x8110]  }
0xf8: {  	v52 =	vld [tilespmem:s30+$0x8120]  }
0xf9: {  	v53 =	vld [tilespmem:s30+$0x8130]  }
0xfa: {  	v54 =	vld [tilespmem:s30+$0x8140]  }
0xfb: {  	v55 =	vld [tilespmem:s30+$0x8150];
	v4 =	vmax.f32 v4, v56  }
0xfc: {  	v20 =	vld [tilespmem:s30+$0x8160];
	v21 =	vmax.f32 v51, v57;
	[tilespmem:s30+$0x8100] =	vst v4  }
0xfd: {  	v22 =	vld [tilespmem:s30+$0x8170];
	v23 =	vmax.f32 v52, v58;
	[tilespmem:s30+$0x8110] =	vst v21  }
0xfe: {  	v24 =	vmax.f32 v53, v59;
	[tilespmem:s30+$0x8120] =	vst v23  }
0xff: {  	v25 =	vmax.f32 v54, v60;
	[tilespmem:s30+$0x8130] =	vst v24  }
0x100: {  	v26 =	vmax.f32 v55, v61;
	[tilespmem:s30+$0x8140] =	vst v25  }
0x101: {  	v27 =	vmax.f32 v20, v62;
	[tilespmem:s30+$0x8150] =	vst v26  }
0x102: {  	v28 =	vmax.f32 v22, v63;
	[tilespmem:s30+$0x8160] =	vst v27  }
0x103: {  	[tilespmem:s30+$0x8170] =	vst v28  }
0x104: {  	v4 =	vld [tilespmem:s29+$0x10500]  }
0x105: {  	v29 =	vld [tilespmem:s29+$0x10510]  }
0x106: {  	v30 =	vld [tilespmem:s29+$0x10520]  }
0x107: {  	v31 =	vld [tilespmem:s29+$0x10530]  }
0x108: {  	v32 =	vld [tilespmem:s29+$0x10540]  }
0x109: {  	v33 =	vld [tilespmem:s29+$0x10550]  }
0x10a: {  	v34 =	vld [tilespmem:s24+$0xFFFFFE80]  }
0x10b: {  	v35 =	vld [tilespmem:s24+$0xFFFFFE90]  }
0x10c: {  	v36 =	vld [tilespmem:s24+$0xFFFFFEA0]  }
0x10d: {  	v37 =	vld [tilespmem:s24+$0xFFFFFEB0]  }
0x10e: {  	v38 =	vld [tilespmem:s24+$0xFFFFFEC0]  }
0x10f: {  	v39 =	vld [tilespmem:s24+$0xFFFFFED0]  }
0x110: {  	v40 =	vld [tilespmem:s24+$0xFFFFFEE0]  }
0x111: {  	(v2sf) =	vpush v3, $0x7;
	v41 =	vld [tilespmem:s24+$0xFFFFFEF0];
	v4 =	vmax.f32 v4, v34  }
0x112: {  	(v2sf) =	vpush v3, $0x6;
	v42 =	vld [tilespmem:s29+$0x10560];
	v43 =	vmax.f32 v29, v35;
	[tilespmem:s29+$0x10500] =	vst v4  }
0x113: {  	v44 =	vld [tilespmem:s29+$0x10570];
	v45 =	vmax.f32 v30, v36;
	[tilespmem:s29+$0x10510] =	vst v43  }
0x114: {  	v46 =	vmax.f32 v31, v37;
	[tilespmem:s29+$0x10520] =	vst v45  }
0x115: {  	v47 =	vmax.f32 v32, v38;
	[tilespmem:s29+$0x10530] =	vst v46  }
0x116: {  	v48 =	vmax.f32 v33, v39;
	[tilespmem:s29+$0x10540] =	vst v47  }
0x117: {  	v49 =	vmax.f32 v42, v40;
	[tilespmem:s29+$0x10550] =	vst v48  }
0x118: {  	v50 =	vmax.f32 v44, v41;
	[tilespmem:s29+$0x10560] =	vst v49  }
0x119: {  	[tilespmem:s29+$0x10570] =	vst v50  }
0x11a: {  	v56 =	vld [tilespmem:s24+$0xFFFFFF00]  }
0x11b: {  	v57 =	vld [tilespmem:s24+$0xFFFFFF10]  }
0x11c: {  	v58 =	vld [tilespmem:s24+$0xFFFFFF20]  }
0x11d: {  	v59 =	vld [tilespmem:s24+$0xFFFFFF30]  }
0x11e: {  	v60 =	vld [tilespmem:s24+$0xFFFFFF40]  }
0x11f: {  	v61 =	vld [tilespmem:s24+$0xFFFFFF50]  }
0x120: {  	s31 =	spop (v2sf);
	v62 =	vld [tilespmem:s24+$0xFFFFFF60]  }
0x121: {  	s29 =	spop (v2sf);
	v63 =	vld [tilespmem:s24+$0xFFFFFF70]  }
0x122: {  	v4 =	vld [tilespmem:s29+$0x8100]  }
0x123: {  	v51 =	vld [tilespmem:s29+$0x8110]  }
0x124: {  	v52 =	vld [tilespmem:s29+$0x8120]  }
0x125: {  	v53 =	vld [tilespmem:s29+$0x8130]  }
0x126: {  	v54 =	vld [tilespmem:s29+$0x8140]  }
0x127: {  	v55 =	vld [tilespmem:s29+$0x8150];
	v4 =	vmax.f32 v4, v56  }
0x128: {  	v20 =	vld [tilespmem:s29+$0x8160];
	v21 =	vmax.f32 v51, v57;
	[tilespmem:s29+$0x8100] =	vst v4  }
0x129: {  	v22 =	vld [tilespmem:s29+$0x8170];
	v23 =	vmax.f32 v52, v58;
	[tilespmem:s29+$0x8110] =	vst v21  }
0x12a: {  	v24 =	vmax.f32 v53, v59;
	[tilespmem:s29+$0x8120] =	vst v23  }
0x12b: {  	v25 =	vmax.f32 v54, v60;
	[tilespmem:s29+$0x8130] =	vst v24  }
0x12c: {  	v26 =	vmax.f32 v55, v61;
	[tilespmem:s29+$0x8140] =	vst v25  }
0x12d: {  	v27 =	vmax.f32 v20, v62;
	[tilespmem:s29+$0x8150] =	vst v26  }
0x12e: {  	v28 =	vmax.f32 v22, v63;
	[tilespmem:s29+$0x8160] =	vst v27  }
0x12f: {  	[tilespmem:s29+$0x8170] =	vst v28  }
0x130: {  	v4 =	vld [tilespmem:s31+$0x10500]  }
0x131: {  	v29 =	vld [tilespmem:s31+$0x10510]  }
0x132: {  	v30 =	vld [tilespmem:s31+$0x10520]  }
0x133: {  	v31 =	vld [tilespmem:s31+$0x10530]  }
0x134: {  	v32 =	vld [tilespmem:s31+$0x10540]  }
0x135: {  	v33 =	vld [tilespmem:s31+$0x10550]  }
0x136: {  	v34 =	vld [tilespmem:s24+$0xFFFFFF80]  }
0x137: {  	v35 =	vld [tilespmem:s24+$0xFFFFFF90]  }
0x138: {  	v36 =	vld [tilespmem:s24+$0xFFFFFFA0]  }
0x139: {  	v37 =	vld [tilespmem:s24+$0xFFFFFFB0]  }
0x13a: {  	v38 =	vld [tilespmem:s24+$0xFFFFFFC0]  }
0x13b: {  	v39 =	vld [tilespmem:s24+$0xFFFFFFD0]  }
0x13c: {  	v40 =	vld [tilespmem:s24+$0xFFFFFFE0]  }
0x13d: {  	(v2sf) =	vpush v3, $0x9;
	v41 =	vld [tilespmem:s24+$0xFFFFFFF0];
	v4 =	vmax.f32 v4, v34  }
0x13e: {  	(v2sf) =	vpush v3, $0x8;
	v42 =	vld [tilespmem:s31+$0x10560];
	v43 =	vmax.f32 v29, v35;
	[tilespmem:s31+$0x10500] =	vst v4  }
0x13f: {  	v44 =	vld [tilespmem:s31+$0x10570];
	v45 =	vmax.f32 v30, v36;
	[tilespmem:s31+$0x10510] =	vst v43  }
0x140: {  	v46 =	vmax.f32 v31, v37;
	[tilespmem:s31+$0x10520] =	vst v45  }
0x141: {  	v47 =	vmax.f32 v32, v38;
	[tilespmem:s31+$0x10530] =	vst v46  }
0x142: {  	v48 =	vmax.f32 v33, v39;
	[tilespmem:s31+$0x10540] =	vst v47  }
0x143: {  	v49 =	vmax.f32 v42, v40;
	[tilespmem:s31+$0x10550] =	vst v48  }
0x144: {  	v50 =	vmax.f32 v44, v41;
	[tilespmem:s31+$0x10560] =	vst v49  }
0x145: {  	[tilespmem:s31+$0x10570] =	vst v50  }
0x146: {  	v56 =	vld [tilespmem:s24+$0x0]  }
0x147: {  	v57 =	vld [tilespmem:s24+$0x10]  }
0x148: {  	v58 =	vld [tilespmem:s24+$0x20]  }
0x149: {  	v59 =	vld [tilespmem:s24+$0x30]  }
0x14a: {  	v60 =	vld [tilespmem:s24+$0x40]  }
0x14b: {  	v61 =	vld [tilespmem:s24+$0x50]  }
0x14c: {  	s30 =	spop (v2sf);
	v62 =	vld [tilespmem:s24+$0x60]  }
0x14d: {  	s31 =	spop (v2sf);
	v63 =	vld [tilespmem:s24+$0x70]  }
0x14e: {  	v4 =	vld [tilespmem:s31+$0x8100]  }
0x14f: {  	v51 =	vld [tilespmem:s31+$0x8110]  }
0x150: {  	v52 =	vld [tilespmem:s31+$0x8120]  }
0x151: {  	v53 =	vld [tilespmem:s31+$0x8130]  }
0x152: {  	v54 =	vld [tilespmem:s31+$0x8140]  }
0x153: {  	v55 =	vld [tilespmem:s31+$0x8150];
	v4 =	vmax.f32 v4, v56  }
0x154: {  	v20 =	vld [tilespmem:s31+$0x8160];
	v21 =	vmax.f32 v51, v57;
	[tilespmem:s31+$0x8100] =	vst v4  }
0x155: {  	v22 =	vld [tilespmem:s31+$0x8170];
	v23 =	vmax.f32 v52, v58;
	[tilespmem:s31+$0x8110] =	vst v21  }
0x156: {  	v24 =	vmax.f32 v53, v59;
	[tilespmem:s31+$0x8120] =	vst v23  }
0x157: {  	v25 =	vmax.f32 v54, v60;
	[tilespmem:s31+$0x8130] =	vst v24  }
0x158: {  	v26 =	vmax.f32 v55, v61;
	[tilespmem:s31+$0x8140] =	vst v25  }
0x159: {  	v27 =	vmax.f32 v20, v62;
	[tilespmem:s31+$0x8150] =	vst v26  }
0x15a: {  	v28 =	vmax.f32 v22, v63;
	[tilespmem:s31+$0x8160] =	vst v27  }
0x15b: {  	[tilespmem:s31+$0x8170] =	vst v28  }
0x15c: {  	v4 =	vld [tilespmem:s30+$0x10500]  }
0x15d: {  	v29 =	vld [tilespmem:s30+$0x10510]  }
0x15e: {  	v30 =	vld [tilespmem:s30+$0x10520]  }
0x15f: {  	v31 =	vld [tilespmem:s30+$0x10530]  }
0x160: {  	v32 =	vld [tilespmem:s30+$0x10540]  }
0x161: {  	v33 =	vld [tilespmem:s30+$0x10550]  }
0x162: {  	v34 =	vld [tilespmem:s24+$0x80]  }
0x163: {  	v35 =	vld [tilespmem:s24+$0x90]  }
0x164: {  	v36 =	vld [tilespmem:s24+$0xA0]  }
0x165: {  	v37 =	vld [tilespmem:s24+$0xB0]  }
0x166: {  	v38 =	vld [tilespmem:s24+$0xC0]  }
0x167: {  	v39 =	vld [tilespmem:s24+$0xD0]  }
0x168: {  	v40 =	vld [tilespmem:s24+$0xE0]  }
0x169: {  	(v2sf) =	vpush v3, $0xB;
	v41 =	vld [tilespmem:s24+$0xF0];
	v4 =	vmax.f32 v4, v34  }
0x16a: {  	(v2sf) =	vpush v3, $0xA;
	v42 =	vld [tilespmem:s30+$0x10560];
	v43 =	vmax.f32 v29, v35;
	[tilespmem:s30+$0x10500] =	vst v4  }
0x16b: {  	v44 =	vld [tilespmem:s30+$0x10570];
	v45 =	vmax.f32 v30, v36;
	[tilespmem:s30+$0x10510] =	vst v43  }
0x16c: {  	v46 =	vmax.f32 v31, v37;
	[tilespmem:s30+$0x10520] =	vst v45  }
0x16d: {  	v47 =	vmax.f32 v32, v38;
	[tilespmem:s30+$0x10530] =	vst v46  }
0x16e: {  	v48 =	vmax.f32 v33, v39;
	[tilespmem:s30+$0x10540] =	vst v47  }
0x16f: {  	v49 =	vmax.f32 v42, v40;
	[tilespmem:s30+$0x10550] =	vst v48  }
0x170: {  	v50 =	vmax.f32 v44, v41;
	[tilespmem:s30+$0x10560] =	vst v49  }
0x171: {  	[tilespmem:s30+$0x10570] =	vst v50  }
0x172: {  	v56 =	vld [tilespmem:s24+$0x100]  }
0x173: {  	v57 =	vld [tilespmem:s24+$0x110]  }
0x174: {  	v58 =	vld [tilespmem:s24+$0x120]  }
0x175: {  	v59 =	vld [tilespmem:s24+$0x130]  }
0x176: {  	v60 =	vld [tilespmem:s24+$0x140]  }
0x177: {  	v61 =	vld [tilespmem:s24+$0x150]  }
0x178: {  	s29 =	spop (v2sf);
	v62 =	vld [tilespmem:s24+$0x160]  }
0x179: {  	s30 =	spop (v2sf);
	v63 =	vld [tilespmem:s24+$0x170]  }
0x17a: {  	v4 =	vld [tilespmem:s30+$0x8100]  }
0x17b: {  	v51 =	vld [tilespmem:s30+$0x8110]  }
0x17c: {  	v52 =	vld [tilespmem:s30+$0x8120]  }
0x17d: {  	v53 =	vld [tilespmem:s30+$0x8130]  }
0x17e: {  	v54 =	vld [tilespmem:s30+$0x8140]  }
0x17f: {  	v55 =	vld [tilespmem:s30+$0x8150];
	v4 =	vmax.f32 v4, v56  }
0x180: {  	v18 =	vld [tilespmem:s30+$0x8160];
	v19 =	vmax.f32 v51, v57;
	[tilespmem:s30+$0x8100] =	vst v4  }
0x181: {  	v20 =	vld [tilespmem:s30+$0x8170];
	v21 =	vmax.f32 v52, v58;
	[tilespmem:s30+$0x8110] =	vst v19  }
0x182: {  	v22 =	vmax.f32 v53, v59;
	[tilespmem:s30+$0x8120] =	vst v21  }
0x183: {  	v23 =	vmax.f32 v54, v60;
	[tilespmem:s30+$0x8130] =	vst v22  }
0x184: {  	v24 =	vmax.f32 v55, v61;
	[tilespmem:s30+$0x8140] =	vst v23  }
0x185: {  	v25 =	vmax.f32 v18, v62;
	[tilespmem:s30+$0x8150] =	vst v24  }
0x186: {  	v26 =	vmax.f32 v20, v63;
	[tilespmem:s30+$0x8160] =	vst v25  }
0x187: {  	[tilespmem:s30+$0x8170] =	vst v26  }
0x188: {  	v4 =	vld [tilespmem:s29+$0x10500]  }
0x189: {  	v27 =	vld [tilespmem:s29+$0x10510]  }
0x18a: {  	v28 =	vld [tilespmem:s29+$0x10520]  }
0x18b: {  	v29 =	vld [tilespmem:s29+$0x10530]  }
0x18c: {  	v30 =	vld [tilespmem:s29+$0x10540]  }
0x18d: {  	v31 =	vld [tilespmem:s29+$0x10550]  }
0x18e: {  	v32 =	vld [tilespmem:s24+$0x180]  }
0x18f: {  	v33 =	vld [tilespmem:s24+$0x190]  }
0x190: {  	v34 =	vld [tilespmem:s24+$0x1A0]  }
0x191: {  	v35 =	vld [tilespmem:s24+$0x1B0]  }
0x192: {  	v36 =	vld [tilespmem:s24+$0x1C0]  }
0x193: {  	v37 =	vld [tilespmem:s24+$0x1D0]  }
0x194: {  	v38 =	vld [tilespmem:s24+$0x1E0]  }
0x195: {  	(v2sf) =	vpush v3, $0xD;
	v39 =	vld [tilespmem:s24+$0x1F0];
	v4 =	vmax.f32 v4, v32  }
0x196: {  	(v2sf) =	vpush v3, $0xC;
	v40 =	vld [tilespmem:s29+$0x10560];
	v41 =	vmax.f32 v27, v33;
	[tilespmem:s29+$0x10500] =	vst v4  }
0x197: {  	v42 =	vld [tilespmem:s29+$0x10570];
	v43 =	vmax.f32 v28, v34;
	[tilespmem:s29+$0x10510] =	vst v41  }
0x198: {  	v44 =	vmax.f32 v29, v35;
	[tilespmem:s29+$0x10520] =	vst v43  }
0x199: {  	v45 =	vmax.f32 v30, v36;
	[tilespmem:s29+$0x10530] =	vst v44  }
0x19a: {  	v46 =	vmax.f32 v31, v37;
	[tilespmem:s29+$0x10540] =	vst v45  }
0x19b: {  	v47 =	vmax.f32 v40, v38;
	[tilespmem:s29+$0x10550] =	vst v46  }
0x19c: {  	v48 =	vmax.f32 v42, v39;
	[tilespmem:s29+$0x10560] =	vst v47  }
0x19d: {  	[tilespmem:s29+$0x10570] =	vst v48  }
0x19e: {  	v54 =	vld [tilespmem:s24+$0x200]  }
0x19f: {  	v55 =	vld [tilespmem:s24+$0x210]  }
0x1a0: {  	v56 =	vld [tilespmem:s24+$0x220]  }
0x1a1: {  	v57 =	vld [tilespmem:s24+$0x230]  }
0x1a2: {  	v58 =	vld [tilespmem:s24+$0x240]  }
0x1a3: {  	v59 =	vld [tilespmem:s24+$0x250]  }
0x1a4: {  	s31 =	spop (v2sf);
	v60 =	vld [tilespmem:s24+$0x260]  }
0x1a5: {  	s29 =	spop (v2sf);
	v61 =	vld [tilespmem:s24+$0x270]  }
0x1a6: {  	v4 =	vld [tilespmem:s29+$0x8100]  }
0x1a7: {  	v49 =	vld [tilespmem:s29+$0x8110]  }
0x1a8: {  	v50 =	vld [tilespmem:s29+$0x8120]  }
0x1a9: {  	v51 =	vld [tilespmem:s29+$0x8130]  }
0x1aa: {  	v52 =	vld [tilespmem:s29+$0x8140]  }
0x1ab: {  	v53 =	vld [tilespmem:s29+$0x8150];
	v4 =	vmax.f32 v4, v54  }
0x1ac: {  	v62 =	vld [tilespmem:s29+$0x8160];
	v63 =	vmax.f32 v49, v55;
	[tilespmem:s29+$0x8100] =	vst v4  }
0x1ad: {  	v11 =	vld [tilespmem:s29+$0x8170];
	v12 =	vmax.f32 v50, v56;
	[tilespmem:s29+$0x8110] =	vst v63  }
0x1ae: {  	v13 =	vmax.f32 v51, v57;
	[tilespmem:s29+$0x8120] =	vst v12  }
0x1af: {  	v14 =	vmax.f32 v52, v58;
	[tilespmem:s29+$0x8130] =	vst v13  }
0x1b0: {  	v15 =	vmax.f32 v53, v59;
	[tilespmem:s29+$0x8140] =	vst v14  }
0x1b1: {  	v18 =	vmax.f32 v62, v60;
	[tilespmem:s29+$0x8150] =	vst v15  }
0x1b2: {  	v19 =	vmax.f32 v11, v61;
	[tilespmem:s29+$0x8160] =	vst v18  }
0x1b3: {  	[tilespmem:s29+$0x8170] =	vst v19  }
0x1b4: {  	v4 =	vld [tilespmem:s31+$0x10500]  }
0x1b5: {  	v20 =	vld [tilespmem:s31+$0x10510]  }
0x1b6: {  	v21 =	vld [tilespmem:s31+$0x10520]  }
0x1b7: {  	v22 =	vld [tilespmem:s31+$0x10530]  }
0x1b8: {  	v23 =	vld [tilespmem:s31+$0x10540]  }
0x1b9: {  	(v2sf) =	vpush v3, $0xF;
	v24 =	vld [tilespmem:s31+$0x10550]  }
0x1ba: {  	(v2sf) =	vpush v3, $0xE;
	v25 =	vld [tilespmem:s24+$0x280]  }
0x1bb: {  	v3 =	vld [tilespmem:s24+$0x290]  }
0x1bc: {  	v26 =	vld [tilespmem:s24+$0x2A0]  }
0x1bd: {  	v27 =	vld [tilespmem:s24+$0x2B0]  }
0x1be: {  	v28 =	vld [tilespmem:s24+$0x2C0]  }
0x1bf: {  	v29 =	vld [tilespmem:s24+$0x2D0]  }
0x1c0: {  	v30 =	vld [tilespmem:s24+$0x2E0]  }
0x1c1: {  	v31 =	vld [tilespmem:s24+$0x2F0];
	v4 =	vmax.f32 v4, v25  }
0x1c2: {  	v32 =	vld [tilespmem:s31+$0x10560];
	v3 =	vmax.f32 v20, v3;
	[tilespmem:s31+$0x10500] =	vst v4  }
0x1c3: {  	v33 =	vld [tilespmem:s31+$0x10570];
	[tilespmem:s31+$0x10510] =	vst v3;
	v3 =	vmax.f32 v21, v26  }
0x1c4: {  	[tilespmem:s31+$0x10520] =	vst v3;
	v3 =	vmax.f32 v22, v27  }
0x1c5: {  	[tilespmem:s31+$0x10530] =	vst v3;
	v3 =	vmax.f32 v23, v28  }
0x1c6: {  	[tilespmem:s31+$0x10540] =	vst v3;
	v3 =	vmax.f32 v24, v29  }
0x1c7: {  	[tilespmem:s31+$0x10550] =	vst v3;
	v3 =	vmax.f32 v32, v30  }
0x1c8: {  	s30 =	spop (v2sf);
	[tilespmem:s31+$0x10560] =	vst v3;
	v3 =	vmax.f32 v33, v31  }
0x1c9: {  	[tilespmem:s31+$0x10570] =	vst v3;
	s31 =	spop (v2sf)  }
0x1ca: {  	v3 =	vld [tilespmem:s31+$0x8100]  }
0x1cb: {  	v34 =	vld [tilespmem:s31+$0x8110]  }
0x1cc: {  	v35 =	vld [tilespmem:s31+$0x8120]  }
0x1cd: {  	v36 =	vld [tilespmem:s31+$0x8130]  }
0x1ce: {  	v37 =	vld [tilespmem:s31+$0x8140]  }
0x1cf: {  	v38 =	vld [tilespmem:s31+$0x8150]  }
0x1d0: {  	v39 =	vld [tilespmem:s24+$0x300]  }
0x1d1: {  	v40 =	vld [tilespmem:s24+$0x310]  }
0x1d2: {  	v41 =	vld [tilespmem:s24+$0x320]  }
0x1d3: {  	v42 =	vld [tilespmem:s24+$0x330]  }
0x1d4: {  	v43 =	vld [tilespmem:s24+$0x340]  }
0x1d5: {  	v44 =	vld [tilespmem:s24+$0x350]  }
0x1d6: {  	v45 =	vld [tilespmem:s24+$0x360]  }
0x1d7: {  	v46 =	vld [tilespmem:s24+$0x370];
	v3 =	vmax.f32 v3, v39  }
0x1d8: {  	v47 =	vld [tilespmem:s31+$0x8160];
	[tilespmem:s31+$0x8100] =	vst v3;
	v3 =	vmax.f32 v34, v40  }
0x1d9: {  	v48 =	vld [tilespmem:s31+$0x8170];
	[tilespmem:s31+$0x8110] =	vst v3;
	v3 =	vmax.f32 v35, v41  }
0x1da: {  	[tilespmem:s31+$0x8120] =	vst v3;
	v3 =	vmax.f32 v36, v42  }
0x1db: {  	[tilespmem:s31+$0x8130] =	vst v3;
	v3 =	vmax.f32 v37, v43  }
0x1dc: {  	[tilespmem:s31+$0x8140] =	vst v3;
	v3 =	vmax.f32 v38, v44  }
0x1dd: {  	[tilespmem:s31+$0x8150] =	vst v3;
	v3 =	vmax.f32 v47, v45  }
0x1de: {  	[tilespmem:s31+$0x8160] =	vst v3;
	v3 =	vmax.f32 v48, v46  }
0x1df: {  	[tilespmem:s31+$0x8170] =	vst v3  }
0x1e0: {  	v3 =	vld [tilespmem:s30+$0x10500]  }
0x1e1: {  	v49 =	vld [tilespmem:s30+$0x10510]  }
0x1e2: {  	v50 =	vld [tilespmem:s30+$0x10520]  }
0x1e3: {  	v51 =	vld [tilespmem:s30+$0x10530]  }
0x1e4: {  	v52 =	vld [tilespmem:s30+$0x10540]  }
0x1e5: {  	v53 =	vld [tilespmem:s30+$0x10550]  }
0x1e6: {  	v54 =	vld [tilespmem:s24+$0x380]  }
0x1e7: {  	v55 =	vld [tilespmem:s24+$0x390]  }
0x1e8: {  	v56 =	vld [tilespmem:s24+$0x3A0]  }
0x1e9: {  	v57 =	vld [tilespmem:s24+$0x3B0]  }
0x1ea: {  	v58 =	vld [tilespmem:s24+$0x3C0]  }
0x1eb: {  	v59 =	vld [tilespmem:s24+$0x3D0]  }
0x1ec: {  	v60 =	vld [tilespmem:s24+$0x3E0]  }
0x1ed: {  	v61 =	vld [tilespmem:s24+$0x3F0];
	v3 =	vmax.f32 v3, v54  }
0x1ee: {  	v62 =	vld [tilespmem:s30+$0x10560];
	[tilespmem:s30+$0x10500] =	vst v3;
	v3 =	vmax.f32 v49, v55  }
0x1ef: {  	v63 =	vld [tilespmem:s30+$0x10570];
	[tilespmem:s30+$0x10510] =	vst v3;
	v3 =	vmax.f32 v50, v56  }
0x1f0: {  	p1 =	seq.s32 s25, $0x1C0;
	[tilespmem:s30+$0x10520] =	vst v3;
	v3 =	vmax.f32 v51, v57  }
.Ltmp4:
0x1f1: {  	[tilespmem:s30+$0x10530] =	vst v3;
	v3 =	vmax.f32 v52, v58;
	(pc) =	sbr.rel @!p1 .LBB2_7-.Ltmp4, $4  }
0x1f2: {  	[tilespmem:s30+$0x10540] =	vst v3;
	v3 =	vmax.f32 v53, v59  }
0x1f3: {  	[tilespmem:s30+$0x10550] =	vst v3;
	v3 =	vmax.f32 v62, v60  }
0x1f4: {  	[tilespmem:s30+$0x10560] =	vst v3;
	v3 =	vmax.f32 v63, v61  }
0x1f5: {  	s25 =	sadd.s32 $0x40, s25;
	s24 =	sadd.s32 $0x800, s24;
	[tilespmem:s30+$0x10570] =	vst v3  }
0x1f6: {  	p1 =	seq.s32 s23, s22  }
.Ltmp5:
0x1f7: {  	_ = 	snop;
	(pc) =	sbr.rel @!p1 .LBB2_6-.Ltmp5, $1  }
0x1f8: {  	_ =	sdelay $0x3  }
.LBB2_8:
0x1f9: {  	s22 =	simm.s32 $0x0  }
0x1fa: {  	v8 =	vld [tilespmem:s22+$0x10500]  }
0x1fb: {  	v10 =	vld [tilespmem:s22+$0x10510]  }
0x1fc: {  	v7 =	vld [tilespmem:s22+$0x10520]  }
0x1fd: {  	v6 =	vld [tilespmem:s22+$0x10530]  }
0x1fe: {  	v5 =	vld [tilespmem:s22+$0x10540]  }
0x1ff: {  	v4 =	vld [tilespmem:s22+$0x10550]  }
0x200: {  	v3 =	vld [tilespmem:s22+$0x10560]  }
0x201: {  	v2 =	vld [tilespmem:s22+$0x10570]  }
0x202: {  	v13 =	vld [tilespmem:s22+$0x8100]  }
0x203: {  	v14 =	vld [tilespmem:s22+$0x8110]  }
0x204: {  	v12 =	vld [tilespmem:s22+$0x8120]  }
0x205: {  	v11 =	vld [tilespmem:s22+$0x8130]  }
0x206: {  	v9 =	vld [tilespmem:s22+$0x8140]  }
0x207: {  	v13 =	vmax.f32 v13, v8;
	v8 =	vld [tilespmem:s22+$0x8150]  }
0x208: {  	s23 =	simm.s32 $0x200;
	[tilespmem:s22+$0x8100] =	vst v13;
	v13 =	vmax.f32 v14, v10;
	v10 =	vld [tilespmem:s22+$0x8160]  }
.LBB2_9:
0x209: {  	s24 =	sshra.s32 s23, $0x2;
	p1 =	sne.s32 s23, $0x1FE00;
	[tilespmem:s22+$0x8110] =	vst v13;
	v7 =	vmax.f32 v12, v7;
	v12 =	vld [tilespmem:s22+$0x8170]  }
0x20a: {  	v13 =	vld [tilespmem:s24+$0x10500];
	[tilespmem:s22+$0x8120] =	vst v7;
	v6 =	vmax.f32 v11, v6  }
0x20b: {  	v14 =	vld [tilespmem:s24+$0x10510];
	[tilespmem:s22+$0x8130] =	vst v6;
	v5 =	vmax.f32 v9, v5  }
0x20c: {  	v7 =	vld [tilespmem:s24+$0x10520];
	[tilespmem:s22+$0x8140] =	vst v5;
	v4 =	vmax.f32 v8, v4  }
0x20d: {  	v6 =	vld [tilespmem:s24+$0x10530];
	[tilespmem:s22+$0x8150] =	vst v4;
	v3 =	vmax.f32 v10, v3  }
0x20e: {  	v5 =	vld [tilespmem:s24+$0x10540];
	[tilespmem:s22+$0x8160] =	vst v3;
	v2 =	vmax.f32 v12, v2  }
0x20f: {  	v4 =	vld [tilespmem:s24+$0x10550];
	[tilespmem:s22+$0x8170] =	vst v2;
	s22 =	smov.u32 s24  }
0x210: {  	v3 =	vld [tilespmem:s22+$0x10560]  }
0x211: {  	v2 =	vld [tilespmem:s22+$0x10570]  }
0x212: {  	v8 =	vld [tilespmem:s22+$0x8100]  }
0x213: {  	v10 =	vld [tilespmem:s22+$0x8110]  }
.Ltmp6:
0x214: {  	v12 =	vld [tilespmem:s22+$0x8120];
	(pc) =	sbr.rel @p1 .LBB2_9-.Ltmp6, $4  }
0x215: {  	v11 =	vld [tilespmem:s22+$0x8130]  }
0x216: {  	v9 =	vld [tilespmem:s22+$0x8140]  }
0x217: {  	v13 =	vmax.f32 v8, v13;
	v8 =	vld [tilespmem:s22+$0x8150]  }
0x218: {  	s23 =	sadd.s32 $0x200, s23;
	[tilespmem:s22+$0x8100] =	vst v13;
	v13 =	vmax.f32 v10, v14;
	v10 =	vld [tilespmem:s22+$0x8160]  }
0x219: {  	[tilespmem:s22+$0x8110] =	vst v13;
	v7 =	vmax.f32 v12, v7;
	v63 =	vld [tilespmem:s22+$0x8170]  }
0x21a: {  	[tilespmem:s22+$0x8120] =	vst v7;
	v6 =	vmax.f32 v11, v6  }
.Ltmp7:
0x21b: {  	[tilespmem:s22+$0x8130] =	vst v6;
	v5 =	vmax.f32 v9, v5;
	(pc) =	sbr.rel @!p0 .LBB2_11-.Ltmp7, $4  }
0x21c: {  	[tilespmem:s22+$0x8140] =	vst v5;
	v4 =	vmax.f32 v8, v4  }
0x21d: {  	[tilespmem:s22+$0x8150] =	vst v4;
	v3 =	vmax.f32 v10, v3  }
0x21e: {  	[tilespmem:s22+$0x8160] =	vst v3;
	v2 =	vmax.f32 v63, v2  }
0x21f: {  	[tilespmem:s22+$0x8170] =	vst v2  }
0x220: {  	[bflag:$0x0] =	sbarrier.arrive $0xFFFF  }
0x221: {  	[tilespmem:s18], [sflag:$0x6] =	stream.linear.gather [spmem:s9], $0x8000, $0x38;
	[tilespmem:$0x1CD00] =	vst v63  }
0x222: {  	_ =	swait.ge [sflag:s19], $0x8000  }
0x223: {  	[sflag:s19] =	ssyncset.done $0x0  }
0x224: {  	s22 =	simm.s32 $0x0;
	[sflag:s19] =	ssyncadd.s32 $0xFFFF8000  }
0x225: {  	v8 =	vld [tilespmem:s22+$0x10500]  }
0x226: {  	v13 =	vld [tilespmem:s22+$0x10510]  }
0x227: {  	v7 =	vld [tilespmem:s22+$0x10520]  }
0x228: {  	v6 =	vld [tilespmem:s22+$0x10530]  }
0x229: {  	v5 =	vld [tilespmem:s22+$0x10540]  }
0x22a: {  	v4 =	vld [tilespmem:s22+$0x10550]  }
0x22b: {  	v3 =	vld [tilespmem:s22+$0x10560]  }
0x22c: {  	v2 =	vld [tilespmem:s22+$0x10570]  }
0x22d: {  	v9 =	vld [tilespmem:s22+$0x8100]  }
0x22e: {  	v15 =	vld [tilespmem:s22+$0x8110]  }
0x22f: {  	v12 =	vld [tilespmem:s22+$0x8120]  }
0x230: {  	v11 =	vld [tilespmem:s22+$0x8130]  }
0x231: {  	v10 =	vld [tilespmem:s22+$0x8140]  }
0x232: {  	v14 =	vmax.f32 v9, v8;
	v9 =	vld [tilespmem:s22+$0x8150]  }
0x233: {  	s23 =	simm.s32 $0x200;
	v13 =	vmax.f32 v15, v13;
	v8 =	vld [tilespmem:s22+$0x8160];
	vm2 =	veq.f32 v14, $-Inf  }
.LBB2_13:
0x234: {  	s24 =	sshra.s32 s23, $0x2;
	p1 =	sne.s32 s23, $0x1FE00;
	v14 =	vsel vm2, $0x0, v14;
	vm2 =	veq.f32 v13, $-Inf;
	v7 =	vmax.f32 v12, v7;
	v12 =	vld [tilespmem:s22+$0x8170]  }
0x235: {  	v15 =	vld [tilespmem:s24+$0x10500];
	[tilespmem:s22+$0x8100] =	vst v14;
	v13 =	vsel vm2, $0x0, v13;
	vm2 =	veq.f32 v7, $-Inf;
	v6 =	vmax.f32 v11, v6  }
0x236: {  	v16 =	vld [tilespmem:s24+$0x10510];
	[tilespmem:s22+$0x8110] =	vst v13;
	v11 =	vsel vm2, $0x0, v7;
	vm2 =	veq.f32 v6, $-Inf;
	v5 =	vmax.f32 v10, v5  }
0x237: {  	v7 =	vld [tilespmem:s24+$0x10520];
	[tilespmem:s22+$0x8120] =	vst v11;
	v10 =	vsel vm2, $0x0, v6;
	vm2 =	veq.f32 v5, $-Inf;
	v4 =	vmax.f32 v9, v4  }
0x238: {  	v6 =	vld [tilespmem:s24+$0x10530];
	[tilespmem:s22+$0x8130] =	vst v10;
	v9 =	vsel vm2, $0x0, v5;
	vm2 =	veq.f32 v4, $-Inf;
	v3 =	vmax.f32 v8, v3  }
0x239: {  	v5 =	vld [tilespmem:s24+$0x10540];
	[tilespmem:s22+$0x8140] =	vst v9;
	v8 =	vsel vm2, $0x0, v4;
	vm2 =	veq.f32 v3, $-Inf;
	v2 =	vmax.f32 v12, v2  }
0x23a: {  	v4 =	vld [tilespmem:s24+$0x10550];
	[tilespmem:s22+$0x8150] =	vst v8;
	v8 =	vsel vm2, $0x0, v3;
	vm2 =	veq.f32 v2, $-Inf  }
0x23b: {  	v3 =	vld [tilespmem:s24+$0x10560];
	[tilespmem:s22+$0x8160] =	vst v8;
	v8 =	vsel vm2, $0x0, v2  }
0x23c: {  	v2 =	vld [tilespmem:s24+$0x10570];
	[tilespmem:s22+$0x8170] =	vst v8;
	s22 =	smov.u32 s24  }
0x23d: {  	v8 =	vld [tilespmem:s22+$0x8100]  }
0x23e: {  	v13 =	vld [tilespmem:s22+$0x8110]  }
.Ltmp8:
0x23f: {  	v12 =	vld [tilespmem:s22+$0x8120];
	(pc) =	sbr.rel @p1 .LBB2_13-.Ltmp8, $4  }
0x240: {  	v11 =	vld [tilespmem:s22+$0x8130]  }
0x241: {  	v10 =	vld [tilespmem:s22+$0x8140]  }
0x242: {  	v14 =	vmax.f32 v8, v15;
	v9 =	vld [tilespmem:s22+$0x8150]  }
0x243: {  	s23 =	sadd.s32 $0x200, s23;
	vm2 =	veq.f32 v14, $-Inf;
	v13 =	vmax.f32 v13, v16;
	v8 =	vld [tilespmem:s22+$0x8160]  }
0x244: {  	v14 =	vsel vm2, $0x0, v14;
	vm2 =	veq.f32 v13, $-Inf;
	v7 =	vmax.f32 v12, v7;
	v63 =	vld [tilespmem:s22+$0x8170]  }
0x245: {  	[tilespmem:s22+$0x8100] =	vst v14;
	v13 =	vsel vm2, $0x0, v13;
	vm2 =	veq.f32 v7, $-Inf;
	v6 =	vmax.f32 v11, v6  }
0x246: {  	[tilespmem:s22+$0x8110] =	vst v13;
	v7 =	vsel vm2, $0x0, v7;
	vm2 =	veq.f32 v6, $-Inf;
	v5 =	vmax.f32 v10, v5  }
0x247: {  	[tilespmem:s22+$0x8120] =	vst v7;
	v6 =	vsel vm2, $0x0, v6;
	vm2 =	veq.f32 v5, $-Inf;
	v4 =	vmax.f32 v9, v4  }
0x248: {  	[tilespmem:s22+$0x8130] =	vst v6;
	v5 =	vsel vm2, $0x0, v5;
	vm2 =	veq.f32 v4, $-Inf;
	v3 =	vmax.f32 v8, v3  }
0x249: {  	[tilespmem:s22+$0x8140] =	vst v5;
	v4 =	vsel vm2, $0x0, v4;
	vm2 =	veq.f32 v3, $-Inf;
	v2 =	vmax.f32 v63, v2  }
0x24a: {  	[tilespmem:s22+$0x8150] =	vst v4;
	v3 =	vsel vm2, $0x0, v3;
	vm2 =	veq.f32 v2, $-Inf  }
0x24b: {  	[tilespmem:s22+$0x8160] =	vst v3;
	v2 =	vsel vm2, $0x0, v2  }
.Ltmp9:
0x24c: {  	[tilespmem:s22+$0x8170] =	vst v2;
	(pc) =	sbr.rel .LBB2_15-.Ltmp9, $4  }
0x24d: {  	[hbm4b:s10+s3] =	stream.linear.scatter [tilespmem:s20], [sflag:$0x6], $0x8000, $0x38;
	[tilespmem:$0x1CD00] =	vst v63  }
0x24e: {  	_ =	swait.ge [sflag:s19], $0x8000  }
0x24f: {  	[sflag:s19] =	ssyncset.done $0x0  }
0x250: {  	[sflag:s19] =	ssyncadd.s32 $0xFFFF8000  }
.LBB2_16:
0x251: {  	_ =	sfence.sel $0x180000  }
0x252: {  	[bflag:$0x0] =	sbarrier.arrive $0xFFFF  }
0x253: {  	p0 =	sne.s32 s2, $0x0;
	_ =	strace $0x90000047  }
0x254: {  	s0 =	sadd.s32 @!p0 $0x100000, s0;
	[bflag:$0x2] =	sbarrier.arrive $0xFFFF  }
0x255: {  	[sflag:s0] =	ssyncadd.tile.s32 @!p0 $0x1;
	_ =	shalt  }
.Lfunc_end2:
_tile_overlayer_lowered:
.L_overlay_start_2:
0x256: {  	(tag) =	ssettag $0x2  }
0x257: {  	s0 =	rddreg [dreg:$0x0];
	s2 =	stileid.u32  }
0x258: {  	s1 =	rddreg [dreg:$0x1];
	p0 =	sne.s32 s2, $0x0  }
0x259: {  	s3 =	rddreg [dreg:$0x2];
	[bflag:$0x3] =	sbarrier.arrive $0xFFFF;
	s2 =	simm.s32 @!p0 $0x1C06  }
0x25a: {  	[timem:s3], [sflag:s2] =	dma.local @!p0 [hbm:s0], s1  }
0x25b: {  	s0 =	simm.s32 @!p0 $0x6  }
0x25c: {  	_ =	swait.ge @!p0 [sflag:s0], s1  }
0x25d: {  	s1 =	ssub.s32 @!p0 $0x0, s1;
	[sflag:s0] =	ssyncset.done @!p0 $0x0  }
0x25e: {  	[sflag:s0] =	ssyncadd.s32 @!p0 s1  }
0x25f: {  	[bflag:$0x3] =	sbarrier.arrive $0xFFFF  }
0x260: {  	_ =	shalt  }

</sc_bundles>
